<compile_context>
chip_gen: v7x
topology: tpu7x:2x2x1
jax: 0.10.2.dev20260603
libtpu: 0.0.44.dev20260713+nightly
codegen_flags: <defaults>
</compile_context>

<pallas_src>
import jax
import jax.numpy as jnp
from jax import lax
from jax.experimental import pallas as pl
from jax.experimental.pallas import tpu as pltpu
from jax.experimental.pallas import tpu_sc as plsc

N = 10000
NP = 10240
E = 320000
NT = 32
CH = 128
NCH0 = 80
NCH1 = 80
NCHMAX = max(NCH0, NCH1)
PAIR = NCH0 + NCH1
EP = PAIR * CH * 16
DEG_NCH = 157
EPD = DEG_NCH * CH * 16
D_IN = 128
D_OUT = 512
RB = 1280
F32 = jnp.float32


def _mesh():
    return plsc.VectorSubcoreMesh(core_axis_name="c", subcore_axis_name="s")


def _deg_body(cidx_hbm, deg_hbm, acc, cidx_v, onesb, semS):
    c = lax.axis_index("c")
    s = lax.axis_index("s")
    zero16 = jnp.zeros((16,), F32)
    one16 = jnp.full((16,), 1.0, F32)

    def zrow(i, _):
        for jj in range(8):
            onesb[i, pl.ds(jj * 16, 16)] = zero16
        return 0

    lax.fori_loop(0, 128, zrow, 0)

    def zero_acc(k, _):
        pltpu.sync_copy(onesb, acc.at[pl.ds(s * 640 + k * 128, 128)])
        return 0

    lax.fori_loop(0, 5, zero_acc, 0)

    def orow(i, _):
        for jj in range(8):
            onesb[i, pl.ds(jj * 16, 16)] = one16
        return 0

    lax.fori_loop(0, 128, orow, 0)
    plsc.subcore_barrier()

    pltpu.sync_copy(cidx_hbm.at[c, s], cidx_v)

    def fire(j, _):
        pltpu.async_copy(onesb, acc.at[cidx_v.at[j]], semS, add=True)
        return 0

    lax.fori_loop(0, 8, fire, 0)

    def add_chunk(j, _):
        pltpu.make_async_copy(onesb, acc.at[cidx_v.at[0]], semS).wait()
        pltpu.async_copy(onesb, acc.at[cidx_v.at[j + 8]], semS, add=True)
        return 0

    lax.fori_loop(0, DEG_NCH - 8, add_chunk, 0)

    def drain(j, _):
        pltpu.make_async_copy(onesb, acc.at[cidx_v.at[0]], semS).wait()
        return 0

    lax.fori_loop(0, 8, drain, 0)
    plsc.subcore_barrier()

    pltpu.sync_copy(acc.at[pl.ds(s * 640, 640)],
                    deg_hbm.at[c, pl.ds(s * 640, 640)])


def _deg_call(cidx):
    fn = pl.kernel(
        _deg_body,
        out_type=jax.ShapeDtypeStruct((2, NP, 128), F32),
        mesh=_mesh(),
        scratch_types=[
            pltpu.VMEM_SHARED((NP, 128), F32),
            pltpu.VMEM((DEG_NCH, 128), jnp.int32),
            pltpu.VMEM((128, 128), F32),
            pltpu.SemaphoreType.DMA,
        ],
    )
    return fn(cidx)


def _spmv_body(hs_hbm, eidx_hbm, y_hbm, acc, rows, e0, e1, e2, e3,
               semg, semi, semsc):
    c = lax.axis_index("c")
    s = lax.axis_index("s")
    wid = c * 16 + s
    nch = NCH0 if NCH0 == NCH1 else jnp.where(c == 0, NCH0, NCH1)
    eslot = [e0, e1, e2, e3]

    zero16 = jnp.zeros((16,), F32)

    def init_row(i, _):
        for jj in range(8):
            rows[0, i, pl.ds(jj * 16, 16)] = zero16
        return 0

    lax.fori_loop(0, CH, init_row, 0)

    def zero_acc(k, _):
        pltpu.sync_copy(rows.at[0], acc.at[pl.ds(s * 640 + k * 128, 128)])
        return 0

    lax.fori_loop(0, 5, zero_acc, 0)
    plsc.subcore_barrier()

    pltpu.sync_copy(eidx_hbm.at[wid, 0], e0)
    pltpu.async_copy(hs_hbm.at[e0.at[0]], rows.at[0], semg.at[0])
    for k in range(1, 4):
        pltpu.async_copy(eidx_hbm.at[wid, k], eslot[k], semi.at[k])

    def chunk_ops(j, k, first=False):
        kn = (k + 1) % 4
        pltpu.make_async_copy(eidx_hbm.at[wid, 0], eslot[kn],
                              semi.at[kn]).wait()
        if not first:
            pltpu.make_async_copy(rows.at[(k + 1) % 2],
                                  acc.at[pl.ds(0, CH)],
                                  semsc.at[(k + 1) % 2]).wait()
            pltpu.async_copy(eidx_hbm.at[wid, j + 3], eslot[(k + 3) % 4],
                             semi.at[(k + 3) % 4])
        pltpu.async_copy(hs_hbm.at[eslot[kn].at[0]], rows.at[(k + 1) % 2],
                         semg.at[(k + 1) % 2])
        pltpu.make_async_copy(hs_hbm.at[eslot[k].at[0]], rows.at[k % 2],
                              semg.at[k % 2]).wait()
        pltpu.async_copy(rows.at[k % 2], acc.at[eslot[k].at[1]],
                         semsc.at[k % 2], add=True)

    for k in range(4):
        chunk_ops(k, k, first=(k == 0))

    def quad(q, _):
        for k in range(4):
            chunk_ops(4 * q + k, k)
        return 0

    lax.fori_loop(1, nch // 4, quad, 0)

    pltpu.make_async_copy(hs_hbm.at[e0.at[0]], rows.at[0], semg.at[0]).wait()
    pltpu.make_async_copy(rows.at[1], acc.at[pl.ds(0, CH)],
                          semsc.at[1]).wait()
    for k in range(1, 3):
        pltpu.make_async_copy(eidx_hbm.at[wid, 0], eslot[k],
                              semi.at[k]).wait()
    plsc.subcore_barrier()

    pltpu.sync_copy(acc.at[pl.ds(s * 640, 640)],
                    y_hbm.at[c, pl.ds(s * 640, 640)])


def _spmv_call(hs, eidx):
    fn = pl.kernel(
        _spmv_body,
        out_type=jax.ShapeDtypeStruct((2, NP, D_IN), F32),
        mesh=_mesh(),
        scratch_types=[
            pltpu.VMEM_SHARED((NP, D_IN), F32),
            pltpu.VMEM((2, CH, D_IN), F32),
            pltpu.VMEM((2, CH), jnp.int32),
            pltpu.VMEM((2, CH), jnp.int32),
            pltpu.VMEM((2, CH), jnp.int32),
            pltpu.VMEM((2, CH), jnp.int32),
            pltpu.SemaphoreType.DMA((2,)),
            pltpu.SemaphoreType.DMA((4,)),
            pltpu.SemaphoreType.DMA((2,)),
        ],
    )
    return fn(hs, eidx)


def _scale_in_body(dsrc, ddst, x, hs, bmat):
    a = lax.rsqrt(jnp.maximum(dsrc[...], 1.0))
    hs[...] = x[...] * a
    bmat[...] = lax.rsqrt(jnp.maximum(ddst[...], 1.0))


def _scale_in(dsrc, ddst, xp):
    grid = NP // RB
    return pl.pallas_call(
        _scale_in_body,
        grid=(grid,),
        in_specs=[
            pl.BlockSpec((RB, D_IN), lambda r: (r, 0)),
            pl.BlockSpec((RB, D_IN), lambda r: (r, 0)),
            pl.BlockSpec((RB, D_IN), lambda r: (r, 0)),
        ],
        out_specs=[
            pl.BlockSpec((RB, D_IN), lambda r: (r, 0)),
            pl.BlockSpec((RB, D_IN), lambda r: (r, 0)),
        ],
        out_shape=[
            jax.ShapeDtypeStruct((NP, D_IN), F32),
            jax.ShapeDtypeStruct((NP, D_IN), F32),
        ],
    )(dsrc, ddst, xp)


def _combine_body(y, bmat, x, dsrc, hs2):
    h1 = (y[0] + y[1]) * bmat[...] + x[...]
    a = lax.rsqrt(jnp.maximum(dsrc[...], 1.0))
    hs2[...] = h1 * a


def _combine(y1, bmat, xp, dsrc):
    grid = NP // RB
    return pl.pallas_call(
        _combine_body,
        grid=(grid,),
        in_specs=[
            pl.BlockSpec((2, RB, D_IN), lambda r: (0, r, 0)),
            pl.BlockSpec((RB, D_IN), lambda r: (r, 0)),
            pl.BlockSpec((RB, D_IN), lambda r: (r, 0)),
            pl.BlockSpec((RB, D_IN), lambda r: (r, 0)),
        ],
        out_specs=pl.BlockSpec((RB, D_IN), lambda r: (r, 0)),
        out_shape=jax.ShapeDtypeStruct((NP, D_IN), F32),
    )(y1, bmat, xp, dsrc)


def _mlp_body(y, bmat, x, w1, b1, g, bt, w2, b2, out):
    h2 = (y[0] + y[1]) * bmat[...] + x[...]
    e = jnp.dot(h2, w1[...], preferred_element_type=F32,
                precision=lax.Precision.HIGHEST) + b1[...]
    e = jnp.maximum(e, 0.0)
    mu = jnp.mean(e, axis=-1, keepdims=True)
    var = jnp.mean((e - mu) ** 2, axis=-1, keepdims=True)
    e = g[...] * (e - mu) * lax.rsqrt(var + 1e-5) + bt[...]
    o = jnp.dot(e, w2[...], preferred_element_type=F32,
                precision=lax.Precision.HIGHEST) + b2[...]
    nrm = jnp.sqrt(jnp.sum(o * o, axis=-1, keepdims=True))
    out[...] = o / jnp.maximum(nrm, 1e-8)


def _mlp(y2, bmat, xp, W1, b1, gamma, beta, W2, b2):
    grid = NP // RB
    return pl.pallas_call(
        _mlp_body,
        grid=(grid,),
        in_specs=[
            pl.BlockSpec((2, RB, D_IN), lambda r: (0, r, 0)),
            pl.BlockSpec((RB, D_IN), lambda r: (r, 0)),
            pl.BlockSpec((RB, D_IN), lambda r: (r, 0)),
            pl.BlockSpec((D_IN, D_OUT), lambda r: (0, 0)),
            pl.BlockSpec((1, D_OUT), lambda r: (0, 0)),
            pl.BlockSpec((1, D_OUT), lambda r: (0, 0)),
            pl.BlockSpec((1, D_OUT), lambda r: (0, 0)),
            pl.BlockSpec((D_OUT, D_OUT), lambda r: (0, 0)),
            pl.BlockSpec((1, D_OUT), lambda r: (0, 0)),
        ],
        out_specs=pl.BlockSpec((RB, D_OUT), lambda r: (r, 0)),
        out_shape=jax.ShapeDtypeStruct((NP, D_OUT), F32),
    )(y2, bmat, xp, W1, b1, gamma, beta, W2, b2)


def kernel(x, edge_index, W1, b1, gamma, beta, W2, b2):
    src = edge_index[0]
    dst = edge_index[1]
    pad_spmv = jnp.full((EP - E,), N, dtype=jnp.int32)
    src_p = jnp.concatenate([src, pad_spmv])
    dst_p = jnp.concatenate([dst, pad_spmv])
    eall = jnp.stack([src_p.reshape(16, PAIR, CH),
                      dst_p.reshape(16, PAIR, CH)], axis=2)
    rows_n = NCHMAX + 4

    def _padto(part):
        pad = jnp.broadcast_to(part[:, :1],
                               (16, rows_n - part.shape[1], 2, CH))
        return jnp.concatenate([part, pad], axis=1)

    eidx = jnp.stack([_padto(eall[:, :NCH0]),
                  _padto(eall[:, NCH0:])]).reshape(NT, rows_n, 2, CH)
    pad_deg = jnp.full((EPD - E,), N, dtype=jnp.int32)
    cidx = jnp.stack([
        jnp.concatenate([src, pad_deg]),
        jnp.concatenate([dst, pad_deg]),
    ]).reshape(2, 16, DEG_NCH, CH)
    xp = jnp.pad(x, ((0, NP - N), (0, 0)))

    degr = _deg_call(cidx)
    hs1, bmat = _scale_in(degr[0], degr[1], xp)
    y1 = _spmv_call(hs1, eidx)
    hs2 = _combine(y1, bmat, xp, degr[0])
    y2 = _spmv_call(hs2, eidx)
    out = _mlp(y2, bmat, xp, W1.astype(F32), b1.reshape(1, D_OUT),
               gamma.reshape(1, D_OUT), beta.reshape(1, D_OUT),
               W2.astype(F32), b2.reshape(1, D_OUT))
    return out[:N]

# --- scband reference (transcript-rebuilt; emitter-appended) ---
"""Pipeline reference for scband-any-graph-model-71871982731666 (READ-ONLY COPY).

The authoritative reference and input builder live on the scoring server;
editing this copy changes nothing except your own understanding.
"""

import jax, jax.numpy as jnp
import numpy as np

N = 10000
E = 320000
D_IN = 128
D_OUT = 512


def setup_inputs(seed: int = 0) -> dict:
    key = jax.random.key(seed)
    ks = jax.random.split(key, 8)
    x = jax.random.normal(ks[0], (N, D_IN), dtype=jnp.float32)
    edge_index = jax.random.randint(ks[1], (2, E), 0, N, dtype=jnp.int32)
    # expert parameters (AnyGraph expert MLP: Linear -> ReLU -> LayerNorm -> Linear -> L2 norm)
    W1 = jax.random.normal(ks[2], (D_IN, D_OUT), dtype=jnp.float32) * (1.0 / np.sqrt(D_IN))
    b1 = jnp.zeros((D_OUT,), dtype=jnp.float32)
    gamma = jnp.ones((D_OUT,), dtype=jnp.float32)
    beta = jnp.zeros((D_OUT,), dtype=jnp.float32)
    W2 = jax.random.normal(ks[3], (D_OUT, D_OUT), dtype=jnp.float32) * (1.0 / np.sqrt(D_OUT))
    b2 = jnp.zeros((D_OUT,), dtype=jnp.float32)
    return {"x": x, "edge_index": edge_index, "W1": W1, "b1": b1, "gamma": gamma, "beta": beta, "W2": W2, "b2": b2}


def reference(x, edge_index, W1, b1, gamma, beta, W2, b2):
    src = edge_index[0]
    dst = edge_index[1]
    n = x.shape[0]
    ones = jnp.ones((src.shape[0],), dtype=jnp.float32)
    deg_src = jnp.zeros((n,), dtype=jnp.float32).at[src].add(ones)
    deg_dst = jnp.zeros((n,), dtype=jnp.float32).at[dst].add(ones)
    norm = 1.0 / jnp.sqrt(jnp.maximum(deg_src[src], 1.0) * jnp.maximum(deg_dst[dst], 1.0))
    # projectors: 2-hop symmetric-normalized propagation with residual (DataHandler.projectors)
    h = x
    for _ in range(2):
        msgs = h[src] * norm[:, None]
        h = jnp.zeros_like(h).at[dst].add(msgs)
        h = h + x
    projectors = h
    # expert.forward(feats): MLP with LayerNorm, L2-normalized output embeddings
    e = projectors @ W1 + b1
    e = jax.nn.relu(e)
    mu = jnp.mean(e, axis=-1, keepdims=True)
    var = jnp.mean((e - mu) ** 2, axis=-1, keepdims=True)
    e = gamma * (e - mu) / jnp.sqrt(var + 1e-5) + beta
    out = e @ W2 + b2
    out = out / jnp.maximum(jnp.linalg.norm(out, axis=-1, keepdims=True), 1e-8)
    return out

if __name__ == "__main__":
    import jax
    _d = setup_inputs()
    print(jax.jit(kernel)(*tuple(_d.values())))

</pallas_src>

<mosaic_0001>
#map = affine_map<(d0, d1) -> (0, 0)>
#map1 = affine_map<(d0, d1) -> (0, 0, 0, 0)>
#map2 = affine_map<(d0, d1) -> (0, 0, 0)>
module attributes {stable_mosaic.version = 14 : i64} {
  func.func @_spmv_body(%arg0: i32, %arg1: i32, %arg2: memref<10240x128xf32, #tpu.memory_space<hbm>>, %arg3: memref<32x84x2x128xi32, #tpu.memory_space<hbm>>, %arg4: memref<2x10240x128xf32, #tpu.memory_space<hbm>>, %arg5: memref<10240x128xf32, #tpu.memory_space<vmem_shared>>, %arg6: memref<2x128x128xf32, #tpu.memory_space<vmem>>, %arg7: memref<2x128xi32, #tpu.memory_space<vmem>>, %arg8: memref<2x128xi32, #tpu.memory_space<vmem>>, %arg9: memref<2x128xi32, #tpu.memory_space<vmem>>, %arg10: memref<2x128xi32, #tpu.memory_space<vmem>>, %arg11: memref<2x!tpu.dma_semaphore, #tpu.memory_space<semaphore_mem>>, %arg12: memref<4x!tpu.dma_semaphore, #tpu.memory_space<semaphore_mem>>, %arg13: memref<2x!tpu.dma_semaphore, #tpu.memory_space<semaphore_mem>>) attributes {dimension_semantics = [#tpu.dimension_semantics<core_parallel>, #tpu.dimension_semantics<subcore_parallel>], iteration_bounds = array<i64: 2, 16>, scalar_prefetch = 0 : i64, scratch_operands = 9 : i64, tpu.core_type = #tpu.core_type<sc_vector_subcore>, window_params = [{transform_indices = #map}, {transform_indices = #map1}, {transform_indices = #map2}]} {
    %mul3A = arith.constant 16 : i32
    %mul3A_0 = arith.muli %arg0, %mul3A : i32
    %add3A = arith.addi %mul3A_0, %arg1 : i32
    %broadcast_in_dim3A = arith.constant 0.000000e+00 : f32
    %broadcast_in_dim3A_1 = vector.broadcast %broadcast_in_dim3A : f32 to vector<16xf32>
    %scan3A = arith.constant 0 : i32
    %scan3A_2 = arith.constant 0 : i32
    %scan3A_3 = arith.constant 128 : i32
    %scan3A_4 = arith.addi %scan3A_2, %scan3A_3 : i32
    %scan3A_5 = arith.constant 1 : i32
    %scan3A_6 = scf.for %scan3A_451 = %scan3A_2 to %scan3A_4 step %scan3A_5 iter_args(%scan3A_452 = %scan3A) -> (i32)  : i32 {
      %swap3A = arith.constant 0 : i32
      %swap3A_453 = arith.index_cast %swap3A : i32 to index
      %swap3A_454 = arith.index_cast %scan3A_451 : i32 to index
      %swap3A_455 = arith.constant 0 : index
      %swap3A_456 = tpu.vector_load %arg6[%swap3A_453, %swap3A_454, %swap3A_455] {strides = array<i32>} : memref<2x128x128xf32, #tpu.memory_space<vmem>>, vector<1x1x16xf32>,
      %swap3A_457 = vector.shape_cast %swap3A_456 : vector<1x1x16xf32> to vector<16xf32>
      %swap3A_458 = vector.shape_cast %broadcast_in_dim3A_1 : vector<16xf32> to vector<1x1x16xf32>
      tpu.vector_store %arg6[%swap3A_453, %swap3A_454, %swap3A_455], %swap3A_458 {strides = array<i32>} : memref<2x128x128xf32, #tpu.memory_space<vmem>>, vector<1x1x16xf32>,
      %swap3A_459 = arith.constant 0 : i32
      %swap3A_460 = arith.index_cast %swap3A_459 : i32 to index
      %swap3A_461 = arith.index_cast %scan3A_451 : i32 to index
      %swap3A_462 = arith.constant 16 : index
      %swap3A_463 = tpu.vector_load %arg6[%swap3A_460, %swap3A_461, %swap3A_462] {strides = array<i32>} : memref<2x128x128xf32, #tpu.memory_space<vmem>>, vector<1x1x16xf32>,
      %swap3A_464 = vector.shape_cast %swap3A_463 : vector<1x1x16xf32> to vector<16xf32>
      %swap3A_465 = vector.shape_cast %broadcast_in_dim3A_1 : vector<16xf32> to vector<1x1x16xf32>
      tpu.vector_store %arg6[%swap3A_460, %swap3A_461, %swap3A_462], %swap3A_465 {strides = array<i32>} : memref<2x128x128xf32, #tpu.memory_space<vmem>>, vector<1x1x16xf32>,
      %swap3A_466 = arith.constant 0 : i32
      %swap3A_467 = arith.index_cast %swap3A_466 : i32 to index
      %swap3A_468 = arith.index_cast %scan3A_451 : i32 to index
      %swap3A_469 = arith.constant 32 : index
      %swap3A_470 = tpu.vector_load %arg6[%swap3A_467, %swap3A_468, %swap3A_469] {strides = array<i32>} : memref<2x128x128xf32, #tpu.memory_space<vmem>>, vector<1x1x16xf32>,
      %swap3A_471 = vector.shape_cast %swap3A_470 : vector<1x1x16xf32> to vector<16xf32>
      %swap3A_472 = vector.shape_cast %broadcast_in_dim3A_1 : vector<16xf32> to vector<1x1x16xf32>
      tpu.vector_store %arg6[%swap3A_467, %swap3A_468, %swap3A_469], %swap3A_472 {strides = array<i32>} : memref<2x128x128xf32, #tpu.memory_space<vmem>>, vector<1x1x16xf32>,
      %swap3A_473 = arith.constant 0 : i32
      %swap3A_474 = arith.index_cast %swap3A_473 : i32 to index
      %swap3A_475 = arith.index_cast %scan3A_451 : i32 to index
      %swap3A_476 = arith.constant 48 : index
      %swap3A_477 = tpu.vector_load %arg6[%swap3A_474, %swap3A_475, %swap3A_476] {strides = array<i32>} : memref<2x128x128xf32, #tpu.memory_space<vmem>>, vector<1x1x16xf32>,
      %swap3A_478 = vector.shape_cast %swap3A_477 : vector<1x1x16xf32> to vector<16xf32>
      %swap3A_479 = vector.shape_cast %broadcast_in_dim3A_1 : vector<16xf32> to vector<1x1x16xf32>
      tpu.vector_store %arg6[%swap3A_474, %swap3A_475, %swap3A_476], %swap3A_479 {strides = array<i32>} : memref<2x128x128xf32, #tpu.memory_space<vmem>>, vector<1x1x16xf32>,
      %swap3A_480 = arith.constant 0 : i32
      %swap3A_481 = arith.index_cast %swap3A_480 : i32 to index
      %swap3A_482 = arith.index_cast %scan3A_451 : i32 to index
      %swap3A_483 = arith.constant 64 : index
      %swap3A_484 = tpu.vector_load %arg6[%swap3A_481, %swap3A_482, %swap3A_483] {strides = array<i32>} : memref<2x128x128xf32, #tpu.memory_space<vmem>>, vector<1x1x16xf32>,
      %swap3A_485 = vector.shape_cast %swap3A_484 : vector<1x1x16xf32> to vector<16xf32>
      %swap3A_486 = vector.shape_cast %broadcast_in_dim3A_1 : vector<16xf32> to vector<1x1x16xf32>
      tpu.vector_store %arg6[%swap3A_481, %swap3A_482, %swap3A_483], %swap3A_486 {strides = array<i32>} : memref<2x128x128xf32, #tpu.memory_space<vmem>>, vector<1x1x16xf32>,
      %swap3A_487 = arith.constant 0 : i32
      %swap3A_488 = arith.index_cast %swap3A_487 : i32 to index
      %swap3A_489 = arith.index_cast %scan3A_451 : i32 to index
      %swap3A_490 = arith.constant 80 : index
      %swap3A_491 = tpu.vector_load %arg6[%swap3A_488, %swap3A_489, %swap3A_490] {strides = array<i32>} : memref<2x128x128xf32, #tpu.memory_space<vmem>>, vector<1x1x16xf32>,
      %swap3A_492 = vector.shape_cast %swap3A_491 : vector<1x1x16xf32> to vector<16xf32>
      %swap3A_493 = vector.shape_cast %broadcast_in_dim3A_1 : vector<16xf32> to vector<1x1x16xf32>
      tpu.vector_store %arg6[%swap3A_488, %swap3A_489, %swap3A_490], %swap3A_493 {strides = array<i32>} : memref<2x128x128xf32, #tpu.memory_space<vmem>>, vector<1x1x16xf32>,
      %swap3A_494 = arith.constant 0 : i32
      %swap3A_495 = arith.index_cast %swap3A_494 : i32 to index
      %swap3A_496 = arith.index_cast %scan3A_451 : i32 to index
      %swap3A_497 = arith.constant 96 : index
      %swap3A_498 = tpu.vector_load %arg6[%swap3A_495, %swap3A_496, %swap3A_497] {strides = array<i32>} : memref<2x128x128xf32, #tpu.memory_space<vmem>>, vector<1x1x16xf32>,
      %swap3A_499 = vector.shape_cast %swap3A_498 : vector<1x1x16xf32> to vector<16xf32>
      %swap3A_500 = vector.shape_cast %broadcast_in_dim3A_1 : vector<16xf32> to vector<1x1x16xf32>
      tpu.vector_store %arg6[%swap3A_495, %swap3A_496, %swap3A_497], %swap3A_500 {strides = array<i32>} : memref<2x128x128xf32, #tpu.memory_space<vmem>>, vector<1x1x16xf32>,
      %swap3A_501 = arith.constant 0 : i32
      %swap3A_502 = arith.index_cast %swap3A_501 : i32 to index
      %swap3A_503 = arith.index_cast %scan3A_451 : i32 to index
      %swap3A_504 = arith.constant 112 : index
      %swap3A_505 = tpu.vector_load %arg6[%swap3A_502, %swap3A_503, %swap3A_504] {strides = array<i32>} : memref<2x128x128xf32, #tpu.memory_space<vmem>>, vector<1x1x16xf32>,
      %swap3A_506 = vector.shape_cast %swap3A_505 : vector<1x1x16xf32> to vector<16xf32>
      %swap3A_507 = vector.shape_cast %broadcast_in_dim3A_1 : vector<16xf32> to vector<1x1x16xf32>
      tpu.vector_store %arg6[%swap3A_502, %swap3A_503, %swap3A_504], %swap3A_507 {strides = array<i32>} : memref<2x128x128xf32, #tpu.memory_space<vmem>>, vector<1x1x16xf32>,
      %scan3A_508 = arith.constant 0 : i32
      scf.yield %scan3A_508 : i32
    }
    %scan3A_7 = arith.constant 128 : i32
    %scan3A_8 = arith.constant 0 : i32
    %scan3A_9 = arith.constant 0 : i32
    %scan3A_10 = arith.constant 5 : i32
    %scan3A_11 = arith.addi %scan3A_9, %scan3A_10 : i32
    %scan3A_12 = arith.constant 1 : i32
    %scan3A_13 = scf.for %scan3A_451 = %scan3A_9 to %scan3A_11 step %scan3A_12 iter_args(%scan3A_452 = %scan3A_8) -> (i32)  : i32 {
      %mul3A_453 = arith.constant 640 : i32
      %mul3A_454 = arith.muli %arg1, %mul3A_453 : i32
      %mul3A_455 = arith.constant 128 : i32
      %mul3A_456 = arith.muli %scan3A_451, %mul3A_455 : i32
      %add3A_457 = arith.addi %mul3A_454, %mul3A_456 : i32
      %run_scoped3A_458 = arith.constant 0 : i32
      "tpu.region"() ({
        %run_scoped3A_460 = tpu.sem_alloc : memref<!tpu.dma_semaphore, #tpu.memory_space<semaphore_mem>>
        %dma_start3A_461 = arith.constant 0 : i32
        %dma_start3A_462 = arith.constant 0 : i32
        %dma_start3A_463 = tpu.memref_slice %arg6[%run_scoped3A_458, %dma_start3A_461, %dma_start3A_462] : memref<2x128x128xf32, #tpu.memory_space<vmem>> -> memref<1x128x128xf32, #tpu.memory_space<vmem>>
        %dma_start3A_464 = tpu.memref_squeeze %dma_start3A_463 : memref<1x128x128xf32, #tpu.memory_space<vmem>> -> memref<128x128xf32, #tpu.memory_space<vmem>>
        %dma_start3A_465 = arith.constant 0 : i32
        %dma_start3A_466 = tpu.memref_slice %arg5[%add3A_457, %dma_start3A_465] : memref<10240x128xf32, #tpu.memory_space<vmem_shared>> -> memref<128x128xf32, #tpu.memory_space<vmem_shared>>
        %dma_start3A_467 = arith.constant 0 : i32
        %dma_start3A_468 = tpu.memref_slice %arg5[%add3A_457, %dma_start3A_467] : memref<10240x128xf32, #tpu.memory_space<vmem_shared>> -> memref<128x128xf32, #tpu.memory_space<vmem_shared>>
        %dma_start3A_469 = arith.constant 0 : i32
        %dma_start3A_470 = arith.constant 0 : i32
        %dma_start3A_471 = tpu.memref_slice %arg6[%run_scoped3A_458, %dma_start3A_469, %dma_start3A_470] : memref<2x128x128xf32, #tpu.memory_space<vmem>> -> memref<1x128x128xf32, #tpu.memory_space<vmem>>
        %dma_start3A_472 = tpu.memref_squeeze %dma_start3A_471 : memref<1x128x128xf32, #tpu.memory_space<vmem>> -> memref<128x128xf32, #tpu.memory_space<vmem>>
        tpu.enqueue_dma source(%dma_start3A_472 : memref<128x128xf32, #tpu.memory_space<vmem>>) target(%dma_start3A_468 : memref<128x128xf32, #tpu.memory_space<vmem_shared>>) target_semaphore(%run_scoped3A_460 : memref<!tpu.dma_semaphore, #tpu.memory_space<semaphore_mem>>)
        %dma_wait3A_473 = arith.constant 0 : i32
        %dma_wait3A_474 = arith.constant 0 : i32
        %dma_wait3A_475 = tpu.memref_slice %arg6[%run_scoped3A_458, %dma_wait3A_473, %dma_wait3A_474] : memref<2x128x128xf32, #tpu.memory_space<vmem>> -> memref<1x128x128xf32, #tpu.memory_space<vmem>>
        %dma_wait3A_476 = tpu.memref_squeeze %dma_wait3A_475 : memref<1x128x128xf32, #tpu.memory_space<vmem>> -> memref<128x128xf32, #tpu.memory_space<vmem>>
        %dma_wait3A_477 = arith.constant 0 : i32
        %dma_wait3A_478 = tpu.memref_slice %arg5[%add3A_457, %dma_wait3A_477] : memref<10240x128xf32, #tpu.memory_space<vmem_shared>> -> memref<128x128xf32, #tpu.memory_space<vmem_shared>>
        %dma_wait3A_479 = arith.constant 0 : i32
        %dma_wait3A_480 = tpu.memref_slice %arg5[%add3A_457, %dma_wait3A_479] : memref<10240x128xf32, #tpu.memory_space<vmem_shared>> -> memref<128x128xf32, #tpu.memory_space<vmem_shared>>
        %dma_wait3A_481 = arith.constant 0 : i32
        %dma_wait3A_482 = arith.constant 0 : i32
        %dma_wait3A_483 = tpu.memref_slice %arg6[%run_scoped3A_458, %dma_wait3A_481, %dma_wait3A_482] : memref<2x128x128xf32, #tpu.memory_space<vmem>> -> memref<1x128x128xf32, #tpu.memory_space<vmem>>
        %dma_wait3A_484 = tpu.memref_squeeze %dma_wait3A_483 : memref<1x128x128xf32, #tpu.memory_space<vmem>> -> memref<128x128xf32, #tpu.memory_space<vmem>>
        tpu.wait_dma2 semaphore(%run_scoped3A_460 : memref<!tpu.dma_semaphore, #tpu.memory_space<semaphore_mem>>) src(%dma_wait3A_484 : memref<128x128xf32, #tpu.memory_space<vmem>>) dst(%dma_wait3A_480 : memref<128x128xf32, #tpu.memory_space<vmem_shared>>)
        tpu.yield
      }) : () -> ()
      %scan3A_459 = arith.constant 0 : i32
      scf.yield %scan3A_459 : i32
    }
    %scan3A_14 = arith.constant 5 : i32
    %barrier3A = arith.constant 0 : index
    tpu.barrier barrier_id(%barrier3A)
    %run_scoped3A = arith.constant 0 : i32
    "tpu.region"() ({
      %run_scoped3A_451 = tpu.sem_alloc : memref<!tpu.dma_semaphore, #tpu.memory_space<semaphore_mem>>
      %dma_start3A_452 = arith.constant 0 : i32
      %dma_start3A_453 = arith.constant 0 : i32
      %dma_start3A_454 = tpu.memref_slice %arg3[%add3A, %run_scoped3A, %dma_start3A_452, %dma_start3A_453] : memref<32x84x2x128xi32, #tpu.memory_space<hbm>> -> memref<1x1x2x128xi32, #tpu.memory_space<hbm>>
      %dma_start3A_455 = tpu.memref_squeeze %dma_start3A_454 : memref<1x1x2x128xi32, #tpu.memory_space<hbm>> -> memref<2x128xi32, #tpu.memory_space<hbm>>
      %dma_start3A_456 = arith.constant 0 : i32
      %dma_start3A_457 = arith.constant 0 : i32
      %dma_start3A_458 = tpu.memref_slice %arg3[%add3A, %run_scoped3A, %dma_start3A_456, %dma_start3A_457] : memref<32x84x2x128xi32, #tpu.memory_space<hbm>> -> memref<1x1x2x128xi32, #tpu.memory_space<hbm>>
      %dma_start3A_459 = tpu.memref_squeeze %dma_start3A_458 : memref<1x1x2x128xi32, #tpu.memory_space<hbm>> -> memref<2x128xi32, #tpu.memory_space<hbm>>
      tpu.enqueue_dma source(%dma_start3A_459 : memref<2x128xi32, #tpu.memory_space<hbm>>) target(%arg7 : memref<2x128xi32, #tpu.memory_space<vmem>>) target_semaphore(%run_scoped3A_451 : memref<!tpu.dma_semaphore, #tpu.memory_space<semaphore_mem>>)
      %dma_wait3A_460 = arith.constant 0 : i32
      %dma_wait3A_461 = arith.constant 0 : i32
      %dma_wait3A_462 = tpu.memref_slice %arg3[%add3A, %run_scoped3A, %dma_wait3A_460, %dma_wait3A_461] : memref<32x84x2x128xi32, #tpu.memory_space<hbm>> -> memref<1x1x2x128xi32, #tpu.memory_space<hbm>>
      %dma_wait3A_463 = tpu.memref_squeeze %dma_wait3A_462 : memref<1x1x2x128xi32, #tpu.memory_space<hbm>> -> memref<2x128xi32, #tpu.memory_space<hbm>>
      %dma_wait3A_464 = arith.constant 0 : i32
      %dma_wait3A_465 = arith.constant 0 : i32
      %dma_wait3A_466 = tpu.memref_slice %arg3[%add3A, %run_scoped3A, %dma_wait3A_464, %dma_wait3A_465] : memref<32x84x2x128xi32, #tpu.memory_space<hbm>> -> memref<1x1x2x128xi32, #tpu.memory_space<hbm>>
      %dma_wait3A_467 = tpu.memref_squeeze %dma_wait3A_466 : memref<1x1x2x128xi32, #tpu.memory_space<hbm>> -> memref<2x128xi32, #tpu.memory_space<hbm>>
      tpu.wait_dma2 semaphore(%run_scoped3A_451 : memref<!tpu.dma_semaphore, #tpu.memory_space<semaphore_mem>>) src(%dma_wait3A_467 : memref<2x128xi32, #tpu.memory_space<hbm>>) dst(%arg7 : memref<2x128xi32, #tpu.memory_space<vmem>>)
      tpu.yield
    }) : () -> ()
    %dma_start3A = arith.constant 0 : i32
    %dma_start3A_15 = arith.constant 0 : i32
    %dma_start3A_16 = arith.constant 0 : i32
    %dma_start3A_17 = arith.constant 0 : i32
    %dma_start3A_18 = arith.constant 0 : i32
    %dma_start3A_19 = tpu.memref_slice %arg6[%dma_start3A_15, %dma_start3A_17, %dma_start3A_18] : memref<2x128x128xf32, #tpu.memory_space<vmem>> -> memref<1x128x128xf32, #tpu.memory_space<vmem>>
    %dma_start3A_20 = tpu.memref_squeeze %dma_start3A_19 : memref<1x128x128xf32, #tpu.memory_space<vmem>> -> memref<128x128xf32, #tpu.memory_space<vmem>>
    %dma_start3A_21 = arith.constant 0 : i32
    %dma_start3A_22 = tpu.memref_slice %arg7[%dma_start3A, %dma_start3A_21] : memref<2x128xi32, #tpu.memory_space<vmem>> -> memref<1x128xi32, #tpu.memory_space<vmem>>
    %dma_start3A_23 = tpu.memref_squeeze %dma_start3A_22 : memref<1x128xi32, #tpu.memory_space<vmem>> -> memref<128xi32, #tpu.memory_space<vmem>>
    %dma_start3A_24 = arith.constant 0 : i32
    %dma_start3A_25 = arith.constant 0 : i32
    %dma_start3A_26 = tpu.memref_slice %arg2[%dma_start3A_24, %dma_start3A_25] : memref<10240x128xf32, #tpu.memory_space<hbm>> -> memref<10240x128xf32, #tpu.memory_space<hbm>>
    %dma_start3A_27 = tpu.memref_slice %arg11[%dma_start3A_16] : memref<2x!tpu.dma_semaphore, #tpu.memory_space<semaphore_mem>> -> memref<1x!tpu.dma_semaphore, #tpu.memory_space<semaphore_mem>>
    %dma_start3A_28 = tpu.memref_squeeze %dma_start3A_27 : memref<1x!tpu.dma_semaphore, #tpu.memory_space<semaphore_mem>> -> memref<!tpu.dma_semaphore, #tpu.memory_space<semaphore_mem>>
    tpu.enqueue_indirect_dma source(%dma_start3A_26 : memref<10240x128xf32, #tpu.memory_space<hbm>>) target(%dma_start3A_20 : memref<128x128xf32, #tpu.memory_space<vmem>>) offsets(%dma_start3A_23 : memref<128xi32, #tpu.memory_space<vmem>>) semaphore(%dma_start3A_28 : memref<!tpu.dma_semaphore, #tpu.memory_space<semaphore_mem>>)
    %dma_start3A_29 = arith.constant 1 : i32
    %dma_start3A_30 = arith.constant 1 : i32
    %dma_start3A_31 = arith.constant 0 : i32
    %dma_start3A_32 = arith.constant 0 : i32
    %dma_start3A_33 = tpu.memref_slice %arg3[%add3A, %dma_start3A_29, %dma_start3A_31, %dma_start3A_32] : memref<32x84x2x128xi32, #tpu.memory_space<hbm>> -> memref<1x1x2x128xi32, #tpu.memory_space<hbm>>
    %dma_start3A_34 = tpu.memref_squeeze %dma_start3A_33 : memref<1x1x2x128xi32, #tpu.memory_space<hbm>> -> memref<2x128xi32, #tpu.memory_space<hbm>>
    %dma_start3A_35 = tpu.memref_slice %arg12[%dma_start3A_30] : memref<4x!tpu.dma_semaphore, #tpu.memory_space<semaphore_mem>> -> memref<1x!tpu.dma_semaphore, #tpu.memory_space<semaphore_mem>>
    %dma_start3A_36 = tpu.memref_squeeze %dma_start3A_35 : memref<1x!tpu.dma_semaphore, #tpu.memory_space<semaphore_mem>> -> memref<!tpu.dma_semaphore, #tpu.memory_space<semaphore_mem>>
    %dma_start3A_37 = arith.constant 0 : i32
    %dma_start3A_38 = arith.constant 0 : i32
    %dma_start3A_39 = tpu.memref_slice %arg3[%add3A, %dma_start3A_29, %dma_start3A_37, %dma_start3A_38] : memref<32x84x2x128xi32, #tpu.memory_space<hbm>> -> memref<1x1x2x128xi32, #tpu.memory_space<hbm>>
    %dma_start3A_40 = tpu.memref_squeeze %dma_start3A_39 : memref<1x1x2x128xi32, #tpu.memory_space<hbm>> -> memref<2x128xi32, #tpu.memory_space<hbm>>
    tpu.enqueue_dma source(%dma_start3A_40 : memref<2x128xi32, #tpu.memory_space<hbm>>) target(%arg8 : memref<2x128xi32, #tpu.memory_space<vmem>>) target_semaphore(%dma_start3A_36 : memref<!tpu.dma_semaphore, #tpu.memory_space<semaphore_mem>>)
    %dma_start3A_41 = arith.constant 2 : i32
    %dma_start3A_42 = arith.constant 2 : i32
    %dma_start3A_43 = arith.constant 0 : i32
    %dma_start3A_44 = arith.constant 0 : i32
    %dma_start3A_45 = tpu.memref_slice %arg3[%add3A, %dma_start3A_41, %dma_start3A_43, %dma_start3A_44] : memref<32x84x2x128xi32, #tpu.memory_space<hbm>> -> memref<1x1x2x128xi32, #tpu.memory_space<hbm>>
    %dma_start3A_46 = tpu.memref_squeeze %dma_start3A_45 : memref<1x1x2x128xi32, #tpu.memory_space<hbm>> -> memref<2x128xi32, #tpu.memory_space<hbm>>
    %dma_start3A_47 = tpu.memref_slice %arg12[%dma_start3A_42] : memref<4x!tpu.dma_semaphore, #tpu.memory_space<semaphore_mem>> -> memref<1x!tpu.dma_semaphore, #tpu.memory_space<semaphore_mem>>
    %dma_start3A_48 = tpu.memref_squeeze %dma_start3A_47 : memref<1x!tpu.dma_semaphore, #tpu.memory_space<semaphore_mem>> -> memref<!tpu.dma_semaphore, #tpu.memory_space<semaphore_mem>>
    %dma_start3A_49 = arith.constant 0 : i32
    %dma_start3A_50 = arith.constant 0 : i32
    %dma_start3A_51 = tpu.memref_slice %arg3[%add3A, %dma_start3A_41, %dma_start3A_49, %dma_start3A_50] : memref<32x84x2x128xi32, #tpu.memory_space<hbm>> -> memref<1x1x2x128xi32, #tpu.memory_space<hbm>>
    %dma_start3A_52 = tpu.memref_squeeze %dma_start3A_51 : memref<1x1x2x128xi32, #tpu.memory_space<hbm>> -> memref<2x128xi32, #tpu.memory_space<hbm>>
    tpu.enqueue_dma source(%dma_start3A_52 : memref<2x128xi32, #tpu.memory_space<hbm>>) target(%arg9 : memref<2x128xi32, #tpu.memory_space<vmem>>) target_semaphore(%dma_start3A_48 : memref<!tpu.dma_semaphore, #tpu.memory_space<semaphore_mem>>)
    %dma_start3A_53 = arith.constant 3 : i32
    %dma_start3A_54 = arith.constant 3 : i32
    %dma_start3A_55 = arith.constant 0 : i32
    %dma_start3A_56 = arith.constant 0 : i32
    %dma_start3A_57 = tpu.memref_slice %arg3[%add3A, %dma_start3A_53, %dma_start3A_55, %dma_start3A_56] : memref<32x84x2x128xi32, #tpu.memory_space<hbm>> -> memref<1x1x2x128xi32, #tpu.memory_space<hbm>>
    %dma_start3A_58 = tpu.memref_squeeze %dma_start3A_57 : memref<1x1x2x128xi32, #tpu.memory_space<hbm>> -> memref<2x128xi32, #tpu.memory_space<hbm>>
    %dma_start3A_59 = tpu.memref_slice %arg12[%dma_start3A_54] : memref<4x!tpu.dma_semaphore, #tpu.memory_space<semaphore_mem>> -> memref<1x!tpu.dma_semaphore, #tpu.memory_space<semaphore_mem>>
    %dma_start3A_60 = tpu.memref_squeeze %dma_start3A_59 : memref<1x!tpu.dma_semaphore, #tpu.memory_space<semaphore_mem>> -> memref<!tpu.dma_semaphore, #tpu.memory_space<semaphore_mem>>
    %dma_start3A_61 = arith.constant 0 : i32
    %dma_start3A_62 = arith.constant 0 : i32
    %dma_start3A_63 = tpu.memref_slice %arg3[%add3A, %dma_start3A_53, %dma_start3A_61, %dma_start3A_62] : memref<32x84x2x128xi32, #tpu.memory_space<hbm>> -> memref<1x1x2x128xi32, #tpu.memory_space<hbm>>
    %dma_start3A_64 = tpu.memref_squeeze %dma_start3A_63 : memref<1x1x2x128xi32, #tpu.memory_space<hbm>> -> memref<2x128xi32, #tpu.memory_space<hbm>>
    tpu.enqueue_dma source(%dma_start3A_64 : memref<2x128xi32, #tpu.memory_space<hbm>>) target(%arg10 : memref<2x128xi32, #tpu.memory_space<vmem>>) target_semaphore(%dma_start3A_60 : memref<!tpu.dma_semaphore, #tpu.memory_space<semaphore_mem>>)
    %dma_wait3A = arith.constant 0 : i32
    %dma_wait3A_65 = arith.constant 1 : i32
    %dma_wait3A_66 = arith.constant 0 : i32
    %dma_wait3A_67 = arith.constant 0 : i32
    %dma_wait3A_68 = tpu.memref_slice %arg3[%add3A, %dma_wait3A, %dma_wait3A_66, %dma_wait3A_67] : memref<32x84x2x128xi32, #tpu.memory_space<hbm>> -> memref<1x1x2x128xi32, #tpu.memory_space<hbm>>
    %dma_wait3A_69 = tpu.memref_squeeze %dma_wait3A_68 : memref<1x1x2x128xi32, #tpu.memory_space<hbm>> -> memref<2x128xi32, #tpu.memory_space<hbm>>
    %dma_wait3A_70 = tpu.memref_slice %arg12[%dma_wait3A_65] : memref<4x!tpu.dma_semaphore, #tpu.memory_space<semaphore_mem>> -> memref<1x!tpu.dma_semaphore, #tpu.memory_space<semaphore_mem>>
    %dma_wait3A_71 = tpu.memref_squeeze %dma_wait3A_70 : memref<1x!tpu.dma_semaphore, #tpu.memory_space<semaphore_mem>> -> memref<!tpu.dma_semaphore, #tpu.memory_space<semaphore_mem>>
    %dma_wait3A_72 = arith.constant 0 : i32
    %dma_wait3A_73 = arith.constant 0 : i32
    %dma_wait3A_74 = tpu.memref_slice %arg3[%add3A, %dma_wait3A, %dma_wait3A_72, %dma_wait3A_73] : memref<32x84x2x128xi32, #tpu.memory_space<hbm>> -> memref<1x1x2x128xi32, #tpu.memory_space<hbm>>
    %dma_wait3A_75 = tpu.memref_squeeze %dma_wait3A_74 : memref<1x1x2x128xi32, #tpu.memory_space<hbm>> -> memref<2x128xi32, #tpu.memory_space<hbm>>
    tpu.wait_dma2 semaphore(%dma_wait3A_71 : memref<!tpu.dma_semaphore, #tpu.memory_space<semaphore_mem>>) src(%dma_wait3A_75 : memref<2x128xi32, #tpu.memory_space<hbm>>) dst(%arg8 : memref<2x128xi32, #tpu.memory_space<vmem>>)
    %dma_start3A_76 = arith.constant 0 : i32
    %dma_start3A_77 = arith.constant 1 : i32
    %dma_start3A_78 = arith.constant 1 : i32
    %dma_start3A_79 = arith.constant 0 : i32
    %dma_start3A_80 = arith.constant 0 : i32
    %dma_start3A_81 = tpu.memref_slice %arg6[%dma_start3A_77, %dma_start3A_79, %dma_start3A_80] : memref<2x128x128xf32, #tpu.memory_space<vmem>> -> memref<1x128x128xf32, #tpu.memory_space<vmem>>
    %dma_start3A_82 = tpu.memref_squeeze %dma_start3A_81 : memref<1x128x128xf32, #tpu.memory_space<vmem>> -> memref<128x128xf32, #tpu.memory_space<vmem>>
    %dma_start3A_83 = arith.constant 0 : i32
    %dma_start3A_84 = tpu.memref_slice %arg8[%dma_start3A_76, %dma_start3A_83] : memref<2x128xi32, #tpu.memory_space<vmem>> -> memref<1x128xi32, #tpu.memory_space<vmem>>
    %dma_start3A_85 = tpu.memref_squeeze %dma_start3A_84 : memref<1x128xi32, #tpu.memory_space<vmem>> -> memref<128xi32, #tpu.memory_space<vmem>>
    %dma_start3A_86 = arith.constant 0 : i32
    %dma_start3A_87 = arith.constant 0 : i32
    %dma_start3A_88 = tpu.memref_slice %arg2[%dma_start3A_86, %dma_start3A_87] : memref<10240x128xf32, #tpu.memory_space<hbm>> -> memref<10240x128xf32, #tpu.memory_space<hbm>>
    %dma_start3A_89 = tpu.memref_slice %arg11[%dma_start3A_78] : memref<2x!tpu.dma_semaphore, #tpu.memory_space<semaphore_mem>> -> memref<1x!tpu.dma_semaphore, #tpu.memory_space<semaphore_mem>>
    %dma_start3A_90 = tpu.memref_squeeze %dma_start3A_89 : memref<1x!tpu.dma_semaphore, #tpu.memory_space<semaphore_mem>> -> memref<!tpu.dma_semaphore, #tpu.memory_space<semaphore_mem>>
    tpu.enqueue_indirect_dma source(%dma_start3A_88 : memref<10240x128xf32, #tpu.memory_space<hbm>>) target(%dma_start3A_82 : memref<128x128xf32, #tpu.memory_space<vmem>>) offsets(%dma_start3A_85 : memref<128xi32, #tpu.memory_space<vmem>>) semaphore(%dma_start3A_90 : memref<!tpu.dma_semaphore, #tpu.memory_space<semaphore_mem>>)
    %dma_wait3A_91 = arith.constant 0 : i32
    %dma_wait3A_92 = arith.constant 0 : i32
    %dma_wait3A_93 = arith.constant 0 : i32
    %dma_wait3A_94 = arith.constant 0 : i32
    %dma_wait3A_95 = arith.constant 0 : i32
    %dma_wait3A_96 = tpu.memref_slice %arg6[%dma_wait3A_92, %dma_wait3A_94, %dma_wait3A_95] : memref<2x128x128xf32, #tpu.memory_space<vmem>> -> memref<1x128x128xf32, #tpu.memory_space<vmem>>
    %dma_wait3A_97 = tpu.memref_squeeze %dma_wait3A_96 : memref<1x128x128xf32, #tpu.memory_space<vmem>> -> memref<128x128xf32, #tpu.memory_space<vmem>>
    %dma_wait3A_98 = arith.constant 0 : i32
    %dma_wait3A_99 = tpu.memref_slice %arg7[%dma_wait3A_91, %dma_wait3A_98] : memref<2x128xi32, #tpu.memory_space<vmem>> -> memref<1x128xi32, #tpu.memory_space<vmem>>
    %dma_wait3A_100 = tpu.memref_squeeze %dma_wait3A_99 : memref<1x128xi32, #tpu.memory_space<vmem>> -> memref<128xi32, #tpu.memory_space<vmem>>
    %dma_wait3A_101 = arith.constant 0 : i32
    %dma_wait3A_102 = arith.constant 0 : i32
    %dma_wait3A_103 = tpu.memref_slice %arg2[%dma_wait3A_101, %dma_wait3A_102] : memref<10240x128xf32, #tpu.memory_space<hbm>> -> memref<10240x128xf32, #tpu.memory_space<hbm>>
    %dma_wait3A_104 = tpu.memref_slice %arg11[%dma_wait3A_93] : memref<2x!tpu.dma_semaphore, #tpu.memory_space<semaphore_mem>> -> memref<1x!tpu.dma_semaphore, #tpu.memory_space<semaphore_mem>>
    %dma_wait3A_105 = tpu.memref_squeeze %dma_wait3A_104 : memref<1x!tpu.dma_semaphore, #tpu.memory_space<semaphore_mem>> -> memref<!tpu.dma_semaphore, #tpu.memory_space<semaphore_mem>>
    tpu.wait_indirect_dma semaphore(%dma_wait3A_105 : memref<!tpu.dma_semaphore, #tpu.memory_space<semaphore_mem>>) src(%dma_wait3A_103 : memref<10240x128xf32, #tpu.memory_space<hbm>>) dst(%dma_wait3A_97 : memref<128x128xf32, #tpu.memory_space<vmem>>)
    %dma_start3A_106 = arith.constant 0 : i32
    %dma_start3A_107 = arith.constant 1 : i32
    %dma_start3A_108 = arith.constant 0 : i32
    %dma_start3A_109 = arith.constant 0 : i32
    %dma_start3A_110 = arith.constant 0 : i32
    %dma_start3A_111 = tpu.memref_slice %arg6[%dma_start3A_106, %dma_start3A_109, %dma_start3A_110] : memref<2x128x128xf32, #tpu.memory_space<vmem>> -> memref<1x128x128xf32, #tpu.memory_space<vmem>>
    %dma_start3A_112 = tpu.memref_squeeze %dma_start3A_111 : memref<1x128x128xf32, #tpu.memory_space<vmem>> -> memref<128x128xf32, #tpu.memory_space<vmem>>
    %dma_start3A_113 = arith.constant 0 : i32
    %dma_start3A_114 = tpu.memref_slice %arg7[%dma_start3A_107, %dma_start3A_113] : memref<2x128xi32, #tpu.memory_space<vmem>> -> memref<1x128xi32, #tpu.memory_space<vmem>>
    %dma_start3A_115 = tpu.memref_squeeze %dma_start3A_114 : memref<1x128xi32, #tpu.memory_space<vmem>> -> memref<128xi32, #tpu.memory_space<vmem>>
    %dma_start3A_116 = arith.constant 0 : i32
    %dma_start3A_117 = arith.constant 0 : i32
    %dma_start3A_118 = tpu.memref_slice %arg5[%dma_start3A_116, %dma_start3A_117] : memref<10240x128xf32, #tpu.memory_space<vmem_shared>> -> memref<10240x128xf32, #tpu.memory_space<vmem_shared>>
    %dma_start3A_119 = tpu.memref_slice %arg13[%dma_start3A_108] : memref<2x!tpu.dma_semaphore, #tpu.memory_space<semaphore_mem>> -> memref<1x!tpu.dma_semaphore, #tpu.memory_space<semaphore_mem>>
    %dma_start3A_120 = tpu.memref_squeeze %dma_start3A_119 : memref<1x!tpu.dma_semaphore, #tpu.memory_space<semaphore_mem>> -> memref<!tpu.dma_semaphore, #tpu.memory_space<semaphore_mem>>
    tpu.enqueue_indirect_dma source(%dma_start3A_112 : memref<128x128xf32, #tpu.memory_space<vmem>>) target(%dma_start3A_118 : memref<10240x128xf32, #tpu.memory_space<vmem_shared>>) offsets(%dma_start3A_115 : memref<128xi32, #tpu.memory_space<vmem>>) semaphore(%dma_start3A_120 : memref<!tpu.dma_semaphore, #tpu.memory_space<semaphore_mem>>) {add = true}
    %dma_wait3A_121 = arith.constant 0 : i32
    %dma_wait3A_122 = arith.constant 2 : i32
    %dma_wait3A_123 = arith.constant 0 : i32
    %dma_wait3A_124 = arith.constant 0 : i32
    %dma_wait3A_125 = tpu.memref_slice %arg3[%add3A, %dma_wait3A_121, %dma_wait3A_123, %dma_wait3A_124] : memref<32x84x2x128xi32, #tpu.memory_space<hbm>> -> memref<1x1x2x128xi32, #tpu.memory_space<hbm>>
    %dma_wait3A_126 = tpu.memref_squeeze %dma_wait3A_125 : memref<1x1x2x128xi32, #tpu.memory_space<hbm>> -> memref<2x128xi32, #tpu.memory_space<hbm>>
    %dma_wait3A_127 = tpu.memref_slice %arg12[%dma_wait3A_122] : memref<4x!tpu.dma_semaphore, #tpu.memory_space<semaphore_mem>> -> memref<1x!tpu.dma_semaphore, #tpu.memory_space<semaphore_mem>>
    %dma_wait3A_128 = tpu.memref_squeeze %dma_wait3A_127 : memref<1x!tpu.dma_semaphore, #tpu.memory_space<semaphore_mem>> -> memref<!tpu.dma_semaphore, #tpu.memory_space<semaphore_mem>>
    %dma_wait3A_129 = arith.constant 0 : i32
    %dma_wait3A_130 = arith.constant 0 : i32
    %dma_wait3A_131 = tpu.memref_slice %arg3[%add3A, %dma_wait3A_121, %dma_wait3A_129, %dma_wait3A_130] : memref<32x84x2x128xi32, #tpu.memory_space<hbm>> -> memref<1x1x2x128xi32, #tpu.memory_space<hbm>>
    %dma_wait3A_132 = tpu.memref_squeeze %dma_wait3A_131 : memref<1x1x2x128xi32, #tpu.memory_space<hbm>> -> memref<2x128xi32, #tpu.memory_space<hbm>>
    tpu.wait_dma2 semaphore(%dma_wait3A_128 : memref<!tpu.dma_semaphore, #tpu.memory_space<semaphore_mem>>) src(%dma_wait3A_132 : memref<2x128xi32, #tpu.memory_space<hbm>>) dst(%arg9 : memref<2x128xi32, #tpu.memory_space<vmem>>)
    %dma_wait3A_133 = arith.constant 0 : i32
    %dma_wait3A_134 = arith.constant 0 : i32
    %dma_wait3A_135 = arith.constant 0 : i32
    %dma_wait3A_136 = arith.constant 0 : i32
    %dma_wait3A_137 = tpu.memref_slice %arg6[%dma_wait3A_133, %dma_wait3A_135, %dma_wait3A_136] : memref<2x128x128xf32, #tpu.memory_space<vmem>> -> memref<1x128x128xf32, #tpu.memory_space<vmem>>
    %dma_wait3A_138 = tpu.memref_squeeze %dma_wait3A_137 : memref<1x128x128xf32, #tpu.memory_space<vmem>> -> memref<128x128xf32, #tpu.memory_space<vmem>>
    %dma_wait3A_139 = arith.constant 0 : i32
    %dma_wait3A_140 = arith.constant 0 : i32
    %dma_wait3A_141 = tpu.memref_slice %arg5[%dma_wait3A_139, %dma_wait3A_140] : memref<10240x128xf32, #tpu.memory_space<vmem_shared>> -> memref<128x128xf32, #tpu.memory_space<vmem_shared>>
    %dma_wait3A_142 = tpu.memref_slice %arg13[%dma_wait3A_134] : memref<2x!tpu.dma_semaphore, #tpu.memory_space<semaphore_mem>> -> memref<1x!tpu.dma_semaphore, #tpu.memory_space<semaphore_mem>>
    %dma_wait3A_143 = tpu.memref_squeeze %dma_wait3A_142 : memref<1x!tpu.dma_semaphore, #tpu.memory_space<semaphore_mem>> -> memref<!tpu.dma_semaphore, #tpu.memory_space<semaphore_mem>>
    %dma_wait3A_144 = arith.constant 0 : i32
    %dma_wait3A_145 = arith.constant 0 : i32
    %dma_wait3A_146 = tpu.memref_slice %arg5[%dma_wait3A_144, %dma_wait3A_145] : memref<10240x128xf32, #tpu.memory_space<vmem_shared>> -> memref<128x128xf32, #tpu.memory_space<vmem_shared>>
    %dma_wait3A_147 = arith.constant 0 : i32
    %dma_wait3A_148 = arith.constant 0 : i32
    %dma_wait3A_149 = tpu.memref_slice %arg6[%dma_wait3A_133, %dma_wait3A_147, %dma_wait3A_148] : memref<2x128x128xf32, #tpu.memory_space<vmem>> -> memref<1x128x128xf32, #tpu.memory_space<vmem>>
    %dma_wait3A_150 = tpu.memref_squeeze %dma_wait3A_149 : memref<1x128x128xf32, #tpu.memory_space<vmem>> -> memref<128x128xf32, #tpu.memory_space<vmem>>
    tpu.wait_dma2 semaphore(%dma_wait3A_143 : memref<!tpu.dma_semaphore, #tpu.memory_space<semaphore_mem>>) src(%dma_wait3A_150 : memref<128x128xf32, #tpu.memory_space<vmem>>) dst(%dma_wait3A_146 : memref<128x128xf32, #tpu.memory_space<vmem_shared>>)
    %dma_start3A_151 = arith.constant 4 : i32
    %dma_start3A_152 = arith.constant 0 : i32
    %dma_start3A_153 = arith.constant 0 : i32
    %dma_start3A_154 = arith.constant 0 : i32
    %dma_start3A_155 = tpu.memref_slice %arg3[%add3A, %dma_start3A_151, %dma_start3A_153, %dma_start3A_154] : memref<32x84x2x128xi32, #tpu.memory_space<hbm>> -> memref<1x1x2x128xi32, #tpu.memory_space<hbm>>
    %dma_start3A_156 = tpu.memref_squeeze %dma_start3A_155 : memref<1x1x2x128xi32, #tpu.memory_space<hbm>> -> memref<2x128xi32, #tpu.memory_space<hbm>>
    %dma_start3A_157 = tpu.memref_slice %arg12[%dma_start3A_152] : memref<4x!tpu.dma_semaphore, #tpu.memory_space<semaphore_mem>> -> memref<1x!tpu.dma_semaphore, #tpu.memory_space<semaphore_mem>>
    %dma_start3A_158 = tpu.memref_squeeze %dma_start3A_157 : memref<1x!tpu.dma_semaphore, #tpu.memory_space<semaphore_mem>> -> memref<!tpu.dma_semaphore, #tpu.memory_space<semaphore_mem>>
    %dma_start3A_159 = arith.constant 0 : i32
    %dma_start3A_160 = arith.constant 0 : i32
    %dma_start3A_161 = tpu.memref_slice %arg3[%add3A, %dma_start3A_151, %dma_start3A_159, %dma_start3A_160] : memref<32x84x2x128xi32, #tpu.memory_space<hbm>> -> memref<1x1x2x128xi32, #tpu.memory_space<hbm>>
    %dma_start3A_162 = tpu.memref_squeeze %dma_start3A_161 : memref<1x1x2x128xi32, #tpu.memory_space<hbm>> -> memref<2x128xi32, #tpu.memory_space<hbm>>
    tpu.enqueue_dma source(%dma_start3A_162 : memref<2x128xi32, #tpu.memory_space<hbm>>) target(%arg7 : memref<2x128xi32, #tpu.memory_space<vmem>>) target_semaphore(%dma_start3A_158 : memref<!tpu.dma_semaphore, #tpu.memory_space<semaphore_mem>>)
    %dma_start3A_163 = arith.constant 0 : i32
    %dma_start3A_164 = arith.constant 0 : i32
    %dma_start3A_165 = arith.constant 0 : i32
    %dma_start3A_166 = arith.constant 0 : i32
    %dma_start3A_167 = arith.constant 0 : i32
    %dma_start3A_168 = tpu.memref_slice %arg6[%dma_start3A_164, %dma_start3A_166, %dma_start3A_167] : memref<2x128x128xf32, #tpu.memory_space<vmem>> -> memref<1x128x128xf32, #tpu.memory_space<vmem>>
    %dma_start3A_169 = tpu.memref_squeeze %dma_start3A_168 : memref<1x128x128xf32, #tpu.memory_space<vmem>> -> memref<128x128xf32, #tpu.memory_space<vmem>>
    %dma_start3A_170 = arith.constant 0 : i32
    %dma_start3A_171 = tpu.memref_slice %arg9[%dma_start3A_163, %dma_start3A_170] : memref<2x128xi32, #tpu.memory_space<vmem>> -> memref<1x128xi32, #tpu.memory_space<vmem>>
    %dma_start3A_172 = tpu.memref_squeeze %dma_start3A_171 : memref<1x128xi32, #tpu.memory_space<vmem>> -> memref<128xi32, #tpu.memory_space<vmem>>
    %dma_start3A_173 = arith.constant 0 : i32
    %dma_start3A_174 = arith.constant 0 : i32
    %dma_start3A_175 = tpu.memref_slice %arg2[%dma_start3A_173, %dma_start3A_174] : memref<10240x128xf32, #tpu.memory_space<hbm>> -> memref<10240x128xf32, #tpu.memory_space<hbm>>
    %dma_start3A_176 = tpu.memref_slice %arg11[%dma_start3A_165] : memref<2x!tpu.dma_semaphore, #tpu.memory_space<semaphore_mem>> -> memref<1x!tpu.dma_semaphore, #tpu.memory_space<semaphore_mem>>
    %dma_start3A_177 = tpu.memref_squeeze %dma_start3A_176 : memref<1x!tpu.dma_semaphore, #tpu.memory_space<semaphore_mem>> -> memref<!tpu.dma_semaphore, #tpu.memory_space<semaphore_mem>>
    tpu.enqueue_indirect_dma source(%dma_start3A_175 : memref<10240x128xf32, #tpu.memory_space<hbm>>) target(%dma_start3A_169 : memref<128x128xf32, #tpu.memory_space<vmem>>) offsets(%dma_start3A_172 : memref<128xi32, #tpu.memory_space<vmem>>) semaphore(%dma_start3A_177 : memref<!tpu.dma_semaphore, #tpu.memory_space<semaphore_mem>>)
    %dma_wait3A_178 = arith.constant 0 : i32
    %dma_wait3A_179 = arith.constant 1 : i32
    %dma_wait3A_180 = arith.constant 1 : i32
    %dma_wait3A_181 = arith.constant 0 : i32
    %dma_wait3A_182 = arith.constant 0 : i32
    %dma_wait3A_183 = tpu.memref_slice %arg6[%dma_wait3A_179, %dma_wait3A_181, %dma_wait3A_182] : memref<2x128x128xf32, #tpu.memory_space<vmem>> -> memref<1x128x128xf32, #tpu.memory_space<vmem>>
    %dma_wait3A_184 = tpu.memref_squeeze %dma_wait3A_183 : memref<1x128x128xf32, #tpu.memory_space<vmem>> -> memref<128x128xf32, #tpu.memory_space<vmem>>
    %dma_wait3A_185 = arith.constant 0 : i32
    %dma_wait3A_186 = tpu.memref_slice %arg8[%dma_wait3A_178, %dma_wait3A_185] : memref<2x128xi32, #tpu.memory_space<vmem>> -> memref<1x128xi32, #tpu.memory_space<vmem>>
    %dma_wait3A_187 = tpu.memref_squeeze %dma_wait3A_186 : memref<1x128xi32, #tpu.memory_space<vmem>> -> memref<128xi32, #tpu.memory_space<vmem>>
    %dma_wait3A_188 = arith.constant 0 : i32
    %dma_wait3A_189 = arith.constant 0 : i32
    %dma_wait3A_190 = tpu.memref_slice %arg2[%dma_wait3A_188, %dma_wait3A_189] : memref<10240x128xf32, #tpu.memory_space<hbm>> -> memref<10240x128xf32, #tpu.memory_space<hbm>>
    %dma_wait3A_191 = tpu.memref_slice %arg11[%dma_wait3A_180] : memref<2x!tpu.dma_semaphore, #tpu.memory_space<semaphore_mem>> -> memref<1x!tpu.dma_semaphore, #tpu.memory_space<semaphore_mem>>
    %dma_wait3A_192 = tpu.memref_squeeze %dma_wait3A_191 : memref<1x!tpu.dma_semaphore, #tpu.memory_space<semaphore_mem>> -> memref<!tpu.dma_semaphore, #tpu.memory_space<semaphore_mem>>
    tpu.wait_indirect_dma semaphore(%dma_wait3A_192 : memref<!tpu.dma_semaphore, #tpu.memory_space<semaphore_mem>>) src(%dma_wait3A_190 : memref<10240x128xf32, #tpu.memory_space<hbm>>) dst(%dma_wait3A_184 : memref<128x128xf32, #tpu.memory_space<vmem>>)
    %dma_start3A_193 = arith.constant 1 : i32
    %dma_start3A_194 = arith.constant 1 : i32
    %dma_start3A_195 = arith.constant 1 : i32
    %dma_start3A_196 = arith.constant 0 : i32
    %dma_start3A_197 = arith.constant 0 : i32
    %dma_start3A_198 = tpu.memref_slice %arg6[%dma_start3A_193, %dma_start3A_196, %dma_start3A_197] : memref<2x128x128xf32, #tpu.memory_space<vmem>> -> memref<1x128x128xf32, #tpu.memory_space<vmem>>
    %dma_start3A_199 = tpu.memref_squeeze %dma_start3A_198 : memref<1x128x128xf32, #tpu.memory_space<vmem>> -> memref<128x128xf32, #tpu.memory_space<vmem>>
    %dma_start3A_200 = arith.constant 0 : i32
    %dma_start3A_201 = tpu.memref_slice %arg8[%dma_start3A_194, %dma_start3A_200] : memref<2x128xi32, #tpu.memory_space<vmem>> -> memref<1x128xi32, #tpu.memory_space<vmem>>
    %dma_start3A_202 = tpu.memref_squeeze %dma_start3A_201 : memref<1x128xi32, #tpu.memory_space<vmem>> -> memref<128xi32, #tpu.memory_space<vmem>>
    %dma_start3A_203 = arith.constant 0 : i32
    %dma_start3A_204 = arith.constant 0 : i32
    %dma_start3A_205 = tpu.memref_slice %arg5[%dma_start3A_203, %dma_start3A_204] : memref<10240x128xf32, #tpu.memory_space<vmem_shared>> -> memref<10240x128xf32, #tpu.memory_space<vmem_shared>>
    %dma_start3A_206 = tpu.memref_slice %arg13[%dma_start3A_195] : memref<2x!tpu.dma_semaphore, #tpu.memory_space<semaphore_mem>> -> memref<1x!tpu.dma_semaphore, #tpu.memory_space<semaphore_mem>>
    %dma_start3A_207 = tpu.memref_squeeze %dma_start3A_206 : memref<1x!tpu.dma_semaphore, #tpu.memory_space<semaphore_mem>> -> memref<!tpu.dma_semaphore, #tpu.memory_space<semaphore_mem>>
    tpu.enqueue_indirect_dma source(%dma_start3A_199 : memref<128x128xf32, #tpu.memory_space<vmem>>) target(%dma_start3A_205 : memref<10240x128xf32, #tpu.memory_space<vmem_shared>>) offsets(%dma_start3A_202 : memref<128xi32, #tpu.memory_space<vmem>>) semaphore(%dma_start3A_207 : memref<!tpu.dma_semaphore, #tpu.memory_space<semaphore_mem>>) {add = true}
    %dma_wait3A_208 = arith.constant 0 : i32
    %dma_wait3A_209 = arith.constant 3 : i32
    %dma_wait3A_210 = arith.constant 0 : i32
    %dma_wait3A_211 = arith.constant 0 : i32
    %dma_wait3A_212 = tpu.memref_slice %arg3[%add3A, %dma_wait3A_208, %dma_wait3A_210, %dma_wait3A_211] : memref<32x84x2x128xi32, #tpu.memory_space<hbm>> -> memref<1x1x2x128xi32, #tpu.memory_space<hbm>>
    %dma_wait3A_213 = tpu.memref_squeeze %dma_wait3A_212 : memref<1x1x2x128xi32, #tpu.memory_space<hbm>> -> memref<2x128xi32, #tpu.memory_space<hbm>>
    %dma_wait3A_214 = tpu.memref_slice %arg12[%dma_wait3A_209] : memref<4x!tpu.dma_semaphore, #tpu.memory_space<semaphore_mem>> -> memref<1x!tpu.dma_semaphore, #tpu.memory_space<semaphore_mem>>
    %dma_wait3A_215 = tpu.memref_squeeze %dma_wait3A_214 : memref<1x!tpu.dma_semaphore, #tpu.memory_space<semaphore_mem>> -> memref<!tpu.dma_semaphore, #tpu.memory_space<semaphore_mem>>
    %dma_wait3A_216 = arith.constant 0 : i32
    %dma_wait3A_217 = arith.constant 0 : i32
    %dma_wait3A_218 = tpu.memref_slice %arg3[%add3A, %dma_wait3A_208, %dma_wait3A_216, %dma_wait3A_217] : memref<32x84x2x128xi32, #tpu.memory_space<hbm>> -> memref<1x1x2x128xi32, #tpu.memory_space<hbm>>
    %dma_wait3A_219 = tpu.memref_squeeze %dma_wait3A_218 : memref<1x1x2x128xi32, #tpu.memory_space<hbm>> -> memref<2x128xi32, #tpu.memory_space<hbm>>
    tpu.wait_dma2 semaphore(%dma_wait3A_215 : memref<!tpu.dma_semaphore, #tpu.memory_space<semaphore_mem>>) src(%dma_wait3A_219 : memref<2x128xi32, #tpu.memory_space<hbm>>) dst(%arg10 : memref<2x128xi32, #tpu.memory_space<vmem>>)
    %dma_wait3A_220 = arith.constant 1 : i32
    %dma_wait3A_221 = arith.constant 1 : i32
    %dma_wait3A_222 = arith.constant 0 : i32
    %dma_wait3A_223 = arith.constant 0 : i32
    %dma_wait3A_224 = tpu.memref_slice %arg6[%dma_wait3A_220, %dma_wait3A_222, %dma_wait3A_223] : memref<2x128x128xf32, #tpu.memory_space<vmem>> -> memref<1x128x128xf32, #tpu.memory_space<vmem>>
    %dma_wait3A_225 = tpu.memref_squeeze %dma_wait3A_224 : memref<1x128x128xf32, #tpu.memory_space<vmem>> -> memref<128x128xf32, #tpu.memory_space<vmem>>
    %dma_wait3A_226 = arith.constant 0 : i32
    %dma_wait3A_227 = arith.constant 0 : i32
    %dma_wait3A_228 = tpu.memref_slice %arg5[%dma_wait3A_226, %dma_wait3A_227] : memref<10240x128xf32, #tpu.memory_space<vmem_shared>> -> memref<128x128xf32, #tpu.memory_space<vmem_shared>>
    %dma_wait3A_229 = tpu.memref_slice %arg13[%dma_wait3A_221] : memref<2x!tpu.dma_semaphore, #tpu.memory_space<semaphore_mem>> -> memref<1x!tpu.dma_semaphore, #tpu.memory_space<semaphore_mem>>
    %dma_wait3A_230 = tpu.memref_squeeze %dma_wait3A_229 : memref<1x!tpu.dma_semaphore, #tpu.memory_space<semaphore_mem>> -> memref<!tpu.dma_semaphore, #tpu.memory_space<semaphore_mem>>
    %dma_wait3A_231 = arith.constant 0 : i32
    %dma_wait3A_232 = arith.constant 0 : i32
    %dma_wait3A_233 = tpu.memref_slice %arg5[%dma_wait3A_231, %dma_wait3A_232] : memref<10240x128xf32, #tpu.memory_space<vmem_shared>> -> memref<128x128xf32, #tpu.memory_space<vmem_shared>>
    %dma_wait3A_234 = arith.constant 0 : i32
    %dma_wait3A_235 = arith.constant 0 : i32
    %dma_wait3A_236 = tpu.memref_slice %arg6[%dma_wait3A_220, %dma_wait3A_234, %dma_wait3A_235] : memref<2x128x128xf32, #tpu.memory_space<vmem>> -> memref<1x128x128xf32, #tpu.memory_space<vmem>>
    %dma_wait3A_237 = tpu.memref_squeeze %dma_wait3A_236 : memref<1x128x128xf32, #tpu.memory_space<vmem>> -> memref<128x128xf32, #tpu.memory_space<vmem>>
    tpu.wait_dma2 semaphore(%dma_wait3A_230 : memref<!tpu.dma_semaphore, #tpu.memory_space<semaphore_mem>>) src(%dma_wait3A_237 : memref<128x128xf32, #tpu.memory_space<vmem>>) dst(%dma_wait3A_233 : memref<128x128xf32, #tpu.memory_space<vmem_shared>>)
    %dma_start3A_238 = arith.constant 5 : i32
    %dma_start3A_239 = arith.constant 1 : i32
    %dma_start3A_240 = arith.constant 0 : i32
    %dma_start3A_241 = arith.constant 0 : i32
    %dma_start3A_242 = tpu.memref_slice %arg3[%add3A, %dma_start3A_238, %dma_start3A_240, %dma_start3A_241] : memref<32x84x2x128xi32, #tpu.memory_space<hbm>> -> memref<1x1x2x128xi32, #tpu.memory_space<hbm>>
    %dma_start3A_243 = tpu.memref_squeeze %dma_start3A_242 : memref<1x1x2x128xi32, #tpu.memory_space<hbm>> -> memref<2x128xi32, #tpu.memory_space<hbm>>
    %dma_start3A_244 = tpu.memref_slice %arg12[%dma_start3A_239] : memref<4x!tpu.dma_semaphore, #tpu.memory_space<semaphore_mem>> -> memref<1x!tpu.dma_semaphore, #tpu.memory_space<semaphore_mem>>
    %dma_start3A_245 = tpu.memref_squeeze %dma_start3A_244 : memref<1x!tpu.dma_semaphore, #tpu.memory_space<semaphore_mem>> -> memref<!tpu.dma_semaphore, #tpu.memory_space<semaphore_mem>>
    %dma_start3A_246 = arith.constant 0 : i32
    %dma_start3A_247 = arith.constant 0 : i32
    %dma_start3A_248 = tpu.memref_slice %arg3[%add3A, %dma_start3A_238, %dma_start3A_246, %dma_start3A_247] : memref<32x84x2x128xi32, #tpu.memory_space<hbm>> -> memref<1x1x2x128xi32, #tpu.memory_space<hbm>>
    %dma_start3A_249 = tpu.memref_squeeze %dma_start3A_248 : memref<1x1x2x128xi32, #tpu.memory_space<hbm>> -> memref<2x128xi32, #tpu.memory_space<hbm>>
    tpu.enqueue_dma source(%dma_start3A_249 : memref<2x128xi32, #tpu.memory_space<hbm>>) target(%arg8 : memref<2x128xi32, #tpu.memory_space<vmem>>) target_semaphore(%dma_start3A_245 : memref<!tpu.dma_semaphore, #tpu.memory_space<semaphore_mem>>)
    %dma_start3A_250 = arith.constant 0 : i32
    %dma_start3A_251 = arith.constant 1 : i32
    %dma_start3A_252 = arith.constant 1 : i32
    %dma_start3A_253 = arith.constant 0 : i32
    %dma_start3A_254 = arith.constant 0 : i32
    %dma_start3A_255 = tpu.memref_slice %arg6[%dma_start3A_251, %dma_start3A_253, %dma_start3A_254] : memref<2x128x128xf32, #tpu.memory_space<vmem>> -> memref<1x128x128xf32, #tpu.memory_space<vmem>>
    %dma_start3A_256 = tpu.memref_squeeze %dma_start3A_255 : memref<1x128x128xf32, #tpu.memory_space<vmem>> -> memref<128x128xf32, #tpu.memory_space<vmem>>
    %dma_start3A_257 = arith.constant 0 : i32
    %dma_start3A_258 = tpu.memref_slice %arg10[%dma_start3A_250, %dma_start3A_257] : memref<2x128xi32, #tpu.memory_space<vmem>> -> memref<1x128xi32, #tpu.memory_space<vmem>>
    %dma_start3A_259 = tpu.memref_squeeze %dma_start3A_258 : memref<1x128xi32, #tpu.memory_space<vmem>> -> memref<128xi32, #tpu.memory_space<vmem>>
    %dma_start3A_260 = arith.constant 0 : i32
    %dma_start3A_261 = arith.constant 0 : i32
    %dma_start3A_262 = tpu.memref_slice %arg2[%dma_start3A_260, %dma_start3A_261] : memref<10240x128xf32, #tpu.memory_space<hbm>> -> memref<10240x128xf32, #tpu.memory_space<hbm>>
    %dma_start3A_263 = tpu.memref_slice %arg11[%dma_start3A_252] : memref<2x!tpu.dma_semaphore, #tpu.memory_space<semaphore_mem>> -> memref<1x!tpu.dma_semaphore, #tpu.memory_space<semaphore_mem>>
    %dma_start3A_264 = tpu.memref_squeeze %dma_start3A_263 : memref<1x!tpu.dma_semaphore, #tpu.memory_space<semaphore_mem>> -> memref<!tpu.dma_semaphore, #tpu.memory_space<semaphore_mem>>
    tpu.enqueue_indirect_dma source(%dma_start3A_262 : memref<10240x128xf32, #tpu.memory_space<hbm>>) target(%dma_start3A_256 : memref<128x128xf32, #tpu.memory_space<vmem>>) offsets(%dma_start3A_259 : memref<128xi32, #tpu.memory_space<vmem>>) semaphore(%dma_start3A_264 : memref<!tpu.dma_semaphore, #tpu.memory_space<semaphore_mem>>)
    %dma_wait3A_265 = arith.constant 0 : i32
    %dma_wait3A_266 = arith.constant 0 : i32
    %dma_wait3A_267 = arith.constant 0 : i32
    %dma_wait3A_268 = arith.constant 0 : i32
    %dma_wait3A_269 = arith.constant 0 : i32
    %dma_wait3A_270 = tpu.memref_slice %arg6[%dma_wait3A_266, %dma_wait3A_268, %dma_wait3A_269] : memref<2x128x128xf32, #tpu.memory_space<vmem>> -> memref<1x128x128xf32, #tpu.memory_space<vmem>>
    %dma_wait3A_271 = tpu.memref_squeeze %dma_wait3A_270 : memref<1x128x128xf32, #tpu.memory_space<vmem>> -> memref<128x128xf32, #tpu.memory_space<vmem>>
    %dma_wait3A_272 = arith.constant 0 : i32
    %dma_wait3A_273 = tpu.memref_slice %arg9[%dma_wait3A_265, %dma_wait3A_272] : memref<2x128xi32, #tpu.memory_space<vmem>> -> memref<1x128xi32, #tpu.memory_space<vmem>>
    %dma_wait3A_274 = tpu.memref_squeeze %dma_wait3A_273 : memref<1x128xi32, #tpu.memory_space<vmem>> -> memref<128xi32, #tpu.memory_space<vmem>>
    %dma_wait3A_275 = arith.constant 0 : i32
    %dma_wait3A_276 = arith.constant 0 : i32
    %dma_wait3A_277 = tpu.memref_slice %arg2[%dma_wait3A_275, %dma_wait3A_276] : memref<10240x128xf32, #tpu.memory_space<hbm>> -> memref<10240x128xf32, #tpu.memory_space<hbm>>
    %dma_wait3A_278 = tpu.memref_slice %arg11[%dma_wait3A_267] : memref<2x!tpu.dma_semaphore, #tpu.memory_space<semaphore_mem>> -> memref<1x!tpu.dma_semaphore, #tpu.memory_space<semaphore_mem>>
    %dma_wait3A_279 = tpu.memref_squeeze %dma_wait3A_278 : memref<1x!tpu.dma_semaphore, #tpu.memory_space<semaphore_mem>> -> memref<!tpu.dma_semaphore, #tpu.memory_space<semaphore_mem>>
    tpu.wait_indirect_dma semaphore(%dma_wait3A_279 : memref<!tpu.dma_semaphore, #tpu.memory_space<semaphore_mem>>) src(%dma_wait3A_277 : memref<10240x128xf32, #tpu.memory_space<hbm>>) dst(%dma_wait3A_271 : memref<128x128xf32, #tpu.memory_space<vmem>>)
    %dma_start3A_280 = arith.constant 0 : i32
    %dma_start3A_281 = arith.constant 1 : i32
    %dma_start3A_282 = arith.constant 0 : i32
    %dma_start3A_283 = arith.constant 0 : i32
    %dma_start3A_284 = arith.constant 0 : i32
    %dma_start3A_285 = tpu.memref_slice %arg6[%dma_start3A_280, %dma_start3A_283, %dma_start3A_284] : memref<2x128x128xf32, #tpu.memory_space<vmem>> -> memref<1x128x128xf32, #tpu.memory_space<vmem>>
    %dma_start3A_286 = tpu.memref_squeeze %dma_start3A_285 : memref<1x128x128xf32, #tpu.memory_space<vmem>> -> memref<128x128xf32, #tpu.memory_space<vmem>>
    %dma_start3A_287 = arith.constant 0 : i32
    %dma_start3A_288 = tpu.memref_slice %arg9[%dma_start3A_281, %dma_start3A_287] : memref<2x128xi32, #tpu.memory_space<vmem>> -> memref<1x128xi32, #tpu.memory_space<vmem>>
    %dma_start3A_289 = tpu.memref_squeeze %dma_start3A_288 : memref<1x128xi32, #tpu.memory_space<vmem>> -> memref<128xi32, #tpu.memory_space<vmem>>
    %dma_start3A_290 = arith.constant 0 : i32
    %dma_start3A_291 = arith.constant 0 : i32
    %dma_start3A_292 = tpu.memref_slice %arg5[%dma_start3A_290, %dma_start3A_291] : memref<10240x128xf32, #tpu.memory_space<vmem_shared>> -> memref<10240x128xf32, #tpu.memory_space<vmem_shared>>
    %dma_start3A_293 = tpu.memref_slice %arg13[%dma_start3A_282] : memref<2x!tpu.dma_semaphore, #tpu.memory_space<semaphore_mem>> -> memref<1x!tpu.dma_semaphore, #tpu.memory_space<semaphore_mem>>
    %dma_start3A_294 = tpu.memref_squeeze %dma_start3A_293 : memref<1x!tpu.dma_semaphore, #tpu.memory_space<semaphore_mem>> -> memref<!tpu.dma_semaphore, #tpu.memory_space<semaphore_mem>>
    tpu.enqueue_indirect_dma source(%dma_start3A_286 : memref<128x128xf32, #tpu.memory_space<vmem>>) target(%dma_start3A_292 : memref<10240x128xf32, #tpu.memory_space<vmem_shared>>) offsets(%dma_start3A_289 : memref<128xi32, #tpu.memory_space<vmem>>) semaphore(%dma_start3A_294 : memref<!tpu.dma_semaphore, #tpu.memory_space<semaphore_mem>>) {add = true}
    %dma_wait3A_295 = arith.constant 0 : i32
    %dma_wait3A_296 = arith.constant 0 : i32
    %dma_wait3A_297 = arith.constant 0 : i32
    %dma_wait3A_298 = arith.constant 0 : i32
    %dma_wait3A_299 = tpu.memref_slice %arg3[%add3A, %dma_wait3A_295, %dma_wait3A_297, %dma_wait3A_298] : memref<32x84x2x128xi32, #tpu.memory_space<hbm>> -> memref<1x1x2x128xi32, #tpu.memory_space<hbm>>
    %dma_wait3A_300 = tpu.memref_squeeze %dma_wait3A_299 : memref<1x1x2x128xi32, #tpu.memory_space<hbm>> -> memref<2x128xi32, #tpu.memory_space<hbm>>
    %dma_wait3A_301 = tpu.memref_slice %arg12[%dma_wait3A_296] : memref<4x!tpu.dma_semaphore, #tpu.memory_space<semaphore_mem>> -> memref<1x!tpu.dma_semaphore, #tpu.memory_space<semaphore_mem>>
    %dma_wait3A_302 = tpu.memref_squeeze %dma_wait3A_301 : memref<1x!tpu.dma_semaphore, #tpu.memory_space<semaphore_mem>> -> memref<!tpu.dma_semaphore, #tpu.memory_space<semaphore_mem>>
    %dma_wait3A_303 = arith.constant 0 : i32
    %dma_wait3A_304 = arith.constant 0 : i32
    %dma_wait3A_305 = tpu.memref_slice %arg3[%add3A, %dma_wait3A_295, %dma_wait3A_303, %dma_wait3A_304] : memref<32x84x2x128xi32, #tpu.memory_space<hbm>> -> memref<1x1x2x128xi32, #tpu.memory_space<hbm>>
    %dma_wait3A_306 = tpu.memref_squeeze %dma_wait3A_305 : memref<1x1x2x128xi32, #tpu.memory_space<hbm>> -> memref<2x128xi32, #tpu.memory_space<hbm>>
    tpu.wait_dma2 semaphore(%dma_wait3A_302 : memref<!tpu.dma_semaphore, #tpu.memory_space<semaphore_mem>>) src(%dma_wait3A_306 : memref<2x128xi32, #tpu.memory_space<hbm>>) dst(%arg7 : memref<2x128xi32, #tpu.memory_space<vmem>>)
    %dma_wait3A_307 = arith.constant 0 : i32
    %dma_wait3A_308 = arith.constant 0 : i32
    %dma_wait3A_309 = arith.constant 0 : i32
    %dma_wait3A_310 = arith.constant 0 : i32
    %dma_wait3A_311 = tpu.memref_slice %arg6[%dma_wait3A_307, %dma_wait3A_309, %dma_wait3A_310] : memref<2x128x128xf32, #tpu.memory_space<vmem>> -> memref<1x128x128xf32, #tpu.memory_space<vmem>>
    %dma_wait3A_312 = tpu.memref_squeeze %dma_wait3A_311 : memref<1x128x128xf32, #tpu.memory_space<vmem>> -> memref<128x128xf32, #tpu.memory_space<vmem>>
    %dma_wait3A_313 = arith.constant 0 : i32
    %dma_wait3A_314 = arith.constant 0 : i32
    %dma_wait3A_315 = tpu.memref_slice %arg5[%dma_wait3A_313, %dma_wait3A_314] : memref<10240x128xf32, #tpu.memory_space<vmem_shared>> -> memref<128x128xf32, #tpu.memory_space<vmem_shared>>
    %dma_wait3A_316 = tpu.memref_slice %arg13[%dma_wait3A_308] : memref<2x!tpu.dma_semaphore, #tpu.memory_space<semaphore_mem>> -> memref<1x!tpu.dma_semaphore, #tpu.memory_space<semaphore_mem>>
    %dma_wait3A_317 = tpu.memref_squeeze %dma_wait3A_316 : memref<1x!tpu.dma_semaphore, #tpu.memory_space<semaphore_mem>> -> memref<!tpu.dma_semaphore, #tpu.memory_space<semaphore_mem>>
    %dma_wait3A_318 = arith.constant 0 : i32
    %dma_wait3A_319 = arith.constant 0 : i32
    %dma_wait3A_320 = tpu.memref_slice %arg5[%dma_wait3A_318, %dma_wait3A_319] : memref<10240x128xf32, #tpu.memory_space<vmem_shared>> -> memref<128x128xf32, #tpu.memory_space<vmem_shared>>
    %dma_wait3A_321 = arith.constant 0 : i32
    %dma_wait3A_322 = arith.constant 0 : i32
    %dma_wait3A_323 = tpu.memref_slice %arg6[%dma_wait3A_307, %dma_wait3A_321, %dma_wait3A_322] : memref<2x128x128xf32, #tpu.memory_space<vmem>> -> memref<1x128x128xf32, #tpu.memory_space<vmem>>
    %dma_wait3A_324 = tpu.memref_squeeze %dma_wait3A_323 : memref<1x128x128xf32, #tpu.memory_space<vmem>> -> memref<128x128xf32, #tpu.memory_space<vmem>>
    tpu.wait_dma2 semaphore(%dma_wait3A_317 : memref<!tpu.dma_semaphore, #tpu.memory_space<semaphore_mem>>) src(%dma_wait3A_324 : memref<128x128xf32, #tpu.memory_space<vmem>>) dst(%dma_wait3A_320 : memref<128x128xf32, #tpu.memory_space<vmem_shared>>)
    %dma_start3A_325 = arith.constant 6 : i32
    %dma_start3A_326 = arith.constant 2 : i32
    %dma_start3A_327 = arith.constant 0 : i32
    %dma_start3A_328 = arith.constant 0 : i32
    %dma_start3A_329 = tpu.memref_slice %arg3[%add3A, %dma_start3A_325, %dma_start3A_327, %dma_start3A_328] : memref<32x84x2x128xi32, #tpu.memory_space<hbm>> -> memref<1x1x2x128xi32, #tpu.memory_space<hbm>>
    %dma_start3A_330 = tpu.memref_squeeze %dma_start3A_329 : memref<1x1x2x128xi32, #tpu.memory_space<hbm>> -> memref<2x128xi32, #tpu.memory_space<hbm>>
    %dma_start3A_331 = tpu.memref_slice %arg12[%dma_start3A_326] : memref<4x!tpu.dma_semaphore, #tpu.memory_space<semaphore_mem>> -> memref<1x!tpu.dma_semaphore, #tpu.memory_space<semaphore_mem>>
    %dma_start3A_332 = tpu.memref_squeeze %dma_start3A_331 : memref<1x!tpu.dma_semaphore, #tpu.memory_space<semaphore_mem>> -> memref<!tpu.dma_semaphore, #tpu.memory_space<semaphore_mem>>
    %dma_start3A_333 = arith.constant 0 : i32
    %dma_start3A_334 = arith.constant 0 : i32
    %dma_start3A_335 = tpu.memref_slice %arg3[%add3A, %dma_start3A_325, %dma_start3A_333, %dma_start3A_334] : memref<32x84x2x128xi32, #tpu.memory_space<hbm>> -> memref<1x1x2x128xi32, #tpu.memory_space<hbm>>
    %dma_start3A_336 = tpu.memref_squeeze %dma_start3A_335 : memref<1x1x2x128xi32, #tpu.memory_space<hbm>> -> memref<2x128xi32, #tpu.memory_space<hbm>>
    tpu.enqueue_dma source(%dma_start3A_336 : memref<2x128xi32, #tpu.memory_space<hbm>>) target(%arg9 : memref<2x128xi32, #tpu.memory_space<vmem>>) target_semaphore(%dma_start3A_332 : memref<!tpu.dma_semaphore, #tpu.memory_space<semaphore_mem>>)
    %dma_start3A_337 = arith.constant 0 : i32
    %dma_start3A_338 = arith.constant 0 : i32
    %dma_start3A_339 = arith.constant 0 : i32
    %dma_start3A_340 = arith.constant 0 : i32
    %dma_start3A_341 = arith.constant 0 : i32
    %dma_start3A_342 = tpu.memref_slice %arg6[%dma_start3A_338, %dma_start3A_340, %dma_start3A_341] : memref<2x128x128xf32, #tpu.memory_space<vmem>> -> memref<1x128x128xf32, #tpu.memory_space<vmem>>
    %dma_start3A_343 = tpu.memref_squeeze %dma_start3A_342 : memref<1x128x128xf32, #tpu.memory_space<vmem>> -> memref<128x128xf32, #tpu.memory_space<vmem>>
    %dma_start3A_344 = arith.constant 0 : i32
    %dma_start3A_345 = tpu.memref_slice %arg7[%dma_start3A_337, %dma_start3A_344] : memref<2x128xi32, #tpu.memory_space<vmem>> -> memref<1x128xi32, #tpu.memory_space<vmem>>
    %dma_start3A_346 = tpu.memref_squeeze %dma_start3A_345 : memref<1x128xi32, #tpu.memory_space<vmem>> -> memref<128xi32, #tpu.memory_space<vmem>>
    %dma_start3A_347 = arith.constant 0 : i32
    %dma_start3A_348 = arith.constant 0 : i32
    %dma_start3A_349 = tpu.memref_slice %arg2[%dma_start3A_347, %dma_start3A_348] : memref<10240x128xf32, #tpu.memory_space<hbm>> -> memref<10240x128xf32, #tpu.memory_space<hbm>>
    %dma_start3A_350 = tpu.memref_slice %arg11[%dma_start3A_339] : memref<2x!tpu.dma_semaphore, #tpu.memory_space<semaphore_mem>> -> memref<1x!tpu.dma_semaphore, #tpu.memory_space<semaphore_mem>>
    %dma_start3A_351 = tpu.memref_squeeze %dma_start3A_350 : memref<1x!tpu.dma_semaphore, #tpu.memory_space<semaphore_mem>> -> memref<!tpu.dma_semaphore, #tpu.memory_space<semaphore_mem>>
    tpu.enqueue_indirect_dma source(%dma_start3A_349 : memref<10240x128xf32, #tpu.memory_space<hbm>>) target(%dma_start3A_343 : memref<128x128xf32, #tpu.memory_space<vmem>>) offsets(%dma_start3A_346 : memref<128xi32, #tpu.memory_space<vmem>>) semaphore(%dma_start3A_351 : memref<!tpu.dma_semaphore, #tpu.memory_space<semaphore_mem>>)
    %dma_wait3A_352 = arith.constant 0 : i32
    %dma_wait3A_353 = arith.constant 1 : i32
    %dma_wait3A_354 = arith.constant 1 : i32
    %dma_wait3A_355 = arith.constant 0 : i32
    %dma_wait3A_356 = arith.constant 0 : i32
    %dma_wait3A_357 = tpu.memref_slice %arg6[%dma_wait3A_353, %dma_wait3A_355, %dma_wait3A_356] : memref<2x128x128xf32, #tpu.memory_space<vmem>> -> memref<1x128x128xf32, #tpu.memory_space<vmem>>
    %dma_wait3A_358 = tpu.memref_squeeze %dma_wait3A_357 : memref<1x128x128xf32, #tpu.memory_space<vmem>> -> memref<128x128xf32, #tpu.memory_space<vmem>>
    %dma_wait3A_359 = arith.constant 0 : i32
    %dma_wait3A_360 = tpu.memref_slice %arg10[%dma_wait3A_352, %dma_wait3A_359] : memref<2x128xi32, #tpu.memory_space<vmem>> -> memref<1x128xi32, #tpu.memory_space<vmem>>
    %dma_wait3A_361 = tpu.memref_squeeze %dma_wait3A_360 : memref<1x128xi32, #tpu.memory_space<vmem>> -> memref<128xi32, #tpu.memory_space<vmem>>
    %dma_wait3A_362 = arith.constant 0 : i32
    %dma_wait3A_363 = arith.constant 0 : i32
    %dma_wait3A_364 = tpu.memref_slice %arg2[%dma_wait3A_362, %dma_wait3A_363] : memref<10240x128xf32, #tpu.memory_space<hbm>> -> memref<10240x128xf32, #tpu.memory_space<hbm>>
    %dma_wait3A_365 = tpu.memref_slice %arg11[%dma_wait3A_354] : memref<2x!tpu.dma_semaphore, #tpu.memory_space<semaphore_mem>> -> memref<1x!tpu.dma_semaphore, #tpu.memory_space<semaphore_mem>>
    %dma_wait3A_366 = tpu.memref_squeeze %dma_wait3A_365 : memref<1x!tpu.dma_semaphore, #tpu.memory_space<semaphore_mem>> -> memref<!tpu.dma_semaphore, #tpu.memory_space<semaphore_mem>>
    tpu.wait_indirect_dma semaphore(%dma_wait3A_366 : memref<!tpu.dma_semaphore, #tpu.memory_space<semaphore_mem>>) src(%dma_wait3A_364 : memref<10240x128xf32, #tpu.memory_space<hbm>>) dst(%dma_wait3A_358 : memref<128x128xf32, #tpu.memory_space<vmem>>)
    %dma_start3A_367 = arith.constant 1 : i32
    %dma_start3A_368 = arith.constant 1 : i32
    %dma_start3A_369 = arith.constant 1 : i32
    %dma_start3A_370 = arith.constant 0 : i32
    %dma_start3A_371 = arith.constant 0 : i32
    %dma_start3A_372 = tpu.memref_slice %arg6[%dma_start3A_367, %dma_start3A_370, %dma_start3A_371] : memref<2x128x128xf32, #tpu.memory_space<vmem>> -> memref<1x128x128xf32, #tpu.memory_space<vmem>>
    %dma_start3A_373 = tpu.memref_squeeze %dma_start3A_372 : memref<1x128x128xf32, #tpu.memory_space<vmem>> -> memref<128x128xf32, #tpu.memory_space<vmem>>
    %dma_start3A_374 = arith.constant 0 : i32
    %dma_start3A_375 = tpu.memref_slice %arg10[%dma_start3A_368, %dma_start3A_374] : memref<2x128xi32, #tpu.memory_space<vmem>> -> memref<1x128xi32, #tpu.memory_space<vmem>>
    %dma_start3A_376 = tpu.memref_squeeze %dma_start3A_375 : memref<1x128xi32, #tpu.memory_space<vmem>> -> memref<128xi32, #tpu.memory_space<vmem>>
    %dma_start3A_377 = arith.constant 0 : i32
    %dma_start3A_378 = arith.constant 0 : i32
    %dma_start3A_379 = tpu.memref_slice %arg5[%dma_start3A_377, %dma_start3A_378] : memref<10240x128xf32, #tpu.memory_space<vmem_shared>> -> memref<10240x128xf32, #tpu.memory_space<vmem_shared>>
    %dma_start3A_380 = tpu.memref_slice %arg13[%dma_start3A_369] : memref<2x!tpu.dma_semaphore, #tpu.memory_space<semaphore_mem>> -> memref<1x!tpu.dma_semaphore, #tpu.memory_space<semaphore_mem>>
    %dma_start3A_381 = tpu.memref_squeeze %dma_start3A_380 : memref<1x!tpu.dma_semaphore, #tpu.memory_space<semaphore_mem>> -> memref<!tpu.dma_semaphore, #tpu.memory_space<semaphore_mem>>
    tpu.enqueue_indirect_dma source(%dma_start3A_373 : memref<128x128xf32, #tpu.memory_space<vmem>>) target(%dma_start3A_379 : memref<10240x128xf32, #tpu.memory_space<vmem_shared>>) offsets(%dma_start3A_376 : memref<128xi32, #tpu.memory_space<vmem>>) semaphore(%dma_start3A_381 : memref<!tpu.dma_semaphore, #tpu.memory_space<semaphore_mem>>) {add = true}
    %scan3A_382 = arith.constant 0 : i32
    %scan3A_383 = arith.constant 1 : i32
    %scan3A_384 = arith.constant 19 : i32
    %scan3A_385 = arith.addi %scan3A_383, %scan3A_384 : i32
    %scan3A_386 = arith.constant 1 : i32
    %scan3A_387 = scf.for %scan3A_451 = %scan3A_383 to %scan3A_385 step %scan3A_386 iter_args(%scan3A_452 = %scan3A_382) -> (i32)  : i32 {
      %mul3A_453 = arith.constant 4 : i32
      %mul3A_454 = arith.muli %mul3A_453, %scan3A_451 : i32
      %add3A_455 = arith.constant 0 : i32
      %add3A_456 = arith.addi %mul3A_454, %add3A_455 : i32
      %dma_wait3A_457 = arith.constant 0 : i32
      %dma_wait3A_458 = arith.constant 1 : i32
      %dma_wait3A_459 = arith.constant 0 : i32
      %dma_wait3A_460 = arith.constant 0 : i32
      %dma_wait3A_461 = tpu.memref_slice %arg3[%add3A, %dma_wait3A_457, %dma_wait3A_459, %dma_wait3A_460] : memref<32x84x2x128xi32, #tpu.memory_space<hbm>> -> memref<1x1x2x128xi32, #tpu.memory_space<hbm>>
      %dma_wait3A_462 = tpu.memref_squeeze %dma_wait3A_461 : memref<1x1x2x128xi32, #tpu.memory_space<hbm>> -> memref<2x128xi32, #tpu.memory_space<hbm>>
      %dma_wait3A_463 = tpu.memref_slice %arg12[%dma_wait3A_458] : memref<4x!tpu.dma_semaphore, #tpu.memory_space<semaphore_mem>> -> memref<1x!tpu.dma_semaphore, #tpu.memory_space<semaphore_mem>>
      %dma_wait3A_464 = tpu.memref_squeeze %dma_wait3A_463 : memref<1x!tpu.dma_semaphore, #tpu.memory_space<semaphore_mem>> -> memref<!tpu.dma_semaphore, #tpu.memory_space<semaphore_mem>>
      %dma_wait3A_465 = arith.constant 0 : i32
      %dma_wait3A_466 = arith.constant 0 : i32
      %dma_wait3A_467 = tpu.memref_slice %arg3[%add3A, %dma_wait3A_457, %dma_wait3A_465, %dma_wait3A_466] : memref<32x84x2x128xi32, #tpu.memory_space<hbm>> -> memref<1x1x2x128xi32, #tpu.memory_space<hbm>>
      %dma_wait3A_468 = tpu.memref_squeeze %dma_wait3A_467 : memref<1x1x2x128xi32, #tpu.memory_space<hbm>> -> memref<2x128xi32, #tpu.memory_space<hbm>>
      tpu.wait_dma2 semaphore(%dma_wait3A_464 : memref<!tpu.dma_semaphore, #tpu.memory_space<semaphore_mem>>) src(%dma_wait3A_468 : memref<2x128xi32, #tpu.memory_space<hbm>>) dst(%arg8 : memref<2x128xi32, #tpu.memory_space<vmem>>)
      %dma_wait3A_469 = arith.constant 1 : i32
      %dma_wait3A_470 = arith.constant 1 : i32
      %dma_wait3A_471 = arith.constant 0 : i32
      %dma_wait3A_472 = arith.constant 0 : i32
      %dma_wait3A_473 = tpu.memref_slice %arg6[%dma_wait3A_469, %dma_wait3A_471, %dma_wait3A_472] : memref<2x128x128xf32, #tpu.memory_space<vmem>> -> memref<1x128x128xf32, #tpu.memory_space<vmem>>
      %dma_wait3A_474 = tpu.memref_squeeze %dma_wait3A_473 : memref<1x128x128xf32, #tpu.memory_space<vmem>> -> memref<128x128xf32, #tpu.memory_space<vmem>>
      %dma_wait3A_475 = arith.constant 0 : i32
      %dma_wait3A_476 = arith.constant 0 : i32
      %dma_wait3A_477 = tpu.memref_slice %arg5[%dma_wait3A_475, %dma_wait3A_476] : memref<10240x128xf32, #tpu.memory_space<vmem_shared>> -> memref<128x128xf32, #tpu.memory_space<vmem_shared>>
      %dma_wait3A_478 = tpu.memref_slice %arg13[%dma_wait3A_470] : memref<2x!tpu.dma_semaphore, #tpu.memory_space<semaphore_mem>> -> memref<1x!tpu.dma_semaphore, #tpu.memory_space<semaphore_mem>>
      %dma_wait3A_479 = tpu.memref_squeeze %dma_wait3A_478 : memref<1x!tpu.dma_semaphore, #tpu.memory_space<semaphore_mem>> -> memref<!tpu.dma_semaphore, #tpu.memory_space<semaphore_mem>>
      %dma_wait3A_480 = arith.constant 0 : i32
      %dma_wait3A_481 = arith.constant 0 : i32
      %dma_wait3A_482 = tpu.memref_slice %arg5[%dma_wait3A_480, %dma_wait3A_481] : memref<10240x128xf32, #tpu.memory_space<vmem_shared>> -> memref<128x128xf32, #tpu.memory_space<vmem_shared>>
      %dma_wait3A_483 = arith.constant 0 : i32
      %dma_wait3A_484 = arith.constant 0 : i32
      %dma_wait3A_485 = tpu.memref_slice %arg6[%dma_wait3A_469, %dma_wait3A_483, %dma_wait3A_484] : memref<2x128x128xf32, #tpu.memory_space<vmem>> -> memref<1x128x128xf32, #tpu.memory_space<vmem>>
      %dma_wait3A_486 = tpu.memref_squeeze %dma_wait3A_485 : memref<1x128x128xf32, #tpu.memory_space<vmem>> -> memref<128x128xf32, #tpu.memory_space<vmem>>
      tpu.wait_dma2 semaphore(%dma_wait3A_479 : memref<!tpu.dma_semaphore, #tpu.memory_space<semaphore_mem>>) src(%dma_wait3A_486 : memref<128x128xf32, #tpu.memory_space<vmem>>) dst(%dma_wait3A_482 : memref<128x128xf32, #tpu.memory_space<vmem_shared>>)
      %add3A_487 = arith.constant 3 : i32
      %add3A_488 = arith.addi %add3A_456, %add3A_487 : i32
      %dma_start3A_489 = arith.constant 3 : i32
      %dma_start3A_490 = arith.constant 0 : i32
      %dma_start3A_491 = arith.constant 0 : i32
      %dma_start3A_492 = tpu.memref_slice %arg3[%add3A, %add3A_488, %dma_start3A_490, %dma_start3A_491] : memref<32x84x2x128xi32, #tpu.memory_space<hbm>> -> memref<1x1x2x128xi32, #tpu.memory_space<hbm>>
      %dma_start3A_493 = tpu.memref_squeeze %dma_start3A_492 : memref<1x1x2x128xi32, #tpu.memory_space<hbm>> -> memref<2x128xi32, #tpu.memory_space<hbm>>
      %dma_start3A_494 = tpu.memref_slice %arg12[%dma_start3A_489] : memref<4x!tpu.dma_semaphore, #tpu.memory_space<semaphore_mem>> -> memref<1x!tpu.dma_semaphore, #tpu.memory_space<semaphore_mem>>
      %dma_start3A_495 = tpu.memref_squeeze %dma_start3A_494 : memref<1x!tpu.dma_semaphore, #tpu.memory_space<semaphore_mem>> -> memref<!tpu.dma_semaphore, #tpu.memory_space<semaphore_mem>>
      %dma_start3A_496 = arith.constant 0 : i32
      %dma_start3A_497 = arith.constant 0 : i32
      %dma_start3A_498 = tpu.memref_slice %arg3[%add3A, %add3A_488, %dma_start3A_496, %dma_start3A_497] : memref<32x84x2x128xi32, #tpu.memory_space<hbm>> -> memref<1x1x2x128xi32, #tpu.memory_space<hbm>>
      %dma_start3A_499 = tpu.memref_squeeze %dma_start3A_498 : memref<1x1x2x128xi32, #tpu.memory_space<hbm>> -> memref<2x128xi32, #tpu.memory_space<hbm>>
      tpu.enqueue_dma source(%dma_start3A_499 : memref<2x128xi32, #tpu.memory_space<hbm>>) target(%arg10 : memref<2x128xi32, #tpu.memory_space<vmem>>) target_semaphore(%dma_start3A_495 : memref<!tpu.dma_semaphore, #tpu.memory_space<semaphore_mem>>)
      %dma_start3A_500 = arith.constant 0 : i32
      %dma_start3A_501 = arith.constant 1 : i32
      %dma_start3A_502 = arith.constant 1 : i32
      %dma_start3A_503 = arith.constant 0 : i32
      %dma_start3A_504 = arith.constant 0 : i32
      %dma_start3A_505 = tpu.memref_slice %arg6[%dma_start3A_501, %dma_start3A_503, %dma_start3A_504] : memref<2x128x128xf32, #tpu.memory_space<vmem>> -> memref<1x128x128xf32, #tpu.memory_space<vmem>>
      %dma_start3A_506 = tpu.memref_squeeze %dma_start3A_505 : memref<1x128x128xf32, #tpu.memory_space<vmem>> -> memref<128x128xf32, #tpu.memory_space<vmem>>
      %dma_start3A_507 = arith.constant 0 : i32
      %dma_start3A_508 = tpu.memref_slice %arg8[%dma_start3A_500, %dma_start3A_507] : memref<2x128xi32, #tpu.memory_space<vmem>> -> memref<1x128xi32, #tpu.memory_space<vmem>>
      %dma_start3A_509 = tpu.memref_squeeze %dma_start3A_508 : memref<1x128xi32, #tpu.memory_space<vmem>> -> memref<128xi32, #tpu.memory_space<vmem>>
      %dma_start3A_510 = arith.constant 0 : i32
      %dma_start3A_511 = arith.constant 0 : i32
      %dma_start3A_512 = tpu.memref_slice %arg2[%dma_start3A_510, %dma_start3A_511] : memref<10240x128xf32, #tpu.memory_space<hbm>> -> memref<10240x128xf32, #tpu.memory_space<hbm>>
      %dma_start3A_513 = tpu.memref_slice %arg11[%dma_start3A_502] : memref<2x!tpu.dma_semaphore, #tpu.memory_space<semaphore_mem>> -> memref<1x!tpu.dma_semaphore, #tpu.memory_space<semaphore_mem>>
      %dma_start3A_514 = tpu.memref_squeeze %dma_start3A_513 : memref<1x!tpu.dma_semaphore, #tpu.memory_space<semaphore_mem>> -> memref<!tpu.dma_semaphore, #tpu.memory_space<semaphore_mem>>
      tpu.enqueue_indirect_dma source(%dma_start3A_512 : memref<10240x128xf32, #tpu.memory_space<hbm>>) target(%dma_start3A_506 : memref<128x128xf32, #tpu.memory_space<vmem>>) offsets(%dma_start3A_509 : memref<128xi32, #tpu.memory_space<vmem>>) semaphore(%dma_start3A_514 : memref<!tpu.dma_semaphore, #tpu.memory_space<semaphore_mem>>)
      %dma_wait3A_515 = arith.constant 0 : i32
      %dma_wait3A_516 = arith.constant 0 : i32
      %dma_wait3A_517 = arith.constant 0 : i32
      %dma_wait3A_518 = arith.constant 0 : i32
      %dma_wait3A_519 = arith.constant 0 : i32
      %dma_wait3A_520 = tpu.memref_slice %arg6[%dma_wait3A_516, %dma_wait3A_518, %dma_wait3A_519] : memref<2x128x128xf32, #tpu.memory_space<vmem>> -> memref<1x128x128xf32, #tpu.memory_space<vmem>>
      %dma_wait3A_521 = tpu.memref_squeeze %dma_wait3A_520 : memref<1x128x128xf32, #tpu.memory_space<vmem>> -> memref<128x128xf32, #tpu.memory_space<vmem>>
      %dma_wait3A_522 = arith.constant 0 : i32
      %dma_wait3A_523 = tpu.memref_slice %arg7[%dma_wait3A_515, %dma_wait3A_522] : memref<2x128xi32, #tpu.memory_space<vmem>> -> memref<1x128xi32, #tpu.memory_space<vmem>>
      %dma_wait3A_524 = tpu.memref_squeeze %dma_wait3A_523 : memref<1x128xi32, #tpu.memory_space<vmem>> -> memref<128xi32, #tpu.memory_space<vmem>>
      %dma_wait3A_525 = arith.constant 0 : i32
      %dma_wait3A_526 = arith.constant 0 : i32
      %dma_wait3A_527 = tpu.memref_slice %arg2[%dma_wait3A_525, %dma_wait3A_526] : memref<10240x128xf32, #tpu.memory_space<hbm>> -> memref<10240x128xf32, #tpu.memory_space<hbm>>
      %dma_wait3A_528 = tpu.memref_slice %arg11[%dma_wait3A_517] : memref<2x!tpu.dma_semaphore, #tpu.memory_space<semaphore_mem>> -> memref<1x!tpu.dma_semaphore, #tpu.memory_space<semaphore_mem>>
      %dma_wait3A_529 = tpu.memref_squeeze %dma_wait3A_528 : memref<1x!tpu.dma_semaphore, #tpu.memory_space<semaphore_mem>> -> memref<!tpu.dma_semaphore, #tpu.memory_space<semaphore_mem>>
      tpu.wait_indirect_dma semaphore(%dma_wait3A_529 : memref<!tpu.dma_semaphore, #tpu.memory_space<semaphore_mem>>) src(%dma_wait3A_527 : memref<10240x128xf32, #tpu.memory_space<hbm>>) dst(%dma_wait3A_521 : memref<128x128xf32, #tpu.memory_space<vmem>>)
      %dma_start3A_530 = arith.constant 0 : i32
      %dma_start3A_531 = arith.constant 1 : i32
      %dma_start3A_532 = arith.constant 0 : i32
      %dma_start3A_533 = arith.constant 0 : i32
      %dma_start3A_534 = arith.constant 0 : i32
      %dma_start3A_535 = tpu.memref_slice %arg6[%dma_start3A_530, %dma_start3A_533, %dma_start3A_534] : memref<2x128x128xf32, #tpu.memory_space<vmem>> -> memref<1x128x128xf32, #tpu.memory_space<vmem>>
      %dma_start3A_536 = tpu.memref_squeeze %dma_start3A_535 : memref<1x128x128xf32, #tpu.memory_space<vmem>> -> memref<128x128xf32, #tpu.memory_space<vmem>>
      %dma_start3A_537 = arith.constant 0 : i32
      %dma_start3A_538 = tpu.memref_slice %arg7[%dma_start3A_531, %dma_start3A_537] : memref<2x128xi32, #tpu.memory_space<vmem>> -> memref<1x128xi32, #tpu.memory_space<vmem>>
      %dma_start3A_539 = tpu.memref_squeeze %dma_start3A_538 : memref<1x128xi32, #tpu.memory_space<vmem>> -> memref<128xi32, #tpu.memory_space<vmem>>
      %dma_start3A_540 = arith.constant 0 : i32
      %dma_start3A_541 = arith.constant 0 : i32
      %dma_start3A_542 = tpu.memref_slice %arg5[%dma_start3A_540, %dma_start3A_541] : memref<10240x128xf32, #tpu.memory_space<vmem_shared>> -> memref<10240x128xf32, #tpu.memory_space<vmem_shared>>
      %dma_start3A_543 = tpu.memref_slice %arg13[%dma_start3A_532] : memref<2x!tpu.dma_semaphore, #tpu.memory_space<semaphore_mem>> -> memref<1x!tpu.dma_semaphore, #tpu.memory_space<semaphore_mem>>
      %dma_start3A_544 = tpu.memref_squeeze %dma_start3A_543 : memref<1x!tpu.dma_semaphore, #tpu.memory_space<semaphore_mem>> -> memref<!tpu.dma_semaphore, #tpu.memory_space<semaphore_mem>>
      tpu.enqueue_indirect_dma source(%dma_start3A_536 : memref<128x128xf32, #tpu.memory_space<vmem>>) target(%dma_start3A_542 : memref<10240x128xf32, #tpu.memory_space<vmem_shared>>) offsets(%dma_start3A_539 : memref<128xi32, #tpu.memory_space<vmem>>) semaphore(%dma_start3A_544 : memref<!tpu.dma_semaphore, #tpu.memory_space<semaphore_mem>>) {add = true}
      %mul3A_545 = arith.constant 4 : i32
      %mul3A_546 = arith.muli %mul3A_545, %scan3A_451 : i32
      %add3A_547 = arith.constant 1 : i32
      %add3A_548 = arith.addi %mul3A_546, %add3A_547 : i32
      %dma_wait3A_549 = arith.constant 0 : i32
      %dma_wait3A_550 = arith.constant 2 : i32
      %dma_wait3A_551 = arith.constant 0 : i32
      %dma_wait3A_552 = arith.constant 0 : i32
      %dma_wait3A_553 = tpu.memref_slice %arg3[%add3A, %dma_wait3A_549, %dma_wait3A_551, %dma_wait3A_552] : memref<32x84x2x128xi32, #tpu.memory_space<hbm>> -> memref<1x1x2x128xi32, #tpu.memory_space<hbm>>
      %dma_wait3A_554 = tpu.memref_squeeze %dma_wait3A_553 : memref<1x1x2x128xi32, #tpu.memory_space<hbm>> -> memref<2x128xi32, #tpu.memory_space<hbm>>
      %dma_wait3A_555 = tpu.memref_slice %arg12[%dma_wait3A_550] : memref<4x!tpu.dma_semaphore, #tpu.memory_space<semaphore_mem>> -> memref<1x!tpu.dma_semaphore, #tpu.memory_space<semaphore_mem>>
      %dma_wait3A_556 = tpu.memref_squeeze %dma_wait3A_555 : memref<1x!tpu.dma_semaphore, #tpu.memory_space<semaphore_mem>> -> memref<!tpu.dma_semaphore, #tpu.memory_space<semaphore_mem>>
      %dma_wait3A_557 = arith.constant 0 : i32
      %dma_wait3A_558 = arith.constant 0 : i32
      %dma_wait3A_559 = tpu.memref_slice %arg3[%add3A, %dma_wait3A_549, %dma_wait3A_557, %dma_wait3A_558] : memref<32x84x2x128xi32, #tpu.memory_space<hbm>> -> memref<1x1x2x128xi32, #tpu.memory_space<hbm>>
      %dma_wait3A_560 = tpu.memref_squeeze %dma_wait3A_559 : memref<1x1x2x128xi32, #tpu.memory_space<hbm>> -> memref<2x128xi32, #tpu.memory_space<hbm>>
      tpu.wait_dma2 semaphore(%dma_wait3A_556 : memref<!tpu.dma_semaphore, #tpu.memory_space<semaphore_mem>>) src(%dma_wait3A_560 : memref<2x128xi32, #tpu.memory_space<hbm>>) dst(%arg9 : memref<2x128xi32, #tpu.memory_space<vmem>>)
      %dma_wait3A_561 = arith.constant 0 : i32
      %dma_wait3A_562 = arith.constant 0 : i32
      %dma_wait3A_563 = arith.constant 0 : i32
      %dma_wait3A_564 = arith.constant 0 : i32
      %dma_wait3A_565 = tpu.memref_slice %arg6[%dma_wait3A_561, %dma_wait3A_563, %dma_wait3A_564] : memref<2x128x128xf32, #tpu.memory_space<vmem>> -> memref<1x128x128xf32, #tpu.memory_space<vmem>>
      %dma_wait3A_566 = tpu.memref_squeeze %dma_wait3A_565 : memref<1x128x128xf32, #tpu.memory_space<vmem>> -> memref<128x128xf32, #tpu.memory_space<vmem>>
      %dma_wait3A_567 = arith.constant 0 : i32
      %dma_wait3A_568 = arith.constant 0 : i32
      %dma_wait3A_569 = tpu.memref_slice %arg5[%dma_wait3A_567, %dma_wait3A_568] : memref<10240x128xf32, #tpu.memory_space<vmem_shared>> -> memref<128x128xf32, #tpu.memory_space<vmem_shared>>
      %dma_wait3A_570 = tpu.memref_slice %arg13[%dma_wait3A_562] : memref<2x!tpu.dma_semaphore, #tpu.memory_space<semaphore_mem>> -> memref<1x!tpu.dma_semaphore, #tpu.memory_space<semaphore_mem>>
      %dma_wait3A_571 = tpu.memref_squeeze %dma_wait3A_570 : memref<1x!tpu.dma_semaphore, #tpu.memory_space<semaphore_mem>> -> memref<!tpu.dma_semaphore, #tpu.memory_space<semaphore_mem>>
      %dma_wait3A_572 = arith.constant 0 : i32
      %dma_wait3A_573 = arith.constant 0 : i32
      %dma_wait3A_574 = tpu.memref_slice %arg5[%dma_wait3A_572, %dma_wait3A_573] : memref<10240x128xf32, #tpu.memory_space<vmem_shared>> -> memref<128x128xf32, #tpu.memory_space<vmem_shared>>
      %dma_wait3A_575 = arith.constant 0 : i32
      %dma_wait3A_576 = arith.constant 0 : i32
      %dma_wait3A_577 = tpu.memref_slice %arg6[%dma_wait3A_561, %dma_wait3A_575, %dma_wait3A_576] : memref<2x128x128xf32, #tpu.memory_space<vmem>> -> memref<1x128x128xf32, #tpu.memory_space<vmem>>
      %dma_wait3A_578 = tpu.memref_squeeze %dma_wait3A_577 : memref<1x128x128xf32, #tpu.memory_space<vmem>> -> memref<128x128xf32, #tpu.memory_space<vmem>>
      tpu.wait_dma2 semaphore(%dma_wait3A_571 : memref<!tpu.dma_semaphore, #tpu.memory_space<semaphore_mem>>) src(%dma_wait3A_578 : memref<128x128xf32, #tpu.memory_space<vmem>>) dst(%dma_wait3A_574 : memref<128x128xf32, #tpu.memory_space<vmem_shared>>)
      %add3A_579 = arith.constant 3 : i32
      %add3A_580 = arith.addi %add3A_548, %add3A_579 : i32
      %dma_start3A_581 = arith.constant 0 : i32
      %dma_start3A_582 = arith.constant 0 : i32
      %dma_start3A_583 = arith.constant 0 : i32
      %dma_start3A_584 = tpu.memref_slice %arg3[%add3A, %add3A_580, %dma_start3A_582, %dma_start3A_583] : memref<32x84x2x128xi32, #tpu.memory_space<hbm>> -> memref<1x1x2x128xi32, #tpu.memory_space<hbm>>
      %dma_start3A_585 = tpu.memref_squeeze %dma_start3A_584 : memref<1x1x2x128xi32, #tpu.memory_space<hbm>> -> memref<2x128xi32, #tpu.memory_space<hbm>>
      %dma_start3A_586 = tpu.memref_slice %arg12[%dma_start3A_581] : memref<4x!tpu.dma_semaphore, #tpu.memory_space<semaphore_mem>> -> memref<1x!tpu.dma_semaphore, #tpu.memory_space<semaphore_mem>>
      %dma_start3A_587 = tpu.memref_squeeze %dma_start3A_586 : memref<1x!tpu.dma_semaphore, #tpu.memory_space<semaphore_mem>> -> memref<!tpu.dma_semaphore, #tpu.memory_space<semaphore_mem>>
      %dma_start3A_588 = arith.constant 0 : i32
      %dma_start3A_589 = arith.constant 0 : i32
      %dma_start3A_590 = tpu.memref_slice %arg3[%add3A, %add3A_580, %dma_start3A_588, %dma_start3A_589] : memref<32x84x2x128xi32, #tpu.memory_space<hbm>> -> memref<1x1x2x128xi32, #tpu.memory_space<hbm>>
      %dma_start3A_591 = tpu.memref_squeeze %dma_start3A_590 : memref<1x1x2x128xi32, #tpu.memory_space<hbm>> -> memref<2x128xi32, #tpu.memory_space<hbm>>
      tpu.enqueue_dma source(%dma_start3A_591 : memref<2x128xi32, #tpu.memory_space<hbm>>) target(%arg7 : memref<2x128xi32, #tpu.memory_space<vmem>>) target_semaphore(%dma_start3A_587 : memref<!tpu.dma_semaphore, #tpu.memory_space<semaphore_mem>>)
      %dma_start3A_592 = arith.constant 0 : i32
      %dma_start3A_593 = arith.constant 0 : i32
      %dma_start3A_594 = arith.constant 0 : i32
      %dma_start3A_595 = arith.constant 0 : i32
      %dma_start3A_596 = arith.constant 0 : i32
      %dma_start3A_597 = tpu.memref_slice %arg6[%dma_start3A_593, %dma_start3A_595, %dma_start3A_596] : memref<2x128x128xf32, #tpu.memory_space<vmem>> -> memref<1x128x128xf32, #tpu.memory_space<vmem>>
      %dma_start3A_598 = tpu.memref_squeeze %dma_start3A_597 : memref<1x128x128xf32, #tpu.memory_space<vmem>> -> memref<128x128xf32, #tpu.memory_space<vmem>>
      %dma_start3A_599 = arith.constant 0 : i32
      %dma_start3A_600 = tpu.memref_slice %arg9[%dma_start3A_592, %dma_start3A_599] : memref<2x128xi32, #tpu.memory_space<vmem>> -> memref<1x128xi32, #tpu.memory_space<vmem>>
      %dma_start3A_601 = tpu.memref_squeeze %dma_start3A_600 : memref<1x128xi32, #tpu.memory_space<vmem>> -> memref<128xi32, #tpu.memory_space<vmem>>
      %dma_start3A_602 = arith.constant 0 : i32
      %dma_start3A_603 = arith.constant 0 : i32
      %dma_start3A_604 = tpu.memref_slice %arg2[%dma_start3A_602, %dma_start3A_603] : memref<10240x128xf32, #tpu.memory_space<hbm>> -> memref<10240x128xf32, #tpu.memory_space<hbm>>
      %dma_start3A_605 = tpu.memref_slice %arg11[%dma_start3A_594] : memref<2x!tpu.dma_semaphore, #tpu.memory_space<semaphore_mem>> -> memref<1x!tpu.dma_semaphore, #tpu.memory_space<semaphore_mem>>
      %dma_start3A_606 = tpu.memref_squeeze %dma_start3A_605 : memref<1x!tpu.dma_semaphore, #tpu.memory_space<semaphore_mem>> -> memref<!tpu.dma_semaphore, #tpu.memory_space<semaphore_mem>>
      tpu.enqueue_indirect_dma source(%dma_start3A_604 : memref<10240x128xf32, #tpu.memory_space<hbm>>) target(%dma_start3A_598 : memref<128x128xf32, #tpu.memory_space<vmem>>) offsets(%dma_start3A_601 : memref<128xi32, #tpu.memory_space<vmem>>) semaphore(%dma_start3A_606 : memref<!tpu.dma_semaphore, #tpu.memory_space<semaphore_mem>>)
      %dma_wait3A_607 = arith.constant 0 : i32
      %dma_wait3A_608 = arith.constant 1 : i32
      %dma_wait3A_609 = arith.constant 1 : i32
      %dma_wait3A_610 = arith.constant 0 : i32
      %dma_wait3A_611 = arith.constant 0 : i32
      %dma_wait3A_612 = tpu.memref_slice %arg6[%dma_wait3A_608, %dma_wait3A_610, %dma_wait3A_611] : memref<2x128x128xf32, #tpu.memory_space<vmem>> -> memref<1x128x128xf32, #tpu.memory_space<vmem>>
      %dma_wait3A_613 = tpu.memref_squeeze %dma_wait3A_612 : memref<1x128x128xf32, #tpu.memory_space<vmem>> -> memref<128x128xf32, #tpu.memory_space<vmem>>
      %dma_wait3A_614 = arith.constant 0 : i32
      %dma_wait3A_615 = tpu.memref_slice %arg8[%dma_wait3A_607, %dma_wait3A_614] : memref<2x128xi32, #tpu.memory_space<vmem>> -> memref<1x128xi32, #tpu.memory_space<vmem>>
      %dma_wait3A_616 = tpu.memref_squeeze %dma_wait3A_615 : memref<1x128xi32, #tpu.memory_space<vmem>> -> memref<128xi32, #tpu.memory_space<vmem>>
      %dma_wait3A_617 = arith.constant 0 : i32
      %dma_wait3A_618 = arith.constant 0 : i32
      %dma_wait3A_619 = tpu.memref_slice %arg2[%dma_wait3A_617, %dma_wait3A_618] : memref<10240x128xf32, #tpu.memory_space<hbm>> -> memref<10240x128xf32, #tpu.memory_space<hbm>>
      %dma_wait3A_620 = tpu.memref_slice %arg11[%dma_wait3A_609] : memref<2x!tpu.dma_semaphore, #tpu.memory_space<semaphore_mem>> -> memref<1x!tpu.dma_semaphore, #tpu.memory_space<semaphore_mem>>
      %dma_wait3A_621 = tpu.memref_squeeze %dma_wait3A_620 : memref<1x!tpu.dma_semaphore, #tpu.memory_space<semaphore_mem>> -> memref<!tpu.dma_semaphore, #tpu.memory_space<semaphore_mem>>
      tpu.wait_indirect_dma semaphore(%dma_wait3A_621 : memref<!tpu.dma_semaphore, #tpu.memory_space<semaphore_mem>>) src(%dma_wait3A_619 : memref<10240x128xf32, #tpu.memory_space<hbm>>) dst(%dma_wait3A_613 : memref<128x128xf32, #tpu.memory_space<vmem>>)
      %dma_start3A_622 = arith.constant 1 : i32
      %dma_start3A_623 = arith.constant 1 : i32
      %dma_start3A_624 = arith.constant 1 : i32
      %dma_start3A_625 = arith.constant 0 : i32
      %dma_start3A_626 = arith.constant 0 : i32
      %dma_start3A_627 = tpu.memref_slice %arg6[%dma_start3A_622, %dma_start3A_625, %dma_start3A_626] : memref<2x128x128xf32, #tpu.memory_space<vmem>> -> memref<1x128x128xf32, #tpu.memory_space<vmem>>
      %dma_start3A_628 = tpu.memref_squeeze %dma_start3A_627 : memref<1x128x128xf32, #tpu.memory_space<vmem>> -> memref<128x128xf32, #tpu.memory_space<vmem>>
      %dma_start3A_629 = arith.constant 0 : i32
      %dma_start3A_630 = tpu.memref_slice %arg8[%dma_start3A_623, %dma_start3A_629] : memref<2x128xi32, #tpu.memory_space<vmem>> -> memref<1x128xi32, #tpu.memory_space<vmem>>
      %dma_start3A_631 = tpu.memref_squeeze %dma_start3A_630 : memref<1x128xi32, #tpu.memory_space<vmem>> -> memref<128xi32, #tpu.memory_space<vmem>>
      %dma_start3A_632 = arith.constant 0 : i32
      %dma_start3A_633 = arith.constant 0 : i32
      %dma_start3A_634 = tpu.memref_slice %arg5[%dma_start3A_632, %dma_start3A_633] : memref<10240x128xf32, #tpu.memory_space<vmem_shared>> -> memref<10240x128xf32, #tpu.memory_space<vmem_shared>>
      %dma_start3A_635 = tpu.memref_slice %arg13[%dma_start3A_624] : memref<2x!tpu.dma_semaphore, #tpu.memory_space<semaphore_mem>> -> memref<1x!tpu.dma_semaphore, #tpu.memory_space<semaphore_mem>>
      %dma_start3A_636 = tpu.memref_squeeze %dma_start3A_635 : memref<1x!tpu.dma_semaphore, #tpu.memory_space<semaphore_mem>> -> memref<!tpu.dma_semaphore, #tpu.memory_space<semaphore_mem>>
      tpu.enqueue_indirect_dma source(%dma_start3A_628 : memref<128x128xf32, #tpu.memory_space<vmem>>) target(%dma_start3A_634 : memref<10240x128xf32, #tpu.memory_space<vmem_shared>>) offsets(%dma_start3A_631 : memref<128xi32, #tpu.memory_space<vmem>>) semaphore(%dma_start3A_636 : memref<!tpu.dma_semaphore, #tpu.memory_space<semaphore_mem>>) {add = true}
      %mul3A_637 = arith.constant 4 : i32
      %mul3A_638 = arith.muli %mul3A_637, %scan3A_451 : i32
      %add3A_639 = arith.constant 2 : i32
      %add3A_640 = arith.addi %mul3A_638, %add3A_639 : i32
      %dma_wait3A_641 = arith.constant 0 : i32
      %dma_wait3A_642 = arith.constant 3 : i32
      %dma_wait3A_643 = arith.constant 0 : i32
      %dma_wait3A_644 = arith.constant 0 : i32
      %dma_wait3A_645 = tpu.memref_slice %arg3[%add3A, %dma_wait3A_641, %dma_wait3A_643, %dma_wait3A_644] : memref<32x84x2x128xi32, #tpu.memory_space<hbm>> -> memref<1x1x2x128xi32, #tpu.memory_space<hbm>>
      %dma_wait3A_646 = tpu.memref_squeeze %dma_wait3A_645 : memref<1x1x2x128xi32, #tpu.memory_space<hbm>> -> memref<2x128xi32, #tpu.memory_space<hbm>>
      %dma_wait3A_647 = tpu.memref_slice %arg12[%dma_wait3A_642] : memref<4x!tpu.dma_semaphore, #tpu.memory_space<semaphore_mem>> -> memref<1x!tpu.dma_semaphore, #tpu.memory_space<semaphore_mem>>
      %dma_wait3A_648 = tpu.memref_squeeze %dma_wait3A_647 : memref<1x!tpu.dma_semaphore, #tpu.memory_space<semaphore_mem>> -> memref<!tpu.dma_semaphore, #tpu.memory_space<semaphore_mem>>
      %dma_wait3A_649 = arith.constant 0 : i32
      %dma_wait3A_650 = arith.constant 0 : i32
      %dma_wait3A_651 = tpu.memref_slice %arg3[%add3A, %dma_wait3A_641, %dma_wait3A_649, %dma_wait3A_650] : memref<32x84x2x128xi32, #tpu.memory_space<hbm>> -> memref<1x1x2x128xi32, #tpu.memory_space<hbm>>
      %dma_wait3A_652 = tpu.memref_squeeze %dma_wait3A_651 : memref<1x1x2x128xi32, #tpu.memory_space<hbm>> -> memref<2x128xi32, #tpu.memory_space<hbm>>
      tpu.wait_dma2 semaphore(%dma_wait3A_648 : memref<!tpu.dma_semaphore, #tpu.memory_space<semaphore_mem>>) src(%dma_wait3A_652 : memref<2x128xi32, #tpu.memory_space<hbm>>) dst(%arg10 : memref<2x128xi32, #tpu.memory_space<vmem>>)
      %dma_wait3A_653 = arith.constant 1 : i32
      %dma_wait3A_654 = arith.constant 1 : i32
      %dma_wait3A_655 = arith.constant 0 : i32
      %dma_wait3A_656 = arith.constant 0 : i32
      %dma_wait3A_657 = tpu.memref_slice %arg6[%dma_wait3A_653, %dma_wait3A_655, %dma_wait3A_656] : memref<2x128x128xf32, #tpu.memory_space<vmem>> -> memref<1x128x128xf32, #tpu.memory_space<vmem>>
      %dma_wait3A_658 = tpu.memref_squeeze %dma_wait3A_657 : memref<1x128x128xf32, #tpu.memory_space<vmem>> -> memref<128x128xf32, #tpu.memory_space<vmem>>
      %dma_wait3A_659 = arith.constant 0 : i32
      %dma_wait3A_660 = arith.constant 0 : i32
      %dma_wait3A_661 = tpu.memref_slice %arg5[%dma_wait3A_659, %dma_wait3A_660] : memref<10240x128xf32, #tpu.memory_space<vmem_shared>> -> memref<128x128xf32, #tpu.memory_space<vmem_shared>>
      %dma_wait3A_662 = tpu.memref_slice %arg13[%dma_wait3A_654] : memref<2x!tpu.dma_semaphore, #tpu.memory_space<semaphore_mem>> -> memref<1x!tpu.dma_semaphore, #tpu.memory_space<semaphore_mem>>
      %dma_wait3A_663 = tpu.memref_squeeze %dma_wait3A_662 : memref<1x!tpu.dma_semaphore, #tpu.memory_space<semaphore_mem>> -> memref<!tpu.dma_semaphore, #tpu.memory_space<semaphore_mem>>
      %dma_wait3A_664 = arith.constant 0 : i32
      %dma_wait3A_665 = arith.constant 0 : i32
      %dma_wait3A_666 = tpu.memref_slice %arg5[%dma_wait3A_664, %dma_wait3A_665] : memref<10240x128xf32, #tpu.memory_space<vmem_shared>> -> memref<128x128xf32, #tpu.memory_space<vmem_shared>>
      %dma_wait3A_667 = arith.constant 0 : i32
      %dma_wait3A_668 = arith.constant 0 : i32
      %dma_wait3A_669 = tpu.memref_slice %arg6[%dma_wait3A_653, %dma_wait3A_667, %dma_wait3A_668] : memref<2x128x128xf32, #tpu.memory_space<vmem>> -> memref<1x128x128xf32, #tpu.memory_space<vmem>>
      %dma_wait3A_670 = tpu.memref_squeeze %dma_wait3A_669 : memref<1x128x128xf32, #tpu.memory_space<vmem>> -> memref<128x128xf32, #tpu.memory_space<vmem>>
      tpu.wait_dma2 semaphore(%dma_wait3A_663 : memref<!tpu.dma_semaphore, #tpu.memory_space<semaphore_mem>>) src(%dma_wait3A_670 : memref<128x128xf32, #tpu.memory_space<vmem>>) dst(%dma_wait3A_666 : memref<128x128xf32, #tpu.memory_space<vmem_shared>>)
      %add3A_671 = arith.constant 3 : i32
      %add3A_672 = arith.addi %add3A_640, %add3A_671 : i32
      %dma_start3A_673 = arith.constant 1 : i32
      %dma_start3A_674 = arith.constant 0 : i32
      %dma_start3A_675 = arith.constant 0 : i32
      %dma_start3A_676 = tpu.memref_slice %arg3[%add3A, %add3A_672, %dma_start3A_674, %dma_start3A_675] : memref<32x84x2x128xi32, #tpu.memory_space<hbm>> -> memref<1x1x2x128xi32, #tpu.memory_space<hbm>>
      %dma_start3A_677 = tpu.memref_squeeze %dma_start3A_676 : memref<1x1x2x128xi32, #tpu.memory_space<hbm>> -> memref<2x128xi32, #tpu.memory_space<hbm>>
      %dma_start3A_678 = tpu.memref_slice %arg12[%dma_start3A_673] : memref<4x!tpu.dma_semaphore, #tpu.memory_space<semaphore_mem>> -> memref<1x!tpu.dma_semaphore, #tpu.memory_space<semaphore_mem>>
      %dma_start3A_679 = tpu.memref_squeeze %dma_start3A_678 : memref<1x!tpu.dma_semaphore, #tpu.memory_space<semaphore_mem>> -> memref<!tpu.dma_semaphore, #tpu.memory_space<semaphore_mem>>
      %dma_start3A_680 = arith.constant 0 : i32
      %dma_start3A_681 = arith.constant 0 : i32
      %dma_start3A_682 = tpu.memref_slice %arg3[%add3A, %add3A_672, %dma_start3A_680, %dma_start3A_681] : memref<32x84x2x128xi32, #tpu.memory_space<hbm>> -> memref<1x1x2x128xi32, #tpu.memory_space<hbm>>
      %dma_start3A_683 = tpu.memref_squeeze %dma_start3A_682 : memref<1x1x2x128xi32, #tpu.memory_space<hbm>> -> memref<2x128xi32, #tpu.memory_space<hbm>>
      tpu.enqueue_dma source(%dma_start3A_683 : memref<2x128xi32, #tpu.memory_space<hbm>>) target(%arg8 : memref<2x128xi32, #tpu.memory_space<vmem>>) target_semaphore(%dma_start3A_679 : memref<!tpu.dma_semaphore, #tpu.memory_space<semaphore_mem>>)
      %dma_start3A_684 = arith.constant 0 : i32
      %dma_start3A_685 = arith.constant 1 : i32
      %dma_start3A_686 = arith.constant 1 : i32
      %dma_start3A_687 = arith.constant 0 : i32
      %dma_start3A_688 = arith.constant 0 : i32
      %dma_start3A_689 = tpu.memref_slice %arg6[%dma_start3A_685, %dma_start3A_687, %dma_start3A_688] : memref<2x128x128xf32, #tpu.memory_space<vmem>> -> memref<1x128x128xf32, #tpu.memory_space<vmem>>
      %dma_start3A_690 = tpu.memref_squeeze %dma_start3A_689 : memref<1x128x128xf32, #tpu.memory_space<vmem>> -> memref<128x128xf32, #tpu.memory_space<vmem>>
      %dma_start3A_691 = arith.constant 0 : i32
      %dma_start3A_692 = tpu.memref_slice %arg10[%dma_start3A_684, %dma_start3A_691] : memref<2x128xi32, #tpu.memory_space<vmem>> -> memref<1x128xi32, #tpu.memory_space<vmem>>
      %dma_start3A_693 = tpu.memref_squeeze %dma_start3A_692 : memref<1x128xi32, #tpu.memory_space<vmem>> -> memref<128xi32, #tpu.memory_space<vmem>>
      %dma_start3A_694 = arith.constant 0 : i32
      %dma_start3A_695 = arith.constant 0 : i32
      %dma_start3A_696 = tpu.memref_slice %arg2[%dma_start3A_694, %dma_start3A_695] : memref<10240x128xf32, #tpu.memory_space<hbm>> -> memref<10240x128xf32, #tpu.memory_space<hbm>>
      %dma_start3A_697 = tpu.memref_slice %arg11[%dma_start3A_686] : memref<2x!tpu.dma_semaphore, #tpu.memory_space<semaphore_mem>> -> memref<1x!tpu.dma_semaphore, #tpu.memory_space<semaphore_mem>>
      %dma_start3A_698 = tpu.memref_squeeze %dma_start3A_697 : memref<1x!tpu.dma_semaphore, #tpu.memory_space<semaphore_mem>> -> memref<!tpu.dma_semaphore, #tpu.memory_space<semaphore_mem>>
      tpu.enqueue_indirect_dma source(%dma_start3A_696 : memref<10240x128xf32, #tpu.memory_space<hbm>>) target(%dma_start3A_690 : memref<128x128xf32, #tpu.memory_space<vmem>>) offsets(%dma_start3A_693 : memref<128xi32, #tpu.memory_space<vmem>>) semaphore(%dma_start3A_698 : memref<!tpu.dma_semaphore, #tpu.memory_space<semaphore_mem>>)
      %dma_wait3A_699 = arith.constant 0 : i32
      %dma_wait3A_700 = arith.constant 0 : i32
      %dma_wait3A_701 = arith.constant 0 : i32
      %dma_wait3A_702 = arith.constant 0 : i32
      %dma_wait3A_703 = arith.constant 0 : i32
      %dma_wait3A_704 = tpu.memref_slice %arg6[%dma_wait3A_700, %dma_wait3A_702, %dma_wait3A_703] : memref<2x128x128xf32, #tpu.memory_space<vmem>> -> memref<1x128x128xf32, #tpu.memory_space<vmem>>
      %dma_wait3A_705 = tpu.memref_squeeze %dma_wait3A_704 : memref<1x128x128xf32, #tpu.memory_space<vmem>> -> memref<128x128xf32, #tpu.memory_space<vmem>>
      %dma_wait3A_706 = arith.constant 0 : i32
      %dma_wait3A_707 = tpu.memref_slice %arg9[%dma_wait3A_699, %dma_wait3A_706] : memref<2x128xi32, #tpu.memory_space<vmem>> -> memref<1x128xi32, #tpu.memory_space<vmem>>
      %dma_wait3A_708 = tpu.memref_squeeze %dma_wait3A_707 : memref<1x128xi32, #tpu.memory_space<vmem>> -> memref<128xi32, #tpu.memory_space<vmem>>
      %dma_wait3A_709 = arith.constant 0 : i32
      %dma_wait3A_710 = arith.constant 0 : i32
      %dma_wait3A_711 = tpu.memref_slice %arg2[%dma_wait3A_709, %dma_wait3A_710] : memref<10240x128xf32, #tpu.memory_space<hbm>> -> memref<10240x128xf32, #tpu.memory_space<hbm>>
      %dma_wait3A_712 = tpu.memref_slice %arg11[%dma_wait3A_701] : memref<2x!tpu.dma_semaphore, #tpu.memory_space<semaphore_mem>> -> memref<1x!tpu.dma_semaphore, #tpu.memory_space<semaphore_mem>>
      %dma_wait3A_713 = tpu.memref_squeeze %dma_wait3A_712 : memref<1x!tpu.dma_semaphore, #tpu.memory_space<semaphore_mem>> -> memref<!tpu.dma_semaphore, #tpu.memory_space<semaphore_mem>>
      tpu.wait_indirect_dma semaphore(%dma_wait3A_713 : memref<!tpu.dma_semaphore, #tpu.memory_space<semaphore_mem>>) src(%dma_wait3A_711 : memref<10240x128xf32, #tpu.memory_space<hbm>>) dst(%dma_wait3A_705 : memref<128x128xf32, #tpu.memory_space<vmem>>)
      %dma_start3A_714 = arith.constant 0 : i32
      %dma_start3A_715 = arith.constant 1 : i32
      %dma_start3A_716 = arith.constant 0 : i32
      %dma_start3A_717 = arith.constant 0 : i32
      %dma_start3A_718 = arith.constant 0 : i32
      %dma_start3A_719 = tpu.memref_slice %arg6[%dma_start3A_714, %dma_start3A_717, %dma_start3A_718] : memref<2x128x128xf32, #tpu.memory_space<vmem>> -> memref<1x128x128xf32, #tpu.memory_space<vmem>>
      %dma_start3A_720 = tpu.memref_squeeze %dma_start3A_719 : memref<1x128x128xf32, #tpu.memory_space<vmem>> -> memref<128x128xf32, #tpu.memory_space<vmem>>
      %dma_start3A_721 = arith.constant 0 : i32
      %dma_start3A_722 = tpu.memref_slice %arg9[%dma_start3A_715, %dma_start3A_721] : memref<2x128xi32, #tpu.memory_space<vmem>> -> memref<1x128xi32, #tpu.memory_space<vmem>>
      %dma_start3A_723 = tpu.memref_squeeze %dma_start3A_722 : memref<1x128xi32, #tpu.memory_space<vmem>> -> memref<128xi32, #tpu.memory_space<vmem>>
      %dma_start3A_724 = arith.constant 0 : i32
      %dma_start3A_725 = arith.constant 0 : i32
      %dma_start3A_726 = tpu.memref_slice %arg5[%dma_start3A_724, %dma_start3A_725] : memref<10240x128xf32, #tpu.memory_space<vmem_shared>> -> memref<10240x128xf32, #tpu.memory_space<vmem_shared>>
      %dma_start3A_727 = tpu.memref_slice %arg13[%dma_start3A_716] : memref<2x!tpu.dma_semaphore, #tpu.memory_space<semaphore_mem>> -> memref<1x!tpu.dma_semaphore, #tpu.memory_space<semaphore_mem>>
      %dma_start3A_728 = tpu.memref_squeeze %dma_start3A_727 : memref<1x!tpu.dma_semaphore, #tpu.memory_space<semaphore_mem>> -> memref<!tpu.dma_semaphore, #tpu.memory_space<semaphore_mem>>
      tpu.enqueue_indirect_dma source(%dma_start3A_720 : memref<128x128xf32, #tpu.memory_space<vmem>>) target(%dma_start3A_726 : memref<10240x128xf32, #tpu.memory_space<vmem_shared>>) offsets(%dma_start3A_723 : memref<128xi32, #tpu.memory_space<vmem>>) semaphore(%dma_start3A_728 : memref<!tpu.dma_semaphore, #tpu.memory_space<semaphore_mem>>) {add = true}
      %mul3A_729 = arith.constant 4 : i32
      %mul3A_730 = arith.muli %mul3A_729, %scan3A_451 : i32
      %add3A_731 = arith.constant 3 : i32
      %add3A_732 = arith.addi %mul3A_730, %add3A_731 : i32
      %dma_wait3A_733 = arith.constant 0 : i32
      %dma_wait3A_734 = arith.constant 0 : i32
      %dma_wait3A_735 = arith.constant 0 : i32
      %dma_wait3A_736 = arith.constant 0 : i32
      %dma_wait3A_737 = tpu.memref_slice %arg3[%add3A, %dma_wait3A_733, %dma_wait3A_735, %dma_wait3A_736] : memref<32x84x2x128xi32, #tpu.memory_space<hbm>> -> memref<1x1x2x128xi32, #tpu.memory_space<hbm>>
      %dma_wait3A_738 = tpu.memref_squeeze %dma_wait3A_737 : memref<1x1x2x128xi32, #tpu.memory_space<hbm>> -> memref<2x128xi32, #tpu.memory_space<hbm>>
      %dma_wait3A_739 = tpu.memref_slice %arg12[%dma_wait3A_734] : memref<4x!tpu.dma_semaphore, #tpu.memory_space<semaphore_mem>> -> memref<1x!tpu.dma_semaphore, #tpu.memory_space<semaphore_mem>>
      %dma_wait3A_740 = tpu.memref_squeeze %dma_wait3A_739 : memref<1x!tpu.dma_semaphore, #tpu.memory_space<semaphore_mem>> -> memref<!tpu.dma_semaphore, #tpu.memory_space<semaphore_mem>>
      %dma_wait3A_741 = arith.constant 0 : i32
      %dma_wait3A_742 = arith.constant 0 : i32
      %dma_wait3A_743 = tpu.memref_slice %arg3[%add3A, %dma_wait3A_733, %dma_wait3A_741, %dma_wait3A_742] : memref<32x84x2x128xi32, #tpu.memory_space<hbm>> -> memref<1x1x2x128xi32, #tpu.memory_space<hbm>>
      %dma_wait3A_744 = tpu.memref_squeeze %dma_wait3A_743 : memref<1x1x2x128xi32, #tpu.memory_space<hbm>> -> memref<2x128xi32, #tpu.memory_space<hbm>>
      tpu.wait_dma2 semaphore(%dma_wait3A_740 : memref<!tpu.dma_semaphore, #tpu.memory_space<semaphore_mem>>) src(%dma_wait3A_744 : memref<2x128xi32, #tpu.memory_space<hbm>>) dst(%arg7 : memref<2x128xi32, #tpu.memory_space<vmem>>)
      %dma_wait3A_745 = arith.constant 0 : i32
      %dma_wait3A_746 = arith.constant 0 : i32
      %dma_wait3A_747 = arith.constant 0 : i32
      %dma_wait3A_748 = arith.constant 0 : i32
      %dma_wait3A_749 = tpu.memref_slice %arg6[%dma_wait3A_745, %dma_wait3A_747, %dma_wait3A_748] : memref<2x128x128xf32, #tpu.memory_space<vmem>> -> memref<1x128x128xf32, #tpu.memory_space<vmem>>
      %dma_wait3A_750 = tpu.memref_squeeze %dma_wait3A_749 : memref<1x128x128xf32, #tpu.memory_space<vmem>> -> memref<128x128xf32, #tpu.memory_space<vmem>>
      %dma_wait3A_751 = arith.constant 0 : i32
      %dma_wait3A_752 = arith.constant 0 : i32
      %dma_wait3A_753 = tpu.memref_slice %arg5[%dma_wait3A_751, %dma_wait3A_752] : memref<10240x128xf32, #tpu.memory_space<vmem_shared>> -> memref<128x128xf32, #tpu.memory_space<vmem_shared>>
      %dma_wait3A_754 = tpu.memref_slice %arg13[%dma_wait3A_746] : memref<2x!tpu.dma_semaphore, #tpu.memory_space<semaphore_mem>> -> memref<1x!tpu.dma_semaphore, #tpu.memory_space<semaphore_mem>>
      %dma_wait3A_755 = tpu.memref_squeeze %dma_wait3A_754 : memref<1x!tpu.dma_semaphore, #tpu.memory_space<semaphore_mem>> -> memref<!tpu.dma_semaphore, #tpu.memory_space<semaphore_mem>>
      %dma_wait3A_756 = arith.constant 0 : i32
      %dma_wait3A_757 = arith.constant 0 : i32
      %dma_wait3A_758 = tpu.memref_slice %arg5[%dma_wait3A_756, %dma_wait3A_757] : memref<10240x128xf32, #tpu.memory_space<vmem_shared>> -> memref<128x128xf32, #tpu.memory_space<vmem_shared>>
      %dma_wait3A_759 = arith.constant 0 : i32
      %dma_wait3A_760 = arith.constant 0 : i32
      %dma_wait3A_761 = tpu.memref_slice %arg6[%dma_wait3A_745, %dma_wait3A_759, %dma_wait3A_760] : memref<2x128x128xf32, #tpu.memory_space<vmem>> -> memref<1x128x128xf32, #tpu.memory_space<vmem>>
      %dma_wait3A_762 = tpu.memref_squeeze %dma_wait3A_761 : memref<1x128x128xf32, #tpu.memory_space<vmem>> -> memref<128x128xf32, #tpu.memory_space<vmem>>
      tpu.wait_dma2 semaphore(%dma_wait3A_755 : memref<!tpu.dma_semaphore, #tpu.memory_space<semaphore_mem>>) src(%dma_wait3A_762 : memref<128x128xf32, #tpu.memory_space<vmem>>) dst(%dma_wait3A_758 : memref<128x128xf32, #tpu.memory_space<vmem_shared>>)
      %add3A_763 = arith.constant 3 : i32
      %add3A_764 = arith.addi %add3A_732, %add3A_763 : i32
      %dma_start3A_765 = arith.constant 2 : i32
      %dma_start3A_766 = arith.constant 0 : i32
      %dma_start3A_767 = arith.constant 0 : i32
      %dma_start3A_768 = tpu.memref_slice %arg3[%add3A, %add3A_764, %dma_start3A_766, %dma_start3A_767] : memref<32x84x2x128xi32, #tpu.memory_space<hbm>> -> memref<1x1x2x128xi32, #tpu.memory_space<hbm>>
      %dma_start3A_769 = tpu.memref_squeeze %dma_start3A_768 : memref<1x1x2x128xi32, #tpu.memory_space<hbm>> -> memref<2x128xi32, #tpu.memory_space<hbm>>
      %dma_start3A_770 = tpu.memref_slice %arg12[%dma_start3A_765] : memref<4x!tpu.dma_semaphore, #tpu.memory_space<semaphore_mem>> -> memref<1x!tpu.dma_semaphore, #tpu.memory_space<semaphore_mem>>
      %dma_start3A_771 = tpu.memref_squeeze %dma_start3A_770 : memref<1x!tpu.dma_semaphore, #tpu.memory_space<semaphore_mem>> -> memref<!tpu.dma_semaphore, #tpu.memory_space<semaphore_mem>>
      %dma_start3A_772 = arith.constant 0 : i32
      %dma_start3A_773 = arith.constant 0 : i32
      %dma_start3A_774 = tpu.memref_slice %arg3[%add3A, %add3A_764, %dma_start3A_772, %dma_start3A_773] : memref<32x84x2x128xi32, #tpu.memory_space<hbm>> -> memref<1x1x2x128xi32, #tpu.memory_space<hbm>>
      %dma_start3A_775 = tpu.memref_squeeze %dma_start3A_774 : memref<1x1x2x128xi32, #tpu.memory_space<hbm>> -> memref<2x128xi32, #tpu.memory_space<hbm>>
      tpu.enqueue_dma source(%dma_start3A_775 : memref<2x128xi32, #tpu.memory_space<hbm>>) target(%arg9 : memref<2x128xi32, #tpu.memory_space<vmem>>) target_semaphore(%dma_start3A_771 : memref<!tpu.dma_semaphore, #tpu.memory_space<semaphore_mem>>)
      %dma_start3A_776 = arith.constant 0 : i32
      %dma_start3A_777 = arith.constant 0 : i32
      %dma_start3A_778 = arith.constant 0 : i32
      %dma_start3A_779 = arith.constant 0 : i32
      %dma_start3A_780 = arith.constant 0 : i32
      %dma_start3A_781 = tpu.memref_slice %arg6[%dma_start3A_777, %dma_start3A_779, %dma_start3A_780] : memref<2x128x128xf32, #tpu.memory_space<vmem>> -> memref<1x128x128xf32, #tpu.memory_space<vmem>>
      %dma_start3A_782 = tpu.memref_squeeze %dma_start3A_781 : memref<1x128x128xf32, #tpu.memory_space<vmem>> -> memref<128x128xf32, #tpu.memory_space<vmem>>
      %dma_start3A_783 = arith.constant 0 : i32
      %dma_start3A_784 = tpu.memref_slice %arg7[%dma_start3A_776, %dma_start3A_783] : memref<2x128xi32, #tpu.memory_space<vmem>> -> memref<1x128xi32, #tpu.memory_space<vmem>>
      %dma_start3A_785 = tpu.memref_squeeze %dma_start3A_784 : memref<1x128xi32, #tpu.memory_space<vmem>> -> memref<128xi32, #tpu.memory_space<vmem>>
      %dma_start3A_786 = arith.constant 0 : i32
      %dma_start3A_787 = arith.constant 0 : i32
      %dma_start3A_788 = tpu.memref_slice %arg2[%dma_start3A_786, %dma_start3A_787] : memref<10240x128xf32, #tpu.memory_space<hbm>> -> memref<10240x128xf32, #tpu.memory_space<hbm>>
      %dma_start3A_789 = tpu.memref_slice %arg11[%dma_start3A_778] : memref<2x!tpu.dma_semaphore, #tpu.memory_space<semaphore_mem>> -> memref<1x!tpu.dma_semaphore, #tpu.memory_space<semaphore_mem>>
      %dma_start3A_790 = tpu.memref_squeeze %dma_start3A_789 : memref<1x!tpu.dma_semaphore, #tpu.memory_space<semaphore_mem>> -> memref<!tpu.dma_semaphore, #tpu.memory_space<semaphore_mem>>
      tpu.enqueue_indirect_dma source(%dma_start3A_788 : memref<10240x128xf32, #tpu.memory_space<hbm>>) target(%dma_start3A_782 : memref<128x128xf32, #tpu.memory_space<vmem>>) offsets(%dma_start3A_785 : memref<128xi32, #tpu.memory_space<vmem>>) semaphore(%dma_start3A_790 : memref<!tpu.dma_semaphore, #tpu.memory_space<semaphore_mem>>)
      %dma_wait3A_791 = arith.constant 0 : i32
      %dma_wait3A_792 = arith.constant 1 : i32
      %dma_wait3A_793 = arith.constant 1 : i32
      %dma_wait3A_794 = arith.constant 0 : i32
      %dma_wait3A_795 = arith.constant 0 : i32
      %dma_wait3A_796 = tpu.memref_slice %arg6[%dma_wait3A_792, %dma_wait3A_794, %dma_wait3A_795] : memref<2x128x128xf32, #tpu.memory_space<vmem>> -> memref<1x128x128xf32, #tpu.memory_space<vmem>>
      %dma_wait3A_797 = tpu.memref_squeeze %dma_wait3A_796 : memref<1x128x128xf32, #tpu.memory_space<vmem>> -> memref<128x128xf32, #tpu.memory_space<vmem>>
      %dma_wait3A_798 = arith.constant 0 : i32
      %dma_wait3A_799 = tpu.memref_slice %arg10[%dma_wait3A_791, %dma_wait3A_798] : memref<2x128xi32, #tpu.memory_space<vmem>> -> memref<1x128xi32, #tpu.memory_space<vmem>>
      %dma_wait3A_800 = tpu.memref_squeeze %dma_wait3A_799 : memref<1x128xi32, #tpu.memory_space<vmem>> -> memref<128xi32, #tpu.memory_space<vmem>>
      %dma_wait3A_801 = arith.constant 0 : i32
      %dma_wait3A_802 = arith.constant 0 : i32
      %dma_wait3A_803 = tpu.memref_slice %arg2[%dma_wait3A_801, %dma_wait3A_802] : memref<10240x128xf32, #tpu.memory_space<hbm>> -> memref<10240x128xf32, #tpu.memory_space<hbm>>
      %dma_wait3A_804 = tpu.memref_slice %arg11[%dma_wait3A_793] : memref<2x!tpu.dma_semaphore, #tpu.memory_space<semaphore_mem>> -> memref<1x!tpu.dma_semaphore, #tpu.memory_space<semaphore_mem>>
      %dma_wait3A_805 = tpu.memref_squeeze %dma_wait3A_804 : memref<1x!tpu.dma_semaphore, #tpu.memory_space<semaphore_mem>> -> memref<!tpu.dma_semaphore, #tpu.memory_space<semaphore_mem>>
      tpu.wait_indirect_dma semaphore(%dma_wait3A_805 : memref<!tpu.dma_semaphore, #tpu.memory_space<semaphore_mem>>) src(%dma_wait3A_803 : memref<10240x128xf32, #tpu.memory_space<hbm>>) dst(%dma_wait3A_797 : memref<128x128xf32, #tpu.memory_space<vmem>>)
      %dma_start3A_806 = arith.constant 1 : i32
      %dma_start3A_807 = arith.constant 1 : i32
      %dma_start3A_808 = arith.constant 1 : i32
      %dma_start3A_809 = arith.constant 0 : i32
      %dma_start3A_810 = arith.constant 0 : i32
      %dma_start3A_811 = tpu.memref_slice %arg6[%dma_start3A_806, %dma_start3A_809, %dma_start3A_810] : memref<2x128x128xf32, #tpu.memory_space<vmem>> -> memref<1x128x128xf32, #tpu.memory_space<vmem>>
      %dma_start3A_812 = tpu.memref_squeeze %dma_start3A_811 : memref<1x128x128xf32, #tpu.memory_space<vmem>> -> memref<128x128xf32, #tpu.memory_space<vmem>>
      %dma_start3A_813 = arith.constant 0 : i32
      %dma_start3A_814 = tpu.memref_slice %arg10[%dma_start3A_807, %dma_start3A_813] : memref<2x128xi32, #tpu.memory_space<vmem>> -> memref<1x128xi32, #tpu.memory_space<vmem>>
      %dma_start3A_815 = tpu.memref_squeeze %dma_start3A_814 : memref<1x128xi32, #tpu.memory_space<vmem>> -> memref<128xi32, #tpu.memory_space<vmem>>
      %dma_start3A_816 = arith.constant 0 : i32
      %dma_start3A_817 = arith.constant 0 : i32
      %dma_start3A_818 = tpu.memref_slice %arg5[%dma_start3A_816, %dma_start3A_817] : memref<10240x128xf32, #tpu.memory_space<vmem_shared>> -> memref<10240x128xf32, #tpu.memory_space<vmem_shared>>
      %dma_start3A_819 = tpu.memref_slice %arg13[%dma_start3A_808] : memref<2x!tpu.dma_semaphore, #tpu.memory_space<semaphore_mem>> -> memref<1x!tpu.dma_semaphore, #tpu.memory_space<semaphore_mem>>
      %dma_start3A_820 = tpu.memref_squeeze %dma_start3A_819 : memref<1x!tpu.dma_semaphore, #tpu.memory_space<semaphore_mem>> -> memref<!tpu.dma_semaphore, #tpu.memory_space<semaphore_mem>>
      tpu.enqueue_indirect_dma source(%dma_start3A_812 : memref<128x128xf32, #tpu.memory_space<vmem>>) target(%dma_start3A_818 : memref<10240x128xf32, #tpu.memory_space<vmem_shared>>) offsets(%dma_start3A_815 : memref<128xi32, #tpu.memory_space<vmem>>) semaphore(%dma_start3A_820 : memref<!tpu.dma_semaphore, #tpu.memory_space<semaphore_mem>>) {add = true}
      %scan3A_821 = arith.constant 0 : i32
      scf.yield %scan3A_821 : i32
    }
    %scan3A_388 = arith.constant 19 : i32
    %dma_wait3A_389 = arith.constant 0 : i32
    %dma_wait3A_390 = arith.constant 0 : i32
    %dma_wait3A_391 = arith.constant 0 : i32
    %dma_wait3A_392 = arith.constant 0 : i32
    %dma_wait3A_393 = arith.constant 0 : i32
    %dma_wait3A_394 = tpu.memref_slice %arg6[%dma_wait3A_390, %dma_wait3A_392, %dma_wait3A_393] : memref<2x128x128xf32, #tpu.memory_space<vmem>> -> memref<1x128x128xf32, #tpu.memory_space<vmem>>
    %dma_wait3A_395 = tpu.memref_squeeze %dma_wait3A_394 : memref<1x128x128xf32, #tpu.memory_space<vmem>> -> memref<128x128xf32, #tpu.memory_space<vmem>>
    %dma_wait3A_396 = arith.constant 0 : i32
    %dma_wait3A_397 = tpu.memref_slice %arg7[%dma_wait3A_389, %dma_wait3A_396] : memref<2x128xi32, #tpu.memory_space<vmem>> -> memref<1x128xi32, #tpu.memory_space<vmem>>
    %dma_wait3A_398 = tpu.memref_squeeze %dma_wait3A_397 : memref<1x128xi32, #tpu.memory_space<vmem>> -> memref<128xi32, #tpu.memory_space<vmem>>
    %dma_wait3A_399 = arith.constant 0 : i32
    %dma_wait3A_400 = arith.constant 0 : i32
    %dma_wait3A_401 = tpu.memref_slice %arg2[%dma_wait3A_399, %dma_wait3A_400] : memref<10240x128xf32, #tpu.memory_space<hbm>> -> memref<10240x128xf32, #tpu.memory_space<hbm>>
    %dma_wait3A_402 = tpu.memref_slice %arg11[%dma_wait3A_391] : memref<2x!tpu.dma_semaphore, #tpu.memory_space<semaphore_mem>> -> memref<1x!tpu.dma_semaphore, #tpu.memory_space<semaphore_mem>>
    %dma_wait3A_403 = tpu.memref_squeeze %dma_wait3A_402 : memref<1x!tpu.dma_semaphore, #tpu.memory_space<semaphore_mem>> -> memref<!tpu.dma_semaphore, #tpu.memory_space<semaphore_mem>>
    tpu.wait_indirect_dma semaphore(%dma_wait3A_403 : memref<!tpu.dma_semaphore, #tpu.memory_space<semaphore_mem>>) src(%dma_wait3A_401 : memref<10240x128xf32, #tpu.memory_space<hbm>>) dst(%dma_wait3A_395 : memref<128x128xf32, #tpu.memory_space<vmem>>)
    %dma_wait3A_404 = arith.constant 1 : i32
    %dma_wait3A_405 = arith.constant 1 : i32
    %dma_wait3A_406 = arith.constant 0 : i32
    %dma_wait3A_407 = arith.constant 0 : i32
    %dma_wait3A_408 = tpu.memref_slice %arg6[%dma_wait3A_404, %dma_wait3A_406, %dma_wait3A_407] : memref<2x128x128xf32, #tpu.memory_space<vmem>> -> memref<1x128x128xf32, #tpu.memory_space<vmem>>
    %dma_wait3A_409 = tpu.memref_squeeze %dma_wait3A_408 : memref<1x128x128xf32, #tpu.memory_space<vmem>> -> memref<128x128xf32, #tpu.memory_space<vmem>>
    %dma_wait3A_410 = arith.constant 0 : i32
    %dma_wait3A_411 = arith.constant 0 : i32
    %dma_wait3A_412 = tpu.memref_slice %arg5[%dma_wait3A_410, %dma_wait3A_411] : memref<10240x128xf32, #tpu.memory_space<vmem_shared>> -> memref<128x128xf32, #tpu.memory_space<vmem_shared>>
    %dma_wait3A_413 = tpu.memref_slice %arg13[%dma_wait3A_405] : memref<2x!tpu.dma_semaphore, #tpu.memory_space<semaphore_mem>> -> memref<1x!tpu.dma_semaphore, #tpu.memory_space<semaphore_mem>>
    %dma_wait3A_414 = tpu.memref_squeeze %dma_wait3A_413 : memref<1x!tpu.dma_semaphore, #tpu.memory_space<semaphore_mem>> -> memref<!tpu.dma_semaphore, #tpu.memory_space<semaphore_mem>>
    %dma_wait3A_415 = arith.constant 0 : i32
    %dma_wait3A_416 = arith.constant 0 : i32
    %dma_wait3A_417 = tpu.memref_slice %arg5[%dma_wait3A_415, %dma_wait3A_416] : memref<10240x128xf32, #tpu.memory_space<vmem_shared>> -> memref<128x128xf32, #tpu.memory_space<vmem_shared>>
    %dma_wait3A_418 = arith.constant 0 : i32
    %dma_wait3A_419 = arith.constant 0 : i32
    %dma_wait3A_420 = tpu.memref_slice %arg6[%dma_wait3A_404, %dma_wait3A_418, %dma_wait3A_419] : memref<2x128x128xf32, #tpu.memory_space<vmem>> -> memref<1x128x128xf32, #tpu.memory_space<vmem>>
    %dma_wait3A_421 = tpu.memref_squeeze %dma_wait3A_420 : memref<1x128x128xf32, #tpu.memory_space<vmem>> -> memref<128x128xf32, #tpu.memory_space<vmem>>
    tpu.wait_dma2 semaphore(%dma_wait3A_414 : memref<!tpu.dma_semaphore, #tpu.memory_space<semaphore_mem>>) src(%dma_wait3A_421 : memref<128x128xf32, #tpu.memory_space<vmem>>) dst(%dma_wait3A_417 : memref<128x128xf32, #tpu.memory_space<vmem_shared>>)
    %dma_wait3A_422 = arith.constant 0 : i32
    %dma_wait3A_423 = arith.constant 1 : i32
    %dma_wait3A_424 = arith.constant 0 : i32
    %dma_wait3A_425 = arith.constant 0 : i32
    %dma_wait3A_426 = tpu.memref_slice %arg3[%add3A, %dma_wait3A_422, %dma_wait3A_424, %dma_wait3A_425] : memref<32x84x2x128xi32, #tpu.memory_space<hbm>> -> memref<1x1x2x128xi32, #tpu.memory_space<hbm>>
    %dma_wait3A_427 = tpu.memref_squeeze %dma_wait3A_426 : memref<1x1x2x128xi32, #tpu.memory_space<hbm>> -> memref<2x128xi32, #tpu.memory_space<hbm>>
    %dma_wait3A_428 = tpu.memref_slice %arg12[%dma_wait3A_423] : memref<4x!tpu.dma_semaphore, #tpu.memory_space<semaphore_mem>> -> memref<1x!tpu.dma_semaphore, #tpu.memory_space<semaphore_mem>>
    %dma_wait3A_429 = tpu.memref_squeeze %dma_wait3A_428 : memref<1x!tpu.dma_semaphore, #tpu.memory_space<semaphore_mem>> -> memref<!tpu.dma_semaphore, #tpu.memory_space<semaphore_mem>>
    %dma_wait3A_430 = arith.constant 0 : i32
    %dma_wait3A_431 = arith.constant 0 : i32
    %dma_wait3A_432 = tpu.memref_slice %arg3[%add3A, %dma_wait3A_422, %dma_wait3A_430, %dma_wait3A_431] : memref<32x84x2x128xi32, #tpu.memory_space<hbm>> -> memref<1x1x2x128xi32, #tpu.memory_space<hbm>>
    %dma_wait3A_433 = tpu.memref_squeeze %dma_wait3A_432 : memref<1x1x2x128xi32, #tpu.memory_space<hbm>> -> memref<2x128xi32, #tpu.memory_space<hbm>>
    tpu.wait_dma2 semaphore(%dma_wait3A_429 : memref<!tpu.dma_semaphore, #tpu.memory_space<semaphore_mem>>) src(%dma_wait3A_433 : memref<2x128xi32, #tpu.memory_space<hbm>>) dst(%arg8 : memref<2x128xi32, #tpu.memory_space<vmem>>)
    %dma_wait3A_434 = arith.constant 0 : i32
    %dma_wait3A_435 = arith.constant 2 : i32
    %dma_wait3A_436 = arith.constant 0 : i32
    %dma_wait3A_437 = arith.constant 0 : i32
    %dma_wait3A_438 = tpu.memref_slice %arg3[%add3A, %dma_wait3A_434, %dma_wait3A_436, %dma_wait3A_437] : memref<32x84x2x128xi32, #tpu.memory_space<hbm>> -> memref<1x1x2x128xi32, #tpu.memory_space<hbm>>
    %dma_wait3A_439 = tpu.memref_squeeze %dma_wait3A_438 : memref<1x1x2x128xi32, #tpu.memory_space<hbm>> -> memref<2x128xi32, #tpu.memory_space<hbm>>
    %dma_wait3A_440 = tpu.memref_slice %arg12[%dma_wait3A_435] : memref<4x!tpu.dma_semaphore, #tpu.memory_space<semaphore_mem>> -> memref<1x!tpu.dma_semaphore, #tpu.memory_space<semaphore_mem>>
    %dma_wait3A_441 = tpu.memref_squeeze %dma_wait3A_440 : memref<1x!tpu.dma_semaphore, #tpu.memory_space<semaphore_mem>> -> memref<!tpu.dma_semaphore, #tpu.memory_space<semaphore_mem>>
    %dma_wait3A_442 = arith.constant 0 : i32
    %dma_wait3A_443 = arith.constant 0 : i32
    %dma_wait3A_444 = tpu.memref_slice %arg3[%add3A, %dma_wait3A_434, %dma_wait3A_442, %dma_wait3A_443] : memref<32x84x2x128xi32, #tpu.memory_space<hbm>> -> memref<1x1x2x128xi32, #tpu.memory_space<hbm>>
    %dma_wait3A_445 = tpu.memref_squeeze %dma_wait3A_444 : memref<1x1x2x128xi32, #tpu.memory_space<hbm>> -> memref<2x128xi32, #tpu.memory_space<hbm>>
    tpu.wait_dma2 semaphore(%dma_wait3A_441 : memref<!tpu.dma_semaphore, #tpu.memory_space<semaphore_mem>>) src(%dma_wait3A_445 : memref<2x128xi32, #tpu.memory_space<hbm>>) dst(%arg9 : memref<2x128xi32, #tpu.memory_space<vmem>>)
    %barrier3A_446 = arith.constant 0 : index
    tpu.barrier barrier_id(%barrier3A_446)
    %mul3A_447 = arith.constant 640 : i32
    %mul3A_448 = arith.muli %arg1, %mul3A_447 : i32
    %mul3A_449 = arith.constant 640 : i32
    %mul3A_450 = arith.muli %arg1, %mul3A_449 : i32
    "tpu.region"() ({
      %run_scoped3A_451 = tpu.sem_alloc : memref<!tpu.dma_semaphore, #tpu.memory_space<semaphore_mem>>
      %dma_start3A_452 = arith.constant 0 : i32
      %dma_start3A_453 = tpu.memref_slice %arg4[%arg0, %mul3A_450, %dma_start3A_452] : memref<2x10240x128xf32, #tpu.memory_space<hbm>> -> memref<1x640x128xf32, #tpu.memory_space<hbm>>
      %dma_start3A_454 = tpu.memref_squeeze %dma_start3A_453 : memref<1x640x128xf32, #tpu.memory_space<hbm>> -> memref<640x128xf32, #tpu.memory_space<hbm>>
      %dma_start3A_455 = arith.constant 0 : i32
      %dma_start3A_456 = tpu.memref_slice %arg5[%mul3A_448, %dma_start3A_455] : memref<10240x128xf32, #tpu.memory_space<vmem_shared>> -> memref<640x128xf32, #tpu.memory_space<vmem_shared>>
      tpu.enqueue_dma source(%dma_start3A_456 : memref<640x128xf32, #tpu.memory_space<vmem_shared>>) target(%dma_start3A_454 : memref<640x128xf32, #tpu.memory_space<hbm>>) target_semaphore(%run_scoped3A_451 : memref<!tpu.dma_semaphore, #tpu.memory_space<semaphore_mem>>)
      %dma_wait3A_457 = arith.constant 0 : i32
      %dma_wait3A_458 = tpu.memref_slice %arg4[%arg0, %mul3A_450, %dma_wait3A_457] : memref<2x10240x128xf32, #tpu.memory_space<hbm>> -> memref<1x640x128xf32, #tpu.memory_space<hbm>>
      %dma_wait3A_459 = tpu.memref_squeeze %dma_wait3A_458 : memref<1x640x128xf32, #tpu.memory_space<hbm>> -> memref<640x128xf32, #tpu.memory_space<hbm>>
      %dma_wait3A_460 = arith.constant 0 : i32
      %dma_wait3A_461 = tpu.memref_slice %arg5[%mul3A_448, %dma_wait3A_460] : memref<10240x128xf32, #tpu.memory_space<vmem_shared>> -> memref<640x128xf32, #tpu.memory_space<vmem_shared>>
      tpu.wait_dma2 semaphore(%run_scoped3A_451 : memref<!tpu.dma_semaphore, #tpu.memory_space<semaphore_mem>>) src(%dma_wait3A_461 : memref<640x128xf32, #tpu.memory_space<vmem_shared>>) dst(%dma_wait3A_459 : memref<640x128xf32, #tpu.memory_space<hbm>>)
      tpu.yield
    }) : () -> ()
    return
  }
}

#map = affine_map<(d0, d1) -> (0, 0, 0, 0)>
#map1 = affine_map<(d0, d1) -> (0, 0, 0)>
module attributes {stable_mosaic.version = 14 : i64} {
  func.func @_deg_body(%arg0: i32, %arg1: i32, %arg2: memref<2x16x157x128xi32, #tpu.memory_space<hbm>>, %arg3: memref<2x10240x128xf32, #tpu.memory_space<hbm>>, %arg4: memref<10240x128xf32, #tpu.memory_space<vmem_shared>>, %arg5: memref<157x128xi32, #tpu.memory_space<vmem>>, %arg6: memref<128x128xf32, #tpu.memory_space<vmem>>, %arg7: memref<!tpu.dma_semaphore, #tpu.memory_space<semaphore_mem>>) attributes {dimension_semantics = [#tpu.dimension_semantics<core_parallel>, #tpu.dimension_semantics<subcore_parallel>], iteration_bounds = array<i64: 2, 16>, scalar_prefetch = 0 : i64, scratch_operands = 4 : i64, tpu.core_type = #tpu.core_type<sc_vector_subcore>, window_params = [{transform_indices = #map}, {transform_indices = #map1}]} {
    %broadcast_in_dim3A = arith.constant 0.000000e+00 : f32
    %broadcast_in_dim3A_0 = vector.broadcast %broadcast_in_dim3A : f32 to vector<16xf32>
    %broadcast_in_dim3A_1 = arith.constant 1.000000e+00 : f32
    %broadcast_in_dim3A_2 = vector.broadcast %broadcast_in_dim3A_1 : f32 to vector<16xf32>
    %scan3A = arith.constant 0 : i32
    %scan3A_3 = arith.constant 0 : i32
    %scan3A_4 = arith.constant 128 : i32
    %scan3A_5 = arith.addi %scan3A_3, %scan3A_4 : i32
    %scan3A_6 = arith.constant 1 : i32
    %scan3A_7 = scf.for %scan3A_48 = %scan3A_3 to %scan3A_5 step %scan3A_6 iter_args(%scan3A_49 = %scan3A) -> (i32)  : i32 {
      %swap3A = arith.index_cast %scan3A_48 : i32 to index
      %swap3A_50 = arith.constant 0 : index
      %swap3A_51 = tpu.vector_load %arg6[%swap3A, %swap3A_50] {strides = array<i32>} : memref<128x128xf32, #tpu.memory_space<vmem>>, vector<1x16xf32>,
      %swap3A_52 = vector.shape_cast %swap3A_51 : vector<1x16xf32> to vector<16xf32>
      %swap3A_53 = vector.shape_cast %broadcast_in_dim3A_0 : vector<16xf32> to vector<1x16xf32>
      tpu.vector_store %arg6[%swap3A, %swap3A_50], %swap3A_53 {strides = array<i32>} : memref<128x128xf32, #tpu.memory_space<vmem>>, vector<1x16xf32>,
      %swap3A_54 = arith.index_cast %scan3A_48 : i32 to index
      %swap3A_55 = arith.constant 16 : index
      %swap3A_56 = tpu.vector_load %arg6[%swap3A_54, %swap3A_55] {strides = array<i32>} : memref<128x128xf32, #tpu.memory_space<vmem>>, vector<1x16xf32>,
      %swap3A_57 = vector.shape_cast %swap3A_56 : vector<1x16xf32> to vector<16xf32>
      %swap3A_58 = vector.shape_cast %broadcast_in_dim3A_0 : vector<16xf32> to vector<1x16xf32>
      tpu.vector_store %arg6[%swap3A_54, %swap3A_55], %swap3A_58 {strides = array<i32>} : memref<128x128xf32, #tpu.memory_space<vmem>>, vector<1x16xf32>,
      %swap3A_59 = arith.index_cast %scan3A_48 : i32 to index
      %swap3A_60 = arith.constant 32 : index
      %swap3A_61 = tpu.vector_load %arg6[%swap3A_59, %swap3A_60] {strides = array<i32>} : memref<128x128xf32, #tpu.memory_space<vmem>>, vector<1x16xf32>,
      %swap3A_62 = vector.shape_cast %swap3A_61 : vector<1x16xf32> to vector<16xf32>
      %swap3A_63 = vector.shape_cast %broadcast_in_dim3A_0 : vector<16xf32> to vector<1x16xf32>
      tpu.vector_store %arg6[%swap3A_59, %swap3A_60], %swap3A_63 {strides = array<i32>} : memref<128x128xf32, #tpu.memory_space<vmem>>, vector<1x16xf32>,
      %swap3A_64 = arith.index_cast %scan3A_48 : i32 to index
      %swap3A_65 = arith.constant 48 : index
      %swap3A_66 = tpu.vector_load %arg6[%swap3A_64, %swap3A_65] {strides = array<i32>} : memref<128x128xf32, #tpu.memory_space<vmem>>, vector<1x16xf32>,
      %swap3A_67 = vector.shape_cast %swap3A_66 : vector<1x16xf32> to vector<16xf32>
      %swap3A_68 = vector.shape_cast %broadcast_in_dim3A_0 : vector<16xf32> to vector<1x16xf32>
      tpu.vector_store %arg6[%swap3A_64, %swap3A_65], %swap3A_68 {strides = array<i32>} : memref<128x128xf32, #tpu.memory_space<vmem>>, vector<1x16xf32>,
      %swap3A_69 = arith.index_cast %scan3A_48 : i32 to index
      %swap3A_70 = arith.constant 64 : index
      %swap3A_71 = tpu.vector_load %arg6[%swap3A_69, %swap3A_70] {strides = array<i32>} : memref<128x128xf32, #tpu.memory_space<vmem>>, vector<1x16xf32>,
      %swap3A_72 = vector.shape_cast %swap3A_71 : vector<1x16xf32> to vector<16xf32>
      %swap3A_73 = vector.shape_cast %broadcast_in_dim3A_0 : vector<16xf32> to vector<1x16xf32>
      tpu.vector_store %arg6[%swap3A_69, %swap3A_70], %swap3A_73 {strides = array<i32>} : memref<128x128xf32, #tpu.memory_space<vmem>>, vector<1x16xf32>,
      %swap3A_74 = arith.index_cast %scan3A_48 : i32 to index
      %swap3A_75 = arith.constant 80 : index
      %swap3A_76 = tpu.vector_load %arg6[%swap3A_74, %swap3A_75] {strides = array<i32>} : memref<128x128xf32, #tpu.memory_space<vmem>>, vector<1x16xf32>,
      %swap3A_77 = vector.shape_cast %swap3A_76 : vector<1x16xf32> to vector<16xf32>
      %swap3A_78 = vector.shape_cast %broadcast_in_dim3A_0 : vector<16xf32> to vector<1x16xf32>
      tpu.vector_store %arg6[%swap3A_74, %swap3A_75], %swap3A_78 {strides = array<i32>} : memref<128x128xf32, #tpu.memory_space<vmem>>, vector<1x16xf32>,
      %swap3A_79 = arith.index_cast %scan3A_48 : i32 to index
      %swap3A_80 = arith.constant 96 : index
      %swap3A_81 = tpu.vector_load %arg6[%swap3A_79, %swap3A_80] {strides = array<i32>} : memref<128x128xf32, #tpu.memory_space<vmem>>, vector<1x16xf32>,
      %swap3A_82 = vector.shape_cast %swap3A_81 : vector<1x16xf32> to vector<16xf32>
      %swap3A_83 = vector.shape_cast %broadcast_in_dim3A_0 : vector<16xf32> to vector<1x16xf32>
      tpu.vector_store %arg6[%swap3A_79, %swap3A_80], %swap3A_83 {strides = array<i32>} : memref<128x128xf32, #tpu.memory_space<vmem>>, vector<1x16xf32>,
      %swap3A_84 = arith.index_cast %scan3A_48 : i32 to index
      %swap3A_85 = arith.constant 112 : index
      %swap3A_86 = tpu.vector_load %arg6[%swap3A_84, %swap3A_85] {strides = array<i32>} : memref<128x128xf32, #tpu.memory_space<vmem>>, vector<1x16xf32>,
      %swap3A_87 = vector.shape_cast %swap3A_86 : vector<1x16xf32> to vector<16xf32>
      %swap3A_88 = vector.shape_cast %broadcast_in_dim3A_0 : vector<16xf32> to vector<1x16xf32>
      tpu.vector_store %arg6[%swap3A_84, %swap3A_85], %swap3A_88 {strides = array<i32>} : memref<128x128xf32, #tpu.memory_space<vmem>>, vector<1x16xf32>,
      %scan3A_89 = arith.constant 0 : i32
      scf.yield %scan3A_89 : i32
    }
    %scan3A_8 = arith.constant 128 : i32
    %scan3A_9 = arith.constant 0 : i32
    %scan3A_10 = arith.constant 0 : i32
    %scan3A_11 = arith.constant 5 : i32
    %scan3A_12 = arith.addi %scan3A_10, %scan3A_11 : i32
    %scan3A_13 = arith.constant 1 : i32
    %scan3A_14 = scf.for %scan3A_48 = %scan3A_10 to %scan3A_12 step %scan3A_13 iter_args(%scan3A_49 = %scan3A_9) -> (i32)  : i32 {
      %mul3A_50 = arith.constant 640 : i32
      %mul3A_51 = arith.muli %arg1, %mul3A_50 : i32
      %mul3A_52 = arith.constant 128 : i32
      %mul3A_53 = arith.muli %scan3A_48, %mul3A_52 : i32
      %add3A = arith.addi %mul3A_51, %mul3A_53 : i32
      "tpu.region"() ({
        %run_scoped3A = tpu.sem_alloc : memref<!tpu.dma_semaphore, #tpu.memory_space<semaphore_mem>>
        %dma_start3A = arith.constant 0 : i32
        %dma_start3A_55 = tpu.memref_slice %arg4[%add3A, %dma_start3A] : memref<10240x128xf32, #tpu.memory_space<vmem_shared>> -> memref<128x128xf32, #tpu.memory_space<vmem_shared>>
        %dma_start3A_56 = arith.constant 0 : i32
        %dma_start3A_57 = tpu.memref_slice %arg4[%add3A, %dma_start3A_56] : memref<10240x128xf32, #tpu.memory_space<vmem_shared>> -> memref<128x128xf32, #tpu.memory_space<vmem_shared>>
        tpu.enqueue_dma source(%arg6 : memref<128x128xf32, #tpu.memory_space<vmem>>) target(%dma_start3A_57 : memref<128x128xf32, #tpu.memory_space<vmem_shared>>) target_semaphore(%run_scoped3A : memref<!tpu.dma_semaphore, #tpu.memory_space<semaphore_mem>>)
        %dma_wait3A = arith.constant 0 : i32
        %dma_wait3A_58 = tpu.memref_slice %arg4[%add3A, %dma_wait3A] : memref<10240x128xf32, #tpu.memory_space<vmem_shared>> -> memref<128x128xf32, #tpu.memory_space<vmem_shared>>
        %dma_wait3A_59 = arith.constant 0 : i32
        %dma_wait3A_60 = tpu.memref_slice %arg4[%add3A, %dma_wait3A_59] : memref<10240x128xf32, #tpu.memory_space<vmem_shared>> -> memref<128x128xf32, #tpu.memory_space<vmem_shared>>
        tpu.wait_dma2 semaphore(%run_scoped3A : memref<!tpu.dma_semaphore, #tpu.memory_space<semaphore_mem>>) src(%arg6 : memref<128x128xf32, #tpu.memory_space<vmem>>) dst(%dma_wait3A_60 : memref<128x128xf32, #tpu.memory_space<vmem_shared>>)
        tpu.yield
      }) : () -> ()
      %scan3A_54 = arith.constant 0 : i32
      scf.yield %scan3A_54 : i32
    }
    %scan3A_15 = arith.constant 5 : i32
    %scan3A_16 = arith.constant 0 : i32
    %scan3A_17 = arith.constant 0 : i32
    %scan3A_18 = arith.constant 128 : i32
    %scan3A_19 = arith.addi %scan3A_17, %scan3A_18 : i32
    %scan3A_20 = arith.constant 1 : i32
    %scan3A_21 = scf.for %scan3A_48 = %scan3A_17 to %scan3A_19 step %scan3A_20 iter_args(%scan3A_49 = %scan3A_16) -> (i32)  : i32 {
      %swap3A = arith.index_cast %scan3A_48 : i32 to index
      %swap3A_50 = arith.constant 0 : index
      %swap3A_51 = tpu.vector_load %arg6[%swap3A, %swap3A_50] {strides = array<i32>} : memref<128x128xf32, #tpu.memory_space<vmem>>, vector<1x16xf32>,
      %swap3A_52 = vector.shape_cast %swap3A_51 : vector<1x16xf32> to vector<16xf32>
      %swap3A_53 = vector.shape_cast %broadcast_in_dim3A_2 : vector<16xf32> to vector<1x16xf32>
      tpu.vector_store %arg6[%swap3A, %swap3A_50], %swap3A_53 {strides = array<i32>} : memref<128x128xf32, #tpu.memory_space<vmem>>, vector<1x16xf32>,
      %swap3A_54 = arith.index_cast %scan3A_48 : i32 to index
      %swap3A_55 = arith.constant 16 : index
      %swap3A_56 = tpu.vector_load %arg6[%swap3A_54, %swap3A_55] {strides = array<i32>} : memref<128x128xf32, #tpu.memory_space<vmem>>, vector<1x16xf32>,
      %swap3A_57 = vector.shape_cast %swap3A_56 : vector<1x16xf32> to vector<16xf32>
      %swap3A_58 = vector.shape_cast %broadcast_in_dim3A_2 : vector<16xf32> to vector<1x16xf32>
      tpu.vector_store %arg6[%swap3A_54, %swap3A_55], %swap3A_58 {strides = array<i32>} : memref<128x128xf32, #tpu.memory_space<vmem>>, vector<1x16xf32>,
      %swap3A_59 = arith.index_cast %scan3A_48 : i32 to index
      %swap3A_60 = arith.constant 32 : index
      %swap3A_61 = tpu.vector_load %arg6[%swap3A_59, %swap3A_60] {strides = array<i32>} : memref<128x128xf32, #tpu.memory_space<vmem>>, vector<1x16xf32>,
      %swap3A_62 = vector.shape_cast %swap3A_61 : vector<1x16xf32> to vector<16xf32>
      %swap3A_63 = vector.shape_cast %broadcast_in_dim3A_2 : vector<16xf32> to vector<1x16xf32>
      tpu.vector_store %arg6[%swap3A_59, %swap3A_60], %swap3A_63 {strides = array<i32>} : memref<128x128xf32, #tpu.memory_space<vmem>>, vector<1x16xf32>,
      %swap3A_64 = arith.index_cast %scan3A_48 : i32 to index
      %swap3A_65 = arith.constant 48 : index
      %swap3A_66 = tpu.vector_load %arg6[%swap3A_64, %swap3A_65] {strides = array<i32>} : memref<128x128xf32, #tpu.memory_space<vmem>>, vector<1x16xf32>,
      %swap3A_67 = vector.shape_cast %swap3A_66 : vector<1x16xf32> to vector<16xf32>
      %swap3A_68 = vector.shape_cast %broadcast_in_dim3A_2 : vector<16xf32> to vector<1x16xf32>
      tpu.vector_store %arg6[%swap3A_64, %swap3A_65], %swap3A_68 {strides = array<i32>} : memref<128x128xf32, #tpu.memory_space<vmem>>, vector<1x16xf32>,
      %swap3A_69 = arith.index_cast %scan3A_48 : i32 to index
      %swap3A_70 = arith.constant 64 : index
      %swap3A_71 = tpu.vector_load %arg6[%swap3A_69, %swap3A_70] {strides = array<i32>} : memref<128x128xf32, #tpu.memory_space<vmem>>, vector<1x16xf32>,
      %swap3A_72 = vector.shape_cast %swap3A_71 : vector<1x16xf32> to vector<16xf32>
      %swap3A_73 = vector.shape_cast %broadcast_in_dim3A_2 : vector<16xf32> to vector<1x16xf32>
      tpu.vector_store %arg6[%swap3A_69, %swap3A_70], %swap3A_73 {strides = array<i32>} : memref<128x128xf32, #tpu.memory_space<vmem>>, vector<1x16xf32>,
      %swap3A_74 = arith.index_cast %scan3A_48 : i32 to index
      %swap3A_75 = arith.constant 80 : index
      %swap3A_76 = tpu.vector_load %arg6[%swap3A_74, %swap3A_75] {strides = array<i32>} : memref<128x128xf32, #tpu.memory_space<vmem>>, vector<1x16xf32>,
      %swap3A_77 = vector.shape_cast %swap3A_76 : vector<1x16xf32> to vector<16xf32>
      %swap3A_78 = vector.shape_cast %broadcast_in_dim3A_2 : vector<16xf32> to vector<1x16xf32>
      tpu.vector_store %arg6[%swap3A_74, %swap3A_75], %swap3A_78 {strides = array<i32>} : memref<128x128xf32, #tpu.memory_space<vmem>>, vector<1x16xf32>,
      %swap3A_79 = arith.index_cast %scan3A_48 : i32 to index
      %swap3A_80 = arith.constant 96 : index
      %swap3A_81 = tpu.vector_load %arg6[%swap3A_79, %swap3A_80] {strides = array<i32>} : memref<128x128xf32, #tpu.memory_space<vmem>>, vector<1x16xf32>,
      %swap3A_82 = vector.shape_cast %swap3A_81 : vector<1x16xf32> to vector<16xf32>
      %swap3A_83 = vector.shape_cast %broadcast_in_dim3A_2 : vector<16xf32> to vector<1x16xf32>
      tpu.vector_store %arg6[%swap3A_79, %swap3A_80], %swap3A_83 {strides = array<i32>} : memref<128x128xf32, #tpu.memory_space<vmem>>, vector<1x16xf32>,
      %swap3A_84 = arith.index_cast %scan3A_48 : i32 to index
      %swap3A_85 = arith.constant 112 : index
      %swap3A_86 = tpu.vector_load %arg6[%swap3A_84, %swap3A_85] {strides = array<i32>} : memref<128x128xf32, #tpu.memory_space<vmem>>, vector<1x16xf32>,
      %swap3A_87 = vector.shape_cast %swap3A_86 : vector<1x16xf32> to vector<16xf32>
      %swap3A_88 = vector.shape_cast %broadcast_in_dim3A_2 : vector<16xf32> to vector<1x16xf32>
      tpu.vector_store %arg6[%swap3A_84, %swap3A_85], %swap3A_88 {strides = array<i32>} : memref<128x128xf32, #tpu.memory_space<vmem>>, vector<1x16xf32>,
      %scan3A_89 = arith.constant 0 : i32
      scf.yield %scan3A_89 : i32
    }
    %scan3A_22 = arith.constant 128 : i32
    %barrier3A = arith.constant 0 : index
    tpu.barrier barrier_id(%barrier3A)
    "tpu.region"() ({
      %run_scoped3A = tpu.sem_alloc : memref<!tpu.dma_semaphore, #tpu.memory_space<semaphore_mem>>
      %dma_start3A = arith.constant 0 : i32
      %dma_start3A_48 = arith.constant 0 : i32
      %dma_start3A_49 = tpu.memref_slice %arg2[%arg0, %arg1, %dma_start3A, %dma_start3A_48] : memref<2x16x157x128xi32, #tpu.memory_space<hbm>> -> memref<1x1x157x128xi32, #tpu.memory_space<hbm>>
      %dma_start3A_50 = tpu.memref_squeeze %dma_start3A_49 : memref<1x1x157x128xi32, #tpu.memory_space<hbm>> -> memref<157x128xi32, #tpu.memory_space<hbm>>
      %dma_start3A_51 = arith.constant 0 : i32
      %dma_start3A_52 = arith.constant 0 : i32
      %dma_start3A_53 = tpu.memref_slice %arg2[%arg0, %arg1, %dma_start3A_51, %dma_start3A_52] : memref<2x16x157x128xi32, #tpu.memory_space<hbm>> -> memref<1x1x157x128xi32, #tpu.memory_space<hbm>>
      %dma_start3A_54 = tpu.memref_squeeze %dma_start3A_53 : memref<1x1x157x128xi32, #tpu.memory_space<hbm>> -> memref<157x128xi32, #tpu.memory_space<hbm>>
      tpu.enqueue_dma source(%dma_start3A_54 : memref<157x128xi32, #tpu.memory_space<hbm>>) target(%arg5 : memref<157x128xi32, #tpu.memory_space<vmem>>) target_semaphore(%run_scoped3A : memref<!tpu.dma_semaphore, #tpu.memory_space<semaphore_mem>>)
      %dma_wait3A = arith.constant 0 : i32
      %dma_wait3A_55 = arith.constant 0 : i32
      %dma_wait3A_56 = tpu.memref_slice %arg2[%arg0, %arg1, %dma_wait3A, %dma_wait3A_55] : memref<2x16x157x128xi32, #tpu.memory_space<hbm>> -> memref<1x1x157x128xi32, #tpu.memory_space<hbm>>
      %dma_wait3A_57 = tpu.memref_squeeze %dma_wait3A_56 : memref<1x1x157x128xi32, #tpu.memory_space<hbm>> -> memref<157x128xi32, #tpu.memory_space<hbm>>
      %dma_wait3A_58 = arith.constant 0 : i32
      %dma_wait3A_59 = arith.constant 0 : i32
      %dma_wait3A_60 = tpu.memref_slice %arg2[%arg0, %arg1, %dma_wait3A_58, %dma_wait3A_59] : memref<2x16x157x128xi32, #tpu.memory_space<hbm>> -> memref<1x1x157x128xi32, #tpu.memory_space<hbm>>
      %dma_wait3A_61 = tpu.memref_squeeze %dma_wait3A_60 : memref<1x1x157x128xi32, #tpu.memory_space<hbm>> -> memref<157x128xi32, #tpu.memory_space<hbm>>
      tpu.wait_dma2 semaphore(%run_scoped3A : memref<!tpu.dma_semaphore, #tpu.memory_space<semaphore_mem>>) src(%dma_wait3A_61 : memref<157x128xi32, #tpu.memory_space<hbm>>) dst(%arg5 : memref<157x128xi32, #tpu.memory_space<vmem>>)
      tpu.yield
    }) : () -> ()
    %scan3A_23 = arith.constant 0 : i32
    %scan3A_24 = arith.constant 0 : i32
    %scan3A_25 = arith.constant 8 : i32
    %scan3A_26 = arith.addi %scan3A_24, %scan3A_25 : i32
    %scan3A_27 = arith.constant 1 : i32
    %scan3A_28 = scf.for %scan3A_48 = %scan3A_24 to %scan3A_26 step %scan3A_27 iter_args(%scan3A_49 = %scan3A_23) -> (i32)  : i32 {
      %dma_start3A = arith.constant 0 : i32
      %dma_start3A_50 = tpu.memref_slice %arg5[%scan3A_48, %dma_start3A] : memref<157x128xi32, #tpu.memory_space<vmem>> -> memref<1x128xi32, #tpu.memory_space<vmem>>
      %dma_start3A_51 = tpu.memref_squeeze %dma_start3A_50 : memref<1x128xi32, #tpu.memory_space<vmem>> -> memref<128xi32, #tpu.memory_space<vmem>>
      %dma_start3A_52 = arith.constant 0 : i32
      %dma_start3A_53 = arith.constant 0 : i32
      %dma_start3A_54 = tpu.memref_slice %arg4[%dma_start3A_52, %dma_start3A_53] : memref<10240x128xf32, #tpu.memory_space<vmem_shared>> -> memref<10240x128xf32, #tpu.memory_space<vmem_shared>>
      tpu.enqueue_indirect_dma source(%arg6 : memref<128x128xf32, #tpu.memory_space<vmem>>) target(%dma_start3A_54 : memref<10240x128xf32, #tpu.memory_space<vmem_shared>>) offsets(%dma_start3A_51 : memref<128xi32, #tpu.memory_space<vmem>>) semaphore(%arg7 : memref<!tpu.dma_semaphore, #tpu.memory_space<semaphore_mem>>) {add = true}
      %scan3A_55 = arith.constant 0 : i32
      scf.yield %scan3A_55 : i32
    }
    %scan3A_29 = arith.constant 8 : i32
    %scan3A_30 = arith.constant 0 : i32
    %scan3A_31 = arith.constant 0 : i32
    %scan3A_32 = arith.constant 149 : i32
    %scan3A_33 = arith.addi %scan3A_31, %scan3A_32 : i32
    %scan3A_34 = arith.constant 1 : i32
    %scan3A_35 = scf.for %scan3A_48 = %scan3A_31 to %scan3A_33 step %scan3A_34 iter_args(%scan3A_49 = %scan3A_30) -> (i32)  : i32 {
      %dma_wait3A = arith.constant 0 : i32
      %dma_wait3A_50 = arith.constant 0 : i32
      %dma_wait3A_51 = tpu.memref_slice %arg5[%dma_wait3A, %dma_wait3A_50] : memref<157x128xi32, #tpu.memory_space<vmem>> -> memref<1x128xi32, #tpu.memory_space<vmem>>
      %dma_wait3A_52 = tpu.memref_squeeze %dma_wait3A_51 : memref<1x128xi32, #tpu.memory_space<vmem>> -> memref<128xi32, #tpu.memory_space<vmem>>
      %dma_wait3A_53 = arith.constant 0 : i32
      %dma_wait3A_54 = arith.constant 0 : i32
      %dma_wait3A_55 = tpu.memref_slice %arg4[%dma_wait3A_53, %dma_wait3A_54] : memref<10240x128xf32, #tpu.memory_space<vmem_shared>> -> memref<10240x128xf32, #tpu.memory_space<vmem_shared>>
      tpu.wait_indirect_dma semaphore(%arg7 : memref<!tpu.dma_semaphore, #tpu.memory_space<semaphore_mem>>) src(%arg6 : memref<128x128xf32, #tpu.memory_space<vmem>>) dst(%dma_wait3A_55 : memref<10240x128xf32, #tpu.memory_space<vmem_shared>>)
      %add3A = arith.constant 8 : i32
      %add3A_56 = arith.addi %scan3A_48, %add3A : i32
      %dma_start3A = arith.constant 0 : i32
      %dma_start3A_57 = tpu.memref_slice %arg5[%add3A_56, %dma_start3A] : memref<157x128xi32, #tpu.memory_space<vmem>> -> memref<1x128xi32, #tpu.memory_space<vmem>>
      %dma_start3A_58 = tpu.memref_squeeze %dma_start3A_57 : memref<1x128xi32, #tpu.memory_space<vmem>> -> memref<128xi32, #tpu.memory_space<vmem>>
      %dma_start3A_59 = arith.constant 0 : i32
      %dma_start3A_60 = arith.constant 0 : i32
      %dma_start3A_61 = tpu.memref_slice %arg4[%dma_start3A_59, %dma_start3A_60] : memref<10240x128xf32, #tpu.memory_space<vmem_shared>> -> memref<10240x128xf32, #tpu.memory_space<vmem_shared>>
      tpu.enqueue_indirect_dma source(%arg6 : memref<128x128xf32, #tpu.memory_space<vmem>>) target(%dma_start3A_61 : memref<10240x128xf32, #tpu.memory_space<vmem_shared>>) offsets(%dma_start3A_58 : memref<128xi32, #tpu.memory_space<vmem>>) semaphore(%arg7 : memref<!tpu.dma_semaphore, #tpu.memory_space<semaphore_mem>>) {add = true}
      %scan3A_62 = arith.constant 0 : i32
      scf.yield %scan3A_62 : i32
    }
    %scan3A_36 = arith.constant 149 : i32
    %scan3A_37 = arith.constant 0 : i32
    %scan3A_38 = arith.constant 0 : i32
    %scan3A_39 = arith.constant 8 : i32
    %scan3A_40 = arith.addi %scan3A_38, %scan3A_39 : i32
    %scan3A_41 = arith.constant 1 : i32
    %scan3A_42 = scf.for %scan3A_48 = %scan3A_38 to %scan3A_40 step %scan3A_41 iter_args(%scan3A_49 = %scan3A_37) -> (i32)  : i32 {
      %dma_wait3A = arith.constant 0 : i32
      %dma_wait3A_50 = arith.constant 0 : i32
      %dma_wait3A_51 = tpu.memref_slice %arg5[%dma_wait3A, %dma_wait3A_50] : memref<157x128xi32, #tpu.memory_space<vmem>> -> memref<1x128xi32, #tpu.memory_space<vmem>>
      %dma_wait3A_52 = tpu.memref_squeeze %dma_wait3A_51 : memref<1x128xi32, #tpu.memory_space<vmem>> -> memref<128xi32, #tpu.memory_space<vmem>>
      %dma_wait3A_53 = arith.constant 0 : i32
      %dma_wait3A_54 = arith.constant 0 : i32
      %dma_wait3A_55 = tpu.memref_slice %arg4[%dma_wait3A_53, %dma_wait3A_54] : memref<10240x128xf32, #tpu.memory_space<vmem_shared>> -> memref<10240x128xf32, #tpu.memory_space<vmem_shared>>
      tpu.wait_indirect_dma semaphore(%arg7 : memref<!tpu.dma_semaphore, #tpu.memory_space<semaphore_mem>>) src(%arg6 : memref<128x128xf32, #tpu.memory_space<vmem>>) dst(%dma_wait3A_55 : memref<10240x128xf32, #tpu.memory_space<vmem_shared>>)
      %scan3A_56 = arith.constant 0 : i32
      scf.yield %scan3A_56 : i32
    }
    %scan3A_43 = arith.constant 8 : i32
    %barrier3A_44 = arith.constant 0 : index
    tpu.barrier barrier_id(%barrier3A_44)
    %mul3A = arith.constant 640 : i32
    %mul3A_45 = arith.muli %arg1, %mul3A : i32
    %mul3A_46 = arith.constant 640 : i32
    %mul3A_47 = arith.muli %arg1, %mul3A_46 : i32
    "tpu.region"() ({
      %run_scoped3A = tpu.sem_alloc : memref<!tpu.dma_semaphore, #tpu.memory_space<semaphore_mem>>
      %dma_start3A = arith.constant 0 : i32
      %dma_start3A_48 = tpu.memref_slice %arg3[%arg0, %mul3A_47, %dma_start3A] : memref<2x10240x128xf32, #tpu.memory_space<hbm>> -> memref<1x640x128xf32, #tpu.memory_space<hbm>>
      %dma_start3A_49 = tpu.memref_squeeze %dma_start3A_48 : memref<1x640x128xf32, #tpu.memory_space<hbm>> -> memref<640x128xf32, #tpu.memory_space<hbm>>
      %dma_start3A_50 = arith.constant 0 : i32
      %dma_start3A_51 = tpu.memref_slice %arg4[%mul3A_45, %dma_start3A_50] : memref<10240x128xf32, #tpu.memory_space<vmem_shared>> -> memref<640x128xf32, #tpu.memory_space<vmem_shared>>
      tpu.enqueue_dma source(%dma_start3A_51 : memref<640x128xf32, #tpu.memory_space<vmem_shared>>) target(%dma_start3A_49 : memref<640x128xf32, #tpu.memory_space<hbm>>) target_semaphore(%run_scoped3A : memref<!tpu.dma_semaphore, #tpu.memory_space<semaphore_mem>>)
      %dma_wait3A = arith.constant 0 : i32
      %dma_wait3A_52 = tpu.memref_slice %arg3[%arg0, %mul3A_47, %dma_wait3A] : memref<2x10240x128xf32, #tpu.memory_space<hbm>> -> memref<1x640x128xf32, #tpu.memory_space<hbm>>
      %dma_wait3A_53 = tpu.memref_squeeze %dma_wait3A_52 : memref<1x640x128xf32, #tpu.memory_space<hbm>> -> memref<640x128xf32, #tpu.memory_space<hbm>>
      %dma_wait3A_54 = arith.constant 0 : i32
      %dma_wait3A_55 = tpu.memref_slice %arg4[%mul3A_45, %dma_wait3A_54] : memref<10240x128xf32, #tpu.memory_space<vmem_shared>> -> memref<640x128xf32, #tpu.memory_space<vmem_shared>>
      tpu.wait_dma2 semaphore(%run_scoped3A : memref<!tpu.dma_semaphore, #tpu.memory_space<semaphore_mem>>) src(%dma_wait3A_55 : memref<640x128xf32, #tpu.memory_space<vmem_shared>>) dst(%dma_wait3A_53 : memref<640x128xf32, #tpu.memory_space<hbm>>)
      tpu.yield
    }) : () -> ()
    return
  }
}

#map = affine_map<(d0, d1) -> (0, 0)>
#map1 = affine_map<(d0, d1) -> (0, 0, 0, 0)>
#map2 = affine_map<(d0, d1) -> (0, 0, 0)>
module attributes {stable_mosaic.version = 14 : i64} {
  func.func @_spmv_body(%arg0: i32, %arg1: i32, %arg2: memref<10240x128xf32, #tpu.memory_space<hbm>>, %arg3: memref<32x84x2x128xi32, #tpu.memory_space<hbm>>, %arg4: memref<2x10240x128xf32, #tpu.memory_space<hbm>>, %arg5: memref<10240x128xf32, #tpu.memory_space<vmem_shared>>, %arg6: memref<2x128x128xf32, #tpu.memory_space<vmem>>, %arg7: memref<2x128xi32, #tpu.memory_space<vmem>>, %arg8: memref<2x128xi32, #tpu.memory_space<vmem>>, %arg9: memref<2x128xi32, #tpu.memory_space<vmem>>, %arg10: memref<2x128xi32, #tpu.memory_space<vmem>>, %arg11: memref<2x!tpu.dma_semaphore, #tpu.memory_space<semaphore_mem>>, %arg12: memref<4x!tpu.dma_semaphore, #tpu.memory_space<semaphore_mem>>, %arg13: memref<2x!tpu.dma_semaphore, #tpu.memory_space<semaphore_mem>>) attributes {dimension_semantics = [#tpu.dimension_semantics<core_parallel>, #tpu.dimension_semantics<subcore_parallel>], iteration_bounds = array<i64: 2, 16>, scalar_prefetch = 0 : i64, scratch_operands = 9 : i64, tpu.core_type = #tpu.core_type<sc_vector_subcore>, window_params = [{transform_indices = #map}, {transform_indices = #map1}, {transform_indices = #map2}]} {
    %mul3A = arith.constant 16 : i32
    %mul3A_0 = arith.muli %arg0, %mul3A : i32
    %add3A = arith.addi %mul3A_0, %arg1 : i32
    %broadcast_in_dim3A = arith.constant 0.000000e+00 : f32
    %broadcast_in_dim3A_1 = vector.broadcast %broadcast_in_dim3A : f32 to vector<16xf32>
    %scan3A = arith.constant 0 : i32
    %scan3A_2 = arith.constant 0 : i32
    %scan3A_3 = arith.constant 128 : i32
    %scan3A_4 = arith.addi %scan3A_2, %scan3A_3 : i32
    %scan3A_5 = arith.constant 1 : i32
    %scan3A_6 = scf.for %scan3A_451 = %scan3A_2 to %scan3A_4 step %scan3A_5 iter_args(%scan3A_452 = %scan3A) -> (i32)  : i32 {
      %swap3A = arith.constant 0 : i32
      %swap3A_453 = arith.index_cast %swap3A : i32 to index
      %swap3A_454 = arith.index_cast %scan3A_451 : i32 to index
      %swap3A_455 = arith.constant 0 : index
      %swap3A_456 = tpu.vector_load %arg6[%swap3A_453, %swap3A_454, %swap3A_455] {strides = array<i32>} : memref<2x128x128xf32, #tpu.memory_space<vmem>>, vector<1x1x16xf32>,
      %swap3A_457 = vector.shape_cast %swap3A_456 : vector<1x1x16xf32> to vector<16xf32>
      %swap3A_458 = vector.shape_cast %broadcast_in_dim3A_1 : vector<16xf32> to vector<1x1x16xf32>
      tpu.vector_store %arg6[%swap3A_453, %swap3A_454, %swap3A_455], %swap3A_458 {strides = array<i32>} : memref<2x128x128xf32, #tpu.memory_space<vmem>>, vector<1x1x16xf32>,
      %swap3A_459 = arith.constant 0 : i32
      %swap3A_460 = arith.index_cast %swap3A_459 : i32 to index
      %swap3A_461 = arith.index_cast %scan3A_451 : i32 to index
      %swap3A_462 = arith.constant 16 : index
      %swap3A_463 = tpu.vector_load %arg6[%swap3A_460, %swap3A_461, %swap3A_462] {strides = array<i32>} : memref<2x128x128xf32, #tpu.memory_space<vmem>>, vector<1x1x16xf32>,
      %swap3A_464 = vector.shape_cast %swap3A_463 : vector<1x1x16xf32> to vector<16xf32>
      %swap3A_465 = vector.shape_cast %broadcast_in_dim3A_1 : vector<16xf32> to vector<1x1x16xf32>
      tpu.vector_store %arg6[%swap3A_460, %swap3A_461, %swap3A_462], %swap3A_465 {strides = array<i32>} : memref<2x128x128xf32, #tpu.memory_space<vmem>>, vector<1x1x16xf32>,
      %swap3A_466 = arith.constant 0 : i32
      %swap3A_467 = arith.index_cast %swap3A_466 : i32 to index
      %swap3A_468 = arith.index_cast %scan3A_451 : i32 to index
      %swap3A_469 = arith.constant 32 : index
      %swap3A_470 = tpu.vector_load %arg6[%swap3A_467, %swap3A_468, %swap3A_469] {strides = array<i32>} : memref<2x128x128xf32, #tpu.memory_space<vmem>>, vector<1x1x16xf32>,
      %swap3A_471 = vector.shape_cast %swap3A_470 : vector<1x1x16xf32> to vector<16xf32>
      %swap3A_472 = vector.shape_cast %broadcast_in_dim3A_1 : vector<16xf32> to vector<1x1x16xf32>
      tpu.vector_store %arg6[%swap3A_467, %swap3A_468, %swap3A_469], %swap3A_472 {strides = array<i32>} : memref<2x128x128xf32, #tpu.memory_space<vmem>>, vector<1x1x16xf32>,
      %swap3A_473 = arith.constant 0 : i32
      %swap3A_474 = arith.index_cast %swap3A_473 : i32 to index
      %swap3A_475 = arith.index_cast %scan3A_451 : i32 to index
      %swap3A_476 = arith.constant 48 : index
      %swap3A_477 = tpu.vector_load %arg6[%swap3A_474, %swap3A_475, %swap3A_476] {strides = array<i32>} : memref<2x128x128xf32, #tpu.memory_space<vmem>>, vector<1x1x16xf32>,
      %swap3A_478 = vector.shape_cast %swap3A_477 : vector<1x1x16xf32> to vector<16xf32>
      %swap3A_479 = vector.shape_cast %broadcast_in_dim3A_1 : vector<16xf32> to vector<1x1x16xf32>
      tpu.vector_store %arg6[%swap3A_474, %swap3A_475, %swap3A_476], %swap3A_479 {strides = array<i32>} : memref<2x128x128xf32, #tpu.memory_space<vmem>>, vector<1x1x16xf32>,
      %swap3A_480 = arith.constant 0 : i32
      %swap3A_481 = arith.index_cast %swap3A_480 : i32 to index
      %swap3A_482 = arith.index_cast %scan3A_451 : i32 to index
      %swap3A_483 = arith.constant 64 : index
      %swap3A_484 = tpu.vector_load %arg6[%swap3A_481, %swap3A_482, %swap3A_483] {strides = array<i32>} : memref<2x128x128xf32, #tpu.memory_space<vmem>>, vector<1x1x16xf32>,
      %swap3A_485 = vector.shape_cast %swap3A_484 : vector<1x1x16xf32> to vector<16xf32>
      %swap3A_486 = vector.shape_cast %broadcast_in_dim3A_1 : vector<16xf32> to vector<1x1x16xf32>
      tpu.vector_store %arg6[%swap3A_481, %swap3A_482, %swap3A_483], %swap3A_486 {strides = array<i32>} : memref<2x128x128xf32, #tpu.memory_space<vmem>>, vector<1x1x16xf32>,
      %swap3A_487 = arith.constant 0 : i32
      %swap3A_488 = arith.index_cast %swap3A_487 : i32 to index
      %swap3A_489 = arith.index_cast %scan3A_451 : i32 to index
      %swap3A_490 = arith.constant 80 : index
      %swap3A_491 = tpu.vector_load %arg6[%swap3A_488, %swap3A_489, %swap3A_490] {strides = array<i32>} : memref<2x128x128xf32, #tpu.memory_space<vmem>>, vector<1x1x16xf32>,
      %swap3A_492 = vector.shape_cast %swap3A_491 : vector<1x1x16xf32> to vector<16xf32>
      %swap3A_493 = vector.shape_cast %broadcast_in_dim3A_1 : vector<16xf32> to vector<1x1x16xf32>
      tpu.vector_store %arg6[%swap3A_488, %swap3A_489, %swap3A_490], %swap3A_493 {strides = array<i32>} : memref<2x128x128xf32, #tpu.memory_space<vmem>>, vector<1x1x16xf32>,
      %swap3A_494 = arith.constant 0 : i32
      %swap3A_495 = arith.index_cast %swap3A_494 : i32 to index
      %swap3A_496 = arith.index_cast %scan3A_451 : i32 to index
      %swap3A_497 = arith.constant 96 : index
      %swap3A_498 = tpu.vector_load %arg6[%swap3A_495, %swap3A_496, %swap3A_497] {strides = array<i32>} : memref<2x128x128xf32, #tpu.memory_space<vmem>>, vector<1x1x16xf32>,
      %swap3A_499 = vector.shape_cast %swap3A_498 : vector<1x1x16xf32> to vector<16xf32>
      %swap3A_500 = vector.shape_cast %broadcast_in_dim3A_1 : vector<16xf32> to vector<1x1x16xf32>
      tpu.vector_store %arg6[%swap3A_495, %swap3A_496, %swap3A_497], %swap3A_500 {strides = array<i32>} : memref<2x128x128xf32, #tpu.memory_space<vmem>>, vector<1x1x16xf32>,
      %swap3A_501 = arith.constant 0 : i32
      %swap3A_502 = arith.index_cast %swap3A_501 : i32 to index
      %swap3A_503 = arith.index_cast %scan3A_451 : i32 to index
      %swap3A_504 = arith.constant 112 : index
      %swap3A_505 = tpu.vector_load %arg6[%swap3A_502, %swap3A_503, %swap3A_504] {strides = array<i32>} : memref<2x128x128xf32, #tpu.memory_space<vmem>>, vector<1x1x16xf32>,
      %swap3A_506 = vector.shape_cast %swap3A_505 : vector<1x1x16xf32> to vector<16xf32>
      %swap3A_507 = vector.shape_cast %broadcast_in_dim3A_1 : vector<16xf32> to vector<1x1x16xf32>
      tpu.vector_store %arg6[%swap3A_502, %swap3A_503, %swap3A_504], %swap3A_507 {strides = array<i32>} : memref<2x128x128xf32, #tpu.memory_space<vmem>>, vector<1x1x16xf32>,
      %scan3A_508 = arith.constant 0 : i32
      scf.yield %scan3A_508 : i32
    }
    %scan3A_7 = arith.constant 128 : i32
    %scan3A_8 = arith.constant 0 : i32
    %scan3A_9 = arith.constant 0 : i32
    %scan3A_10 = arith.constant 5 : i32
    %scan3A_11 = arith.addi %scan3A_9, %scan3A_10 : i32
    %scan3A_12 = arith.constant 1 : i32
    %scan3A_13 = scf.for %scan3A_451 = %scan3A_9 to %scan3A_11 step %scan3A_12 iter_args(%scan3A_452 = %scan3A_8) -> (i32)  : i32 {
      %mul3A_453 = arith.constant 640 : i32
      %mul3A_454 = arith.muli %arg1, %mul3A_453 : i32
      %mul3A_455 = arith.constant 128 : i32
      %mul3A_456 = arith.muli %scan3A_451, %mul3A_455 : i32
      %add3A_457 = arith.addi %mul3A_454, %mul3A_456 : i32
      %run_scoped3A_458 = arith.constant 0 : i32
      "tpu.region"() ({
        %run_scoped3A_460 = tpu.sem_alloc : memref<!tpu.dma_semaphore, #tpu.memory_space<semaphore_mem>>
        %dma_start3A_461 = arith.constant 0 : i32
        %dma_start3A_462 = arith.constant 0 : i32
        %dma_start3A_463 = tpu.memref_slice %arg6[%run_scoped3A_458, %dma_start3A_461, %dma_start3A_462] : memref<2x128x128xf32, #tpu.memory_space<vmem>> -> memref<1x128x128xf32, #tpu.memory_space<vmem>>
        %dma_start3A_464 = tpu.memref_squeeze %dma_start3A_463 : memref<1x128x128xf32, #tpu.memory_space<vmem>> -> memref<128x128xf32, #tpu.memory_space<vmem>>
        %dma_start3A_465 = arith.constant 0 : i32
        %dma_start3A_466 = tpu.memref_slice %arg5[%add3A_457, %dma_start3A_465] : memref<10240x128xf32, #tpu.memory_space<vmem_shared>> -> memref<128x128xf32, #tpu.memory_space<vmem_shared>>
        %dma_start3A_467 = arith.constant 0 : i32
        %dma_start3A_468 = tpu.memref_slice %arg5[%add3A_457, %dma_start3A_467] : memref<10240x128xf32, #tpu.memory_space<vmem_shared>> -> memref<128x128xf32, #tpu.memory_space<vmem_shared>>
        %dma_start3A_469 = arith.constant 0 : i32
        %dma_start3A_470 = arith.constant 0 : i32
        %dma_start3A_471 = tpu.memref_slice %arg6[%run_scoped3A_458, %dma_start3A_469, %dma_start3A_470] : memref<2x128x128xf32, #tpu.memory_space<vmem>> -> memref<1x128x128xf32, #tpu.memory_space<vmem>>
        %dma_start3A_472 = tpu.memref_squeeze %dma_start3A_471 : memref<1x128x128xf32, #tpu.memory_space<vmem>> -> memref<128x128xf32, #tpu.memory_space<vmem>>
        tpu.enqueue_dma source(%dma_start3A_472 : memref<128x128xf32, #tpu.memory_space<vmem>>) target(%dma_start3A_468 : memref<128x128xf32, #tpu.memory_space<vmem_shared>>) target_semaphore(%run_scoped3A_460 : memref<!tpu.dma_semaphore, #tpu.memory_space<semaphore_mem>>)
        %dma_wait3A_473 = arith.constant 0 : i32
        %dma_wait3A_474 = arith.constant 0 : i32
        %dma_wait3A_475 = tpu.memref_slice %arg6[%run_scoped3A_458, %dma_wait3A_473, %dma_wait3A_474] : memref<2x128x128xf32, #tpu.memory_space<vmem>> -> memref<1x128x128xf32, #tpu.memory_space<vmem>>
        %dma_wait3A_476 = tpu.memref_squeeze %dma_wait3A_475 : memref<1x128x128xf32, #tpu.memory_space<vmem>> -> memref<128x128xf32, #tpu.memory_space<vmem>>
        %dma_wait3A_477 = arith.constant 0 : i32
        %dma_wait3A_478 = tpu.memref_slice %arg5[%add3A_457, %dma_wait3A_477] : memref<10240x128xf32, #tpu.memory_space<vmem_shared>> -> memref<128x128xf32, #tpu.memory_space<vmem_shared>>
        %dma_wait3A_479 = arith.constant 0 : i32
        %dma_wait3A_480 = tpu.memref_slice %arg5[%add3A_457, %dma_wait3A_479] : memref<10240x128xf32, #tpu.memory_space<vmem_shared>> -> memref<128x128xf32, #tpu.memory_space<vmem_shared>>
        %dma_wait3A_481 = arith.constant 0 : i32
        %dma_wait3A_482 = arith.constant 0 : i32
        %dma_wait3A_483 = tpu.memref_slice %arg6[%run_scoped3A_458, %dma_wait3A_481, %dma_wait3A_482] : memref<2x128x128xf32, #tpu.memory_space<vmem>> -> memref<1x128x128xf32, #tpu.memory_space<vmem>>
        %dma_wait3A_484 = tpu.memref_squeeze %dma_wait3A_483 : memref<1x128x128xf32, #tpu.memory_space<vmem>> -> memref<128x128xf32, #tpu.memory_space<vmem>>
        tpu.wait_dma2 semaphore(%run_scoped3A_460 : memref<!tpu.dma_semaphore, #tpu.memory_space<semaphore_mem>>) src(%dma_wait3A_484 : memref<128x128xf32, #tpu.memory_space<vmem>>) dst(%dma_wait3A_480 : memref<128x128xf32, #tpu.memory_space<vmem_shared>>)
        tpu.yield
      }) : () -> ()
      %scan3A_459 = arith.constant 0 : i32
      scf.yield %scan3A_459 : i32
    }
    %scan3A_14 = arith.constant 5 : i32
    %barrier3A = arith.constant 0 : index
    tpu.barrier barrier_id(%barrier3A)
    %run_scoped3A = arith.constant 0 : i32
    "tpu.region"() ({
      %run_scoped3A_451 = tpu.sem_alloc : memref<!tpu.dma_semaphore, #tpu.memory_space<semaphore_mem>>
      %dma_start3A_452 = arith.constant 0 : i32
      %dma_start3A_453 = arith.constant 0 : i32
      %dma_start3A_454 = tpu.memref_slice %arg3[%add3A, %run_scoped3A, %dma_start3A_452, %dma_start3A_453] : memref<32x84x2x128xi32, #tpu.memory_space<hbm>> -> memref<1x1x2x128xi32, #tpu.memory_space<hbm>>
      %dma_start3A_455 = tpu.memref_squeeze %dma_start3A_454 : memref<1x1x2x128xi32, #tpu.memory_space<hbm>> -> memref<2x128xi32, #tpu.memory_space<hbm>>
      %dma_start3A_456 = arith.constant 0 : i32
      %dma_start3A_457 = arith.constant 0 : i32
      %dma_start3A_458 = tpu.memref_slice %arg3[%add3A, %run_scoped3A, %dma_start3A_456, %dma_start3A_457] : memref<32x84x2x128xi32, #tpu.memory_space<hbm>> -> memref<1x1x2x128xi32, #tpu.memory_space<hbm>>
      %dma_start3A_459 = tpu.memref_squeeze %dma_start3A_458 : memref<1x1x2x128xi32, #tpu.memory_space<hbm>> -> memref<2x128xi32, #tpu.memory_space<hbm>>
      tpu.enqueue_dma source(%dma_start3A_459 : memref<2x128xi32, #tpu.memory_space<hbm>>) target(%arg7 : memref<2x128xi32, #tpu.memory_space<vmem>>) target_semaphore(%run_scoped3A_451 : memref<!tpu.dma_semaphore, #tpu.memory_space<semaphore_mem>>)
      %dma_wait3A_460 = arith.constant 0 : i32
      %dma_wait3A_461 = arith.constant 0 : i32
      %dma_wait3A_462 = tpu.memref_slice %arg3[%add3A, %run_scoped3A, %dma_wait3A_460, %dma_wait3A_461] : memref<32x84x2x128xi32, #tpu.memory_space<hbm>> -> memref<1x1x2x128xi32, #tpu.memory_space<hbm>>
      %dma_wait3A_463 = tpu.memref_squeeze %dma_wait3A_462 : memref<1x1x2x128xi32, #tpu.memory_space<hbm>> -> memref<2x128xi32, #tpu.memory_space<hbm>>
      %dma_wait3A_464 = arith.constant 0 : i32
      %dma_wait3A_465 = arith.constant 0 : i32
      %dma_wait3A_466 = tpu.memref_slice %arg3[%add3A, %run_scoped3A, %dma_wait3A_464, %dma_wait3A_465] : memref<32x84x2x128xi32, #tpu.memory_space<hbm>> -> memref<1x1x2x128xi32, #tpu.memory_space<hbm>>
      %dma_wait3A_467 = tpu.memref_squeeze %dma_wait3A_466 : memref<1x1x2x128xi32, #tpu.memory_space<hbm>> -> memref<2x128xi32, #tpu.memory_space<hbm>>
      tpu.wait_dma2 semaphore(%run_scoped3A_451 : memref<!tpu.dma_semaphore, #tpu.memory_space<semaphore_mem>>) src(%dma_wait3A_467 : memref<2x128xi32, #tpu.memory_space<hbm>>) dst(%arg7 : memref<2x128xi32, #tpu.memory_space<vmem>>)
      tpu.yield
    }) : () -> ()
    %dma_start3A = arith.constant 0 : i32
    %dma_start3A_15 = arith.constant 0 : i32
    %dma_start3A_16 = arith.constant 0 : i32
    %dma_start3A_17 = arith.constant 0 : i32
    %dma_start3A_18 = arith.constant 0 : i32
    %dma_start3A_19 = tpu.memref_slice %arg6[%dma_start3A_15, %dma_start3A_17, %dma_start3A_18] : memref<2x128x128xf32, #tpu.memory_space<vmem>> -> memref<1x128x128xf32, #tpu.memory_space<vmem>>
    %dma_start3A_20 = tpu.memref_squeeze %dma_start3A_19 : memref<1x128x128xf32, #tpu.memory_space<vmem>> -> memref<128x128xf32, #tpu.memory_space<vmem>>
    %dma_start3A_21 = arith.constant 0 : i32
    %dma_start3A_22 = tpu.memref_slice %arg7[%dma_start3A, %dma_start3A_21] : memref<2x128xi32, #tpu.memory_space<vmem>> -> memref<1x128xi32, #tpu.memory_space<vmem>>
    %dma_start3A_23 = tpu.memref_squeeze %dma_start3A_22 : memref<1x128xi32, #tpu.memory_space<vmem>> -> memref<128xi32, #tpu.memory_space<vmem>>
    %dma_start3A_24 = arith.constant 0 : i32
    %dma_start3A_25 = arith.constant 0 : i32
    %dma_start3A_26 = tpu.memref_slice %arg2[%dma_start3A_24, %dma_start3A_25] : memref<10240x128xf32, #tpu.memory_space<hbm>> -> memref<10240x128xf32, #tpu.memory_space<hbm>>
    %dma_start3A_27 = tpu.memref_slice %arg11[%dma_start3A_16] : memref<2x!tpu.dma_semaphore, #tpu.memory_space<semaphore_mem>> -> memref<1x!tpu.dma_semaphore, #tpu.memory_space<semaphore_mem>>
    %dma_start3A_28 = tpu.memref_squeeze %dma_start3A_27 : memref<1x!tpu.dma_semaphore, #tpu.memory_space<semaphore_mem>> -> memref<!tpu.dma_semaphore, #tpu.memory_space<semaphore_mem>>
    tpu.enqueue_indirect_dma source(%dma_start3A_26 : memref<10240x128xf32, #tpu.memory_space<hbm>>) target(%dma_start3A_20 : memref<128x128xf32, #tpu.memory_space<vmem>>) offsets(%dma_start3A_23 : memref<128xi32, #tpu.memory_space<vmem>>) semaphore(%dma_start3A_28 : memref<!tpu.dma_semaphore, #tpu.memory_space<semaphore_mem>>)
    %dma_start3A_29 = arith.constant 1 : i32
    %dma_start3A_30 = arith.constant 1 : i32
    %dma_start3A_31 = arith.constant 0 : i32
    %dma_start3A_32 = arith.constant 0 : i32
    %dma_start3A_33 = tpu.memref_slice %arg3[%add3A, %dma_start3A_29, %dma_start3A_31, %dma_start3A_32] : memref<32x84x2x128xi32, #tpu.memory_space<hbm>> -> memref<1x1x2x128xi32, #tpu.memory_space<hbm>>
    %dma_start3A_34 = tpu.memref_squeeze %dma_start3A_33 : memref<1x1x2x128xi32, #tpu.memory_space<hbm>> -> memref<2x128xi32, #tpu.memory_space<hbm>>
    %dma_start3A_35 = tpu.memref_slice %arg12[%dma_start3A_30] : memref<4x!tpu.dma_semaphore, #tpu.memory_space<semaphore_mem>> -> memref<1x!tpu.dma_semaphore, #tpu.memory_space<semaphore_mem>>
    %dma_start3A_36 = tpu.memref_squeeze %dma_start3A_35 : memref<1x!tpu.dma_semaphore, #tpu.memory_space<semaphore_mem>> -> memref<!tpu.dma_semaphore, #tpu.memory_space<semaphore_mem>>
    %dma_start3A_37 = arith.constant 0 : i32
    %dma_start3A_38 = arith.constant 0 : i32
    %dma_start3A_39 = tpu.memref_slice %arg3[%add3A, %dma_start3A_29, %dma_start3A_37, %dma_start3A_38] : memref<32x84x2x128xi32, #tpu.memory_space<hbm>> -> memref<1x1x2x128xi32, #tpu.memory_space<hbm>>
    %dma_start3A_40 = tpu.memref_squeeze %dma_start3A_39 : memref<1x1x2x128xi32, #tpu.memory_space<hbm>> -> memref<2x128xi32, #tpu.memory_space<hbm>>
    tpu.enqueue_dma source(%dma_start3A_40 : memref<2x128xi32, #tpu.memory_space<hbm>>) target(%arg8 : memref<2x128xi32, #tpu.memory_space<vmem>>) target_semaphore(%dma_start3A_36 : memref<!tpu.dma_semaphore, #tpu.memory_space<semaphore_mem>>)
    %dma_start3A_41 = arith.constant 2 : i32
    %dma_start3A_42 = arith.constant 2 : i32
    %dma_start3A_43 = arith.constant 0 : i32
    %dma_start3A_44 = arith.constant 0 : i32
    %dma_start3A_45 = tpu.memref_slice %arg3[%add3A, %dma_start3A_41, %dma_start3A_43, %dma_start3A_44] : memref<32x84x2x128xi32, #tpu.memory_space<hbm>> -> memref<1x1x2x128xi32, #tpu.memory_space<hbm>>
    %dma_start3A_46 = tpu.memref_squeeze %dma_start3A_45 : memref<1x1x2x128xi32, #tpu.memory_space<hbm>> -> memref<2x128xi32, #tpu.memory_space<hbm>>
    %dma_start3A_47 = tpu.memref_slice %arg12[%dma_start3A_42] : memref<4x!tpu.dma_semaphore, #tpu.memory_space<semaphore_mem>> -> memref<1x!tpu.dma_semaphore, #tpu.memory_space<semaphore_mem>>
    %dma_start3A_48 = tpu.memref_squeeze %dma_start3A_47 : memref<1x!tpu.dma_semaphore, #tpu.memory_space<semaphore_mem>> -> memref<!tpu.dma_semaphore, #tpu.memory_space<semaphore_mem>>
    %dma_start3A_49 = arith.constant 0 : i32
    %dma_start3A_50 = arith.constant 0 : i32
    %dma_start3A_51 = tpu.memref_slice %arg3[%add3A, %dma_start3A_41, %dma_start3A_49, %dma_start3A_50] : memref<32x84x2x128xi32, #tpu.memory_space<hbm>> -> memref<1x1x2x128xi32, #tpu.memory_space<hbm>>
    %dma_start3A_52 = tpu.memref_squeeze %dma_start3A_51 : memref<1x1x2x128xi32, #tpu.memory_space<hbm>> -> memref<2x128xi32, #tpu.memory_space<hbm>>
    tpu.enqueue_dma source(%dma_start3A_52 : memref<2x128xi32, #tpu.memory_space<hbm>>) target(%arg9 : memref<2x128xi32, #tpu.memory_space<vmem>>) target_semaphore(%dma_start3A_48 : memref<!tpu.dma_semaphore, #tpu.memory_space<semaphore_mem>>)
    %dma_start3A_53 = arith.constant 3 : i32
    %dma_start3A_54 = arith.constant 3 : i32
    %dma_start3A_55 = arith.constant 0 : i32
    %dma_start3A_56 = arith.constant 0 : i32
    %dma_start3A_57 = tpu.memref_slice %arg3[%add3A, %dma_start3A_53, %dma_start3A_55, %dma_start3A_56] : memref<32x84x2x128xi32, #tpu.memory_space<hbm>> -> memref<1x1x2x128xi32, #tpu.memory_space<hbm>>
    %dma_start3A_58 = tpu.memref_squeeze %dma_start3A_57 : memref<1x1x2x128xi32, #tpu.memory_space<hbm>> -> memref<2x128xi32, #tpu.memory_space<hbm>>
    %dma_start3A_59 = tpu.memref_slice %arg12[%dma_start3A_54] : memref<4x!tpu.dma_semaphore, #tpu.memory_space<semaphore_mem>> -> memref<1x!tpu.dma_semaphore, #tpu.memory_space<semaphore_mem>>
    %dma_start3A_60 = tpu.memref_squeeze %dma_start3A_59 : memref<1x!tpu.dma_semaphore, #tpu.memory_space<semaphore_mem>> -> memref<!tpu.dma_semaphore, #tpu.memory_space<semaphore_mem>>
    %dma_start3A_61 = arith.constant 0 : i32
    %dma_start3A_62 = arith.constant 0 : i32
    %dma_start3A_63 = tpu.memref_slice %arg3[%add3A, %dma_start3A_53, %dma_start3A_61, %dma_start3A_62] : memref<32x84x2x128xi32, #tpu.memory_space<hbm>> -> memref<1x1x2x128xi32, #tpu.memory_space<hbm>>
    %dma_start3A_64 = tpu.memref_squeeze %dma_start3A_63 : memref<1x1x2x128xi32, #tpu.memory_space<hbm>> -> memref<2x128xi32, #tpu.memory_space<hbm>>
    tpu.enqueue_dma source(%dma_start3A_64 : memref<2x128xi32, #tpu.memory_space<hbm>>) target(%arg10 : memref<2x128xi32, #tpu.memory_space<vmem>>) target_semaphore(%dma_start3A_60 : memref<!tpu.dma_semaphore, #tpu.memory_space<semaphore_mem>>)
    %dma_wait3A = arith.constant 0 : i32
    %dma_wait3A_65 = arith.constant 1 : i32
    %dma_wait3A_66 = arith.constant 0 : i32
    %dma_wait3A_67 = arith.constant 0 : i32
    %dma_wait3A_68 = tpu.memref_slice %arg3[%add3A, %dma_wait3A, %dma_wait3A_66, %dma_wait3A_67] : memref<32x84x2x128xi32, #tpu.memory_space<hbm>> -> memref<1x1x2x128xi32, #tpu.memory_space<hbm>>
    %dma_wait3A_69 = tpu.memref_squeeze %dma_wait3A_68 : memref<1x1x2x128xi32, #tpu.memory_space<hbm>> -> memref<2x128xi32, #tpu.memory_space<hbm>>
    %dma_wait3A_70 = tpu.memref_slice %arg12[%dma_wait3A_65] : memref<4x!tpu.dma_semaphore, #tpu.memory_space<semaphore_mem>> -> memref<1x!tpu.dma_semaphore, #tpu.memory_space<semaphore_mem>>
    %dma_wait3A_71 = tpu.memref_squeeze %dma_wait3A_70 : memref<1x!tpu.dma_semaphore, #tpu.memory_space<semaphore_mem>> -> memref<!tpu.dma_semaphore, #tpu.memory_space<semaphore_mem>>
    %dma_wait3A_72 = arith.constant 0 : i32
    %dma_wait3A_73 = arith.constant 0 : i32
    %dma_wait3A_74 = tpu.memref_slice %arg3[%add3A, %dma_wait3A, %dma_wait3A_72, %dma_wait3A_73] : memref<32x84x2x128xi32, #tpu.memory_space<hbm>> -> memref<1x1x2x128xi32, #tpu.memory_space<hbm>>
    %dma_wait3A_75 = tpu.memref_squeeze %dma_wait3A_74 : memref<1x1x2x128xi32, #tpu.memory_space<hbm>> -> memref<2x128xi32, #tpu.memory_space<hbm>>
    tpu.wait_dma2 semaphore(%dma_wait3A_71 : memref<!tpu.dma_semaphore, #tpu.memory_space<semaphore_mem>>) src(%dma_wait3A_75 : memref<2x128xi32, #tpu.memory_space<hbm>>) dst(%arg8 : memref<2x128xi32, #tpu.memory_space<vmem>>)
    %dma_start3A_76 = arith.constant 0 : i32
    %dma_start3A_77 = arith.constant 1 : i32
    %dma_start3A_78 = arith.constant 1 : i32
    %dma_start3A_79 = arith.constant 0 : i32
    %dma_start3A_80 = arith.constant 0 : i32
    %dma_start3A_81 = tpu.memref_slice %arg6[%dma_start3A_77, %dma_start3A_79, %dma_start3A_80] : memref<2x128x128xf32, #tpu.memory_space<vmem>> -> memref<1x128x128xf32, #tpu.memory_space<vmem>>
    %dma_start3A_82 = tpu.memref_squeeze %dma_start3A_81 : memref<1x128x128xf32, #tpu.memory_space<vmem>> -> memref<128x128xf32, #tpu.memory_space<vmem>>
    %dma_start3A_83 = arith.constant 0 : i32
    %dma_start3A_84 = tpu.memref_slice %arg8[%dma_start3A_76, %dma_start3A_83] : memref<2x128xi32, #tpu.memory_space<vmem>> -> memref<1x128xi32, #tpu.memory_space<vmem>>
    %dma_start3A_85 = tpu.memref_squeeze %dma_start3A_84 : memref<1x128xi32, #tpu.memory_space<vmem>> -> memref<128xi32, #tpu.memory_space<vmem>>
    %dma_start3A_86 = arith.constant 0 : i32
    %dma_start3A_87 = arith.constant 0 : i32
    %dma_start3A_88 = tpu.memref_slice %arg2[%dma_start3A_86, %dma_start3A_87] : memref<10240x128xf32, #tpu.memory_space<hbm>> -> memref<10240x128xf32, #tpu.memory_space<hbm>>
    %dma_start3A_89 = tpu.memref_slice %arg11[%dma_start3A_78] : memref<2x!tpu.dma_semaphore, #tpu.memory_space<semaphore_mem>> -> memref<1x!tpu.dma_semaphore, #tpu.memory_space<semaphore_mem>>
    %dma_start3A_90 = tpu.memref_squeeze %dma_start3A_89 : memref<1x!tpu.dma_semaphore, #tpu.memory_space<semaphore_mem>> -> memref<!tpu.dma_semaphore, #tpu.memory_space<semaphore_mem>>
    tpu.enqueue_indirect_dma source(%dma_start3A_88 : memref<10240x128xf32, #tpu.memory_space<hbm>>) target(%dma_start3A_82 : memref<128x128xf32, #tpu.memory_space<vmem>>) offsets(%dma_start3A_85 : memref<128xi32, #tpu.memory_space<vmem>>) semaphore(%dma_start3A_90 : memref<!tpu.dma_semaphore, #tpu.memory_space<semaphore_mem>>)
    %dma_wait3A_91 = arith.constant 0 : i32
    %dma_wait3A_92 = arith.constant 0 : i32
    %dma_wait3A_93 = arith.constant 0 : i32
    %dma_wait3A_94 = arith.constant 0 : i32
    %dma_wait3A_95 = arith.constant 0 : i32
    %dma_wait3A_96 = tpu.memref_slice %arg6[%dma_wait3A_92, %dma_wait3A_94, %dma_wait3A_95] : memref<2x128x128xf32, #tpu.memory_space<vmem>> -> memref<1x128x128xf32, #tpu.memory_space<vmem>>
    %dma_wait3A_97 = tpu.memref_squeeze %dma_wait3A_96 : memref<1x128x128xf32, #tpu.memory_space<vmem>> -> memref<128x128xf32, #tpu.memory_space<vmem>>
    %dma_wait3A_98 = arith.constant 0 : i32
    %dma_wait3A_99 = tpu.memref_slice %arg7[%dma_wait3A_91, %dma_wait3A_98] : memref<2x128xi32, #tpu.memory_space<vmem>> -> memref<1x128xi32, #tpu.memory_space<vmem>>
    %dma_wait3A_100 = tpu.memref_squeeze %dma_wait3A_99 : memref<1x128xi32, #tpu.memory_space<vmem>> -> memref<128xi32, #tpu.memory_space<vmem>>
    %dma_wait3A_101 = arith.constant 0 : i32
    %dma_wait3A_102 = arith.constant 0 : i32
    %dma_wait3A_103 = tpu.memref_slice %arg2[%dma_wait3A_101, %dma_wait3A_102] : memref<10240x128xf32, #tpu.memory_space<hbm>> -> memref<10240x128xf32, #tpu.memory_space<hbm>>
    %dma_wait3A_104 = tpu.memref_slice %arg11[%dma_wait3A_93] : memref<2x!tpu.dma_semaphore, #tpu.memory_space<semaphore_mem>> -> memref<1x!tpu.dma_semaphore, #tpu.memory_space<semaphore_mem>>
    %dma_wait3A_105 = tpu.memref_squeeze %dma_wait3A_104 : memref<1x!tpu.dma_semaphore, #tpu.memory_space<semaphore_mem>> -> memref<!tpu.dma_semaphore, #tpu.memory_space<semaphore_mem>>
    tpu.wait_indirect_dma semaphore(%dma_wait3A_105 : memref<!tpu.dma_semaphore, #tpu.memory_space<semaphore_mem>>) src(%dma_wait3A_103 : memref<10240x128xf32, #tpu.memory_space<hbm>>) dst(%dma_wait3A_97 : memref<128x128xf32, #tpu.memory_space<vmem>>)
    %dma_start3A_106 = arith.constant 0 : i32
    %dma_start3A_107 = arith.constant 1 : i32
    %dma_start3A_108 = arith.constant 0 : i32
    %dma_start3A_109 = arith.constant 0 : i32
    %dma_start3A_110 = arith.constant 0 : i32
    %dma_start3A_111 = tpu.memref_slice %arg6[%dma_start3A_106, %dma_start3A_109, %dma_start3A_110] : memref<2x128x128xf32, #tpu.memory_space<vmem>> -> memref<1x128x128xf32, #tpu.memory_space<vmem>>
    %dma_start3A_112 = tpu.memref_squeeze %dma_start3A_111 : memref<1x128x128xf32, #tpu.memory_space<vmem>> -> memref<128x128xf32, #tpu.memory_space<vmem>>
    %dma_start3A_113 = arith.constant 0 : i32
    %dma_start3A_114 = tpu.memref_slice %arg7[%dma_start3A_107, %dma_start3A_113] : memref<2x128xi32, #tpu.memory_space<vmem>> -> memref<1x128xi32, #tpu.memory_space<vmem>>
    %dma_start3A_115 = tpu.memref_squeeze %dma_start3A_114 : memref<1x128xi32, #tpu.memory_space<vmem>> -> memref<128xi32, #tpu.memory_space<vmem>>
    %dma_start3A_116 = arith.constant 0 : i32
    %dma_start3A_117 = arith.constant 0 : i32
    %dma_start3A_118 = tpu.memref_slice %arg5[%dma_start3A_116, %dma_start3A_117] : memref<10240x128xf32, #tpu.memory_space<vmem_shared>> -> memref<10240x128xf32, #tpu.memory_space<vmem_shared>>
    %dma_start3A_119 = tpu.memref_slice %arg13[%dma_start3A_108] : memref<2x!tpu.dma_semaphore, #tpu.memory_space<semaphore_mem>> -> memref<1x!tpu.dma_semaphore, #tpu.memory_space<semaphore_mem>>
    %dma_start3A_120 = tpu.memref_squeeze %dma_start3A_119 : memref<1x!tpu.dma_semaphore, #tpu.memory_space<semaphore_mem>> -> memref<!tpu.dma_semaphore, #tpu.memory_space<semaphore_mem>>
    tpu.enqueue_indirect_dma source(%dma_start3A_112 : memref<128x128xf32, #tpu.memory_space<vmem>>) target(%dma_start3A_118 : memref<10240x128xf32, #tpu.memory_space<vmem_shared>>) offsets(%dma_start3A_115 : memref<128xi32, #tpu.memory_space<vmem>>) semaphore(%dma_start3A_120 : memref<!tpu.dma_semaphore, #tpu.memory_space<semaphore_mem>>) {add = true}
    %dma_wait3A_121 = arith.constant 0 : i32
    %dma_wait3A_122 = arith.constant 2 : i32
    %dma_wait3A_123 = arith.constant 0 : i32
    %dma_wait3A_124 = arith.constant 0 : i32
    %dma_wait3A_125 = tpu.memref_slice %arg3[%add3A, %dma_wait3A_121, %dma_wait3A_123, %dma_wait3A_124] : memref<32x84x2x128xi32, #tpu.memory_space<hbm>> -> memref<1x1x2x128xi32, #tpu.memory_space<hbm>>
    %dma_wait3A_126 = tpu.memref_squeeze %dma_wait3A_125 : memref<1x1x2x128xi32, #tpu.memory_space<hbm>> -> memref<2x128xi32, #tpu.memory_space<hbm>>
    %dma_wait3A_127 = tpu.memref_slice %arg12[%dma_wait3A_122] : memref<4x!tpu.dma_semaphore, #tpu.memory_space<semaphore_mem>> -> memref<1x!tpu.dma_semaphore, #tpu.memory_space<semaphore_mem>>
    %dma_wait3A_128 = tpu.memref_squeeze %dma_wait3A_127 : memref<1x!tpu.dma_semaphore, #tpu.memory_space<semaphore_mem>> -> memref<!tpu.dma_semaphore, #tpu.memory_space<semaphore_mem>>
    %dma_wait3A_129 = arith.constant 0 : i32
    %dma_wait3A_130 = arith.constant 0 : i32
    %dma_wait3A_131 = tpu.memref_slice %arg3[%add3A, %dma_wait3A_121, %dma_wait3A_129, %dma_wait3A_130] : memref<32x84x2x128xi32, #tpu.memory_space<hbm>> -> memref<1x1x2x128xi32, #tpu.memory_space<hbm>>
    %dma_wait3A_132 = tpu.memref_squeeze %dma_wait3A_131 : memref<1x1x2x128xi32, #tpu.memory_space<hbm>> -> memref<2x128xi32, #tpu.memory_space<hbm>>
    tpu.wait_dma2 semaphore(%dma_wait3A_128 : memref<!tpu.dma_semaphore, #tpu.memory_space<semaphore_mem>>) src(%dma_wait3A_132 : memref<2x128xi32, #tpu.memory_space<hbm>>) dst(%arg9 : memref<2x128xi32, #tpu.memory_space<vmem>>)
    %dma_wait3A_133 = arith.constant 0 : i32
    %dma_wait3A_134 = arith.constant 0 : i32
    %dma_wait3A_135 = arith.constant 0 : i32
    %dma_wait3A_136 = arith.constant 0 : i32
    %dma_wait3A_137 = tpu.memref_slice %arg6[%dma_wait3A_133, %dma_wait3A_135, %dma_wait3A_136] : memref<2x128x128xf32, #tpu.memory_space<vmem>> -> memref<1x128x128xf32, #tpu.memory_space<vmem>>
    %dma_wait3A_138 = tpu.memref_squeeze %dma_wait3A_137 : memref<1x128x128xf32, #tpu.memory_space<vmem>> -> memref<128x128xf32, #tpu.memory_space<vmem>>
    %dma_wait3A_139 = arith.constant 0 : i32
    %dma_wait3A_140 = arith.constant 0 : i32
    %dma_wait3A_141 = tpu.memref_slice %arg5[%dma_wait3A_139, %dma_wait3A_140] : memref<10240x128xf32, #tpu.memory_space<vmem_shared>> -> memref<128x128xf32, #tpu.memory_space<vmem_shared>>
    %dma_wait3A_142 = tpu.memref_slice %arg13[%dma_wait3A_134] : memref<2x!tpu.dma_semaphore, #tpu.memory_space<semaphore_mem>> -> memref<1x!tpu.dma_semaphore, #tpu.memory_space<semaphore_mem>>
    %dma_wait3A_143 = tpu.memref_squeeze %dma_wait3A_142 : memref<1x!tpu.dma_semaphore, #tpu.memory_space<semaphore_mem>> -> memref<!tpu.dma_semaphore, #tpu.memory_space<semaphore_mem>>
    %dma_wait3A_144 = arith.constant 0 : i32
    %dma_wait3A_145 = arith.constant 0 : i32
    %dma_wait3A_146 = tpu.memref_slice %arg5[%dma_wait3A_144, %dma_wait3A_145] : memref<10240x128xf32, #tpu.memory_space<vmem_shared>> -> memref<128x128xf32, #tpu.memory_space<vmem_shared>>
    %dma_wait3A_147 = arith.constant 0 : i32
    %dma_wait3A_148 = arith.constant 0 : i32
    %dma_wait3A_149 = tpu.memref_slice %arg6[%dma_wait3A_133, %dma_wait3A_147, %dma_wait3A_148] : memref<2x128x128xf32, #tpu.memory_space<vmem>> -> memref<1x128x128xf32, #tpu.memory_space<vmem>>
    %dma_wait3A_150 = tpu.memref_squeeze %dma_wait3A_149 : memref<1x128x128xf32, #tpu.memory_space<vmem>> -> memref<128x128xf32, #tpu.memory_space<vmem>>
    tpu.wait_dma2 semaphore(%dma_wait3A_143 : memref<!tpu.dma_semaphore, #tpu.memory_space<semaphore_mem>>) src(%dma_wait3A_150 : memref<128x128xf32, #tpu.memory_space<vmem>>) dst(%dma_wait3A_146 : memref<128x128xf32, #tpu.memory_space<vmem_shared>>)
    %dma_start3A_151 = arith.constant 4 : i32
    %dma_start3A_152 = arith.constant 0 : i32
    %dma_start3A_153 = arith.constant 0 : i32
    %dma_start3A_154 = arith.constant 0 : i32
    %dma_start3A_155 = tpu.memref_slice %arg3[%add3A, %dma_start3A_151, %dma_start3A_153, %dma_start3A_154] : memref<32x84x2x128xi32, #tpu.memory_space<hbm>> -> memref<1x1x2x128xi32, #tpu.memory_space<hbm>>
    %dma_start3A_156 = tpu.memref_squeeze %dma_start3A_155 : memref<1x1x2x128xi32, #tpu.memory_space<hbm>> -> memref<2x128xi32, #tpu.memory_space<hbm>>
    %dma_start3A_157 = tpu.memref_slice %arg12[%dma_start3A_152] : memref<4x!tpu.dma_semaphore, #tpu.memory_space<semaphore_mem>> -> memref<1x!tpu.dma_semaphore, #tpu.memory_space<semaphore_mem>>
    %dma_start3A_158 = tpu.memref_squeeze %dma_start3A_157 : memref<1x!tpu.dma_semaphore, #tpu.memory_space<semaphore_mem>> -> memref<!tpu.dma_semaphore, #tpu.memory_space<semaphore_mem>>
    %dma_start3A_159 = arith.constant 0 : i32
    %dma_start3A_160 = arith.constant 0 : i32
    %dma_start3A_161 = tpu.memref_slice %arg3[%add3A, %dma_start3A_151, %dma_start3A_159, %dma_start3A_160] : memref<32x84x2x128xi32, #tpu.memory_space<hbm>> -> memref<1x1x2x128xi32, #tpu.memory_space<hbm>>
    %dma_start3A_162 = tpu.memref_squeeze %dma_start3A_161 : memref<1x1x2x128xi32, #tpu.memory_space<hbm>> -> memref<2x128xi32, #tpu.memory_space<hbm>>
    tpu.enqueue_dma source(%dma_start3A_162 : memref<2x128xi32, #tpu.memory_space<hbm>>) target(%arg7 : memref<2x128xi32, #tpu.memory_space<vmem>>) target_semaphore(%dma_start3A_158 : memref<!tpu.dma_semaphore, #tpu.memory_space<semaphore_mem>>)
    %dma_start3A_163 = arith.constant 0 : i32
    %dma_start3A_164 = arith.constant 0 : i32
    %dma_start3A_165 = arith.constant 0 : i32
    %dma_start3A_166 = arith.constant 0 : i32
    %dma_start3A_167 = arith.constant 0 : i32
    %dma_start3A_168 = tpu.memref_slice %arg6[%dma_start3A_164, %dma_start3A_166, %dma_start3A_167] : memref<2x128x128xf32, #tpu.memory_space<vmem>> -> memref<1x128x128xf32, #tpu.memory_space<vmem>>
    %dma_start3A_169 = tpu.memref_squeeze %dma_start3A_168 : memref<1x128x128xf32, #tpu.memory_space<vmem>> -> memref<128x128xf32, #tpu.memory_space<vmem>>
    %dma_start3A_170 = arith.constant 0 : i32
    %dma_start3A_171 = tpu.memref_slice %arg9[%dma_start3A_163, %dma_start3A_170] : memref<2x128xi32, #tpu.memory_space<vmem>> -> memref<1x128xi32, #tpu.memory_space<vmem>>
    %dma_start3A_172 = tpu.memref_squeeze %dma_start3A_171 : memref<1x128xi32, #tpu.memory_space<vmem>> -> memref<128xi32, #tpu.memory_space<vmem>>
    %dma_start3A_173 = arith.constant 0 : i32
    %dma_start3A_174 = arith.constant 0 : i32
    %dma_start3A_175 = tpu.memref_slice %arg2[%dma_start3A_173, %dma_start3A_174] : memref<10240x128xf32, #tpu.memory_space<hbm>> -> memref<10240x128xf32, #tpu.memory_space<hbm>>
    %dma_start3A_176 = tpu.memref_slice %arg11[%dma_start3A_165] : memref<2x!tpu.dma_semaphore, #tpu.memory_space<semaphore_mem>> -> memref<1x!tpu.dma_semaphore, #tpu.memory_space<semaphore_mem>>
    %dma_start3A_177 = tpu.memref_squeeze %dma_start3A_176 : memref<1x!tpu.dma_semaphore, #tpu.memory_space<semaphore_mem>> -> memref<!tpu.dma_semaphore, #tpu.memory_space<semaphore_mem>>
    tpu.enqueue_indirect_dma source(%dma_start3A_175 : memref<10240x128xf32, #tpu.memory_space<hbm>>) target(%dma_start3A_169 : memref<128x128xf32, #tpu.memory_space<vmem>>) offsets(%dma_start3A_172 : memref<128xi32, #tpu.memory_space<vmem>>) semaphore(%dma_start3A_177 : memref<!tpu.dma_semaphore, #tpu.memory_space<semaphore_mem>>)
    %dma_wait3A_178 = arith.constant 0 : i32
    %dma_wait3A_179 = arith.constant 1 : i32
    %dma_wait3A_180 = arith.constant 1 : i32
    %dma_wait3A_181 = arith.constant 0 : i32
    %dma_wait3A_182 = arith.constant 0 : i32
    %dma_wait3A_183 = tpu.memref_slice %arg6[%dma_wait3A_179, %dma_wait3A_181, %dma_wait3A_182] : memref<2x128x128xf32, #tpu.memory_space<vmem>> -> memref<1x128x128xf32, #tpu.memory_space<vmem>>
    %dma_wait3A_184 = tpu.memref_squeeze %dma_wait3A_183 : memref<1x128x128xf32, #tpu.memory_space<vmem>> -> memref<128x128xf32, #tpu.memory_space<vmem>>
    %dma_wait3A_185 = arith.constant 0 : i32
    %dma_wait3A_186 = tpu.memref_slice %arg8[%dma_wait3A_178, %dma_wait3A_185] : memref<2x128xi32, #tpu.memory_space<vmem>> -> memref<1x128xi32, #tpu.memory_space<vmem>>
    %dma_wait3A_187 = tpu.memref_squeeze %dma_wait3A_186 : memref<1x128xi32, #tpu.memory_space<vmem>> -> memref<128xi32, #tpu.memory_space<vmem>>
    %dma_wait3A_188 = arith.constant 0 : i32
    %dma_wait3A_189 = arith.constant 0 : i32
    %dma_wait3A_190 = tpu.memref_slice %arg2[%dma_wait3A_188, %dma_wait3A_189] : memref<10240x128xf32, #tpu.memory_space<hbm>> -> memref<10240x128xf32, #tpu.memory_space<hbm>>
    %dma_wait3A_191 = tpu.memref_slice %arg11[%dma_wait3A_180] : memref<2x!tpu.dma_semaphore, #tpu.memory_space<semaphore_mem>> -> memref<1x!tpu.dma_semaphore, #tpu.memory_space<semaphore_mem>>
    %dma_wait3A_192 = tpu.memref_squeeze %dma_wait3A_191 : memref<1x!tpu.dma_semaphore, #tpu.memory_space<semaphore_mem>> -> memref<!tpu.dma_semaphore, #tpu.memory_space<semaphore_mem>>
    tpu.wait_indirect_dma semaphore(%dma_wait3A_192 : memref<!tpu.dma_semaphore, #tpu.memory_space<semaphore_mem>>) src(%dma_wait3A_190 : memref<10240x128xf32, #tpu.memory_space<hbm>>) dst(%dma_wait3A_184 : memref<128x128xf32, #tpu.memory_space<vmem>>)
    %dma_start3A_193 = arith.constant 1 : i32
    %dma_start3A_194 = arith.constant 1 : i32
    %dma_start3A_195 = arith.constant 1 : i32
    %dma_start3A_196 = arith.constant 0 : i32
    %dma_start3A_197 = arith.constant 0 : i32
    %dma_start3A_198 = tpu.memref_slice %arg6[%dma_start3A_193, %dma_start3A_196, %dma_start3A_197] : memref<2x128x128xf32, #tpu.memory_space<vmem>> -> memref<1x128x128xf32, #tpu.memory_space<vmem>>
    %dma_start3A_199 = tpu.memref_squeeze %dma_start3A_198 : memref<1x128x128xf32, #tpu.memory_space<vmem>> -> memref<128x128xf32, #tpu.memory_space<vmem>>
    %dma_start3A_200 = arith.constant 0 : i32
    %dma_start3A_201 = tpu.memref_slice %arg8[%dma_start3A_194, %dma_start3A_200] : memref<2x128xi32, #tpu.memory_space<vmem>> -> memref<1x128xi32, #tpu.memory_space<vmem>>
    %dma_start3A_202 = tpu.memref_squeeze %dma_start3A_201 : memref<1x128xi32, #tpu.memory_space<vmem>> -> memref<128xi32, #tpu.memory_space<vmem>>
    %dma_start3A_203 = arith.constant 0 : i32
    %dma_start3A_204 = arith.constant 0 : i32
    %dma_start3A_205 = tpu.memref_slice %arg5[%dma_start3A_203, %dma_start3A_204] : memref<10240x128xf32, #tpu.memory_space<vmem_shared>> -> memref<10240x128xf32, #tpu.memory_space<vmem_shared>>
    %dma_start3A_206 = tpu.memref_slice %arg13[%dma_start3A_195] : memref<2x!tpu.dma_semaphore, #tpu.memory_space<semaphore_mem>> -> memref<1x!tpu.dma_semaphore, #tpu.memory_space<semaphore_mem>>
    %dma_start3A_207 = tpu.memref_squeeze %dma_start3A_206 : memref<1x!tpu.dma_semaphore, #tpu.memory_space<semaphore_mem>> -> memref<!tpu.dma_semaphore, #tpu.memory_space<semaphore_mem>>
    tpu.enqueue_indirect_dma source(%dma_start3A_199 : memref<128x128xf32, #tpu.memory_space<vmem>>) target(%dma_start3A_205 : memref<10240x128xf32, #tpu.memory_space<vmem_shared>>) offsets(%dma_start3A_202 : memref<128xi32, #tpu.memory_space<vmem>>) semaphore(%dma_start3A_207 : memref<!tpu.dma_semaphore, #tpu.memory_space<semaphore_mem>>) {add = true}
    %dma_wait3A_208 = arith.constant 0 : i32
    %dma_wait3A_209 = arith.constant 3 : i32
    %dma_wait3A_210 = arith.constant 0 : i32
    %dma_wait3A_211 = arith.constant 0 : i32
    %dma_wait3A_212 = tpu.memref_slice %arg3[%add3A, %dma_wait3A_208, %dma_wait3A_210, %dma_wait3A_211] : memref<32x84x2x128xi32, #tpu.memory_space<hbm>> -> memref<1x1x2x128xi32, #tpu.memory_space<hbm>>
    %dma_wait3A_213 = tpu.memref_squeeze %dma_wait3A_212 : memref<1x1x2x128xi32, #tpu.memory_space<hbm>> -> memref<2x128xi32, #tpu.memory_space<hbm>>
    %dma_wait3A_214 = tpu.memref_slice %arg12[%dma_wait3A_209] : memref<4x!tpu.dma_semaphore, #tpu.memory_space<semaphore_mem>> -> memref<1x!tpu.dma_semaphore, #tpu.memory_space<semaphore_mem>>
    %dma_wait3A_215 = tpu.memref_squeeze %dma_wait3A_214 : memref<1x!tpu.dma_semaphore, #tpu.memory_space<semaphore_mem>> -> memref<!tpu.dma_semaphore, #tpu.memory_space<semaphore_mem>>
    %dma_wait3A_216 = arith.constant 0 : i32
    %dma_wait3A_217 = arith.constant 0 : i32
    %dma_wait3A_218 = tpu.memref_slice %arg3[%add3A, %dma_wait3A_208, %dma_wait3A_216, %dma_wait3A_217] : memref<32x84x2x128xi32, #tpu.memory_space<hbm>> -> memref<1x1x2x128xi32, #tpu.memory_space<hbm>>
    %dma_wait3A_219 = tpu.memref_squeeze %dma_wait3A_218 : memref<1x1x2x128xi32, #tpu.memory_space<hbm>> -> memref<2x128xi32, #tpu.memory_space<hbm>>
    tpu.wait_dma2 semaphore(%dma_wait3A_215 : memref<!tpu.dma_semaphore, #tpu.memory_space<semaphore_mem>>) src(%dma_wait3A_219 : memref<2x128xi32, #tpu.memory_space<hbm>>) dst(%arg10 : memref<2x128xi32, #tpu.memory_space<vmem>>)
    %dma_wait3A_220 = arith.constant 1 : i32
    %dma_wait3A_221 = arith.constant 1 : i32
    %dma_wait3A_222 = arith.constant 0 : i32
    %dma_wait3A_223 = arith.constant 0 : i32
    %dma_wait3A_224 = tpu.memref_slice %arg6[%dma_wait3A_220, %dma_wait3A_222, %dma_wait3A_223] : memref<2x128x128xf32, #tpu.memory_space<vmem>> -> memref<1x128x128xf32, #tpu.memory_space<vmem>>
    %dma_wait3A_225 = tpu.memref_squeeze %dma_wait3A_224 : memref<1x128x128xf32, #tpu.memory_space<vmem>> -> memref<128x128xf32, #tpu.memory_space<vmem>>
    %dma_wait3A_226 = arith.constant 0 : i32
    %dma_wait3A_227 = arith.constant 0 : i32
    %dma_wait3A_228 = tpu.memref_slice %arg5[%dma_wait3A_226, %dma_wait3A_227] : memref<10240x128xf32, #tpu.memory_space<vmem_shared>> -> memref<128x128xf32, #tpu.memory_space<vmem_shared>>
    %dma_wait3A_229 = tpu.memref_slice %arg13[%dma_wait3A_221] : memref<2x!tpu.dma_semaphore, #tpu.memory_space<semaphore_mem>> -> memref<1x!tpu.dma_semaphore, #tpu.memory_space<semaphore_mem>>
    %dma_wait3A_230 = tpu.memref_squeeze %dma_wait3A_229 : memref<1x!tpu.dma_semaphore, #tpu.memory_space<semaphore_mem>> -> memref<!tpu.dma_semaphore, #tpu.memory_space<semaphore_mem>>
    %dma_wait3A_231 = arith.constant 0 : i32
    %dma_wait3A_232 = arith.constant 0 : i32
    %dma_wait3A_233 = tpu.memref_slice %arg5[%dma_wait3A_231, %dma_wait3A_232] : memref<10240x128xf32, #tpu.memory_space<vmem_shared>> -> memref<128x128xf32, #tpu.memory_space<vmem_shared>>
    %dma_wait3A_234 = arith.constant 0 : i32
    %dma_wait3A_235 = arith.constant 0 : i32
    %dma_wait3A_236 = tpu.memref_slice %arg6[%dma_wait3A_220, %dma_wait3A_234, %dma_wait3A_235] : memref<2x128x128xf32, #tpu.memory_space<vmem>> -> memref<1x128x128xf32, #tpu.memory_space<vmem>>
    %dma_wait3A_237 = tpu.memref_squeeze %dma_wait3A_236 : memref<1x128x128xf32, #tpu.memory_space<vmem>> -> memref<128x128xf32, #tpu.memory_space<vmem>>
    tpu.wait_dma2 semaphore(%dma_wait3A_230 : memref<!tpu.dma_semaphore, #tpu.memory_space<semaphore_mem>>) src(%dma_wait3A_237 : memref<128x128xf32, #tpu.memory_space<vmem>>) dst(%dma_wait3A_233 : memref<128x128xf32, #tpu.memory_space<vmem_shared>>)
    %dma_start3A_238 = arith.constant 5 : i32
    %dma_start3A_239 = arith.constant 1 : i32
    %dma_start3A_240 = arith.constant 0 : i32
    %dma_start3A_241 = arith.constant 0 : i32
    %dma_start3A_242 = tpu.memref_slice %arg3[%add3A, %dma_start3A_238, %dma_start3A_240, %dma_start3A_241] : memref<32x84x2x128xi32, #tpu.memory_space<hbm>> -> memref<1x1x2x128xi32, #tpu.memory_space<hbm>>
    %dma_start3A_243 = tpu.memref_squeeze %dma_start3A_242 : memref<1x1x2x128xi32, #tpu.memory_space<hbm>> -> memref<2x128xi32, #tpu.memory_space<hbm>>
    %dma_start3A_244 = tpu.memref_slice %arg12[%dma_start3A_239] : memref<4x!tpu.dma_semaphore, #tpu.memory_space<semaphore_mem>> -> memref<1x!tpu.dma_semaphore, #tpu.memory_space<semaphore_mem>>
    %dma_start3A_245 = tpu.memref_squeeze %dma_start3A_244 : memref<1x!tpu.dma_semaphore, #tpu.memory_space<semaphore_mem>> -> memref<!tpu.dma_semaphore, #tpu.memory_space<semaphore_mem>>
    %dma_start3A_246 = arith.constant 0 : i32
    %dma_start3A_247 = arith.constant 0 : i32
    %dma_start3A_248 = tpu.memref_slice %arg3[%add3A, %dma_start3A_238, %dma_start3A_246, %dma_start3A_247] : memref<32x84x2x128xi32, #tpu.memory_space<hbm>> -> memref<1x1x2x128xi32, #tpu.memory_space<hbm>>
    %dma_start3A_249 = tpu.memref_squeeze %dma_start3A_248 : memref<1x1x2x128xi32, #tpu.memory_space<hbm>> -> memref<2x128xi32, #tpu.memory_space<hbm>>
    tpu.enqueue_dma source(%dma_start3A_249 : memref<2x128xi32, #tpu.memory_space<hbm>>) target(%arg8 : memref<2x128xi32, #tpu.memory_space<vmem>>) target_semaphore(%dma_start3A_245 : memref<!tpu.dma_semaphore, #tpu.memory_space<semaphore_mem>>)
    %dma_start3A_250 = arith.constant 0 : i32
    %dma_start3A_251 = arith.constant 1 : i32
    %dma_start3A_252 = arith.constant 1 : i32
    %dma_start3A_253 = arith.constant 0 : i32
    %dma_start3A_254 = arith.constant 0 : i32
    %dma_start3A_255 = tpu.memref_slice %arg6[%dma_start3A_251, %dma_start3A_253, %dma_start3A_254] : memref<2x128x128xf32, #tpu.memory_space<vmem>> -> memref<1x128x128xf32, #tpu.memory_space<vmem>>
    %dma_start3A_256 = tpu.memref_squeeze %dma_start3A_255 : memref<1x128x128xf32, #tpu.memory_space<vmem>> -> memref<128x128xf32, #tpu.memory_space<vmem>>
    %dma_start3A_257 = arith.constant 0 : i32
    %dma_start3A_258 = tpu.memref_slice %arg10[%dma_start3A_250, %dma_start3A_257] : memref<2x128xi32, #tpu.memory_space<vmem>> -> memref<1x128xi32, #tpu.memory_space<vmem>>
    %dma_start3A_259 = tpu.memref_squeeze %dma_start3A_258 : memref<1x128xi32, #tpu.memory_space<vmem>> -> memref<128xi32, #tpu.memory_space<vmem>>
    %dma_start3A_260 = arith.constant 0 : i32
    %dma_start3A_261 = arith.constant 0 : i32
    %dma_start3A_262 = tpu.memref_slice %arg2[%dma_start3A_260, %dma_start3A_261] : memref<10240x128xf32, #tpu.memory_space<hbm>> -> memref<10240x128xf32, #tpu.memory_space<hbm>>
    %dma_start3A_263 = tpu.memref_slice %arg11[%dma_start3A_252] : memref<2x!tpu.dma_semaphore, #tpu.memory_space<semaphore_mem>> -> memref<1x!tpu.dma_semaphore, #tpu.memory_space<semaphore_mem>>
    %dma_start3A_264 = tpu.memref_squeeze %dma_start3A_263 : memref<1x!tpu.dma_semaphore, #tpu.memory_space<semaphore_mem>> -> memref<!tpu.dma_semaphore, #tpu.memory_space<semaphore_mem>>
    tpu.enqueue_indirect_dma source(%dma_start3A_262 : memref<10240x128xf32, #tpu.memory_space<hbm>>) target(%dma_start3A_256 : memref<128x128xf32, #tpu.memory_space<vmem>>) offsets(%dma_start3A_259 : memref<128xi32, #tpu.memory_space<vmem>>) semaphore(%dma_start3A_264 : memref<!tpu.dma_semaphore, #tpu.memory_space<semaphore_mem>>)
    %dma_wait3A_265 = arith.constant 0 : i32
    %dma_wait3A_266 = arith.constant 0 : i32
    %dma_wait3A_267 = arith.constant 0 : i32
    %dma_wait3A_268 = arith.constant 0 : i32
    %dma_wait3A_269 = arith.constant 0 : i32
    %dma_wait3A_270 = tpu.memref_slice %arg6[%dma_wait3A_266, %dma_wait3A_268, %dma_wait3A_269] : memref<2x128x128xf32, #tpu.memory_space<vmem>> -> memref<1x128x128xf32, #tpu.memory_space<vmem>>
    %dma_wait3A_271 = tpu.memref_squeeze %dma_wait3A_270 : memref<1x128x128xf32, #tpu.memory_space<vmem>> -> memref<128x128xf32, #tpu.memory_space<vmem>>
    %dma_wait3A_272 = arith.constant 0 : i32
    %dma_wait3A_273 = tpu.memref_slice %arg9[%dma_wait3A_265, %dma_wait3A_272] : memref<2x128xi32, #tpu.memory_space<vmem>> -> memref<1x128xi32, #tpu.memory_space<vmem>>
    %dma_wait3A_274 = tpu.memref_squeeze %dma_wait3A_273 : memref<1x128xi32, #tpu.memory_space<vmem>> -> memref<128xi32, #tpu.memory_space<vmem>>
    %dma_wait3A_275 = arith.constant 0 : i32
    %dma_wait3A_276 = arith.constant 0 : i32
    %dma_wait3A_277 = tpu.memref_slice %arg2[%dma_wait3A_275, %dma_wait3A_276] : memref<10240x128xf32, #tpu.memory_space<hbm>> -> memref<10240x128xf32, #tpu.memory_space<hbm>>
    %dma_wait3A_278 = tpu.memref_slice %arg11[%dma_wait3A_267] : memref<2x!tpu.dma_semaphore, #tpu.memory_space<semaphore_mem>> -> memref<1x!tpu.dma_semaphore, #tpu.memory_space<semaphore_mem>>
    %dma_wait3A_279 = tpu.memref_squeeze %dma_wait3A_278 : memref<1x!tpu.dma_semaphore, #tpu.memory_space<semaphore_mem>> -> memref<!tpu.dma_semaphore, #tpu.memory_space<semaphore_mem>>
    tpu.wait_indirect_dma semaphore(%dma_wait3A_279 : memref<!tpu.dma_semaphore, #tpu.memory_space<semaphore_mem>>) src(%dma_wait3A_277 : memref<10240x128xf32, #tpu.memory_space<hbm>>) dst(%dma_wait3A_271 : memref<128x128xf32, #tpu.memory_space<vmem>>)
    %dma_start3A_280 = arith.constant 0 : i32
    %dma_start3A_281 = arith.constant 1 : i32
    %dma_start3A_282 = arith.constant 0 : i32
    %dma_start3A_283 = arith.constant 0 : i32
    %dma_start3A_284 = arith.constant 0 : i32
    %dma_start3A_285 = tpu.memref_slice %arg6[%dma_start3A_280, %dma_start3A_283, %dma_start3A_284] : memref<2x128x128xf32, #tpu.memory_space<vmem>> -> memref<1x128x128xf32, #tpu.memory_space<vmem>>
    %dma_start3A_286 = tpu.memref_squeeze %dma_start3A_285 : memref<1x128x128xf32, #tpu.memory_space<vmem>> -> memref<128x128xf32, #tpu.memory_space<vmem>>
    %dma_start3A_287 = arith.constant 0 : i32
    %dma_start3A_288 = tpu.memref_slice %arg9[%dma_start3A_281, %dma_start3A_287] : memref<2x128xi32, #tpu.memory_space<vmem>> -> memref<1x128xi32, #tpu.memory_space<vmem>>
    %dma_start3A_289 = tpu.memref_squeeze %dma_start3A_288 : memref<1x128xi32, #tpu.memory_space<vmem>> -> memref<128xi32, #tpu.memory_space<vmem>>
    %dma_start3A_290 = arith.constant 0 : i32
    %dma_start3A_291 = arith.constant 0 : i32
    %dma_start3A_292 = tpu.memref_slice %arg5[%dma_start3A_290, %dma_start3A_291] : memref<10240x128xf32, #tpu.memory_space<vmem_shared>> -> memref<10240x128xf32, #tpu.memory_space<vmem_shared>>
    %dma_start3A_293 = tpu.memref_slice %arg13[%dma_start3A_282] : memref<2x!tpu.dma_semaphore, #tpu.memory_space<semaphore_mem>> -> memref<1x!tpu.dma_semaphore, #tpu.memory_space<semaphore_mem>>
    %dma_start3A_294 = tpu.memref_squeeze %dma_start3A_293 : memref<1x!tpu.dma_semaphore, #tpu.memory_space<semaphore_mem>> -> memref<!tpu.dma_semaphore, #tpu.memory_space<semaphore_mem>>
    tpu.enqueue_indirect_dma source(%dma_start3A_286 : memref<128x128xf32, #tpu.memory_space<vmem>>) target(%dma_start3A_292 : memref<10240x128xf32, #tpu.memory_space<vmem_shared>>) offsets(%dma_start3A_289 : memref<128xi32, #tpu.memory_space<vmem>>) semaphore(%dma_start3A_294 : memref<!tpu.dma_semaphore, #tpu.memory_space<semaphore_mem>>) {add = true}
    %dma_wait3A_295 = arith.constant 0 : i32
    %dma_wait3A_296 = arith.constant 0 : i32
    %dma_wait3A_297 = arith.constant 0 : i32
    %dma_wait3A_298 = arith.constant 0 : i32
    %dma_wait3A_299 = tpu.memref_slice %arg3[%add3A, %dma_wait3A_295, %dma_wait3A_297, %dma_wait3A_298] : memref<32x84x2x128xi32, #tpu.memory_space<hbm>> -> memref<1x1x2x128xi32, #tpu.memory_space<hbm>>
    %dma_wait3A_300 = tpu.memref_squeeze %dma_wait3A_299 : memref<1x1x2x128xi32, #tpu.memory_space<hbm>> -> memref<2x128xi32, #tpu.memory_space<hbm>>
    %dma_wait3A_301 = tpu.memref_slice %arg12[%dma_wait3A_296] : memref<4x!tpu.dma_semaphore, #tpu.memory_space<semaphore_mem>> -> memref<1x!tpu.dma_semaphore, #tpu.memory_space<semaphore_mem>>
    %dma_wait3A_302 = tpu.memref_squeeze %dma_wait3A_301 : memref<1x!tpu.dma_semaphore, #tpu.memory_space<semaphore_mem>> -> memref<!tpu.dma_semaphore, #tpu.memory_space<semaphore_mem>>
    %dma_wait3A_303 = arith.constant 0 : i32
    %dma_wait3A_304 = arith.constant 0 : i32
    %dma_wait3A_305 = tpu.memref_slice %arg3[%add3A, %dma_wait3A_295, %dma_wait3A_303, %dma_wait3A_304] : memref<32x84x2x128xi32, #tpu.memory_space<hbm>> -> memref<1x1x2x128xi32, #tpu.memory_space<hbm>>
    %dma_wait3A_306 = tpu.memref_squeeze %dma_wait3A_305 : memref<1x1x2x128xi32, #tpu.memory_space<hbm>> -> memref<2x128xi32, #tpu.memory_space<hbm>>
    tpu.wait_dma2 semaphore(%dma_wait3A_302 : memref<!tpu.dma_semaphore, #tpu.memory_space<semaphore_mem>>) src(%dma_wait3A_306 : memref<2x128xi32, #tpu.memory_space<hbm>>) dst(%arg7 : memref<2x128xi32, #tpu.memory_space<vmem>>)
    %dma_wait3A_307 = arith.constant 0 : i32
    %dma_wait3A_308 = arith.constant 0 : i32
    %dma_wait3A_309 = arith.constant 0 : i32
    %dma_wait3A_310 = arith.constant 0 : i32
    %dma_wait3A_311 = tpu.memref_slice %arg6[%dma_wait3A_307, %dma_wait3A_309, %dma_wait3A_310] : memref<2x128x128xf32, #tpu.memory_space<vmem>> -> memref<1x128x128xf32, #tpu.memory_space<vmem>>
    %dma_wait3A_312 = tpu.memref_squeeze %dma_wait3A_311 : memref<1x128x128xf32, #tpu.memory_space<vmem>> -> memref<128x128xf32, #tpu.memory_space<vmem>>
    %dma_wait3A_313 = arith.constant 0 : i32
    %dma_wait3A_314 = arith.constant 0 : i32
    %dma_wait3A_315 = tpu.memref_slice %arg5[%dma_wait3A_313, %dma_wait3A_314] : memref<10240x128xf32, #tpu.memory_space<vmem_shared>> -> memref<128x128xf32, #tpu.memory_space<vmem_shared>>
    %dma_wait3A_316 = tpu.memref_slice %arg13[%dma_wait3A_308] : memref<2x!tpu.dma_semaphore, #tpu.memory_space<semaphore_mem>> -> memref<1x!tpu.dma_semaphore, #tpu.memory_space<semaphore_mem>>
    %dma_wait3A_317 = tpu.memref_squeeze %dma_wait3A_316 : memref<1x!tpu.dma_semaphore, #tpu.memory_space<semaphore_mem>> -> memref<!tpu.dma_semaphore, #tpu.memory_space<semaphore_mem>>
    %dma_wait3A_318 = arith.constant 0 : i32
    %dma_wait3A_319 = arith.constant 0 : i32
    %dma_wait3A_320 = tpu.memref_slice %arg5[%dma_wait3A_318, %dma_wait3A_319] : memref<10240x128xf32, #tpu.memory_space<vmem_shared>> -> memref<128x128xf32, #tpu.memory_space<vmem_shared>>
    %dma_wait3A_321 = arith.constant 0 : i32
    %dma_wait3A_322 = arith.constant 0 : i32
    %dma_wait3A_323 = tpu.memref_slice %arg6[%dma_wait3A_307, %dma_wait3A_321, %dma_wait3A_322] : memref<2x128x128xf32, #tpu.memory_space<vmem>> -> memref<1x128x128xf32, #tpu.memory_space<vmem>>
    %dma_wait3A_324 = tpu.memref_squeeze %dma_wait3A_323 : memref<1x128x128xf32, #tpu.memory_space<vmem>> -> memref<128x128xf32, #tpu.memory_space<vmem>>
    tpu.wait_dma2 semaphore(%dma_wait3A_317 : memref<!tpu.dma_semaphore, #tpu.memory_space<semaphore_mem>>) src(%dma_wait3A_324 : memref<128x128xf32, #tpu.memory_space<vmem>>) dst(%dma_wait3A_320 : memref<128x128xf32, #tpu.memory_space<vmem_shared>>)
    %dma_start3A_325 = arith.constant 6 : i32
    %dma_start3A_326 = arith.constant 2 : i32
    %dma_start3A_327 = arith.constant 0 : i32
    %dma_start3A_328 = arith.constant 0 : i32
    %dma_start3A_329 = tpu.memref_slice %arg3[%add3A, %dma_start3A_325, %dma_start3A_327, %dma_start3A_328] : memref<32x84x2x128xi32, #tpu.memory_space<hbm>> -> memref<1x1x2x128xi32, #tpu.memory_space<hbm>>
    %dma_start3A_330 = tpu.memref_squeeze %dma_start3A_329 : memref<1x1x2x128xi32, #tpu.memory_space<hbm>> -> memref<2x128xi32, #tpu.memory_space<hbm>>
    %dma_start3A_331 = tpu.memref_slice %arg12[%dma_start3A_326] : memref<4x!tpu.dma_semaphore, #tpu.memory_space<semaphore_mem>> -> memref<1x!tpu.dma_semaphore, #tpu.memory_space<semaphore_mem>>
    %dma_start3A_332 = tpu.memref_squeeze %dma_start3A_331 : memref<1x!tpu.dma_semaphore, #tpu.memory_space<semaphore_mem>> -> memref<!tpu.dma_semaphore, #tpu.memory_space<semaphore_mem>>
    %dma_start3A_333 = arith.constant 0 : i32
    %dma_start3A_334 = arith.constant 0 : i32
    %dma_start3A_335 = tpu.memref_slice %arg3[%add3A, %dma_start3A_325, %dma_start3A_333, %dma_start3A_334] : memref<32x84x2x128xi32, #tpu.memory_space<hbm>> -> memref<1x1x2x128xi32, #tpu.memory_space<hbm>>
    %dma_start3A_336 = tpu.memref_squeeze %dma_start3A_335 : memref<1x1x2x128xi32, #tpu.memory_space<hbm>> -> memref<2x128xi32, #tpu.memory_space<hbm>>
    tpu.enqueue_dma source(%dma_start3A_336 : memref<2x128xi32, #tpu.memory_space<hbm>>) target(%arg9 : memref<2x128xi32, #tpu.memory_space<vmem>>) target_semaphore(%dma_start3A_332 : memref<!tpu.dma_semaphore, #tpu.memory_space<semaphore_mem>>)
    %dma_start3A_337 = arith.constant 0 : i32
    %dma_start3A_338 = arith.constant 0 : i32
    %dma_start3A_339 = arith.constant 0 : i32
    %dma_start3A_340 = arith.constant 0 : i32
    %dma_start3A_341 = arith.constant 0 : i32
    %dma_start3A_342 = tpu.memref_slice %arg6[%dma_start3A_338, %dma_start3A_340, %dma_start3A_341] : memref<2x128x128xf32, #tpu.memory_space<vmem>> -> memref<1x128x128xf32, #tpu.memory_space<vmem>>
    %dma_start3A_343 = tpu.memref_squeeze %dma_start3A_342 : memref<1x128x128xf32, #tpu.memory_space<vmem>> -> memref<128x128xf32, #tpu.memory_space<vmem>>
    %dma_start3A_344 = arith.constant 0 : i32
    %dma_start3A_345 = tpu.memref_slice %arg7[%dma_start3A_337, %dma_start3A_344] : memref<2x128xi32, #tpu.memory_space<vmem>> -> memref<1x128xi32, #tpu.memory_space<vmem>>
    %dma_start3A_346 = tpu.memref_squeeze %dma_start3A_345 : memref<1x128xi32, #tpu.memory_space<vmem>> -> memref<128xi32, #tpu.memory_space<vmem>>
    %dma_start3A_347 = arith.constant 0 : i32
    %dma_start3A_348 = arith.constant 0 : i32
    %dma_start3A_349 = tpu.memref_slice %arg2[%dma_start3A_347, %dma_start3A_348] : memref<10240x128xf32, #tpu.memory_space<hbm>> -> memref<10240x128xf32, #tpu.memory_space<hbm>>
    %dma_start3A_350 = tpu.memref_slice %arg11[%dma_start3A_339] : memref<2x!tpu.dma_semaphore, #tpu.memory_space<semaphore_mem>> -> memref<1x!tpu.dma_semaphore, #tpu.memory_space<semaphore_mem>>
    %dma_start3A_351 = tpu.memref_squeeze %dma_start3A_350 : memref<1x!tpu.dma_semaphore, #tpu.memory_space<semaphore_mem>> -> memref<!tpu.dma_semaphore, #tpu.memory_space<semaphore_mem>>
    tpu.enqueue_indirect_dma source(%dma_start3A_349 : memref<10240x128xf32, #tpu.memory_space<hbm>>) target(%dma_start3A_343 : memref<128x128xf32, #tpu.memory_space<vmem>>) offsets(%dma_start3A_346 : memref<128xi32, #tpu.memory_space<vmem>>) semaphore(%dma_start3A_351 : memref<!tpu.dma_semaphore, #tpu.memory_space<semaphore_mem>>)
    %dma_wait3A_352 = arith.constant 0 : i32
    %dma_wait3A_353 = arith.constant 1 : i32
    %dma_wait3A_354 = arith.constant 1 : i32
    %dma_wait3A_355 = arith.constant 0 : i32
    %dma_wait3A_356 = arith.constant 0 : i32
    %dma_wait3A_357 = tpu.memref_slice %arg6[%dma_wait3A_353, %dma_wait3A_355, %dma_wait3A_356] : memref<2x128x128xf32, #tpu.memory_space<vmem>> -> memref<1x128x128xf32, #tpu.memory_space<vmem>>
    %dma_wait3A_358 = tpu.memref_squeeze %dma_wait3A_357 : memref<1x128x128xf32, #tpu.memory_space<vmem>> -> memref<128x128xf32, #tpu.memory_space<vmem>>
    %dma_wait3A_359 = arith.constant 0 : i32
    %dma_wait3A_360 = tpu.memref_slice %arg10[%dma_wait3A_352, %dma_wait3A_359] : memref<2x128xi32, #tpu.memory_space<vmem>> -> memref<1x128xi32, #tpu.memory_space<vmem>>
    %dma_wait3A_361 = tpu.memref_squeeze %dma_wait3A_360 : memref<1x128xi32, #tpu.memory_space<vmem>> -> memref<128xi32, #tpu.memory_space<vmem>>
    %dma_wait3A_362 = arith.constant 0 : i32
    %dma_wait3A_363 = arith.constant 0 : i32
    %dma_wait3A_364 = tpu.memref_slice %arg2[%dma_wait3A_362, %dma_wait3A_363] : memref<10240x128xf32, #tpu.memory_space<hbm>> -> memref<10240x128xf32, #tpu.memory_space<hbm>>
    %dma_wait3A_365 = tpu.memref_slice %arg11[%dma_wait3A_354] : memref<2x!tpu.dma_semaphore, #tpu.memory_space<semaphore_mem>> -> memref<1x!tpu.dma_semaphore, #tpu.memory_space<semaphore_mem>>
    %dma_wait3A_366 = tpu.memref_squeeze %dma_wait3A_365 : memref<1x!tpu.dma_semaphore, #tpu.memory_space<semaphore_mem>> -> memref<!tpu.dma_semaphore, #tpu.memory_space<semaphore_mem>>
    tpu.wait_indirect_dma semaphore(%dma_wait3A_366 : memref<!tpu.dma_semaphore, #tpu.memory_space<semaphore_mem>>) src(%dma_wait3A_364 : memref<10240x128xf32, #tpu.memory_space<hbm>>) dst(%dma_wait3A_358 : memref<128x128xf32, #tpu.memory_space<vmem>>)
    %dma_start3A_367 = arith.constant 1 : i32
    %dma_start3A_368 = arith.constant 1 : i32
    %dma_start3A_369 = arith.constant 1 : i32
    %dma_start3A_370 = arith.constant 0 : i32
    %dma_start3A_371 = arith.constant 0 : i32
    %dma_start3A_372 = tpu.memref_slice %arg6[%dma_start3A_367, %dma_start3A_370, %dma_start3A_371] : memref<2x128x128xf32, #tpu.memory_space<vmem>> -> memref<1x128x128xf32, #tpu.memory_space<vmem>>
    %dma_start3A_373 = tpu.memref_squeeze %dma_start3A_372 : memref<1x128x128xf32, #tpu.memory_space<vmem>> -> memref<128x128xf32, #tpu.memory_space<vmem>>
    %dma_start3A_374 = arith.constant 0 : i32
    %dma_start3A_375 = tpu.memref_slice %arg10[%dma_start3A_368, %dma_start3A_374] : memref<2x128xi32, #tpu.memory_space<vmem>> -> memref<1x128xi32, #tpu.memory_space<vmem>>
    %dma_start3A_376 = tpu.memref_squeeze %dma_start3A_375 : memref<1x128xi32, #tpu.memory_space<vmem>> -> memref<128xi32, #tpu.memory_space<vmem>>
    %dma_start3A_377 = arith.constant 0 : i32
    %dma_start3A_378 = arith.constant 0 : i32
    %dma_start3A_379 = tpu.memref_slice %arg5[%dma_start3A_377, %dma_start3A_378] : memref<10240x128xf32, #tpu.memory_space<vmem_shared>> -> memref<10240x128xf32, #tpu.memory_space<vmem_shared>>
    %dma_start3A_380 = tpu.memref_slice %arg13[%dma_start3A_369] : memref<2x!tpu.dma_semaphore, #tpu.memory_space<semaphore_mem>> -> memref<1x!tpu.dma_semaphore, #tpu.memory_space<semaphore_mem>>
    %dma_start3A_381 = tpu.memref_squeeze %dma_start3A_380 : memref<1x!tpu.dma_semaphore, #tpu.memory_space<semaphore_mem>> -> memref<!tpu.dma_semaphore, #tpu.memory_space<semaphore_mem>>
    tpu.enqueue_indirect_dma source(%dma_start3A_373 : memref<128x128xf32, #tpu.memory_space<vmem>>) target(%dma_start3A_379 : memref<10240x128xf32, #tpu.memory_space<vmem_shared>>) offsets(%dma_start3A_376 : memref<128xi32, #tpu.memory_space<vmem>>) semaphore(%dma_start3A_381 : memref<!tpu.dma_semaphore, #tpu.memory_space<semaphore_mem>>) {add = true}
    %scan3A_382 = arith.constant 0 : i32
    %scan3A_383 = arith.constant 1 : i32
    %scan3A_384 = arith.constant 19 : i32
    %scan3A_385 = arith.addi %scan3A_383, %scan3A_384 : i32
    %scan3A_386 = arith.constant 1 : i32
    %scan3A_387 = scf.for %scan3A_451 = %scan3A_383 to %scan3A_385 step %scan3A_386 iter_args(%scan3A_452 = %scan3A_382) -> (i32)  : i32 {
      %mul3A_453 = arith.constant 4 : i32
      %mul3A_454 = arith.muli %mul3A_453, %scan3A_451 : i32
      %add3A_455 = arith.constant 0 : i32
      %add3A_456 = arith.addi %mul3A_454, %add3A_455 : i32
      %dma_wait3A_457 = arith.constant 0 : i32
      %dma_wait3A_458 = arith.constant 1 : i32
      %dma_wait3A_459 = arith.constant 0 : i32
      %dma_wait3A_460 = arith.constant 0 : i32
      %dma_wait3A_461 = tpu.memref_slice %arg3[%add3A, %dma_wait3A_457, %dma_wait3A_459, %dma_wait3A_460] : memref<32x84x2x128xi32, #tpu.memory_space<hbm>> -> memref<1x1x2x128xi32, #tpu.memory_space<hbm>>
      %dma_wait3A_462 = tpu.memref_squeeze %dma_wait3A_461 : memref<1x1x2x128xi32, #tpu.memory_space<hbm>> -> memref<2x128xi32, #tpu.memory_space<hbm>>
      %dma_wait3A_463 = tpu.memref_slice %arg12[%dma_wait3A_458] : memref<4x!tpu.dma_semaphore, #tpu.memory_space<semaphore_mem>> -> memref<1x!tpu.dma_semaphore, #tpu.memory_space<semaphore_mem>>
      %dma_wait3A_464 = tpu.memref_squeeze %dma_wait3A_463 : memref<1x!tpu.dma_semaphore, #tpu.memory_space<semaphore_mem>> -> memref<!tpu.dma_semaphore, #tpu.memory_space<semaphore_mem>>
      %dma_wait3A_465 = arith.constant 0 : i32
      %dma_wait3A_466 = arith.constant 0 : i32
      %dma_wait3A_467 = tpu.memref_slice %arg3[%add3A, %dma_wait3A_457, %dma_wait3A_465, %dma_wait3A_466] : memref<32x84x2x128xi32, #tpu.memory_space<hbm>> -> memref<1x1x2x128xi32, #tpu.memory_space<hbm>>
      %dma_wait3A_468 = tpu.memref_squeeze %dma_wait3A_467 : memref<1x1x2x128xi32, #tpu.memory_space<hbm>> -> memref<2x128xi32, #tpu.memory_space<hbm>>
      tpu.wait_dma2 semaphore(%dma_wait3A_464 : memref<!tpu.dma_semaphore, #tpu.memory_space<semaphore_mem>>) src(%dma_wait3A_468 : memref<2x128xi32, #tpu.memory_space<hbm>>) dst(%arg8 : memref<2x128xi32, #tpu.memory_space<vmem>>)
      %dma_wait3A_469 = arith.constant 1 : i32
      %dma_wait3A_470 = arith.constant 1 : i32
      %dma_wait3A_471 = arith.constant 0 : i32
      %dma_wait3A_472 = arith.constant 0 : i32
      %dma_wait3A_473 = tpu.memref_slice %arg6[%dma_wait3A_469, %dma_wait3A_471, %dma_wait3A_472] : memref<2x128x128xf32, #tpu.memory_space<vmem>> -> memref<1x128x128xf32, #tpu.memory_space<vmem>>
      %dma_wait3A_474 = tpu.memref_squeeze %dma_wait3A_473 : memref<1x128x128xf32, #tpu.memory_space<vmem>> -> memref<128x128xf32, #tpu.memory_space<vmem>>
      %dma_wait3A_475 = arith.constant 0 : i32
      %dma_wait3A_476 = arith.constant 0 : i32
      %dma_wait3A_477 = tpu.memref_slice %arg5[%dma_wait3A_475, %dma_wait3A_476] : memref<10240x128xf32, #tpu.memory_space<vmem_shared>> -> memref<128x128xf32, #tpu.memory_space<vmem_shared>>
      %dma_wait3A_478 = tpu.memref_slice %arg13[%dma_wait3A_470] : memref<2x!tpu.dma_semaphore, #tpu.memory_space<semaphore_mem>> -> memref<1x!tpu.dma_semaphore, #tpu.memory_space<semaphore_mem>>
      %dma_wait3A_479 = tpu.memref_squeeze %dma_wait3A_478 : memref<1x!tpu.dma_semaphore, #tpu.memory_space<semaphore_mem>> -> memref<!tpu.dma_semaphore, #tpu.memory_space<semaphore_mem>>
      %dma_wait3A_480 = arith.constant 0 : i32
      %dma_wait3A_481 = arith.constant 0 : i32
      %dma_wait3A_482 = tpu.memref_slice %arg5[%dma_wait3A_480, %dma_wait3A_481] : memref<10240x128xf32, #tpu.memory_space<vmem_shared>> -> memref<128x128xf32, #tpu.memory_space<vmem_shared>>
      %dma_wait3A_483 = arith.constant 0 : i32
      %dma_wait3A_484 = arith.constant 0 : i32
      %dma_wait3A_485 = tpu.memref_slice %arg6[%dma_wait3A_469, %dma_wait3A_483, %dma_wait3A_484] : memref<2x128x128xf32, #tpu.memory_space<vmem>> -> memref<1x128x128xf32, #tpu.memory_space<vmem>>
      %dma_wait3A_486 = tpu.memref_squeeze %dma_wait3A_485 : memref<1x128x128xf32, #tpu.memory_space<vmem>> -> memref<128x128xf32, #tpu.memory_space<vmem>>
      tpu.wait_dma2 semaphore(%dma_wait3A_479 : memref<!tpu.dma_semaphore, #tpu.memory_space<semaphore_mem>>) src(%dma_wait3A_486 : memref<128x128xf32, #tpu.memory_space<vmem>>) dst(%dma_wait3A_482 : memref<128x128xf32, #tpu.memory_space<vmem_shared>>)
      %add3A_487 = arith.constant 3 : i32
      %add3A_488 = arith.addi %add3A_456, %add3A_487 : i32
      %dma_start3A_489 = arith.constant 3 : i32
      %dma_start3A_490 = arith.constant 0 : i32
      %dma_start3A_491 = arith.constant 0 : i32
      %dma_start3A_492 = tpu.memref_slice %arg3[%add3A, %add3A_488, %dma_start3A_490, %dma_start3A_491] : memref<32x84x2x128xi32, #tpu.memory_space<hbm>> -> memref<1x1x2x128xi32, #tpu.memory_space<hbm>>
      %dma_start3A_493 = tpu.memref_squeeze %dma_start3A_492 : memref<1x1x2x128xi32, #tpu.memory_space<hbm>> -> memref<2x128xi32, #tpu.memory_space<hbm>>
      %dma_start3A_494 = tpu.memref_slice %arg12[%dma_start3A_489] : memref<4x!tpu.dma_semaphore, #tpu.memory_space<semaphore_mem>> -> memref<1x!tpu.dma_semaphore, #tpu.memory_space<semaphore_mem>>
      %dma_start3A_495 = tpu.memref_squeeze %dma_start3A_494 : memref<1x!tpu.dma_semaphore, #tpu.memory_space<semaphore_mem>> -> memref<!tpu.dma_semaphore, #tpu.memory_space<semaphore_mem>>
      %dma_start3A_496 = arith.constant 0 : i32
      %dma_start3A_497 = arith.constant 0 : i32
      %dma_start3A_498 = tpu.memref_slice %arg3[%add3A, %add3A_488, %dma_start3A_496, %dma_start3A_497] : memref<32x84x2x128xi32, #tpu.memory_space<hbm>> -> memref<1x1x2x128xi32, #tpu.memory_space<hbm>>
      %dma_start3A_499 = tpu.memref_squeeze %dma_start3A_498 : memref<1x1x2x128xi32, #tpu.memory_space<hbm>> -> memref<2x128xi32, #tpu.memory_space<hbm>>
      tpu.enqueue_dma source(%dma_start3A_499 : memref<2x128xi32, #tpu.memory_space<hbm>>) target(%arg10 : memref<2x128xi32, #tpu.memory_space<vmem>>) target_semaphore(%dma_start3A_495 : memref<!tpu.dma_semaphore, #tpu.memory_space<semaphore_mem>>)
      %dma_start3A_500 = arith.constant 0 : i32
      %dma_start3A_501 = arith.constant 1 : i32
      %dma_start3A_502 = arith.constant 1 : i32
      %dma_start3A_503 = arith.constant 0 : i32
      %dma_start3A_504 = arith.constant 0 : i32
      %dma_start3A_505 = tpu.memref_slice %arg6[%dma_start3A_501, %dma_start3A_503, %dma_start3A_504] : memref<2x128x128xf32, #tpu.memory_space<vmem>> -> memref<1x128x128xf32, #tpu.memory_space<vmem>>
      %dma_start3A_506 = tpu.memref_squeeze %dma_start3A_505 : memref<1x128x128xf32, #tpu.memory_space<vmem>> -> memref<128x128xf32, #tpu.memory_space<vmem>>
      %dma_start3A_507 = arith.constant 0 : i32
      %dma_start3A_508 = tpu.memref_slice %arg8[%dma_start3A_500, %dma_start3A_507] : memref<2x128xi32, #tpu.memory_space<vmem>> -> memref<1x128xi32, #tpu.memory_space<vmem>>
      %dma_start3A_509 = tpu.memref_squeeze %dma_start3A_508 : memref<1x128xi32, #tpu.memory_space<vmem>> -> memref<128xi32, #tpu.memory_space<vmem>>
      %dma_start3A_510 = arith.constant 0 : i32
      %dma_start3A_511 = arith.constant 0 : i32
      %dma_start3A_512 = tpu.memref_slice %arg2[%dma_start3A_510, %dma_start3A_511] : memref<10240x128xf32, #tpu.memory_space<hbm>> -> memref<10240x128xf32, #tpu.memory_space<hbm>>
      %dma_start3A_513 = tpu.memref_slice %arg11[%dma_start3A_502] : memref<2x!tpu.dma_semaphore, #tpu.memory_space<semaphore_mem>> -> memref<1x!tpu.dma_semaphore, #tpu.memory_space<semaphore_mem>>
      %dma_start3A_514 = tpu.memref_squeeze %dma_start3A_513 : memref<1x!tpu.dma_semaphore, #tpu.memory_space<semaphore_mem>> -> memref<!tpu.dma_semaphore, #tpu.memory_space<semaphore_mem>>
      tpu.enqueue_indirect_dma source(%dma_start3A_512 : memref<10240x128xf32, #tpu.memory_space<hbm>>) target(%dma_start3A_506 : memref<128x128xf32, #tpu.memory_space<vmem>>) offsets(%dma_start3A_509 : memref<128xi32, #tpu.memory_space<vmem>>) semaphore(%dma_start3A_514 : memref<!tpu.dma_semaphore, #tpu.memory_space<semaphore_mem>>)
      %dma_wait3A_515 = arith.constant 0 : i32
      %dma_wait3A_516 = arith.constant 0 : i32
      %dma_wait3A_517 = arith.constant 0 : i32
      %dma_wait3A_518 = arith.constant 0 : i32
      %dma_wait3A_519 = arith.constant 0 : i32
      %dma_wait3A_520 = tpu.memref_slice %arg6[%dma_wait3A_516, %dma_wait3A_518, %dma_wait3A_519] : memref<2x128x128xf32, #tpu.memory_space<vmem>> -> memref<1x128x128xf32, #tpu.memory_space<vmem>>
      %dma_wait3A_521 = tpu.memref_squeeze %dma_wait3A_520 : memref<1x128x128xf32, #tpu.memory_space<vmem>> -> memref<128x128xf32, #tpu.memory_space<vmem>>
      %dma_wait3A_522 = arith.constant 0 : i32
      %dma_wait3A_523 = tpu.memref_slice %arg7[%dma_wait3A_515, %dma_wait3A_522] : memref<2x128xi32, #tpu.memory_space<vmem>> -> memref<1x128xi32, #tpu.memory_space<vmem>>
      %dma_wait3A_524 = tpu.memref_squeeze %dma_wait3A_523 : memref<1x128xi32, #tpu.memory_space<vmem>> -> memref<128xi32, #tpu.memory_space<vmem>>
      %dma_wait3A_525 = arith.constant 0 : i32
      %dma_wait3A_526 = arith.constant 0 : i32
      %dma_wait3A_527 = tpu.memref_slice %arg2[%dma_wait3A_525, %dma_wait3A_526] : memref<10240x128xf32, #tpu.memory_space<hbm>> -> memref<10240x128xf32, #tpu.memory_space<hbm>>
      %dma_wait3A_528 = tpu.memref_slice %arg11[%dma_wait3A_517] : memref<2x!tpu.dma_semaphore, #tpu.memory_space<semaphore_mem>> -> memref<1x!tpu.dma_semaphore, #tpu.memory_space<semaphore_mem>>
      %dma_wait3A_529 = tpu.memref_squeeze %dma_wait3A_528 : memref<1x!tpu.dma_semaphore, #tpu.memory_space<semaphore_mem>> -> memref<!tpu.dma_semaphore, #tpu.memory_space<semaphore_mem>>
      tpu.wait_indirect_dma semaphore(%dma_wait3A_529 : memref<!tpu.dma_semaphore, #tpu.memory_space<semaphore_mem>>) src(%dma_wait3A_527 : memref<10240x128xf32, #tpu.memory_space<hbm>>) dst(%dma_wait3A_521 : memref<128x128xf32, #tpu.memory_space<vmem>>)
      %dma_start3A_530 = arith.constant 0 : i32
      %dma_start3A_531 = arith.constant 1 : i32
      %dma_start3A_532 = arith.constant 0 : i32
      %dma_start3A_533 = arith.constant 0 : i32
      %dma_start3A_534 = arith.constant 0 : i32
      %dma_start3A_535 = tpu.memref_slice %arg6[%dma_start3A_530, %dma_start3A_533, %dma_start3A_534] : memref<2x128x128xf32, #tpu.memory_space<vmem>> -> memref<1x128x128xf32, #tpu.memory_space<vmem>>
      %dma_start3A_536 = tpu.memref_squeeze %dma_start3A_535 : memref<1x128x128xf32, #tpu.memory_space<vmem>> -> memref<128x128xf32, #tpu.memory_space<vmem>>
      %dma_start3A_537 = arith.constant 0 : i32
      %dma_start3A_538 = tpu.memref_slice %arg7[%dma_start3A_531, %dma_start3A_537] : memref<2x128xi32, #tpu.memory_space<vmem>> -> memref<1x128xi32, #tpu.memory_space<vmem>>
      %dma_start3A_539 = tpu.memref_squeeze %dma_start3A_538 : memref<1x128xi32, #tpu.memory_space<vmem>> -> memref<128xi32, #tpu.memory_space<vmem>>
      %dma_start3A_540 = arith.constant 0 : i32
      %dma_start3A_541 = arith.constant 0 : i32
      %dma_start3A_542 = tpu.memref_slice %arg5[%dma_start3A_540, %dma_start3A_541] : memref<10240x128xf32, #tpu.memory_space<vmem_shared>> -> memref<10240x128xf32, #tpu.memory_space<vmem_shared>>
      %dma_start3A_543 = tpu.memref_slice %arg13[%dma_start3A_532] : memref<2x!tpu.dma_semaphore, #tpu.memory_space<semaphore_mem>> -> memref<1x!tpu.dma_semaphore, #tpu.memory_space<semaphore_mem>>
      %dma_start3A_544 = tpu.memref_squeeze %dma_start3A_543 : memref<1x!tpu.dma_semaphore, #tpu.memory_space<semaphore_mem>> -> memref<!tpu.dma_semaphore, #tpu.memory_space<semaphore_mem>>
      tpu.enqueue_indirect_dma source(%dma_start3A_536 : memref<128x128xf32, #tpu.memory_space<vmem>>) target(%dma_start3A_542 : memref<10240x128xf32, #tpu.memory_space<vmem_shared>>) offsets(%dma_start3A_539 : memref<128xi32, #tpu.memory_space<vmem>>) semaphore(%dma_start3A_544 : memref<!tpu.dma_semaphore, #tpu.memory_space<semaphore_mem>>) {add = true}
      %mul3A_545 = arith.constant 4 : i32
      %mul3A_546 = arith.muli %mul3A_545, %scan3A_451 : i32
      %add3A_547 = arith.constant 1 : i32
      %add3A_548 = arith.addi %mul3A_546, %add3A_547 : i32
      %dma_wait3A_549 = arith.constant 0 : i32
      %dma_wait3A_550 = arith.constant 2 : i32
      %dma_wait3A_551 = arith.constant 0 : i32
      %dma_wait3A_552 = arith.constant 0 : i32
      %dma_wait3A_553 = tpu.memref_slice %arg3[%add3A, %dma_wait3A_549, %dma_wait3A_551, %dma_wait3A_552] : memref<32x84x2x128xi32, #tpu.memory_space<hbm>> -> memref<1x1x2x128xi32, #tpu.memory_space<hbm>>
      %dma_wait3A_554 = tpu.memref_squeeze %dma_wait3A_553 : memref<1x1x2x128xi32, #tpu.memory_space<hbm>> -> memref<2x128xi32, #tpu.memory_space<hbm>>
      %dma_wait3A_555 = tpu.memref_slice %arg12[%dma_wait3A_550] : memref<4x!tpu.dma_semaphore, #tpu.memory_space<semaphore_mem>> -> memref<1x!tpu.dma_semaphore, #tpu.memory_space<semaphore_mem>>
      %dma_wait3A_556 = tpu.memref_squeeze %dma_wait3A_555 : memref<1x!tpu.dma_semaphore, #tpu.memory_space<semaphore_mem>> -> memref<!tpu.dma_semaphore, #tpu.memory_space<semaphore_mem>>
      %dma_wait3A_557 = arith.constant 0 : i32
      %dma_wait3A_558 = arith.constant 0 : i32
      %dma_wait3A_559 = tpu.memref_slice %arg3[%add3A, %dma_wait3A_549, %dma_wait3A_557, %dma_wait3A_558] : memref<32x84x2x128xi32, #tpu.memory_space<hbm>> -> memref<1x1x2x128xi32, #tpu.memory_space<hbm>>
      %dma_wait3A_560 = tpu.memref_squeeze %dma_wait3A_559 : memref<1x1x2x128xi32, #tpu.memory_space<hbm>> -> memref<2x128xi32, #tpu.memory_space<hbm>>
      tpu.wait_dma2 semaphore(%dma_wait3A_556 : memref<!tpu.dma_semaphore, #tpu.memory_space<semaphore_mem>>) src(%dma_wait3A_560 : memref<2x128xi32, #tpu.memory_space<hbm>>) dst(%arg9 : memref<2x128xi32, #tpu.memory_space<vmem>>)
      %dma_wait3A_561 = arith.constant 0 : i32
      %dma_wait3A_562 = arith.constant 0 : i32
      %dma_wait3A_563 = arith.constant 0 : i32
      %dma_wait3A_564 = arith.constant 0 : i32
      %dma_wait3A_565 = tpu.memref_slice %arg6[%dma_wait3A_561, %dma_wait3A_563, %dma_wait3A_564] : memref<2x128x128xf32, #tpu.memory_space<vmem>> -> memref<1x128x128xf32, #tpu.memory_space<vmem>>
      %dma_wait3A_566 = tpu.memref_squeeze %dma_wait3A_565 : memref<1x128x128xf32, #tpu.memory_space<vmem>> -> memref<128x128xf32, #tpu.memory_space<vmem>>
      %dma_wait3A_567 = arith.constant 0 : i32
      %dma_wait3A_568 = arith.constant 0 : i32
      %dma_wait3A_569 = tpu.memref_slice %arg5[%dma_wait3A_567, %dma_wait3A_568] : memref<10240x128xf32, #tpu.memory_space<vmem_shared>> -> memref<128x128xf32, #tpu.memory_space<vmem_shared>>
      %dma_wait3A_570 = tpu.memref_slice %arg13[%dma_wait3A_562] : memref<2x!tpu.dma_semaphore, #tpu.memory_space<semaphore_mem>> -> memref<1x!tpu.dma_semaphore, #tpu.memory_space<semaphore_mem>>
      %dma_wait3A_571 = tpu.memref_squeeze %dma_wait3A_570 : memref<1x!tpu.dma_semaphore, #tpu.memory_space<semaphore_mem>> -> memref<!tpu.dma_semaphore, #tpu.memory_space<semaphore_mem>>
      %dma_wait3A_572 = arith.constant 0 : i32
      %dma_wait3A_573 = arith.constant 0 : i32
      %dma_wait3A_574 = tpu.memref_slice %arg5[%dma_wait3A_572, %dma_wait3A_573] : memref<10240x128xf32, #tpu.memory_space<vmem_shared>> -> memref<128x128xf32, #tpu.memory_space<vmem_shared>>
      %dma_wait3A_575 = arith.constant 0 : i32
      %dma_wait3A_576 = arith.constant 0 : i32
      %dma_wait3A_577 = tpu.memref_slice %arg6[%dma_wait3A_561, %dma_wait3A_575, %dma_wait3A_576] : memref<2x128x128xf32, #tpu.memory_space<vmem>> -> memref<1x128x128xf32, #tpu.memory_space<vmem>>
      %dma_wait3A_578 = tpu.memref_squeeze %dma_wait3A_577 : memref<1x128x128xf32, #tpu.memory_space<vmem>> -> memref<128x128xf32, #tpu.memory_space<vmem>>
      tpu.wait_dma2 semaphore(%dma_wait3A_571 : memref<!tpu.dma_semaphore, #tpu.memory_space<semaphore_mem>>) src(%dma_wait3A_578 : memref<128x128xf32, #tpu.memory_space<vmem>>) dst(%dma_wait3A_574 : memref<128x128xf32, #tpu.memory_space<vmem_shared>>)
      %add3A_579 = arith.constant 3 : i32
      %add3A_580 = arith.addi %add3A_548, %add3A_579 : i32
      %dma_start3A_581 = arith.constant 0 : i32
      %dma_start3A_582 = arith.constant 0 : i32
      %dma_start3A_583 = arith.constant 0 : i32
      %dma_start3A_584 = tpu.memref_slice %arg3[%add3A, %add3A_580, %dma_start3A_582, %dma_start3A_583] : memref<32x84x2x128xi32, #tpu.memory_space<hbm>> -> memref<1x1x2x128xi32, #tpu.memory_space<hbm>>
      %dma_start3A_585 = tpu.memref_squeeze %dma_start3A_584 : memref<1x1x2x128xi32, #tpu.memory_space<hbm>> -> memref<2x128xi32, #tpu.memory_space<hbm>>
      %dma_start3A_586 = tpu.memref_slice %arg12[%dma_start3A_581] : memref<4x!tpu.dma_semaphore, #tpu.memory_space<semaphore_mem>> -> memref<1x!tpu.dma_semaphore, #tpu.memory_space<semaphore_mem>>
      %dma_start3A_587 = tpu.memref_squeeze %dma_start3A_586 : memref<1x!tpu.dma_semaphore, #tpu.memory_space<semaphore_mem>> -> memref<!tpu.dma_semaphore, #tpu.memory_space<semaphore_mem>>
      %dma_start3A_588 = arith.constant 0 : i32
      %dma_start3A_589 = arith.constant 0 : i32
      %dma_start3A_590 = tpu.memref_slice %arg3[%add3A, %add3A_580, %dma_start3A_588, %dma_start3A_589] : memref<32x84x2x128xi32, #tpu.memory_space<hbm>> -> memref<1x1x2x128xi32, #tpu.memory_space<hbm>>
      %dma_start3A_591 = tpu.memref_squeeze %dma_start3A_590 : memref<1x1x2x128xi32, #tpu.memory_space<hbm>> -> memref<2x128xi32, #tpu.memory_space<hbm>>
      tpu.enqueue_dma source(%dma_start3A_591 : memref<2x128xi32, #tpu.memory_space<hbm>>) target(%arg7 : memref<2x128xi32, #tpu.memory_space<vmem>>) target_semaphore(%dma_start3A_587 : memref<!tpu.dma_semaphore, #tpu.memory_space<semaphore_mem>>)
      %dma_start3A_592 = arith.constant 0 : i32
      %dma_start3A_593 = arith.constant 0 : i32
      %dma_start3A_594 = arith.constant 0 : i32
      %dma_start3A_595 = arith.constant 0 : i32
      %dma_start3A_596 = arith.constant 0 : i32
      %dma_start3A_597 = tpu.memref_slice %arg6[%dma_start3A_593, %dma_start3A_595, %dma_start3A_596] : memref<2x128x128xf32, #tpu.memory_space<vmem>> -> memref<1x128x128xf32, #tpu.memory_space<vmem>>
      %dma_start3A_598 = tpu.memref_squeeze %dma_start3A_597 : memref<1x128x128xf32, #tpu.memory_space<vmem>> -> memref<128x128xf32, #tpu.memory_space<vmem>>
      %dma_start3A_599 = arith.constant 0 : i32
      %dma_start3A_600 = tpu.memref_slice %arg9[%dma_start3A_592, %dma_start3A_599] : memref<2x128xi32, #tpu.memory_space<vmem>> -> memref<1x128xi32, #tpu.memory_space<vmem>>
      %dma_start3A_601 = tpu.memref_squeeze %dma_start3A_600 : memref<1x128xi32, #tpu.memory_space<vmem>> -> memref<128xi32, #tpu.memory_space<vmem>>
      %dma_start3A_602 = arith.constant 0 : i32
      %dma_start3A_603 = arith.constant 0 : i32
      %dma_start3A_604 = tpu.memref_slice %arg2[%dma_start3A_602, %dma_start3A_603] : memref<10240x128xf32, #tpu.memory_space<hbm>> -> memref<10240x128xf32, #tpu.memory_space<hbm>>
      %dma_start3A_605 = tpu.memref_slice %arg11[%dma_start3A_594] : memref<2x!tpu.dma_semaphore, #tpu.memory_space<semaphore_mem>> -> memref<1x!tpu.dma_semaphore, #tpu.memory_space<semaphore_mem>>
      %dma_start3A_606 = tpu.memref_squeeze %dma_start3A_605 : memref<1x!tpu.dma_semaphore, #tpu.memory_space<semaphore_mem>> -> memref<!tpu.dma_semaphore, #tpu.memory_space<semaphore_mem>>
      tpu.enqueue_indirect_dma source(%dma_start3A_604 : memref<10240x128xf32, #tpu.memory_space<hbm>>) target(%dma_start3A_598 : memref<128x128xf32, #tpu.memory_space<vmem>>) offsets(%dma_start3A_601 : memref<128xi32, #tpu.memory_space<vmem>>) semaphore(%dma_start3A_606 : memref<!tpu.dma_semaphore, #tpu.memory_space<semaphore_mem>>)
      %dma_wait3A_607 = arith.constant 0 : i32
      %dma_wait3A_608 = arith.constant 1 : i32
      %dma_wait3A_609 = arith.constant 1 : i32
      %dma_wait3A_610 = arith.constant 0 : i32
      %dma_wait3A_611 = arith.constant 0 : i32
      %dma_wait3A_612 = tpu.memref_slice %arg6[%dma_wait3A_608, %dma_wait3A_610, %dma_wait3A_611] : memref<2x128x128xf32, #tpu.memory_space<vmem>> -> memref<1x128x128xf32, #tpu.memory_space<vmem>>
      %dma_wait3A_613 = tpu.memref_squeeze %dma_wait3A_612 : memref<1x128x128xf32, #tpu.memory_space<vmem>> -> memref<128x128xf32, #tpu.memory_space<vmem>>
      %dma_wait3A_614 = arith.constant 0 : i32
      %dma_wait3A_615 = tpu.memref_slice %arg8[%dma_wait3A_607, %dma_wait3A_614] : memref<2x128xi32, #tpu.memory_space<vmem>> -> memref<1x128xi32, #tpu.memory_space<vmem>>
      %dma_wait3A_616 = tpu.memref_squeeze %dma_wait3A_615 : memref<1x128xi32, #tpu.memory_space<vmem>> -> memref<128xi32, #tpu.memory_space<vmem>>
      %dma_wait3A_617 = arith.constant 0 : i32
      %dma_wait3A_618 = arith.constant 0 : i32
      %dma_wait3A_619 = tpu.memref_slice %arg2[%dma_wait3A_617, %dma_wait3A_618] : memref<10240x128xf32, #tpu.memory_space<hbm>> -> memref<10240x128xf32, #tpu.memory_space<hbm>>
      %dma_wait3A_620 = tpu.memref_slice %arg11[%dma_wait3A_609] : memref<2x!tpu.dma_semaphore, #tpu.memory_space<semaphore_mem>> -> memref<1x!tpu.dma_semaphore, #tpu.memory_space<semaphore_mem>>
      %dma_wait3A_621 = tpu.memref_squeeze %dma_wait3A_620 : memref<1x!tpu.dma_semaphore, #tpu.memory_space<semaphore_mem>> -> memref<!tpu.dma_semaphore, #tpu.memory_space<semaphore_mem>>
      tpu.wait_indirect_dma semaphore(%dma_wait3A_621 : memref<!tpu.dma_semaphore, #tpu.memory_space<semaphore_mem>>) src(%dma_wait3A_619 : memref<10240x128xf32, #tpu.memory_space<hbm>>) dst(%dma_wait3A_613 : memref<128x128xf32, #tpu.memory_space<vmem>>)
      %dma_start3A_622 = arith.constant 1 : i32
      %dma_start3A_623 = arith.constant 1 : i32
      %dma_start3A_624 = arith.constant 1 : i32
      %dma_start3A_625 = arith.constant 0 : i32
      %dma_start3A_626 = arith.constant 0 : i32
      %dma_start3A_627 = tpu.memref_slice %arg6[%dma_start3A_622, %dma_start3A_625, %dma_start3A_626] : memref<2x128x128xf32, #tpu.memory_space<vmem>> -> memref<1x128x128xf32, #tpu.memory_space<vmem>>
      %dma_start3A_628 = tpu.memref_squeeze %dma_start3A_627 : memref<1x128x128xf32, #tpu.memory_space<vmem>> -> memref<128x128xf32, #tpu.memory_space<vmem>>
      %dma_start3A_629 = arith.constant 0 : i32
      %dma_start3A_630 = tpu.memref_slice %arg8[%dma_start3A_623, %dma_start3A_629] : memref<2x128xi32, #tpu.memory_space<vmem>> -> memref<1x128xi32, #tpu.memory_space<vmem>>
      %dma_start3A_631 = tpu.memref_squeeze %dma_start3A_630 : memref<1x128xi32, #tpu.memory_space<vmem>> -> memref<128xi32, #tpu.memory_space<vmem>>
      %dma_start3A_632 = arith.constant 0 : i32
      %dma_start3A_633 = arith.constant 0 : i32
      %dma_start3A_634 = tpu.memref_slice %arg5[%dma_start3A_632, %dma_start3A_633] : memref<10240x128xf32, #tpu.memory_space<vmem_shared>> -> memref<10240x128xf32, #tpu.memory_space<vmem_shared>>
      %dma_start3A_635 = tpu.memref_slice %arg13[%dma_start3A_624] : memref<2x!tpu.dma_semaphore, #tpu.memory_space<semaphore_mem>> -> memref<1x!tpu.dma_semaphore, #tpu.memory_space<semaphore_mem>>
      %dma_start3A_636 = tpu.memref_squeeze %dma_start3A_635 : memref<1x!tpu.dma_semaphore, #tpu.memory_space<semaphore_mem>> -> memref<!tpu.dma_semaphore, #tpu.memory_space<semaphore_mem>>
      tpu.enqueue_indirect_dma source(%dma_start3A_628 : memref<128x128xf32, #tpu.memory_space<vmem>>) target(%dma_start3A_634 : memref<10240x128xf32, #tpu.memory_space<vmem_shared>>) offsets(%dma_start3A_631 : memref<128xi32, #tpu.memory_space<vmem>>) semaphore(%dma_start3A_636 : memref<!tpu.dma_semaphore, #tpu.memory_space<semaphore_mem>>) {add = true}
      %mul3A_637 = arith.constant 4 : i32
      %mul3A_638 = arith.muli %mul3A_637, %scan3A_451 : i32
      %add3A_639 = arith.constant 2 : i32
      %add3A_640 = arith.addi %mul3A_638, %add3A_639 : i32
      %dma_wait3A_641 = arith.constant 0 : i32
      %dma_wait3A_642 = arith.constant 3 : i32
      %dma_wait3A_643 = arith.constant 0 : i32
      %dma_wait3A_644 = arith.constant 0 : i32
      %dma_wait3A_645 = tpu.memref_slice %arg3[%add3A, %dma_wait3A_641, %dma_wait3A_643, %dma_wait3A_644] : memref<32x84x2x128xi32, #tpu.memory_space<hbm>> -> memref<1x1x2x128xi32, #tpu.memory_space<hbm>>
      %dma_wait3A_646 = tpu.memref_squeeze %dma_wait3A_645 : memref<1x1x2x128xi32, #tpu.memory_space<hbm>> -> memref<2x128xi32, #tpu.memory_space<hbm>>
      %dma_wait3A_647 = tpu.memref_slice %arg12[%dma_wait3A_642] : memref<4x!tpu.dma_semaphore, #tpu.memory_space<semaphore_mem>> -> memref<1x!tpu.dma_semaphore, #tpu.memory_space<semaphore_mem>>
      %dma_wait3A_648 = tpu.memref_squeeze %dma_wait3A_647 : memref<1x!tpu.dma_semaphore, #tpu.memory_space<semaphore_mem>> -> memref<!tpu.dma_semaphore, #tpu.memory_space<semaphore_mem>>
      %dma_wait3A_649 = arith.constant 0 : i32
      %dma_wait3A_650 = arith.constant 0 : i32
      %dma_wait3A_651 = tpu.memref_slice %arg3[%add3A, %dma_wait3A_641, %dma_wait3A_649, %dma_wait3A_650] : memref<32x84x2x128xi32, #tpu.memory_space<hbm>> -> memref<1x1x2x128xi32, #tpu.memory_space<hbm>>
      %dma_wait3A_652 = tpu.memref_squeeze %dma_wait3A_651 : memref<1x1x2x128xi32, #tpu.memory_space<hbm>> -> memref<2x128xi32, #tpu.memory_space<hbm>>
      tpu.wait_dma2 semaphore(%dma_wait3A_648 : memref<!tpu.dma_semaphore, #tpu.memory_space<semaphore_mem>>) src(%dma_wait3A_652 : memref<2x128xi32, #tpu.memory_space<hbm>>) dst(%arg10 : memref<2x128xi32, #tpu.memory_space<vmem>>)
      %dma_wait3A_653 = arith.constant 1 : i32
      %dma_wait3A_654 = arith.constant 1 : i32
      %dma_wait3A_655 = arith.constant 0 : i32
      %dma_wait3A_656 = arith.constant 0 : i32
      %dma_wait3A_657 = tpu.memref_slice %arg6[%dma_wait3A_653, %dma_wait3A_655, %dma_wait3A_656] : memref<2x128x128xf32, #tpu.memory_space<vmem>> -> memref<1x128x128xf32, #tpu.memory_space<vmem>>
      %dma_wait3A_658 = tpu.memref_squeeze %dma_wait3A_657 : memref<1x128x128xf32, #tpu.memory_space<vmem>> -> memref<128x128xf32, #tpu.memory_space<vmem>>
      %dma_wait3A_659 = arith.constant 0 : i32
      %dma_wait3A_660 = arith.constant 0 : i32
      %dma_wait3A_661 = tpu.memref_slice %arg5[%dma_wait3A_659, %dma_wait3A_660] : memref<10240x128xf32, #tpu.memory_space<vmem_shared>> -> memref<128x128xf32, #tpu.memory_space<vmem_shared>>
      %dma_wait3A_662 = tpu.memref_slice %arg13[%dma_wait3A_654] : memref<2x!tpu.dma_semaphore, #tpu.memory_space<semaphore_mem>> -> memref<1x!tpu.dma_semaphore, #tpu.memory_space<semaphore_mem>>
      %dma_wait3A_663 = tpu.memref_squeeze %dma_wait3A_662 : memref<1x!tpu.dma_semaphore, #tpu.memory_space<semaphore_mem>> -> memref<!tpu.dma_semaphore, #tpu.memory_space<semaphore_mem>>
      %dma_wait3A_664 = arith.constant 0 : i32
      %dma_wait3A_665 = arith.constant 0 : i32
      %dma_wait3A_666 = tpu.memref_slice %arg5[%dma_wait3A_664, %dma_wait3A_665] : memref<10240x128xf32, #tpu.memory_space<vmem_shared>> -> memref<128x128xf32, #tpu.memory_space<vmem_shared>>
      %dma_wait3A_667 = arith.constant 0 : i32
      %dma_wait3A_668 = arith.constant 0 : i32
      %dma_wait3A_669 = tpu.memref_slice %arg6[%dma_wait3A_653, %dma_wait3A_667, %dma_wait3A_668] : memref<2x128x128xf32, #tpu.memory_space<vmem>> -> memref<1x128x128xf32, #tpu.memory_space<vmem>>
      %dma_wait3A_670 = tpu.memref_squeeze %dma_wait3A_669 : memref<1x128x128xf32, #tpu.memory_space<vmem>> -> memref<128x128xf32, #tpu.memory_space<vmem>>
      tpu.wait_dma2 semaphore(%dma_wait3A_663 : memref<!tpu.dma_semaphore, #tpu.memory_space<semaphore_mem>>) src(%dma_wait3A_670 : memref<128x128xf32, #tpu.memory_space<vmem>>) dst(%dma_wait3A_666 : memref<128x128xf32, #tpu.memory_space<vmem_shared>>)
      %add3A_671 = arith.constant 3 : i32
      %add3A_672 = arith.addi %add3A_640, %add3A_671 : i32
      %dma_start3A_673 = arith.constant 1 : i32
      %dma_start3A_674 = arith.constant 0 : i32
      %dma_start3A_675 = arith.constant 0 : i32
      %dma_start3A_676 = tpu.memref_slice %arg3[%add3A, %add3A_672, %dma_start3A_674, %dma_start3A_675] : memref<32x84x2x128xi32, #tpu.memory_space<hbm>> -> memref<1x1x2x128xi32, #tpu.memory_space<hbm>>
      %dma_start3A_677 = tpu.memref_squeeze %dma_start3A_676 : memref<1x1x2x128xi32, #tpu.memory_space<hbm>> -> memref<2x128xi32, #tpu.memory_space<hbm>>
      %dma_start3A_678 = tpu.memref_slice %arg12[%dma_start3A_673] : memref<4x!tpu.dma_semaphore, #tpu.memory_space<semaphore_mem>> -> memref<1x!tpu.dma_semaphore, #tpu.memory_space<semaphore_mem>>
      %dma_start3A_679 = tpu.memref_squeeze %dma_start3A_678 : memref<1x!tpu.dma_semaphore, #tpu.memory_space<semaphore_mem>> -> memref<!tpu.dma_semaphore, #tpu.memory_space<semaphore_mem>>
      %dma_start3A_680 = arith.constant 0 : i32
      %dma_start3A_681 = arith.constant 0 : i32
      %dma_start3A_682 = tpu.memref_slice %arg3[%add3A, %add3A_672, %dma_start3A_680, %dma_start3A_681] : memref<32x84x2x128xi32, #tpu.memory_space<hbm>> -> memref<1x1x2x128xi32, #tpu.memory_space<hbm>>
      %dma_start3A_683 = tpu.memref_squeeze %dma_start3A_682 : memref<1x1x2x128xi32, #tpu.memory_space<hbm>> -> memref<2x128xi32, #tpu.memory_space<hbm>>
      tpu.enqueue_dma source(%dma_start3A_683 : memref<2x128xi32, #tpu.memory_space<hbm>>) target(%arg8 : memref<2x128xi32, #tpu.memory_space<vmem>>) target_semaphore(%dma_start3A_679 : memref<!tpu.dma_semaphore, #tpu.memory_space<semaphore_mem>>)
      %dma_start3A_684 = arith.constant 0 : i32
      %dma_start3A_685 = arith.constant 1 : i32
      %dma_start3A_686 = arith.constant 1 : i32
      %dma_start3A_687 = arith.constant 0 : i32
      %dma_start3A_688 = arith.constant 0 : i32
      %dma_start3A_689 = tpu.memref_slice %arg6[%dma_start3A_685, %dma_start3A_687, %dma_start3A_688] : memref<2x128x128xf32, #tpu.memory_space<vmem>> -> memref<1x128x128xf32, #tpu.memory_space<vmem>>
      %dma_start3A_690 = tpu.memref_squeeze %dma_start3A_689 : memref<1x128x128xf32, #tpu.memory_space<vmem>> -> memref<128x128xf32, #tpu.memory_space<vmem>>
      %dma_start3A_691 = arith.constant 0 : i32
      %dma_start3A_692 = tpu.memref_slice %arg10[%dma_start3A_684, %dma_start3A_691] : memref<2x128xi32, #tpu.memory_space<vmem>> -> memref<1x128xi32, #tpu.memory_space<vmem>>
      %dma_start3A_693 = tpu.memref_squeeze %dma_start3A_692 : memref<1x128xi32, #tpu.memory_space<vmem>> -> memref<128xi32, #tpu.memory_space<vmem>>
      %dma_start3A_694 = arith.constant 0 : i32
      %dma_start3A_695 = arith.constant 0 : i32
      %dma_start3A_696 = tpu.memref_slice %arg2[%dma_start3A_694, %dma_start3A_695] : memref<10240x128xf32, #tpu.memory_space<hbm>> -> memref<10240x128xf32, #tpu.memory_space<hbm>>
      %dma_start3A_697 = tpu.memref_slice %arg11[%dma_start3A_686] : memref<2x!tpu.dma_semaphore, #tpu.memory_space<semaphore_mem>> -> memref<1x!tpu.dma_semaphore, #tpu.memory_space<semaphore_mem>>
      %dma_start3A_698 = tpu.memref_squeeze %dma_start3A_697 : memref<1x!tpu.dma_semaphore, #tpu.memory_space<semaphore_mem>> -> memref<!tpu.dma_semaphore, #tpu.memory_space<semaphore_mem>>
      tpu.enqueue_indirect_dma source(%dma_start3A_696 : memref<10240x128xf32, #tpu.memory_space<hbm>>) target(%dma_start3A_690 : memref<128x128xf32, #tpu.memory_space<vmem>>) offsets(%dma_start3A_693 : memref<128xi32, #tpu.memory_space<vmem>>) semaphore(%dma_start3A_698 : memref<!tpu.dma_semaphore, #tpu.memory_space<semaphore_mem>>)
      %dma_wait3A_699 = arith.constant 0 : i32
      %dma_wait3A_700 = arith.constant 0 : i32
      %dma_wait3A_701 = arith.constant 0 : i32
      %dma_wait3A_702 = arith.constant 0 : i32
      %dma_wait3A_703 = arith.constant 0 : i32
      %dma_wait3A_704 = tpu.memref_slice %arg6[%dma_wait3A_700, %dma_wait3A_702, %dma_wait3A_703] : memref<2x128x128xf32, #tpu.memory_space<vmem>> -> memref<1x128x128xf32, #tpu.memory_space<vmem>>
      %dma_wait3A_705 = tpu.memref_squeeze %dma_wait3A_704 : memref<1x128x128xf32, #tpu.memory_space<vmem>> -> memref<128x128xf32, #tpu.memory_space<vmem>>
      %dma_wait3A_706 = arith.constant 0 : i32
      %dma_wait3A_707 = tpu.memref_slice %arg9[%dma_wait3A_699, %dma_wait3A_706] : memref<2x128xi32, #tpu.memory_space<vmem>> -> memref<1x128xi32, #tpu.memory_space<vmem>>
      %dma_wait3A_708 = tpu.memref_squeeze %dma_wait3A_707 : memref<1x128xi32, #tpu.memory_space<vmem>> -> memref<128xi32, #tpu.memory_space<vmem>>
      %dma_wait3A_709 = arith.constant 0 : i32
      %dma_wait3A_710 = arith.constant 0 : i32
      %dma_wait3A_711 = tpu.memref_slice %arg2[%dma_wait3A_709, %dma_wait3A_710] : memref<10240x128xf32, #tpu.memory_space<hbm>> -> memref<10240x128xf32, #tpu.memory_space<hbm>>
      %dma_wait3A_712 = tpu.memref_slice %arg11[%dma_wait3A_701] : memref<2x!tpu.dma_semaphore, #tpu.memory_space<semaphore_mem>> -> memref<1x!tpu.dma_semaphore, #tpu.memory_space<semaphore_mem>>
      %dma_wait3A_713 = tpu.memref_squeeze %dma_wait3A_712 : memref<1x!tpu.dma_semaphore, #tpu.memory_space<semaphore_mem>> -> memref<!tpu.dma_semaphore, #tpu.memory_space<semaphore_mem>>
      tpu.wait_indirect_dma semaphore(%dma_wait3A_713 : memref<!tpu.dma_semaphore, #tpu.memory_space<semaphore_mem>>) src(%dma_wait3A_711 : memref<10240x128xf32, #tpu.memory_space<hbm>>) dst(%dma_wait3A_705 : memref<128x128xf32, #tpu.memory_space<vmem>>)
      %dma_start3A_714 = arith.constant 0 : i32
      %dma_start3A_715 = arith.constant 1 : i32
      %dma_start3A_716 = arith.constant 0 : i32
      %dma_start3A_717 = arith.constant 0 : i32
      %dma_start3A_718 = arith.constant 0 : i32
      %dma_start3A_719 = tpu.memref_slice %arg6[%dma_start3A_714, %dma_start3A_717, %dma_start3A_718] : memref<2x128x128xf32, #tpu.memory_space<vmem>> -> memref<1x128x128xf32, #tpu.memory_space<vmem>>
      %dma_start3A_720 = tpu.memref_squeeze %dma_start3A_719 : memref<1x128x128xf32, #tpu.memory_space<vmem>> -> memref<128x128xf32, #tpu.memory_space<vmem>>
      %dma_start3A_721 = arith.constant 0 : i32
      %dma_start3A_722 = tpu.memref_slice %arg9[%dma_start3A_715, %dma_start3A_721] : memref<2x128xi32, #tpu.memory_space<vmem>> -> memref<1x128xi32, #tpu.memory_space<vmem>>
      %dma_start3A_723 = tpu.memref_squeeze %dma_start3A_722 : memref<1x128xi32, #tpu.memory_space<vmem>> -> memref<128xi32, #tpu.memory_space<vmem>>
      %dma_start3A_724 = arith.constant 0 : i32
      %dma_start3A_725 = arith.constant 0 : i32
      %dma_start3A_726 = tpu.memref_slice %arg5[%dma_start3A_724, %dma_start3A_725] : memref<10240x128xf32, #tpu.memory_space<vmem_shared>> -> memref<10240x128xf32, #tpu.memory_space<vmem_shared>>
      %dma_start3A_727 = tpu.memref_slice %arg13[%dma_start3A_716] : memref<2x!tpu.dma_semaphore, #tpu.memory_space<semaphore_mem>> -> memref<1x!tpu.dma_semaphore, #tpu.memory_space<semaphore_mem>>
      %dma_start3A_728 = tpu.memref_squeeze %dma_start3A_727 : memref<1x!tpu.dma_semaphore, #tpu.memory_space<semaphore_mem>> -> memref<!tpu.dma_semaphore, #tpu.memory_space<semaphore_mem>>
      tpu.enqueue_indirect_dma source(%dma_start3A_720 : memref<128x128xf32, #tpu.memory_space<vmem>>) target(%dma_start3A_726 : memref<10240x128xf32, #tpu.memory_space<vmem_shared>>) offsets(%dma_start3A_723 : memref<128xi32, #tpu.memory_space<vmem>>) semaphore(%dma_start3A_728 : memref<!tpu.dma_semaphore, #tpu.memory_space<semaphore_mem>>) {add = true}
      %mul3A_729 = arith.constant 4 : i32
      %mul3A_730 = arith.muli %mul3A_729, %scan3A_451 : i32
      %add3A_731 = arith.constant 3 : i32
      %add3A_732 = arith.addi %mul3A_730, %add3A_731 : i32
      %dma_wait3A_733 = arith.constant 0 : i32
      %dma_wait3A_734 = arith.constant 0 : i32
      %dma_wait3A_735 = arith.constant 0 : i32
      %dma_wait3A_736 = arith.constant 0 : i32
      %dma_wait3A_737 = tpu.memref_slice %arg3[%add3A, %dma_wait3A_733, %dma_wait3A_735, %dma_wait3A_736] : memref<32x84x2x128xi32, #tpu.memory_space<hbm>> -> memref<1x1x2x128xi32, #tpu.memory_space<hbm>>
      %dma_wait3A_738 = tpu.memref_squeeze %dma_wait3A_737 : memref<1x1x2x128xi32, #tpu.memory_space<hbm>> -> memref<2x128xi32, #tpu.memory_space<hbm>>
      %dma_wait3A_739 = tpu.memref_slice %arg12[%dma_wait3A_734] : memref<4x!tpu.dma_semaphore, #tpu.memory_space<semaphore_mem>> -> memref<1x!tpu.dma_semaphore, #tpu.memory_space<semaphore_mem>>
      %dma_wait3A_740 = tpu.memref_squeeze %dma_wait3A_739 : memref<1x!tpu.dma_semaphore, #tpu.memory_space<semaphore_mem>> -> memref<!tpu.dma_semaphore, #tpu.memory_space<semaphore_mem>>
      %dma_wait3A_741 = arith.constant 0 : i32
      %dma_wait3A_742 = arith.constant 0 : i32
      %dma_wait3A_743 = tpu.memref_slice %arg3[%add3A, %dma_wait3A_733, %dma_wait3A_741, %dma_wait3A_742] : memref<32x84x2x128xi32, #tpu.memory_space<hbm>> -> memref<1x1x2x128xi32, #tpu.memory_space<hbm>>
      %dma_wait3A_744 = tpu.memref_squeeze %dma_wait3A_743 : memref<1x1x2x128xi32, #tpu.memory_space<hbm>> -> memref<2x128xi32, #tpu.memory_space<hbm>>
      tpu.wait_dma2 semaphore(%dma_wait3A_740 : memref<!tpu.dma_semaphore, #tpu.memory_space<semaphore_mem>>) src(%dma_wait3A_744 : memref<2x128xi32, #tpu.memory_space<hbm>>) dst(%arg7 : memref<2x128xi32, #tpu.memory_space<vmem>>)
      %dma_wait3A_745 = arith.constant 0 : i32
      %dma_wait3A_746 = arith.constant 0 : i32
      %dma_wait3A_747 = arith.constant 0 : i32
      %dma_wait3A_748 = arith.constant 0 : i32
      %dma_wait3A_749 = tpu.memref_slice %arg6[%dma_wait3A_745, %dma_wait3A_747, %dma_wait3A_748] : memref<2x128x128xf32, #tpu.memory_space<vmem>> -> memref<1x128x128xf32, #tpu.memory_space<vmem>>
      %dma_wait3A_750 = tpu.memref_squeeze %dma_wait3A_749 : memref<1x128x128xf32, #tpu.memory_space<vmem>> -> memref<128x128xf32, #tpu.memory_space<vmem>>
      %dma_wait3A_751 = arith.constant 0 : i32
      %dma_wait3A_752 = arith.constant 0 : i32
      %dma_wait3A_753 = tpu.memref_slice %arg5[%dma_wait3A_751, %dma_wait3A_752] : memref<10240x128xf32, #tpu.memory_space<vmem_shared>> -> memref<128x128xf32, #tpu.memory_space<vmem_shared>>
      %dma_wait3A_754 = tpu.memref_slice %arg13[%dma_wait3A_746] : memref<2x!tpu.dma_semaphore, #tpu.memory_space<semaphore_mem>> -> memref<1x!tpu.dma_semaphore, #tpu.memory_space<semaphore_mem>>
      %dma_wait3A_755 = tpu.memref_squeeze %dma_wait3A_754 : memref<1x!tpu.dma_semaphore, #tpu.memory_space<semaphore_mem>> -> memref<!tpu.dma_semaphore, #tpu.memory_space<semaphore_mem>>
      %dma_wait3A_756 = arith.constant 0 : i32
      %dma_wait3A_757 = arith.constant 0 : i32
      %dma_wait3A_758 = tpu.memref_slice %arg5[%dma_wait3A_756, %dma_wait3A_757] : memref<10240x128xf32, #tpu.memory_space<vmem_shared>> -> memref<128x128xf32, #tpu.memory_space<vmem_shared>>
      %dma_wait3A_759 = arith.constant 0 : i32
      %dma_wait3A_760 = arith.constant 0 : i32
      %dma_wait3A_761 = tpu.memref_slice %arg6[%dma_wait3A_745, %dma_wait3A_759, %dma_wait3A_760] : memref<2x128x128xf32, #tpu.memory_space<vmem>> -> memref<1x128x128xf32, #tpu.memory_space<vmem>>
      %dma_wait3A_762 = tpu.memref_squeeze %dma_wait3A_761 : memref<1x128x128xf32, #tpu.memory_space<vmem>> -> memref<128x128xf32, #tpu.memory_space<vmem>>
      tpu.wait_dma2 semaphore(%dma_wait3A_755 : memref<!tpu.dma_semaphore, #tpu.memory_space<semaphore_mem>>) src(%dma_wait3A_762 : memref<128x128xf32, #tpu.memory_space<vmem>>) dst(%dma_wait3A_758 : memref<128x128xf32, #tpu.memory_space<vmem_shared>>)
      %add3A_763 = arith.constant 3 : i32
      %add3A_764 = arith.addi %add3A_732, %add3A_763 : i32
      %dma_start3A_765 = arith.constant 2 : i32
      %dma_start3A_766 = arith.constant 0 : i32
      %dma_start3A_767 = arith.constant 0 : i32
      %dma_start3A_768 = tpu.memref_slice %arg3[%add3A, %add3A_764, %dma_start3A_766, %dma_start3A_767] : memref<32x84x2x128xi32, #tpu.memory_space<hbm>> -> memref<1x1x2x128xi32, #tpu.memory_space<hbm>>
      %dma_start3A_769 = tpu.memref_squeeze %dma_start3A_768 : memref<1x1x2x128xi32, #tpu.memory_space<hbm>> -> memref<2x128xi32, #tpu.memory_space<hbm>>
      %dma_start3A_770 = tpu.memref_slice %arg12[%dma_start3A_765] : memref<4x!tpu.dma_semaphore, #tpu.memory_space<semaphore_mem>> -> memref<1x!tpu.dma_semaphore, #tpu.memory_space<semaphore_mem>>
      %dma_start3A_771 = tpu.memref_squeeze %dma_start3A_770 : memref<1x!tpu.dma_semaphore, #tpu.memory_space<semaphore_mem>> -> memref<!tpu.dma_semaphore, #tpu.memory_space<semaphore_mem>>
      %dma_start3A_772 = arith.constant 0 : i32
      %dma_start3A_773 = arith.constant 0 : i32
      %dma_start3A_774 = tpu.memref_slice %arg3[%add3A, %add3A_764, %dma_start3A_772, %dma_start3A_773] : memref<32x84x2x128xi32, #tpu.memory_space<hbm>> -> memref<1x1x2x128xi32, #tpu.memory_space<hbm>>
      %dma_start3A_775 = tpu.memref_squeeze %dma_start3A_774 : memref<1x1x2x128xi32, #tpu.memory_space<hbm>> -> memref<2x128xi32, #tpu.memory_space<hbm>>
      tpu.enqueue_dma source(%dma_start3A_775 : memref<2x128xi32, #tpu.memory_space<hbm>>) target(%arg9 : memref<2x128xi32, #tpu.memory_space<vmem>>) target_semaphore(%dma_start3A_771 : memref<!tpu.dma_semaphore, #tpu.memory_space<semaphore_mem>>)
      %dma_start3A_776 = arith.constant 0 : i32
      %dma_start3A_777 = arith.constant 0 : i32
      %dma_start3A_778 = arith.constant 0 : i32
      %dma_start3A_779 = arith.constant 0 : i32
      %dma_start3A_780 = arith.constant 0 : i32
      %dma_start3A_781 = tpu.memref_slice %arg6[%dma_start3A_777, %dma_start3A_779, %dma_start3A_780] : memref<2x128x128xf32, #tpu.memory_space<vmem>> -> memref<1x128x128xf32, #tpu.memory_space<vmem>>
      %dma_start3A_782 = tpu.memref_squeeze %dma_start3A_781 : memref<1x128x128xf32, #tpu.memory_space<vmem>> -> memref<128x128xf32, #tpu.memory_space<vmem>>
      %dma_start3A_783 = arith.constant 0 : i32
      %dma_start3A_784 = tpu.memref_slice %arg7[%dma_start3A_776, %dma_start3A_783] : memref<2x128xi32, #tpu.memory_space<vmem>> -> memref<1x128xi32, #tpu.memory_space<vmem>>
      %dma_start3A_785 = tpu.memref_squeeze %dma_start3A_784 : memref<1x128xi32, #tpu.memory_space<vmem>> -> memref<128xi32, #tpu.memory_space<vmem>>
      %dma_start3A_786 = arith.constant 0 : i32
      %dma_start3A_787 = arith.constant 0 : i32
      %dma_start3A_788 = tpu.memref_slice %arg2[%dma_start3A_786, %dma_start3A_787] : memref<10240x128xf32, #tpu.memory_space<hbm>> -> memref<10240x128xf32, #tpu.memory_space<hbm>>
      %dma_start3A_789 = tpu.memref_slice %arg11[%dma_start3A_778] : memref<2x!tpu.dma_semaphore, #tpu.memory_space<semaphore_mem>> -> memref<1x!tpu.dma_semaphore, #tpu.memory_space<semaphore_mem>>
      %dma_start3A_790 = tpu.memref_squeeze %dma_start3A_789 : memref<1x!tpu.dma_semaphore, #tpu.memory_space<semaphore_mem>> -> memref<!tpu.dma_semaphore, #tpu.memory_space<semaphore_mem>>
      tpu.enqueue_indirect_dma source(%dma_start3A_788 : memref<10240x128xf32, #tpu.memory_space<hbm>>) target(%dma_start3A_782 : memref<128x128xf32, #tpu.memory_space<vmem>>) offsets(%dma_start3A_785 : memref<128xi32, #tpu.memory_space<vmem>>) semaphore(%dma_start3A_790 : memref<!tpu.dma_semaphore, #tpu.memory_space<semaphore_mem>>)
      %dma_wait3A_791 = arith.constant 0 : i32
      %dma_wait3A_792 = arith.constant 1 : i32
      %dma_wait3A_793 = arith.constant 1 : i32
      %dma_wait3A_794 = arith.constant 0 : i32
      %dma_wait3A_795 = arith.constant 0 : i32
      %dma_wait3A_796 = tpu.memref_slice %arg6[%dma_wait3A_792, %dma_wait3A_794, %dma_wait3A_795] : memref<2x128x128xf32, #tpu.memory_space<vmem>> -> memref<1x128x128xf32, #tpu.memory_space<vmem>>
      %dma_wait3A_797 = tpu.memref_squeeze %dma_wait3A_796 : memref<1x128x128xf32, #tpu.memory_space<vmem>> -> memref<128x128xf32, #tpu.memory_space<vmem>>
      %dma_wait3A_798 = arith.constant 0 : i32
      %dma_wait3A_799 = tpu.memref_slice %arg10[%dma_wait3A_791, %dma_wait3A_798] : memref<2x128xi32, #tpu.memory_space<vmem>> -> memref<1x128xi32, #tpu.memory_space<vmem>>
      %dma_wait3A_800 = tpu.memref_squeeze %dma_wait3A_799 : memref<1x128xi32, #tpu.memory_space<vmem>> -> memref<128xi32, #tpu.memory_space<vmem>>
      %dma_wait3A_801 = arith.constant 0 : i32
      %dma_wait3A_802 = arith.constant 0 : i32
      %dma_wait3A_803 = tpu.memref_slice %arg2[%dma_wait3A_801, %dma_wait3A_802] : memref<10240x128xf32, #tpu.memory_space<hbm>> -> memref<10240x128xf32, #tpu.memory_space<hbm>>
      %dma_wait3A_804 = tpu.memref_slice %arg11[%dma_wait3A_793] : memref<2x!tpu.dma_semaphore, #tpu.memory_space<semaphore_mem>> -> memref<1x!tpu.dma_semaphore, #tpu.memory_space<semaphore_mem>>
      %dma_wait3A_805 = tpu.memref_squeeze %dma_wait3A_804 : memref<1x!tpu.dma_semaphore, #tpu.memory_space<semaphore_mem>> -> memref<!tpu.dma_semaphore, #tpu.memory_space<semaphore_mem>>
      tpu.wait_indirect_dma semaphore(%dma_wait3A_805 : memref<!tpu.dma_semaphore, #tpu.memory_space<semaphore_mem>>) src(%dma_wait3A_803 : memref<10240x128xf32, #tpu.memory_space<hbm>>) dst(%dma_wait3A_797 : memref<128x128xf32, #tpu.memory_space<vmem>>)
      %dma_start3A_806 = arith.constant 1 : i32
      %dma_start3A_807 = arith.constant 1 : i32
      %dma_start3A_808 = arith.constant 1 : i32
      %dma_start3A_809 = arith.constant 0 : i32
      %dma_start3A_810 = arith.constant 0 : i32
      %dma_start3A_811 = tpu.memref_slice %arg6[%dma_start3A_806, %dma_start3A_809, %dma_start3A_810] : memref<2x128x128xf32, #tpu.memory_space<vmem>> -> memref<1x128x128xf32, #tpu.memory_space<vmem>>
      %dma_start3A_812 = tpu.memref_squeeze %dma_start3A_811 : memref<1x128x128xf32, #tpu.memory_space<vmem>> -> memref<128x128xf32, #tpu.memory_space<vmem>>
      %dma_start3A_813 = arith.constant 0 : i32
      %dma_start3A_814 = tpu.memref_slice %arg10[%dma_start3A_807, %dma_start3A_813] : memref<2x128xi32, #tpu.memory_space<vmem>> -> memref<1x128xi32, #tpu.memory_space<vmem>>
      %dma_start3A_815 = tpu.memref_squeeze %dma_start3A_814 : memref<1x128xi32, #tpu.memory_space<vmem>> -> memref<128xi32, #tpu.memory_space<vmem>>
      %dma_start3A_816 = arith.constant 0 : i32
      %dma_start3A_817 = arith.constant 0 : i32
      %dma_start3A_818 = tpu.memref_slice %arg5[%dma_start3A_816, %dma_start3A_817] : memref<10240x128xf32, #tpu.memory_space<vmem_shared>> -> memref<10240x128xf32, #tpu.memory_space<vmem_shared>>
      %dma_start3A_819 = tpu.memref_slice %arg13[%dma_start3A_808] : memref<2x!tpu.dma_semaphore, #tpu.memory_space<semaphore_mem>> -> memref<1x!tpu.dma_semaphore, #tpu.memory_space<semaphore_mem>>
      %dma_start3A_820 = tpu.memref_squeeze %dma_start3A_819 : memref<1x!tpu.dma_semaphore, #tpu.memory_space<semaphore_mem>> -> memref<!tpu.dma_semaphore, #tpu.memory_space<semaphore_mem>>
      tpu.enqueue_indirect_dma source(%dma_start3A_812 : memref<128x128xf32, #tpu.memory_space<vmem>>) target(%dma_start3A_818 : memref<10240x128xf32, #tpu.memory_space<vmem_shared>>) offsets(%dma_start3A_815 : memref<128xi32, #tpu.memory_space<vmem>>) semaphore(%dma_start3A_820 : memref<!tpu.dma_semaphore, #tpu.memory_space<semaphore_mem>>) {add = true}
      %scan3A_821 = arith.constant 0 : i32
      scf.yield %scan3A_821 : i32
    }
    %scan3A_388 = arith.constant 19 : i32
    %dma_wait3A_389 = arith.constant 0 : i32
    %dma_wait3A_390 = arith.constant 0 : i32
    %dma_wait3A_391 = arith.constant 0 : i32
    %dma_wait3A_392 = arith.constant 0 : i32
    %dma_wait3A_393 = arith.constant 0 : i32
    %dma_wait3A_394 = tpu.memref_slice %arg6[%dma_wait3A_390, %dma_wait3A_392, %dma_wait3A_393] : memref<2x128x128xf32, #tpu.memory_space<vmem>> -> memref<1x128x128xf32, #tpu.memory_space<vmem>>
    %dma_wait3A_395 = tpu.memref_squeeze %dma_wait3A_394 : memref<1x128x128xf32, #tpu.memory_space<vmem>> -> memref<128x128xf32, #tpu.memory_space<vmem>>
    %dma_wait3A_396 = arith.constant 0 : i32
    %dma_wait3A_397 = tpu.memref_slice %arg7[%dma_wait3A_389, %dma_wait3A_396] : memref<2x128xi32, #tpu.memory_space<vmem>> -> memref<1x128xi32, #tpu.memory_space<vmem>>
    %dma_wait3A_398 = tpu.memref_squeeze %dma_wait3A_397 : memref<1x128xi32, #tpu.memory_space<vmem>> -> memref<128xi32, #tpu.memory_space<vmem>>
    %dma_wait3A_399 = arith.constant 0 : i32
    %dma_wait3A_400 = arith.constant 0 : i32
    %dma_wait3A_401 = tpu.memref_slice %arg2[%dma_wait3A_399, %dma_wait3A_400] : memref<10240x128xf32, #tpu.memory_space<hbm>> -> memref<10240x128xf32, #tpu.memory_space<hbm>>
    %dma_wait3A_402 = tpu.memref_slice %arg11[%dma_wait3A_391] : memref<2x!tpu.dma_semaphore, #tpu.memory_space<semaphore_mem>> -> memref<1x!tpu.dma_semaphore, #tpu.memory_space<semaphore_mem>>
    %dma_wait3A_403 = tpu.memref_squeeze %dma_wait3A_402 : memref<1x!tpu.dma_semaphore, #tpu.memory_space<semaphore_mem>> -> memref<!tpu.dma_semaphore, #tpu.memory_space<semaphore_mem>>
    tpu.wait_indirect_dma semaphore(%dma_wait3A_403 : memref<!tpu.dma_semaphore, #tpu.memory_space<semaphore_mem>>) src(%dma_wait3A_401 : memref<10240x128xf32, #tpu.memory_space<hbm>>) dst(%dma_wait3A_395 : memref<128x128xf32, #tpu.memory_space<vmem>>)
    %dma_wait3A_404 = arith.constant 1 : i32
    %dma_wait3A_405 = arith.constant 1 : i32
    %dma_wait3A_406 = arith.constant 0 : i32
    %dma_wait3A_407 = arith.constant 0 : i32
    %dma_wait3A_408 = tpu.memref_slice %arg6[%dma_wait3A_404, %dma_wait3A_406, %dma_wait3A_407] : memref<2x128x128xf32, #tpu.memory_space<vmem>> -> memref<1x128x128xf32, #tpu.memory_space<vmem>>
    %dma_wait3A_409 = tpu.memref_squeeze %dma_wait3A_408 : memref<1x128x128xf32, #tpu.memory_space<vmem>> -> memref<128x128xf32, #tpu.memory_space<vmem>>
    %dma_wait3A_410 = arith.constant 0 : i32
    %dma_wait3A_411 = arith.constant 0 : i32
    %dma_wait3A_412 = tpu.memref_slice %arg5[%dma_wait3A_410, %dma_wait3A_411] : memref<10240x128xf32, #tpu.memory_space<vmem_shared>> -> memref<128x128xf32, #tpu.memory_space<vmem_shared>>
    %dma_wait3A_413 = tpu.memref_slice %arg13[%dma_wait3A_405] : memref<2x!tpu.dma_semaphore, #tpu.memory_space<semaphore_mem>> -> memref<1x!tpu.dma_semaphore, #tpu.memory_space<semaphore_mem>>
    %dma_wait3A_414 = tpu.memref_squeeze %dma_wait3A_413 : memref<1x!tpu.dma_semaphore, #tpu.memory_space<semaphore_mem>> -> memref<!tpu.dma_semaphore, #tpu.memory_space<semaphore_mem>>
    %dma_wait3A_415 = arith.constant 0 : i32
    %dma_wait3A_416 = arith.constant 0 : i32
    %dma_wait3A_417 = tpu.memref_slice %arg5[%dma_wait3A_415, %dma_wait3A_416] : memref<10240x128xf32, #tpu.memory_space<vmem_shared>> -> memref<128x128xf32, #tpu.memory_space<vmem_shared>>
    %dma_wait3A_418 = arith.constant 0 : i32
    %dma_wait3A_419 = arith.constant 0 : i32
    %dma_wait3A_420 = tpu.memref_slice %arg6[%dma_wait3A_404, %dma_wait3A_418, %dma_wait3A_419] : memref<2x128x128xf32, #tpu.memory_space<vmem>> -> memref<1x128x128xf32, #tpu.memory_space<vmem>>
    %dma_wait3A_421 = tpu.memref_squeeze %dma_wait3A_420 : memref<1x128x128xf32, #tpu.memory_space<vmem>> -> memref<128x128xf32, #tpu.memory_space<vmem>>
    tpu.wait_dma2 semaphore(%dma_wait3A_414 : memref<!tpu.dma_semaphore, #tpu.memory_space<semaphore_mem>>) src(%dma_wait3A_421 : memref<128x128xf32, #tpu.memory_space<vmem>>) dst(%dma_wait3A_417 : memref<128x128xf32, #tpu.memory_space<vmem_shared>>)
    %dma_wait3A_422 = arith.constant 0 : i32
    %dma_wait3A_423 = arith.constant 1 : i32
    %dma_wait3A_424 = arith.constant 0 : i32
    %dma_wait3A_425 = arith.constant 0 : i32
    %dma_wait3A_426 = tpu.memref_slice %arg3[%add3A, %dma_wait3A_422, %dma_wait3A_424, %dma_wait3A_425] : memref<32x84x2x128xi32, #tpu.memory_space<hbm>> -> memref<1x1x2x128xi32, #tpu.memory_space<hbm>>
    %dma_wait3A_427 = tpu.memref_squeeze %dma_wait3A_426 : memref<1x1x2x128xi32, #tpu.memory_space<hbm>> -> memref<2x128xi32, #tpu.memory_space<hbm>>
    %dma_wait3A_428 = tpu.memref_slice %arg12[%dma_wait3A_423] : memref<4x!tpu.dma_semaphore, #tpu.memory_space<semaphore_mem>> -> memref<1x!tpu.dma_semaphore, #tpu.memory_space<semaphore_mem>>
    %dma_wait3A_429 = tpu.memref_squeeze %dma_wait3A_428 : memref<1x!tpu.dma_semaphore, #tpu.memory_space<semaphore_mem>> -> memref<!tpu.dma_semaphore, #tpu.memory_space<semaphore_mem>>
    %dma_wait3A_430 = arith.constant 0 : i32
    %dma_wait3A_431 = arith.constant 0 : i32
    %dma_wait3A_432 = tpu.memref_slice %arg3[%add3A, %dma_wait3A_422, %dma_wait3A_430, %dma_wait3A_431] : memref<32x84x2x128xi32, #tpu.memory_space<hbm>> -> memref<1x1x2x128xi32, #tpu.memory_space<hbm>>
    %dma_wait3A_433 = tpu.memref_squeeze %dma_wait3A_432 : memref<1x1x2x128xi32, #tpu.memory_space<hbm>> -> memref<2x128xi32, #tpu.memory_space<hbm>>
    tpu.wait_dma2 semaphore(%dma_wait3A_429 : memref<!tpu.dma_semaphore, #tpu.memory_space<semaphore_mem>>) src(%dma_wait3A_433 : memref<2x128xi32, #tpu.memory_space<hbm>>) dst(%arg8 : memref<2x128xi32, #tpu.memory_space<vmem>>)
    %dma_wait3A_434 = arith.constant 0 : i32
    %dma_wait3A_435 = arith.constant 2 : i32
    %dma_wait3A_436 = arith.constant 0 : i32
    %dma_wait3A_437 = arith.constant 0 : i32
    %dma_wait3A_438 = tpu.memref_slice %arg3[%add3A, %dma_wait3A_434, %dma_wait3A_436, %dma_wait3A_437] : memref<32x84x2x128xi32, #tpu.memory_space<hbm>> -> memref<1x1x2x128xi32, #tpu.memory_space<hbm>>
    %dma_wait3A_439 = tpu.memref_squeeze %dma_wait3A_438 : memref<1x1x2x128xi32, #tpu.memory_space<hbm>> -> memref<2x128xi32, #tpu.memory_space<hbm>>
    %dma_wait3A_440 = tpu.memref_slice %arg12[%dma_wait3A_435] : memref<4x!tpu.dma_semaphore, #tpu.memory_space<semaphore_mem>> -> memref<1x!tpu.dma_semaphore, #tpu.memory_space<semaphore_mem>>
    %dma_wait3A_441 = tpu.memref_squeeze %dma_wait3A_440 : memref<1x!tpu.dma_semaphore, #tpu.memory_space<semaphore_mem>> -> memref<!tpu.dma_semaphore, #tpu.memory_space<semaphore_mem>>
    %dma_wait3A_442 = arith.constant 0 : i32
    %dma_wait3A_443 = arith.constant 0 : i32
    %dma_wait3A_444 = tpu.memref_slice %arg3[%add3A, %dma_wait3A_434, %dma_wait3A_442, %dma_wait3A_443] : memref<32x84x2x128xi32, #tpu.memory_space<hbm>> -> memref<1x1x2x128xi32, #tpu.memory_space<hbm>>
    %dma_wait3A_445 = tpu.memref_squeeze %dma_wait3A_444 : memref<1x1x2x128xi32, #tpu.memory_space<hbm>> -> memref<2x128xi32, #tpu.memory_space<hbm>>
    tpu.wait_dma2 semaphore(%dma_wait3A_441 : memref<!tpu.dma_semaphore, #tpu.memory_space<semaphore_mem>>) src(%dma_wait3A_445 : memref<2x128xi32, #tpu.memory_space<hbm>>) dst(%arg9 : memref<2x128xi32, #tpu.memory_space<vmem>>)
    %barrier3A_446 = arith.constant 0 : index
    tpu.barrier barrier_id(%barrier3A_446)
    %mul3A_447 = arith.constant 640 : i32
    %mul3A_448 = arith.muli %arg1, %mul3A_447 : i32
    %mul3A_449 = arith.constant 640 : i32
    %mul3A_450 = arith.muli %arg1, %mul3A_449 : i32
    "tpu.region"() ({
      %run_scoped3A_451 = tpu.sem_alloc : memref<!tpu.dma_semaphore, #tpu.memory_space<semaphore_mem>>
      %dma_start3A_452 = arith.constant 0 : i32
      %dma_start3A_453 = tpu.memref_slice %arg4[%arg0, %mul3A_450, %dma_start3A_452] : memref<2x10240x128xf32, #tpu.memory_space<hbm>> -> memref<1x640x128xf32, #tpu.memory_space<hbm>>
      %dma_start3A_454 = tpu.memref_squeeze %dma_start3A_453 : memref<1x640x128xf32, #tpu.memory_space<hbm>> -> memref<640x128xf32, #tpu.memory_space<hbm>>
      %dma_start3A_455 = arith.constant 0 : i32
      %dma_start3A_456 = tpu.memref_slice %arg5[%mul3A_448, %dma_start3A_455] : memref<10240x128xf32, #tpu.memory_space<vmem_shared>> -> memref<640x128xf32, #tpu.memory_space<vmem_shared>>
      tpu.enqueue_dma source(%dma_start3A_456 : memref<640x128xf32, #tpu.memory_space<vmem_shared>>) target(%dma_start3A_454 : memref<640x128xf32, #tpu.memory_space<hbm>>) target_semaphore(%run_scoped3A_451 : memref<!tpu.dma_semaphore, #tpu.memory_space<semaphore_mem>>)
      %dma_wait3A_457 = arith.constant 0 : i32
      %dma_wait3A_458 = tpu.memref_slice %arg4[%arg0, %mul3A_450, %dma_wait3A_457] : memref<2x10240x128xf32, #tpu.memory_space<hbm>> -> memref<1x640x128xf32, #tpu.memory_space<hbm>>
      %dma_wait3A_459 = tpu.memref_squeeze %dma_wait3A_458 : memref<1x640x128xf32, #tpu.memory_space<hbm>> -> memref<640x128xf32, #tpu.memory_space<hbm>>
      %dma_wait3A_460 = arith.constant 0 : i32
      %dma_wait3A_461 = tpu.memref_slice %arg5[%mul3A_448, %dma_wait3A_460] : memref<10240x128xf32, #tpu.memory_space<vmem_shared>> -> memref<640x128xf32, #tpu.memory_space<vmem_shared>>
      tpu.wait_dma2 semaphore(%run_scoped3A_451 : memref<!tpu.dma_semaphore, #tpu.memory_space<semaphore_mem>>) src(%dma_wait3A_461 : memref<640x128xf32, #tpu.memory_space<vmem_shared>>) dst(%dma_wait3A_459 : memref<640x128xf32, #tpu.memory_space<hbm>>)
      tpu.yield
    }) : () -> ()
    return
  }
}

module attributes {stable_mosaic.version = 14 : i64} {
  func.func @_scale_in_body(%arg0: i32, %arg1: memref<1280x128xf32, #tpu.memory_space<vmem>>, %arg2: memref<1280x128xf32, #tpu.memory_space<vmem>>, %arg3: memref<1280x128xf32, #tpu.memory_space<vmem>>, %arg4: memref<1280x128xf32, #tpu.memory_space<vmem>>, %arg5: memref<1280x128xf32, #tpu.memory_space<vmem>>) attributes {dimension_semantics = [#tpu.dimension_semantics<arbitrary>], iteration_bounds = array<i64: 8>, scalar_prefetch = 0 : i64, scratch_operands = 0 : i64, tpu.core_type = #tpu.core_type<tc>, window_params = [{transform_indices = @transform_0, window_bounds = array<i64: 1280, 128>}, {transform_indices = @transform_1, window_bounds = array<i64: 1280, 128>}, {transform_indices = @transform_2, window_bounds = array<i64: 1280, 128>}, {transform_indices = @transform_3, window_bounds = array<i64: 1280, 128>}, {transform_indices = @transform_4, window_bounds = array<i64: 1280, 128>}]} {
    %get3A = arith.constant 0 : index
    %get3A_0 = arith.constant 0 : index
    %get3A_1 = vector.load %arg1[%get3A, %get3A_0] : memref<1280x128xf32, #tpu.memory_space<vmem>>, vector<1280x128xf32>
    %max3A = arith.constant 1.000000e+00 : f32
    %max3A_2 = vector.broadcast %max3A : f32 to vector<1280x128xf32>
    %max3A_3 = arith.maximumf %get3A_1, %max3A_2 : vector<1280x128xf32>
    %rsqrt3A = math.rsqrt %max3A_3 : vector<1280x128xf32>
    %get3A_4 = arith.constant 0 : index
    %get3A_5 = arith.constant 0 : index
    %get3A_6 = vector.load %arg3[%get3A_4, %get3A_5] : memref<1280x128xf32, #tpu.memory_space<vmem>>, vector<1280x128xf32>
    %mul3A = arith.mulf %get3A_6, %rsqrt3A : vector<1280x128xf32>
    %swap3A = arith.constant 0 : index
    %swap3A_7 = arith.constant 0 : index
    %swap3A_8 = vector.load %arg4[%swap3A, %swap3A_7] : memref<1280x128xf32, #tpu.memory_space<vmem>>, vector<1280x128xf32>
    tpu.vector_store %arg4[%swap3A, %swap3A_7], %mul3A {strides = array<i32>} : memref<1280x128xf32, #tpu.memory_space<vmem>>, vector<1280x128xf32>,
    %get3A_9 = arith.constant 0 : index
    %get3A_10 = arith.constant 0 : index
    %get3A_11 = vector.load %arg2[%get3A_9, %get3A_10] : memref<1280x128xf32, #tpu.memory_space<vmem>>, vector<1280x128xf32>
    %max3A_12 = arith.constant 1.000000e+00 : f32
    %max3A_13 = vector.broadcast %max3A_12 : f32 to vector<1280x128xf32>
    %max3A_14 = arith.maximumf %get3A_11, %max3A_13 : vector<1280x128xf32>
    %rsqrt3A_15 = math.rsqrt %max3A_14 : vector<1280x128xf32>
    %swap3A_16 = arith.constant 0 : index
    %swap3A_17 = arith.constant 0 : index
    %swap3A_18 = vector.load %arg5[%swap3A_16, %swap3A_17] : memref<1280x128xf32, #tpu.memory_space<vmem>>, vector<1280x128xf32>
    tpu.vector_store %arg5[%swap3A_16, %swap3A_17], %rsqrt3A_15 {strides = array<i32>} : memref<1280x128xf32, #tpu.memory_space<vmem>>, vector<1280x128xf32>,
    return
  }
  func.func @transform_0(%arg0: i32) -> (i32, i32) {
    %c0_i32 = arith.constant 0 : i32
    %c0_i32_0 = arith.constant 0 : i32
    return %arg0, %c0_i32 : i32, i32
  }
  func.func @transform_1(%arg0: i32) -> (i32, i32) {
    %c0_i32 = arith.constant 0 : i32
    %c0_i32_0 = arith.constant 0 : i32
    return %arg0, %c0_i32 : i32, i32
  }
  func.func @transform_2(%arg0: i32) -> (i32, i32) {
    %c0_i32 = arith.constant 0 : i32
    %c0_i32_0 = arith.constant 0 : i32
    return %arg0, %c0_i32 : i32, i32
  }
  func.func @transform_3(%arg0: i32) -> (i32, i32) {
    %c0_i32 = arith.constant 0 : i32
    %c0_i32_0 = arith.constant 0 : i32
    return %arg0, %c0_i32 : i32, i32
  }
  func.func @transform_4(%arg0: i32) -> (i32, i32) {
    %c0_i32 = arith.constant 0 : i32
    %c0_i32_0 = arith.constant 0 : i32
    return %arg0, %c0_i32 : i32, i32
  }
}

module attributes {stable_mosaic.version = 14 : i64} {
  func.func @_combine_body(%arg0: i32, %arg1: memref<2x1280x128xf32, #tpu.memory_space<vmem>>, %arg2: memref<1280x128xf32, #tpu.memory_space<vmem>>, %arg3: memref<1280x128xf32, #tpu.memory_space<vmem>>, %arg4: memref<1280x128xf32, #tpu.memory_space<vmem>>, %arg5: memref<1280x128xf32, #tpu.memory_space<vmem>>) attributes {dimension_semantics = [#tpu.dimension_semantics<arbitrary>], iteration_bounds = array<i64: 8>, scalar_prefetch = 0 : i64, scratch_operands = 0 : i64, tpu.core_type = #tpu.core_type<tc>, window_params = [{transform_indices = @transform_0, window_bounds = array<i64: 2, 1280, 128>}, {transform_indices = @transform_1, window_bounds = array<i64: 1280, 128>}, {transform_indices = @transform_2, window_bounds = array<i64: 1280, 128>}, {transform_indices = @transform_3, window_bounds = array<i64: 1280, 128>}, {transform_indices = @transform_4, window_bounds = array<i64: 1280, 128>}]} {
    %get3A = arith.constant 0 : index
    %get3A_0 = arith.constant 0 : index
    %get3A_1 = arith.constant 0 : index
    %get3A_2 = vector.load %arg1[%get3A, %get3A_0, %get3A_1] : memref<2x1280x128xf32, #tpu.memory_space<vmem>>, vector<1x1280x128xf32>
    %get3A_3 = vector.shape_cast %get3A_2 : vector<1x1280x128xf32> to vector<1280x128xf32>
    %get3A_4 = arith.constant 1 : index
    %get3A_5 = arith.constant 0 : index
    %get3A_6 = arith.constant 0 : index
    %get3A_7 = vector.load %arg1[%get3A_4, %get3A_5, %get3A_6] : memref<2x1280x128xf32, #tpu.memory_space<vmem>>, vector<1x1280x128xf32>
    %get3A_8 = vector.shape_cast %get3A_7 : vector<1x1280x128xf32> to vector<1280x128xf32>
    %add3A = arith.addf %get3A_3, %get3A_8 : vector<1280x128xf32>
    %get3A_9 = arith.constant 0 : index
    %get3A_10 = arith.constant 0 : index
    %get3A_11 = vector.load %arg2[%get3A_9, %get3A_10] : memref<1280x128xf32, #tpu.memory_space<vmem>>, vector<1280x128xf32>
    %mul3A = arith.mulf %add3A, %get3A_11 : vector<1280x128xf32>
    %get3A_12 = arith.constant 0 : index
    %get3A_13 = arith.constant 0 : index
    %get3A_14 = vector.load %arg3[%get3A_12, %get3A_13] : memref<1280x128xf32, #tpu.memory_space<vmem>>, vector<1280x128xf32>
    %add3A_15 = arith.addf %mul3A, %get3A_14 : vector<1280x128xf32>
    %get3A_16 = arith.constant 0 : index
    %get3A_17 = arith.constant 0 : index
    %get3A_18 = vector.load %arg4[%get3A_16, %get3A_17] : memref<1280x128xf32, #tpu.memory_space<vmem>>, vector<1280x128xf32>
    %max3A = arith.constant 1.000000e+00 : f32
    %max3A_19 = vector.broadcast %max3A : f32 to vector<1280x128xf32>
    %max3A_20 = arith.maximumf %get3A_18, %max3A_19 : vector<1280x128xf32>
    %rsqrt3A = math.rsqrt %max3A_20 : vector<1280x128xf32>
    %mul3A_21 = arith.mulf %add3A_15, %rsqrt3A : vector<1280x128xf32>
    %swap3A = arith.constant 0 : index
    %swap3A_22 = arith.constant 0 : index
    %swap3A_23 = vector.load %arg5[%swap3A, %swap3A_22] : memref<1280x128xf32, #tpu.memory_space<vmem>>, vector<1280x128xf32>
    tpu.vector_store %arg5[%swap3A, %swap3A_22], %mul3A_21 {strides = array<i32>} : memref<1280x128xf32, #tpu.memory_space<vmem>>, vector<1280x128xf32>,
    return
  }
  func.func @transform_0(%arg0: i32) -> (i32, i32, i32) {
    %c0_i32 = arith.constant 0 : i32
    %c0_i32_0 = arith.constant 0 : i32
    %c0_i32_1 = arith.constant 0 : i32
    return %c0_i32, %arg0, %c0_i32_0 : i32, i32, i32
  }
  func.func @transform_1(%arg0: i32) -> (i32, i32) {
    %c0_i32 = arith.constant 0 : i32
    %c0_i32_0 = arith.constant 0 : i32
    return %arg0, %c0_i32 : i32, i32
  }
  func.func @transform_2(%arg0: i32) -> (i32, i32) {
    %c0_i32 = arith.constant 0 : i32
    %c0_i32_0 = arith.constant 0 : i32
    return %arg0, %c0_i32 : i32, i32
  }
  func.func @transform_3(%arg0: i32) -> (i32, i32) {
    %c0_i32 = arith.constant 0 : i32
    %c0_i32_0 = arith.constant 0 : i32
    return %arg0, %c0_i32 : i32, i32
  }
  func.func @transform_4(%arg0: i32) -> (i32, i32) {
    %c0_i32 = arith.constant 0 : i32
    %c0_i32_0 = arith.constant 0 : i32
    return %arg0, %c0_i32 : i32, i32
  }
}

module attributes {stable_mosaic.version = 14 : i64} {
  func.func @_mlp_body(%arg0: i32, %arg1: memref<2x1280x128xf32, #tpu.memory_space<vmem>>, %arg2: memref<1280x128xf32, #tpu.memory_space<vmem>>, %arg3: memref<1280x128xf32, #tpu.memory_space<vmem>>, %arg4: memref<128x512xf32, #tpu.memory_space<vmem>>, %arg5: memref<1x512xf32, #tpu.memory_space<vmem>>, %arg6: memref<1x512xf32, #tpu.memory_space<vmem>>, %arg7: memref<1x512xf32, #tpu.memory_space<vmem>>, %arg8: memref<512x512xf32, #tpu.memory_space<vmem>>, %arg9: memref<1x512xf32, #tpu.memory_space<vmem>>, %arg10: memref<1280x512xf32, #tpu.memory_space<vmem>>) attributes {dimension_semantics = [#tpu.dimension_semantics<arbitrary>], iteration_bounds = array<i64: 8>, scalar_prefetch = 0 : i64, scratch_operands = 0 : i64, tpu.core_type = #tpu.core_type<tc>, window_params = [{transform_indices = @transform_0, window_bounds = array<i64: 2, 1280, 128>}, {transform_indices = @transform_1, window_bounds = array<i64: 1280, 128>}, {transform_indices = @transform_2, window_bounds = array<i64: 1280, 128>}, {pipeline_mode = #tpu.pipeline_mode<synchronous>, transform_indices = @transform_3, window_bounds = array<i64: 128, 512>}, {pipeline_mode = #tpu.pipeline_mode<synchronous>, transform_indices = @transform_4, window_bounds = array<i64: 1, 512>}, {pipeline_mode = #tpu.pipeline_mode<synchronous>, transform_indices = @transform_5, window_bounds = array<i64: 1, 512>}, {pipeline_mode = #tpu.pipeline_mode<synchronous>, transform_indices = @transform_6, window_bounds = array<i64: 1, 512>}, {pipeline_mode = #tpu.pipeline_mode<synchronous>, transform_indices = @transform_7, window_bounds = array<i64: 512, 512>}, {pipeline_mode = #tpu.pipeline_mode<synchronous>, transform_indices = @transform_8, window_bounds = array<i64: 1, 512>}, {transform_indices = @transform_9, window_bounds = array<i64: 1280, 512>}]} {
    %get3A = arith.constant 0 : index
    %get3A_0 = arith.constant 0 : index
    %get3A_1 = arith.constant 0 : index
    %get3A_2 = vector.load %arg1[%get3A, %get3A_0, %get3A_1] : memref<2x1280x128xf32, #tpu.memory_space<vmem>>, vector<1x1280x128xf32>
    %get3A_3 = vector.shape_cast %get3A_2 : vector<1x1280x128xf32> to vector<1280x128xf32>
    %get3A_4 = arith.constant 1 : index
    %get3A_5 = arith.constant 0 : index
    %get3A_6 = arith.constant 0 : index
    %get3A_7 = vector.load %arg1[%get3A_4, %get3A_5, %get3A_6] : memref<2x1280x128xf32, #tpu.memory_space<vmem>>, vector<1x1280x128xf32>
    %get3A_8 = vector.shape_cast %get3A_7 : vector<1x1280x128xf32> to vector<1280x128xf32>
    %add3A = arith.addf %get3A_3, %get3A_8 : vector<1280x128xf32>
    %get3A_9 = arith.constant 0 : index
    %get3A_10 = arith.constant 0 : index
    %get3A_11 = vector.load %arg2[%get3A_9, %get3A_10] : memref<1280x128xf32, #tpu.memory_space<vmem>>, vector<1280x128xf32>
    %mul3A = arith.mulf %add3A, %get3A_11 : vector<1280x128xf32>
    %get3A_12 = arith.constant 0 : index
    %get3A_13 = arith.constant 0 : index
    %get3A_14 = vector.load %arg3[%get3A_12, %get3A_13] : memref<1280x128xf32, #tpu.memory_space<vmem>>, vector<1280x128xf32>
    %add3A_15 = arith.addf %mul3A, %get3A_14 : vector<1280x128xf32>
    %get3A_16 = arith.constant 0 : index
    %get3A_17 = arith.constant 0 : index
    %get3A_18 = vector.load %arg4[%get3A_16, %get3A_17] : memref<128x512xf32, #tpu.memory_space<vmem>>, vector<128x512xf32>
    %dot_general3A = arith.constant dense<0.000000e+00> : vector<1280x512xf32>
    %dot_general3A_19 = tpu.matmul %add3A_15, %get3A_18, %dot_general3A {dimension_numbers = #tpu.dot_dimension_numbers<[1], [0], [0], [1], [0, 0, 1, 1], [], []>, precision = #tpu.contract_precision<fp32>, transpose_lhs_hint = false} : vector<1280x128xf32>, vector<128x512xf32>, vector<1280x512xf32> -> vector<1280x512xf32>
    %get3A_20 = arith.constant 0 : index
    %get3A_21 = arith.constant 0 : index
    %get3A_22 = vector.load %arg5[%get3A_20, %get3A_21] : memref<1x512xf32, #tpu.memory_space<vmem>>, vector<1x512xf32>
    %add3A_23 = vector.broadcast %get3A_22 : vector<1x512xf32> to vector<1280x512xf32>
    %add3A_24 = arith.addf %dot_general3A_19, %add3A_23 : vector<1280x512xf32>
    %max3A = arith.constant 0.000000e+00 : f32
    %max3A_25 = vector.broadcast %max3A : f32 to vector<1280x512xf32>
    %max3A_26 = arith.maximumf %add3A_24, %max3A_25 : vector<1280x512xf32>
    %reduce_sum3A = arith.constant dense<0.000000e+00> : vector<1280xf32>
    %reduce_sum3A_27 = vector.multi_reduction <add>, %max3A_26, %reduce_sum3A [1] : vector<1280x512xf32> to vector<1280xf32>
    %broadcast_in_dim3A = vector.shape_cast %reduce_sum3A_27 : vector<1280xf32> to vector<1280x1xf32>
    %div3A = arith.constant 5.120000e+02 : f32
    %div3A_28 = vector.broadcast %div3A : f32 to vector<1280x1xf32>
    %div3A_29 = arith.divf %broadcast_in_dim3A, %div3A_28 : vector<1280x1xf32>
    %sub3A = vector.broadcast %div3A_29 : vector<1280x1xf32> to vector<1280x512xf32>
    %sub3A_30 = arith.subf %max3A_26, %sub3A : vector<1280x512xf32>
    %integer_pow3A = arith.mulf %sub3A_30, %sub3A_30 : vector<1280x512xf32>
    %reduce_sum3A_31 = arith.constant dense<0.000000e+00> : vector<1280xf32>
    %reduce_sum3A_32 = vector.multi_reduction <add>, %integer_pow3A, %reduce_sum3A_31 [1] : vector<1280x512xf32> to vector<1280xf32>
    %broadcast_in_dim3A_33 = vector.shape_cast %reduce_sum3A_32 : vector<1280xf32> to vector<1280x1xf32>
    %div3A_34 = arith.constant 5.120000e+02 : f32
    %div3A_35 = vector.broadcast %div3A_34 : f32 to vector<1280x1xf32>
    %div3A_36 = arith.divf %broadcast_in_dim3A_33, %div3A_35 : vector<1280x1xf32>
    %get3A_37 = arith.constant 0 : index
    %get3A_38 = arith.constant 0 : index
    %get3A_39 = vector.load %arg6[%get3A_37, %get3A_38] : memref<1x512xf32, #tpu.memory_space<vmem>>, vector<1x512xf32>
    %sub3A_40 = vector.broadcast %div3A_29 : vector<1280x1xf32> to vector<1280x512xf32>
    %sub3A_41 = arith.subf %max3A_26, %sub3A_40 : vector<1280x512xf32>
    %mul3A_42 = vector.broadcast %get3A_39 : vector<1x512xf32> to vector<1280x512xf32>
    %mul3A_43 = arith.mulf %mul3A_42, %sub3A_41 : vector<1280x512xf32>
    %add3A_44 = arith.constant 9.99999974E-6 : f32
    %add3A_45 = vector.broadcast %add3A_44 : f32 to vector<1280x1xf32>
    %add3A_46 = arith.addf %div3A_36, %add3A_45 : vector<1280x1xf32>
    %rsqrt3A = math.rsqrt %add3A_46 : vector<1280x1xf32>
    %mul3A_47 = vector.broadcast %rsqrt3A : vector<1280x1xf32> to vector<1280x512xf32>
    %mul3A_48 = arith.mulf %mul3A_43, %mul3A_47 : vector<1280x512xf32>
    %get3A_49 = arith.constant 0 : index
    %get3A_50 = arith.constant 0 : index
    %get3A_51 = vector.load %arg7[%get3A_49, %get3A_50] : memref<1x512xf32, #tpu.memory_space<vmem>>, vector<1x512xf32>
    %add3A_52 = vector.broadcast %get3A_51 : vector<1x512xf32> to vector<1280x512xf32>
    %add3A_53 = arith.addf %mul3A_48, %add3A_52 : vector<1280x512xf32>
    %get3A_54 = arith.constant 0 : index
    %get3A_55 = arith.constant 0 : index
    %get3A_56 = vector.load %arg8[%get3A_54, %get3A_55] : memref<512x512xf32, #tpu.memory_space<vmem>>, vector<512x512xf32>
    %dot_general3A_57 = arith.constant dense<0.000000e+00> : vector<1280x512xf32>
    %dot_general3A_58 = tpu.matmul %add3A_53, %get3A_56, %dot_general3A_57 {dimension_numbers = #tpu.dot_dimension_numbers<[1], [0], [0], [1], [0, 0, 1, 1], [], []>, precision = #tpu.contract_precision<fp32>, transpose_lhs_hint = false} : vector<1280x512xf32>, vector<512x512xf32>, vector<1280x512xf32> -> vector<1280x512xf32>
    %get3A_59 = arith.constant 0 : index
    %get3A_60 = arith.constant 0 : index
    %get3A_61 = vector.load %arg9[%get3A_59, %get3A_60] : memref<1x512xf32, #tpu.memory_space<vmem>>, vector<1x512xf32>
    %add3A_62 = vector.broadcast %get3A_61 : vector<1x512xf32> to vector<1280x512xf32>
    %add3A_63 = arith.addf %dot_general3A_58, %add3A_62 : vector<1280x512xf32>
    %mul3A_64 = arith.mulf %add3A_63, %add3A_63 : vector<1280x512xf32>
    %reduce_sum3A_65 = arith.constant dense<0.000000e+00> : vector<1280xf32>
    %reduce_sum3A_66 = vector.multi_reduction <add>, %mul3A_64, %reduce_sum3A_65 [1] : vector<1280x512xf32> to vector<1280xf32>
    %broadcast_in_dim3A_67 = vector.shape_cast %reduce_sum3A_66 : vector<1280xf32> to vector<1280x1xf32>
    %sqrt3A = math.sqrt %broadcast_in_dim3A_67 : vector<1280x1xf32>
    %max3A_68 = arith.constant 9.99999993E-9 : f32
    %max3A_69 = vector.broadcast %max3A_68 : f32 to vector<1280x1xf32>
    %max3A_70 = arith.maximumf %sqrt3A, %max3A_69 : vector<1280x1xf32>
    %div3A_71 = vector.broadcast %max3A_70 : vector<1280x1xf32> to vector<1280x512xf32>
    %div3A_72 = arith.divf %add3A_63, %div3A_71 : vector<1280x512xf32>
    %swap3A = arith.constant 0 : index
    %swap3A_73 = arith.constant 0 : index
    %swap3A_74 = vector.load %arg10[%swap3A, %swap3A_73] : memref<1280x512xf32, #tpu.memory_space<vmem>>, vector<1280x512xf32>
    tpu.vector_store %arg10[%swap3A, %swap3A_73], %div3A_72 {strides = array<i32>} : memref<1280x512xf32, #tpu.memory_space<vmem>>, vector<1280x512xf32>,
    return
  }
  func.func @transform_0(%arg0: i32) -> (i32, i32, i32) {
    %c0_i32 = arith.constant 0 : i32
    %c0_i32_0 = arith.constant 0 : i32
    %c0_i32_1 = arith.constant 0 : i32
    return %c0_i32, %arg0, %c0_i32_0 : i32, i32, i32
  }
  func.func @transform_1(%arg0: i32) -> (i32, i32) {
    %c0_i32 = arith.constant 0 : i32
    %c0_i32_0 = arith.constant 0 : i32
    return %arg0, %c0_i32 : i32, i32
  }
  func.func @transform_2(%arg0: i32) -> (i32, i32) {
    %c0_i32 = arith.constant 0 : i32
    %c0_i32_0 = arith.constant 0 : i32
    return %arg0, %c0_i32 : i32, i32
  }
  func.func @transform_3(%arg0: i32) -> (i32, i32) {
    %c0_i32 = arith.constant 0 : i32
    %c0_i32_0 = arith.constant 0 : i32
    %c0_i32_1 = arith.constant 0 : i32
    return %c0_i32, %c0_i32_0 : i32, i32
  }
  func.func @transform_4(%arg0: i32) -> (i32, i32) {
    %c0_i32 = arith.constant 0 : i32
    %c0_i32_0 = arith.constant 0 : i32
    %c0_i32_1 = arith.constant 0 : i32
    return %c0_i32, %c0_i32_0 : i32, i32
  }
  func.func @transform_5(%arg0: i32) -> (i32, i32) {
    %c0_i32 = arith.constant 0 : i32
    %c0_i32_0 = arith.constant 0 : i32
    %c0_i32_1 = arith.constant 0 : i32
    return %c0_i32, %c0_i32_0 : i32, i32
  }
  func.func @transform_6(%arg0: i32) -> (i32, i32) {
    %c0_i32 = arith.constant 0 : i32
    %c0_i32_0 = arith.constant 0 : i32
    %c0_i32_1 = arith.constant 0 : i32
    return %c0_i32, %c0_i32_0 : i32, i32
  }
  func.func @transform_7(%arg0: i32) -> (i32, i32) {
    %c0_i32 = arith.constant 0 : i32
    %c0_i32_0 = arith.constant 0 : i32
    %c0_i32_1 = arith.constant 0 : i32
    return %c0_i32, %c0_i32_0 : i32, i32
  }
  func.func @transform_8(%arg0: i32) -> (i32, i32) {
    %c0_i32 = arith.constant 0 : i32
    %c0_i32_0 = arith.constant 0 : i32
    %c0_i32_1 = arith.constant 0 : i32
    return %c0_i32, %c0_i32_0 : i32, i32
  }
  func.func @transform_9(%arg0: i32) -> (i32, i32) {
    %c0_i32 = arith.constant 0 : i32
    %c0_i32_0 = arith.constant 0 : i32
    return %arg0, %c0_i32 : i32, i32
  }
}

</mosaic_0001>

<sc_bundles>
// kernel: kernel.11.cloned.1.call-start
scs
__scs_entry_jumppad:
0x0: {  	(pc) =	sbr.rel $0x88, $3  }
0x1: {  	(tag) =	ssettag $0x0;
	lr =	simm.s32 $0x1  }
0x2: {  	[smem:$0x3F99] =	sst lr;
	_ =	strace $0xD0000000  }
0x3: {  	_ = 	snop  }
0x4: {  	_ = 	snop  }
0x5: {  	_ = 	snop  }
0x6: {  	_ = 	snop  }
0x7: {  	_ = 	snop  }
__scs_overlays_trampoline_lowered:
0x8: {  	[smem:$0x3FA8] =	sst s0  }
0x9: {  	[smem:$0x3FA9] =	sst s1  }
0xa: {  	[smem:$0x3FAA] =	sst s2  }
0xb: {  	[smem:$0x3FAB] =	sst s3  }
0xc: {  	[smem:$0x3FAC] =	sst s4  }
0xd: {  	[smem:$0x3FAD] =	sst s5  }
0xe: {  	[smem:$0x3FAE] =	sst s6  }
0xf: {  	[smem:$0x3FAF] =	sst s7  }
0x10: {  	[smem:$0x3FB0] =	sst s8  }
0x11: {  	[smem:$0x3FB1] =	sst s9;
	s0 =	simm.s32 @!p0 $0x0  }
0x12: {  	s1 =	sld [smem:$0x3F97];
	s0 =	simm.s32 @p0 $0x1  }
0x13: {  	[smem:$0x3FB2] =	sst s0;
	s0 =	simm.s32 @!p1 $0x0  }
0x14: {  	s2 =	sld [smem:$0x3F96];
	s0 =	simm.s32 @p1 $0x1  }
0x15: {  	[smem:$0x3FB3] =	sst s0;
	s0 =	simm.s32 @!p2 $0x0  }
0x16: {  	s3 =	sld [smem:$0x3FDB];
	s0 =	simm.s32 @p2 $0x1  }
0x17: {  	s4 =	simm.s32 $0x1BF5;
	[smem:$0x3FB5] =	sst s0  }
0x18: {  	s0 =	sld [smem:$0x3F98];
	_ =	swait.ge [sflag:s4], $0x0  }
0x19: {  	s7 =	sld [smem:$0x3F99]  }
0x1a: {  	s8 =	sadd.s32 $0xFFFFE003, lr  }
0x1b: {  	s9 =	sadd.s32 $0xFFFFFEF7, lr;
	s5 =	simm.s32 $0xFFFFFFFF;
	p2 =	slt.u32 s8, $0xFFFFF086  }
0x1c: {  	p1 =	slt.u32 s9, $0xF7A;
	s5 =	simm.s32 @!p2 $0x0  }
0x1d: {  	s5 =	simm.s32 @p1 $0x1;
	p0 =	seq.s32 s7, s2  }
0x1e: {  	s7 =	smul.u32 @!p0 $0xF7A, s2;
	p2 =	seq.s32 @!p0 s5, $0x0  }
0x1f: {  	s9 =	smul.u32 $0xF7A, s1;
	s8 =	simm.s32 @!p0 $0x1BF5;
	p2 =	por !p2, p0  }
0x20: {  	[sflag:s8] =	ssyncset.s32 @!p0 $0xFFFFF086;
	s6 =	sadd.s32 @!p0 s3, s7;
	s7 =	simm.s32 @!p0 $0x108  }
0x21: {  	s3 =	sadd.s32 s3, s9;
	s6 =	sadd.s32 @!p0 $0x88, s6;
	s7 =	simm.s32 @p2 $0x1082  }
0x22: {  	[simem:s7], [sflag:s8] =	dma.local @!p0 [hbm:s6], $0xF7A  }
0x23: {  	s9 =	sor.u32 $0xD0000000, s2;
	s6 =	simm.s32 $0x108;
	_ =	swait.ge @!p0 [sflag:s8], $0x0  }
0x24: {  	s3 =	sadd.s32 $0x88, s3;
	s6 =	simm.s32 @!p1 $0x1082;
	[sflag:s4] =	ssyncset.s32 $0xFFFFF086  }
0x25: {  	[simem:s6], [sflag:s4] =	dma.local [hbm:s3], $0xF7A  }
0x26: {  	[smem:$0x3F99] =	sst s1;
	(tag) =	ssettag s2;
	_ =	strace s9  }
0x27: {  	s1 =	sld [smem:$0x3FA9]  }
0x28: {  	s2 =	sld [smem:$0x3FAA]  }
0x29: {  	s4 =	sld [smem:$0x3FAC]  }
0x2a: {  	p0 =	seq.s32 s5, $0x0;
	s5 =	sld [smem:$0x3FAD]  }
0x2b: {  	s6 =	sld [smem:$0x3FAE]  }
0x2c: {  	s7 =	sld [smem:$0x3FAF]  }
0x2d: {  	s3 =	simm.s32 $0x108;
	s8 =	sld [smem:$0x3FB0]  }
0x2e: {  	s3 =	simm.s32 @!p0 $0x1082;
	s9 =	sld [smem:$0x3FB1]  }
0x2f: {  	lr =	sadd.s32 s0, s3;
	s0 =	sld [smem:$0x3FA8]  }
0x30: {  	s3 =	sld [smem:$0x3FAB]  }
0x31: {  	[smem:$0x3FB4] =	sst s10  }
0x32: {  	s10 =	sld [smem:$0x3FB2];
	_ =	sdelay $0x3  }
0x33: {  	p0 =	seq.s32 s10, $0x1;
	s10 =	sld [smem:$0x3FB4];
	_ =	sdelay $0x3  }
0x34: {  	[smem:$0x3FB4] =	sst s10  }
0x35: {  	s10 =	sld [smem:$0x3FB3];
	_ =	sdelay $0x3  }
0x36: {  	p1 =	seq.s32 s10, $0x1;
	s10 =	sld [smem:$0x3FB4];
	_ =	sdelay $0x3  }
0x37: {  	[smem:$0x3FB4] =	sst s10  }
0x38: {  	s10 =	sld [smem:$0x3FB5]  }
0x39: {  	_ = 	snop;
	(pc) =	sbr.ind lr, $3  }
0x3a: {  	_ = 	snop  }
0x3b: {  	_ = 	snop  }
0x3c: {  	p2 =	seq.s32 s10, $0x1;
	s10 =	sld [smem:$0x3FB4]  }
0x3d: {  	_ =	shalt  }
0x3e: {  	_ =	shalt  }
0x3f: {  	_ =	shalt  }
0x40: {  	_ =	shalt  }
0x41: {  	_ =	shalt  }
0x42: {  	_ =	shalt  }
0x43: {  	_ =	shalt  }
0x44: {  	_ =	shalt  }
0x45: {  	_ =	shalt  }
0x46: {  	_ =	shalt  }
0x47: {  	_ =	shalt  }
0x48: {  	_ =	shalt  }
0x49: {  	_ =	shalt  }
0x4a: {  	_ =	shalt  }
0x4b: {  	_ =	shalt  }
0x4c: {  	_ =	shalt  }
0x4d: {  	_ =	shalt  }
0x4e: {  	_ =	shalt  }
0x4f: {  	_ =	shalt  }
0x50: {  	_ =	shalt  }
0x51: {  	_ =	shalt  }
0x52: {  	_ =	shalt  }
0x53: {  	_ =	shalt  }
0x54: {  	_ =	shalt  }
0x55: {  	_ =	shalt  }
0x56: {  	_ =	shalt  }
0x57: {  	_ =	shalt  }
0x58: {  	_ =	shalt  }
0x59: {  	_ =	shalt  }
0x5a: {  	_ =	shalt  }
0x5b: {  	_ =	shalt  }
0x5c: {  	_ =	shalt  }
0x5d: {  	_ =	shalt  }
0x5e: {  	_ =	shalt  }
0x5f: {  	_ =	shalt  }
0x60: {  	_ =	shalt  }
0x61: {  	_ =	shalt  }
0x62: {  	_ =	shalt  }
0x63: {  	_ =	shalt  }
0x64: {  	_ =	shalt  }
0x65: {  	_ =	shalt  }
0x66: {  	_ =	shalt  }
0x67: {  	_ =	shalt  }
0x68: {  	_ =	shalt  }
0x69: {  	_ =	shalt  }
0x6a: {  	_ =	shalt  }
0x6b: {  	_ =	shalt  }
0x6c: {  	_ =	shalt  }
0x6d: {  	_ =	shalt  }
0x6e: {  	_ =	shalt  }
0x6f: {  	_ =	shalt  }
0x70: {  	_ =	shalt  }
0x71: {  	_ =	shalt  }
0x72: {  	_ =	shalt  }
0x73: {  	_ =	shalt  }
0x74: {  	_ =	shalt  }
0x75: {  	_ =	shalt  }
0x76: {  	_ =	shalt  }
0x77: {  	_ =	shalt  }
0x78: {  	_ =	shalt  }
0x79: {  	_ =	shalt  }
0x7a: {  	_ =	shalt  }
0x7b: {  	_ =	shalt  }
0x7c: {  	_ =	shalt  }
0x7d: {  	_ =	shalt  }
0x7e: {  	_ =	shalt  }
0x7f: {  	_ =	shalt  }
0x80: {  	_ =	shalt  }
0x81: {  	_ =	shalt  }
0x82: {  	_ =	shalt  }
0x83: {  	_ =	shalt  }
0x84: {  	_ =	shalt  }
0x85: {  	_ =	shalt  }
0x86: {  	_ =	shalt  }
0x87: {  	_ =	shalt  }
.Lfunc_end0:
.L_simem_size_0:
called_computation.1_lowered:
.L_overlay_start_0:
0x88: {  	s2 =	sld [smem:$0x3FD9]  }
0x89: {  	s3 =	sld [smem:$0x3FFE];
	_ =	sdelay $0x1  }
0x8a: {  	s1 =	srdreg.scid  }
0x8b: {  	s0 =	sand.u32 $0x1, s1  }
0x8c: {  	s17 =	sshll.u32 s0, $0xA;
	s2 =	sadd.s32 s3, s2  }
0x8d: {  	s2 =	sadd.s32 s2, s17  }
0x8e: {  	[smem:$0x3FC0] =	sst s2  }
0x8f: {  	_ = 	snop  }
0x90: {  	s2 =	sld [smem:$0x3FD0];
	(tm) =	ssettm $0x1  }
0x91: {  	s18 =	sld [smem:$0x3FFB];
	_ =	sdelay $0x3  }
0x92: {  	_ =	strace s18  }
0x93: {  	s3 =	sld [smem:$0x3FFC];
	_ =	sdelay $0x3  }
0x94: {  	_ =	strace s3  }
0x95: {  	s3 =	sld [smem:$0x3FFD];
	_ =	sdelay $0x3  }
0x96: {  	_ =	strace s3  }
0x97: {  	_ =	strace $0x8FFFFFFF  }
0x98: {  	s19 =	sld [smem:$0x3FDB];
	_ =	sdelay $0x1  }
0x99: {  	s4 =	simm.s32 $_scs_section_size  }
0x9a: {  	s5 =	simm.s32 $_size__tile_overlayer_lowered;
	s6 =	simm.s32 $_tile_overlayer_lowered  }
0x9b: {  	s22 =	simm.s32 $0x1BFF;
	s21 =	sshll.u32 s6, $0x1;
	s3 =	sadd.s32 s4, s19  }
0x9c: {  	s7 =	simm.s32 $0x0;
	s20 =	sshll.u32 s5, $0x1;
	s5 =	sadd.s32 s21, s3  }
0x9d: {  	[timem:s7], [sflag:s22] =	dma.local [hbm:s5], s20  }
0x9e: {  	_ =	swait.ge [sflag:s22], s20  }
0x9f: {  	s4 =	ssub.s32 $0x0, s20;
	[sflag:s22] =	ssyncset.done $0x0  }
0xa0: {  	[sflag:s22] =	ssyncadd.s32 s4;
	_ =	sdelay $0x1  }
0xa1: {  	s23 =	simm.s32 $0x1B8B  }
0xa2: {  	_ =	swait.ge [sflag:s23], $0x1  }
0xa3: {  	[sflag:s23] =	ssyncset.done $0x0  }
0xa4: {  	s25 =	simm.s32 $0x1B8E;
	s24 =	sld [smem:$0x3FFE];
	[sflag:s23] =	ssyncadd.s32 $0xFFFFFFFF  }
0xa5: {  	s26 =	simm.s32 $execute0_lowered;
	[smem:$0x3FD2] =	sst s25  }
0xa6: {  	s5 =	sshll.u32 s26, $0x1;
	_ =	strace $0x80000049;
	[dreg:$0x1] =	wrdreg $0xFFFFFFFF  }
0xa7: {  	s28 =	simm.s32 $_size_execute0_lowered;
	s3 =	sadd.s32 s3, s5;
	[dreg:$0x0] =	wrdreg $0x0  }
0xa8: {  	s5 =	sshll.u32 s28, $0x1;
	[dreg:$0x2] =	wrdreg s3  }
0xa9: {  	[dreg:$0x3] =	wrdreg s5  }
0xaa: {  	[dreg:$0x4] =	wrdreg $0xC0  }
0xab: {  	_ =	task [dreg:s7], $0x5FFFF  }
0xac: {  	[dreg:$0x1] =	wrdreg $0xFFFFFFFF  }
0xad: {  	[dreg:$0x0] =	wrdreg $0x60  }
0xae: {  	[dreg:$0x2] =	wrdreg s24  }
0xaf: {  	[dreg:$0x3] =	wrdreg s2  }
0xb0: {  	[dreg:$0x4] =	wrdreg $0x0  }
0xb1: {  	[dreg:$0x5] =	wrdreg $0x9  }
0xb2: {  	_ =	task.clear_ibuf [dreg:s7], $0x6FFFF;
	_ =	strace $0x90000049  }
0xb3: {  	s29 =	simm.s32 $0x9;
	_ =	strace $0x8000004B  }
0xb4: {  	_ =	swait.ge [sflag:s29], $0x1  }
0xb5: {  	[sflag:s29] =	ssyncadd.s32 $0xFFFFFFFF  }
0xb6: {  	_ =	strace $0x9000004B  }
0xb7: {  	_ =	sfence  }
0xb8: {  	s30 =	sld [smem:$0x0];
	_ =	sdelay $0x2  }
0xb9: {  	s31 =	sshll.u32 s1, $0xD;
	s1 =	sshrl.u32 s1, $0x2  }
0xba: {  	s3 =	sand.u32 $0x4000, s31;
	s1 =	sadd.s32 s1, s30  }
0xbb: {  	s0 =	sor.u32 s3, s0;
	s1 =	sshll.u32 s1, $0x11  }
0xbc: {  	s0 =	sor.u32 s1, s0  }
0xbd: {  	s0 =	sadd.s32 $0x8F2B, s0  }
0xbe: {  	[sflag:s0] =	ssyncadd.remote.s32 $0x1  }
0xbf: {  	_ =	sfence.sel $0xFFFF  }
0xc0: {  	[dreg:$0x0] =	wrdreg $0xFFFFFFFF;
	(pc) =	sbr.abs _section_cstart, $3  }
0xc1: {  	[dreg:$0x1] =	wrdreg $0xFFFFFFFF  }
0xc2: {  	_ =	task.clear_ibuf [dreg:s7], $0x2FFFF;
	_ =	strace $0x9FFFFFFF  }
0xc3: {  	(tm) =	ssettm $0x7FFFFFFF  }
tec
execute0_lowered:
.L_overlay_start_1:
0x0: {  	(tag) =	ssettag $0x1  }
0x1: {  	s0 =	rddreg [dreg:$0x0]  }
0x2: {  	s2 =	rddreg [dreg:$0x1]  }
0x3: {  	s1 =	rddreg [dreg:$0x2];
	s4 =	srdreg.scid  }
0x4: {  	s3 =	simm.s32 $0x0;
	s12 =	stileid.u32;
	s28 =	simm.s32 $0x1C200  }
0x5: {  	s29 =	simm.s32 $0x1C300;
	s30 =	simm.s32 $0x4;
	s7 =	smul.u32 $0x50000, s12  }
0x6: {  	s31 =	simm.s32 $0x18000;
	s6 =	sand.u32 $0x1, s4;
	s25 =	smul.u32 $0x14000, s12  }
0x7: {  	[smem:$0x7FF] =	sst s3;
	s13 =	smul.u32 $0x5400, s12;
	s4 =	sshll.u32 s6, $0x4  }
0x8: {  	_ =	strace $0x8000004A;
	s8 =	ssub.s32 $0x2, s6;
	s10 =	smul.u32 $0x140000, s6  }
0x9: {  	s11 =	smul.u32 $0x54000, s6;
	s5 =	sor.u32 s12, s4;
	s4 =	sadd.s32 $0x54000, s0  }
0xa: {  	s0 =	sadd.s32 $0x3F000, s0;
	s9 =	sshrl.u32 s8, $0x1;
	s7 =	sshrl.u32 s7, $0x2  }
0xb: {  	s12 =	simm.s32 $0x8;
	s5 =	smul.u32 $0x5400, s5;
	s8 =	ssub.s32 s8, s9  }
0xc: {  	s6 =	sadd.s32 s7, s1;
	s9 =	sadd.s32 s25, s10;
	s19 =	smax.u32 s8, $0x1  }
0xd: {  	s7 =	sadd.s32 s13, s11;
	s21 =	sadd.s32 $0x4000, s6;
	[dreg:$0xd] =	wrdreg s19  }
0xe: {  	s10 =	simm.s32 $0x1C180;
	s22 =	sadd.s32 $0x8000, s6;
	[dreg:$0xe] =	wrdreg s21  }
0xf: {  	s9 =	sshrl.u32 s9, $0x3;
	s23 =	sadd.s32 $0xC000, s6;
	[dreg:$0xf] =	wrdreg s22  }
0x10: {  	s18 =	sadd.s32 $0xA00, s7;
	s24 =	sadd.s32 $0x10000, s6;
	[dreg:$0x10] =	wrdreg s23  }
0x11: {  	s5 =	sshrl.u32 s5, $0x3;
	s2 =	sadd.s32 s2, s9;
	[dreg:$0x11] =	wrdreg s24  }
0x12: {  	s20 =	sshrl.u32 s18, $0x3;
	s5 =	sadd.s32 s0, s5;
	[dreg:$0xc] =	wrdreg s2  }
0x13: {  	s11 =	simm.s32 $0x6;
	s2 =	sadd.s32 s20, s0;
	[dreg:$0x5] =	wrdreg s5  }
0x14: {  	s13 =	simm.s32 $0x1C280;
	s26 =	sadd.s32 $0x20, s5;
	[dreg:$0x4] =	wrdreg s2  }
0x15: {  	s25 =	sadd.s32 $0x900, s7;
	s14 =	sadd.s32 $0x40, s5;
	[dreg:$0x6] =	wrdreg s26  }
0x16: {  	s22 =	simm.s32 $0x14000;
	s15 =	sadd.s32 $0x60, s5;
	[dreg:$0x7] =	wrdreg s14  }
0x17: {  	s23 =	simm.s32 $0x9;
	s16 =	sadd.s32 $0x80, s5;
	[dreg:$0x8] =	wrdreg s15  }
0x18: {  	s24 =	simm.s32 $0x1C000;
	s17 =	sadd.s32 $0xA0, s5;
	[dreg:$0x9] =	wrdreg s16  }
0x19: {  	s9 =	simm.s32 $0x2;
	s5 =	sadd.s32 $0xC0, s5;
	[dreg:$0xa] =	wrdreg s17  }
0x1a: {  	s2 =	sshrl.u32 s25, $0x3;
	s25 =	simm.s32 $0x80;
	[dreg:$0xb] =	wrdreg s5  }
0x1b: {  	s26 =	sadd.s32 $0x800, s7;
	s7 =	sadd.s32 $0x700, s7;
	s19 =	sadd.s32 s2, s0  }
0x1c: {  	s2 =	simm.s32 $0x1C080;
	s14 =	simm.s32 $0x3;
	s15 =	simm.s32 $0x1C380  }
0x1d: {  	s16 =	simm.s32 $0x0;
	s8 =	sshrl.u32 s26, $0x3;
	s7 =	sshrl.u32 s7, $0x3  }
0x1e: {  	s26 =	simm.s32 $0x1C100;
	s20 =	sadd.s32 s8, s0;
	s21 =	sadd.s32 s7, s0  }
0x1f: {  	v0 =	vimm.f32 $0.0e+00;
	s0 =	simm.s32 $0x1;
	s7 =	simm.s32 $0x5;
	s8 =	simm.s32 $0x7  }
.LBB2_1:
0x20: {  	s17 =	simm.s32 $0x0;
	s18 =	simm.s32 $0x200  }
.LBB2_2:
0x21: {  	p0 =	sne.s32 s18, $0xFE00;
	[tilespmem:s17+$0x14070] =	vst v0  }
0x22: {  	[tilespmem:s17+$0x14000] =	vst v0  }
0x23: {  	[tilespmem:s17+$0x14010] =	vst v0  }
.Ltmp0:
0x24: {  	[tilespmem:s17+$0x14020] =	vst v0;
	(pc) =	sbr.rel @p0 .LBB2_2-.Ltmp0, $4  }
0x25: {  	[tilespmem:s17+$0x14030] =	vst v0  }
0x26: {  	[tilespmem:s17+$0x14040] =	vst v0  }
0x27: {  	[tilespmem:s17+$0x14050] =	vst v0  }
0x28: {  	[tilespmem:s17+$0x14060] =	vst v0;
	s17 =	sshra.s32 s18, $0x2;
	s18 =	sadd.s32 $0x200, s18  }
0x29: {  	[tilespmem:s17+$0x14070] =	vst v0  }
0x2a: {  	[tilespmem:s17+$0x14000] =	vst v0  }
0x2b: {  	[tilespmem:s17+$0x14010] =	vst v0  }
0x2c: {  	[tilespmem:s17+$0x14020] =	vst v0  }
0x2d: {  	[tilespmem:s17+$0x14030] =	vst v0  }
0x2e: {  	[tilespmem:s17+$0x14040] =	vst v0  }
0x2f: {  	[tilespmem:s17+$0x14050] =	vst v0  }
0x30: {  	[tilespmem:s17+$0x14060] =	vst v0  }
0x31: {  	[spmem:s6] =	stream.linear.scatter [tilespmem:s22], [sflag:$0x9], $0x4000, $0x38;
	[tilespmem:$0x1C400] =	vst v63  }
0x32: {  	_ =	swait.ge [sflag:s23], $0x4000  }
0x33: {  	[sflag:s23] =	ssyncset.done $0x0  }
0x34: {  	s5 =	rddreg [dreg:$0xe];
	[sflag:s23] =	ssyncadd.s32 $0xFFFFC000  }
0x35: {  	[spmem:s5] =	stream.linear.scatter [tilespmem:s22], [sflag:$0x9], $0x4000, $0x38;
	[tilespmem:$0x1C400] =	vst v63  }
0x36: {  	_ =	swait.ge [sflag:s23], $0x4000  }
0x37: {  	[sflag:s23] =	ssyncset.done $0x0  }
0x38: {  	s17 =	rddreg [dreg:$0xf];
	[sflag:s23] =	ssyncadd.s32 $0xFFFFC000  }
0x39: {  	[spmem:s17] =	stream.linear.scatter [tilespmem:s22], [sflag:$0x9], $0x4000, $0x38;
	[tilespmem:$0x1C400] =	vst v63  }
0x3a: {  	_ =	swait.ge [sflag:s23], $0x4000  }
0x3b: {  	[sflag:s23] =	ssyncset.done $0x0  }
0x3c: {  	s18 =	rddreg [dreg:$0x10];
	[sflag:s23] =	ssyncadd.s32 $0xFFFFC000  }
0x3d: {  	[spmem:s18] =	stream.linear.scatter [tilespmem:s22], [sflag:$0x9], $0x4000, $0x38;
	[tilespmem:$0x1C400] =	vst v63  }
0x3e: {  	_ =	swait.ge [sflag:s23], $0x4000  }
0x3f: {  	[sflag:s23] =	ssyncset.done $0x0  }
0x40: {  	s17 =	rddreg [dreg:$0x11];
	[sflag:s23] =	ssyncadd.s32 $0xFFFFC000  }
0x41: {  	[spmem:s17] =	stream.linear.scatter [tilespmem:s22], [sflag:$0x9], $0x4000, $0x38;
	[tilespmem:$0x1C400] =	vst v63  }
0x42: {  	_ =	swait.ge [sflag:s23], $0x4000  }
0x43: {  	[sflag:s23] =	ssyncset.done $0x0  }
0x44: {  	[sflag:s23] =	ssyncadd.s32 $0xFFFFC000  }
0x45: {  	[bflag:$0x0] =	sbarrier.arrive $0xFFFF  }
0x46: {  	s17 =	simm.s32 $0x0;
	s18 =	rddreg [dreg:$0x5]  }
0x47: {  	[tilespmem:s24], [sflag:$0x9] =	stream.linear.gather [hbm4b:s18+s17], $0x100, $0x38;
	[tilespmem:$0x1C400] =	vst v63  }
0x48: {  	_ =	swait.ge [sflag:s23], $0x100  }
0x49: {  	[sflag:s23] =	ssyncset.done $0x0  }
0x4a: {  	[sflag:s23] =	ssyncadd.s32 $0xFFFFFF00  }
0x4b: {  	[tilespmem:s22], [sflag:$0x1] =	stream.indirect.gather [hbm4b:s4+s25], $0x80, s24, s25, $0xb8;
	[tilespmem:$0x1C400] =	vst v63  }
0x4c: {  	s18 =	rddreg [dreg:$0x6]  }
0x4d: {  	[tilespmem:s26], [sflag:$0x4] =	stream.linear.gather [hbm4b:s18+s17], $0x100, $0x38;
	[tilespmem:$0x1C400] =	vst v63  }
0x4e: {  	s18 =	rddreg [dreg:$0x7]  }
0x4f: {  	[tilespmem:s28], [sflag:$0x5] =	stream.linear.gather [hbm4b:s18+s17], $0x100, $0x38;
	[tilespmem:$0x1C400] =	vst v63  }
0x50: {  	s18 =	rddreg [dreg:$0x8]  }
0x51: {  	[tilespmem:s29], [sflag:$0x6] =	stream.linear.gather [hbm4b:s18+s17], $0x100, $0x38;
	[tilespmem:$0x1C400] =	vst v63  }
0x52: {  	_ =	swait.ge [sflag:s30], $0x100  }
0x53: {  	[sflag:s30] =	ssyncset.done $0x0  }
0x54: {  	[sflag:s30] =	ssyncadd.s32 $0xFFFFFF00  }
0x55: {  	[tilespmem:s31], [sflag:$0x2] =	stream.indirect.gather [hbm4b:s4+s25], $0x80, s26, s25, $0xb8;
	[tilespmem:$0x1C400] =	vst v63  }
0x56: {  	_ =	swait.ge [sflag:s0], $0x4000  }
0x57: {  	[sflag:s0] =	ssyncset.done $0x0  }
0x58: {  	[sflag:s0] =	ssyncadd.s32 $0xFFFFC000  }
0x59: {  	[spmem:s1] =	stream.indirect.scatter.add.f32 [tilespmem:s22], [sflag:$0x7], $0x80, s2, s25, $0xb8;
	[tilespmem:$0x1C400] =	vst v63  }
0x5a: {  	_ =	swait.ge [sflag:s7], $0x100  }
0x5b: {  	[sflag:s7] =	ssyncset.done $0x0  }
0x5c: {  	[sflag:s7] =	ssyncadd.s32 $0xFFFFFF00  }
0x5d: {  	_ =	swait.ge [sflag:s8], $0x4000  }
0x5e: {  	[sflag:s8] =	ssyncset.done $0x0  }
0x5f: {  	s18 =	rddreg [dreg:$0x9];
	[sflag:s8] =	ssyncadd.s32 $0xFFFFC000  }
0x60: {  	[tilespmem:s24], [sflag:$0x3] =	stream.linear.gather [hbm4b:s18+s17], $0x100, $0x38;
	[tilespmem:$0x1C400] =	vst v63  }
0x61: {  	_ = 	snop  }
0x62: {  	[tilespmem:s22], [sflag:$0x1] =	stream.indirect.gather [hbm4b:s4+s25], $0x80, s28, s25, $0xb8;
	[tilespmem:$0x1C400] =	vst v63  }
0x63: {  	_ =	swait.ge [sflag:s9], $0x4000  }
0x64: {  	[sflag:s9] =	ssyncset.done $0x0  }
0x65: {  	[sflag:s9] =	ssyncadd.s32 $0xFFFFC000  }
0x66: {  	[spmem:s1] =	stream.indirect.scatter.add.f32 [tilespmem:s31], [sflag:$0x8], $0x80, s10, s25, $0xb8;
	[tilespmem:$0x1C400] =	vst v63  }
0x67: {  	_ =	swait.ge [sflag:s11], $0x100  }
0x68: {  	[sflag:s11] =	ssyncset.done $0x0  }
0x69: {  	[sflag:s11] =	ssyncadd.s32 $0xFFFFFF00  }
0x6a: {  	_ =	swait.ge [sflag:s12], $0x4000  }
0x6b: {  	[sflag:s12] =	ssyncset.done $0x0  }
0x6c: {  	s18 =	rddreg [dreg:$0xa];
	[sflag:s12] =	ssyncadd.s32 $0xFFFFC000  }
0x6d: {  	[tilespmem:s26], [sflag:$0x4] =	stream.linear.gather [hbm4b:s18+s17], $0x100, $0x38;
	[tilespmem:$0x1C400] =	vst v63  }
0x6e: {  	_ = 	snop  }
0x6f: {  	[tilespmem:s31], [sflag:$0x2] =	stream.indirect.gather [hbm4b:s4+s25], $0x80, s29, s25, $0xb8;
	[tilespmem:$0x1C400] =	vst v63  }
0x70: {  	_ =	swait.ge [sflag:s0], $0x4000  }
0x71: {  	[sflag:s0] =	ssyncset.done $0x0  }
0x72: {  	[sflag:s0] =	ssyncadd.s32 $0xFFFFC000  }
0x73: {  	[spmem:s1] =	stream.indirect.scatter.add.f32 [tilespmem:s22], [sflag:$0x7], $0x80, s13, s25, $0xb8;
	[tilespmem:$0x1C400] =	vst v63  }
0x74: {  	_ =	swait.ge [sflag:s14], $0x100  }
0x75: {  	[sflag:s14] =	ssyncset.done $0x0  }
0x76: {  	[sflag:s14] =	ssyncadd.s32 $0xFFFFFF00  }
0x77: {  	_ =	swait.ge [sflag:s8], $0x4000  }
0x78: {  	[sflag:s8] =	ssyncset.done $0x0  }
0x79: {  	s18 =	rddreg [dreg:$0xb];
	[sflag:s8] =	ssyncadd.s32 $0xFFFFC000  }
0x7a: {  	[tilespmem:s28], [sflag:$0x5] =	stream.linear.gather [hbm4b:s18+s17], $0x100, $0x38;
	[tilespmem:$0x1C400] =	vst v63  }
0x7b: {  	_ = 	snop  }
0x7c: {  	[tilespmem:s22], [sflag:$0x1] =	stream.indirect.gather [hbm4b:s4+s25], $0x80, s24, s25, $0xb8;
	[tilespmem:$0x1C400] =	vst v63  }
0x7d: {  	_ =	swait.ge [sflag:s9], $0x4000  }
0x7e: {  	[sflag:s9] =	ssyncset.done $0x0  }
0x7f: {  	[sflag:s9] =	ssyncadd.s32 $0xFFFFC000  }
0x80: {  	[spmem:s1] =	stream.indirect.scatter.add.f32 [tilespmem:s31], [sflag:$0x8], $0x80, s15, s25, $0xb8;
	[tilespmem:$0x1C400] =	vst v63  }
0x81: {  	_ =	swait.ge [sflag:s30], $0x100  }
0x82: {  	[sflag:s30] =	ssyncset.done $0x0  }
0x83: {  	[sflag:s30] =	ssyncadd.s32 $0xFFFFFF00  }
0x84: {  	_ =	swait.ge [sflag:s12], $0x4000  }
0x85: {  	[sflag:s12] =	ssyncset.done $0x0  }
0x86: {  	s5 =	sadd.s32 $0x0, s21;
	[sflag:s12] =	ssyncadd.s32 $0xFFFFC000  }
0x87: {  	[tilespmem:s29], [sflag:$0x6] =	stream.linear.gather [hbm4b:s5+s3], $0x100, $0x38;
	[tilespmem:$0x1C400] =	vst v63  }
0x88: {  	_ = 	snop  }
0x89: {  	[tilespmem:s31], [sflag:$0x2] =	stream.indirect.gather [hbm4b:s4+s25], $0x80, s26, s25, $0xb8;
	[tilespmem:$0x1C400] =	vst v63  }
0x8a: {  	_ =	swait.ge [sflag:s0], $0x4000  }
0x8b: {  	[sflag:s0] =	ssyncset.done $0x0  }
0x8c: {  	[sflag:s0] =	ssyncadd.s32 $0xFFFFC000  }
0x8d: {  	[spmem:s1] =	stream.indirect.scatter.add.f32 [tilespmem:s22], [sflag:$0x7], $0x80, s2, s25, $0xb8;
	[tilespmem:$0x1C400] =	vst v63  }
0x8e: {  	_ =	swait.ge [sflag:s7], $0x100  }
0x8f: {  	[sflag:s7] =	ssyncset.done $0x0  }
0x90: {  	[sflag:s7] =	ssyncadd.s32 $0xFFFFFF00  }
0x91: {  	_ =	swait.ge [sflag:s8], $0x4000  }
0x92: {  	[sflag:s8] =	ssyncset.done $0x0  }
0x93: {  	s18 =	sadd.s32 $0x0, s20;
	[sflag:s8] =	ssyncadd.s32 $0xFFFFC000  }
0x94: {  	[tilespmem:s24], [sflag:$0x3] =	stream.linear.gather [hbm4b:s18+s3], $0x100, $0x38;
	[tilespmem:$0x1C400] =	vst v63  }
0x95: {  	_ = 	snop  }
0x96: {  	[tilespmem:s22], [sflag:$0x1] =	stream.indirect.gather [hbm4b:s4+s25], $0x80, s28, s25, $0xb8;
	[tilespmem:$0x1C400] =	vst v63  }
0x97: {  	_ =	swait.ge [sflag:s9], $0x4000  }
0x98: {  	[sflag:s9] =	ssyncset.done $0x0  }
0x99: {  	[sflag:s9] =	ssyncadd.s32 $0xFFFFC000  }
0x9a: {  	[spmem:s1] =	stream.indirect.scatter.add.f32 [tilespmem:s31], [sflag:$0x8], $0x80, s10, s25, $0xb8;
	[tilespmem:$0x1C400] =	vst v63  }
0x9b: {  	_ =	swait.ge [sflag:s11], $0x100  }
0x9c: {  	[sflag:s11] =	ssyncset.done $0x0  }
0x9d: {  	[sflag:s11] =	ssyncadd.s32 $0xFFFFFF00  }
0x9e: {  	_ =	swait.ge [sflag:s12], $0x4000  }
0x9f: {  	[sflag:s12] =	ssyncset.done $0x0  }
0xa0: {  	s5 =	sadd.s32 $0x0, s19;
	[sflag:s12] =	ssyncadd.s32 $0xFFFFC000  }
0xa1: {  	[tilespmem:s26], [sflag:$0x4] =	stream.linear.gather [hbm4b:s5+s3], $0x100, $0x38;
	[tilespmem:$0x1C400] =	vst v63  }
0xa2: {  	_ = 	snop  }
0xa3: {  	[tilespmem:s31], [sflag:$0x2] =	stream.indirect.gather [hbm4b:s4+s25], $0x80, s29, s25, $0xb8;
	[tilespmem:$0x1C400] =	vst v63  }
0xa4: {  	_ =	swait.ge [sflag:s0], $0x4000  }
0xa5: {  	[sflag:s0] =	ssyncset.done $0x0  }
0xa6: {  	[sflag:s0] =	ssyncadd.s32 $0xFFFFC000  }
0xa7: {  	[spmem:s1] =	stream.indirect.scatter.add.f32 [tilespmem:s22], [sflag:$0x7], $0x80, s13, s25, $0xb8;
	[tilespmem:$0x1C400] =	vst v63  }
0xa8: {  	_ =	swait.ge [sflag:s14], $0x100  }
0xa9: {  	[sflag:s14] =	ssyncset.done $0x0  }
0xaa: {  	[sflag:s14] =	ssyncadd.s32 $0xFFFFFF00  }
0xab: {  	_ =	swait.ge [sflag:s8], $0x4000  }
0xac: {  	s18 =	rddreg [dreg:$0x4];
	[sflag:s8] =	ssyncset.done $0x0  }
0xad: {  	[sflag:s8] =	ssyncadd.s32 $0xFFFFC000;
	s17 =	sadd.s32 $0x0, s18  }
0xae: {  	[tilespmem:s28], [sflag:$0x5] =	stream.linear.gather [hbm4b:s17+s3], $0x100, $0x38;
	[tilespmem:$0x1C400] =	vst v63  }
0xaf: {  	_ = 	snop  }
0xb0: {  	[tilespmem:s22], [sflag:$0x1] =	stream.indirect.gather [hbm4b:s4+s25], $0x80, s24, s25, $0xb8;
	[tilespmem:$0x1C400] =	vst v63  }
0xb1: {  	_ =	swait.ge [sflag:s9], $0x4000  }
0xb2: {  	[sflag:s9] =	ssyncset.done $0x0  }
0xb3: {  	s17 =	simm.s32 $0x80;
	[sflag:s9] =	ssyncadd.s32 $0xFFFFC000  }
.LBB2_4:
0xb4: {  	[spmem:s1] =	stream.indirect.scatter.add.f32 [tilespmem:s31], [sflag:$0x8], $0x80, s15, s25, $0xb8;
	[tilespmem:$0x1C400] =	vst v63  }
0xb5: {  	_ =	swait.ge [sflag:s30], $0x100  }
0xb6: {  	[sflag:s30] =	ssyncset.done $0x0  }
0xb7: {  	[sflag:s30] =	ssyncadd.s32 $0xFFFFFF00  }
0xb8: {  	_ =	swait.ge [sflag:s12], $0x4000  }
0xb9: {  	s18 =	smov.u32 s17;
	[sflag:s12] =	ssyncset.done $0x0  }
0xba: {  	s5 =	sadd.s32 s18, s21;
	[sflag:s12] =	ssyncadd.s32 $0xFFFFC000  }
0xbb: {  	[tilespmem:s29], [sflag:$0x6] =	stream.linear.gather [hbm4b:s5+s3], $0x100, $0x38;
	[tilespmem:$0x1C400] =	vst v63  }
0xbc: {  	_ = 	snop  }
0xbd: {  	[tilespmem:s31], [sflag:$0x2] =	stream.indirect.gather [hbm4b:s4+s25], $0x80, s26, s25, $0xb8;
	[tilespmem:$0x1C400] =	vst v63  }
0xbe: {  	_ =	swait.ge [sflag:s0], $0x4000  }
0xbf: {  	[sflag:s0] =	ssyncset.done $0x0  }
0xc0: {  	[sflag:s0] =	ssyncadd.s32 $0xFFFFC000  }
0xc1: {  	[spmem:s1] =	stream.indirect.scatter.add.f32 [tilespmem:s22], [sflag:$0x7], $0x80, s2, s25, $0xb8;
	[tilespmem:$0x1C400] =	vst v63  }
0xc2: {  	_ =	swait.ge [sflag:s7], $0x100  }
0xc3: {  	[sflag:s7] =	ssyncset.done $0x0  }
0xc4: {  	[sflag:s7] =	ssyncadd.s32 $0xFFFFFF00  }
0xc5: {  	_ =	swait.ge [sflag:s8], $0x4000  }
0xc6: {  	[sflag:s8] =	ssyncset.done $0x0  }
0xc7: {  	s5 =	sadd.s32 s18, s20;
	[sflag:s8] =	ssyncadd.s32 $0xFFFFC000  }
0xc8: {  	[tilespmem:s24], [sflag:$0x3] =	stream.linear.gather [hbm4b:s5+s3], $0x100, $0x38;
	[tilespmem:$0x1C400] =	vst v63  }
0xc9: {  	_ = 	snop  }
0xca: {  	[tilespmem:s22], [sflag:$0x1] =	stream.indirect.gather [hbm4b:s4+s25], $0x80, s28, s25, $0xb8;
	[tilespmem:$0x1C400] =	vst v63  }
0xcb: {  	_ =	swait.ge [sflag:s9], $0x4000  }
0xcc: {  	[sflag:s9] =	ssyncset.done $0x0  }
0xcd: {  	[sflag:s9] =	ssyncadd.s32 $0xFFFFC000  }
0xce: {  	[spmem:s1] =	stream.indirect.scatter.add.f32 [tilespmem:s31], [sflag:$0x8], $0x80, s10, s25, $0xb8;
	[tilespmem:$0x1C400] =	vst v63  }
0xcf: {  	_ =	swait.ge [sflag:s11], $0x100  }
0xd0: {  	[sflag:s11] =	ssyncset.done $0x0  }
0xd1: {  	[sflag:s11] =	ssyncadd.s32 $0xFFFFFF00  }
0xd2: {  	_ =	swait.ge [sflag:s12], $0x4000  }
0xd3: {  	[sflag:s12] =	ssyncset.done $0x0  }
0xd4: {  	s5 =	sadd.s32 s18, s19;
	[sflag:s12] =	ssyncadd.s32 $0xFFFFC000  }
0xd5: {  	[tilespmem:s26], [sflag:$0x4] =	stream.linear.gather [hbm4b:s5+s3], $0x100, $0x38;
	[tilespmem:$0x1C400] =	vst v63  }
0xd6: {  	_ = 	snop  }
0xd7: {  	[tilespmem:s31], [sflag:$0x2] =	stream.indirect.gather [hbm4b:s4+s25], $0x80, s29, s25, $0xb8;
	[tilespmem:$0x1C400] =	vst v63  }
0xd8: {  	_ =	swait.ge [sflag:s0], $0x4000  }
0xd9: {  	[sflag:s0] =	ssyncset.done $0x0  }
0xda: {  	[sflag:s0] =	ssyncadd.s32 $0xFFFFC000  }
0xdb: {  	[spmem:s1] =	stream.indirect.scatter.add.f32 [tilespmem:s22], [sflag:$0x7], $0x80, s13, s25, $0xb8;
	[tilespmem:$0x1C400] =	vst v63  }
0xdc: {  	_ =	swait.ge [sflag:s14], $0x100  }
0xdd: {  	[sflag:s14] =	ssyncset.done $0x0  }
0xde: {  	[sflag:s14] =	ssyncadd.s32 $0xFFFFFF00  }
0xdf: {  	_ =	swait.ge [sflag:s8], $0x4000  }
0xe0: {  	s5 =	rddreg [dreg:$0x4];
	[sflag:s8] =	ssyncset.done $0x0  }
0xe1: {  	p0 =	sne.s32 s17, $0x900;
	[sflag:s8] =	ssyncadd.s32 $0xFFFFC000;
	s5 =	sadd.s32 s18, s5  }
0xe2: {  	[tilespmem:s28], [sflag:$0x5] =	stream.linear.gather [hbm4b:s5+s3], $0x100, $0x38;
	[tilespmem:$0x1C400] =	vst v63  }
.Ltmp1:
0xe3: {  	_ = 	snop;
	(pc) =	sbr.rel @p0 .LBB2_4-.Ltmp1, $4  }
0xe4: {  	[tilespmem:s22], [sflag:$0x1] =	stream.indirect.gather [hbm4b:s4+s25], $0x80, s24, s25, $0xb8;
	[tilespmem:$0x1C400] =	vst v63  }
0xe5: {  	_ =	swait.ge [sflag:s9], $0x4000  }
0xe6: {  	[sflag:s9] =	ssyncset.done $0x0  }
0xe7: {  	s17 =	sadd.s32 $0x80, s17;
	[sflag:s9] =	ssyncadd.s32 $0xFFFFC000  }
0xe8: {  	[spmem:s1] =	stream.indirect.scatter.add.f32 [tilespmem:s31], [sflag:$0x8], $0x80, s15, s25, $0xb8;
	[tilespmem:$0x1C400] =	vst v63  }
0xe9: {  	_ =	swait.ge [sflag:s0], $0x4000  }
0xea: {  	[sflag:s0] =	ssyncset.done $0x0  }
0xeb: {  	[sflag:s0] =	ssyncadd.s32 $0xFFFFC000  }
0xec: {  	_ =	swait.ge [sflag:s12], $0x4000  }
0xed: {  	[sflag:s12] =	ssyncset.done $0x0  }
0xee: {  	[sflag:s12] =	ssyncadd.s32 $0xFFFFC000  }
0xef: {  	_ =	swait.ge [sflag:s30], $0x100  }
0xf0: {  	[sflag:s30] =	ssyncset.done $0x0  }
0xf1: {  	[sflag:s30] =	ssyncadd.s32 $0xFFFFFF00  }
0xf2: {  	_ =	swait.ge [sflag:s7], $0x100  }
0xf3: {  	[sflag:s7] =	ssyncset.done $0x0  }
0xf4: {  	s5 =	stileid.u32;
	[sflag:s7] =	ssyncadd.s32 $0xFFFFFF00  }
0xf5: {  	s5 =	sshll.u32 s5, $0x6;
	[bflag:$0x0] =	sbarrier.arrive $0xFFFF  }
0xf6: {  	s17 =	sshrl.u32 s6, $0x3;
	s5 =	sor.u32 $0x1C09, s5;
	s18 =	rddreg [dreg:$0xc]  }
0xf7: {  	[hbm:s18], [sflag:s5] =	dma.local [spmem:s17], $0x2800  }
0xf8: {  	_ =	swait.ge [sflag:s23], $0x2800  }
0xf9: {  	s16 =	sadd.s32 $0x1, s16;
	s18 =	rddreg [dreg:$0xd]  }
0xfa: {  	p0 =	sne.s32 s16, s18  }
.Ltmp2:
0xfb: {  	_ = 	snop;
	(pc) =	sbr.rel @p0 .LBB2_1-.Ltmp2, $3  }
0xfc: {  	_ =	sdelay $0x1  }
0xfd: {  	[sflag:s23] =	ssyncset.done $0x0  }
0xfe: {  	[sflag:s23] =	ssyncadd.s32 $0xFFFFD800  }
0xff: {  	_ =	sfence.sel $0x180000  }
0x100: {  	[bflag:$0x0] =	sbarrier.arrive $0xFFFF  }
0x101: {  	_ =	strace $0x9000004A  }
0x102: {  	s0 =	stileid.u32;
	[bflag:$0x2] =	sbarrier.arrive $0xFFFF  }
0x103: {  	p0 =	sne.s32 s0, $0x0;
	s0 =	rddreg [dreg:$0x3]  }
0x104: {  	s0 =	sadd.s32 @!p0 $0x100000, s0  }
0x105: {  	[sflag:s0] =	ssyncadd.tile.s32 @!p0 $0x1;
	_ =	shalt  }
.Lfunc_end2:
_tile_overlayer_lowered:
.L_overlay_start_2:
0x106: {  	(tag) =	ssettag $0x2  }
0x107: {  	s0 =	rddreg [dreg:$0x0];
	s2 =	stileid.u32  }
0x108: {  	s1 =	rddreg [dreg:$0x1];
	p0 =	sne.s32 s2, $0x0  }
0x109: {  	s3 =	rddreg [dreg:$0x2];
	[bflag:$0x3] =	sbarrier.arrive $0xFFFF;
	s2 =	simm.s32 @!p0 $0x1C09  }
0x10a: {  	[timem:s3], [sflag:s2] =	dma.local @!p0 [hbm:s0], s1  }
0x10b: {  	s0 =	simm.s32 @!p0 $0x9  }
0x10c: {  	_ =	swait.ge @!p0 [sflag:s0], s1  }
0x10d: {  	s1 =	ssub.s32 @!p0 $0x0, s1;
	[sflag:s0] =	ssyncset.done @!p0 $0x0  }
0x10e: {  	[sflag:s0] =	ssyncadd.s32 @!p0 s1  }
0x10f: {  	[bflag:$0x3] =	sbarrier.arrive $0xFFFF  }
0x110: {  	_ =	shalt  }

// kernel: kernel.14.cloned.1.call-start
scs
__scs_entry_jumppad:
0x0: {  	(pc) =	sbr.rel $0x88, $3  }
0x1: {  	(tag) =	ssettag $0x0;
	lr =	simm.s32 $0x1  }
0x2: {  	[smem:$0x3F99] =	sst lr;
	_ =	strace $0xD0000000  }
0x3: {  	_ = 	snop  }
0x4: {  	_ = 	snop  }
0x5: {  	_ = 	snop  }
0x6: {  	_ = 	snop  }
0x7: {  	_ = 	snop  }
__scs_overlays_trampoline_lowered:
0x8: {  	[smem:$0x3FA8] =	sst s0  }
0x9: {  	[smem:$0x3FA9] =	sst s1  }
0xa: {  	[smem:$0x3FAA] =	sst s2  }
0xb: {  	[smem:$0x3FAB] =	sst s3  }
0xc: {  	[smem:$0x3FAC] =	sst s4  }
0xd: {  	[smem:$0x3FAD] =	sst s5  }
0xe: {  	[smem:$0x3FAE] =	sst s6  }
0xf: {  	[smem:$0x3FAF] =	sst s7  }
0x10: {  	[smem:$0x3FB0] =	sst s8  }
0x11: {  	[smem:$0x3FB1] =	sst s9;
	s0 =	simm.s32 @!p0 $0x0  }
0x12: {  	s1 =	sld [smem:$0x3F97];
	s0 =	simm.s32 @p0 $0x1  }
0x13: {  	[smem:$0x3FB2] =	sst s0;
	s0 =	simm.s32 @!p1 $0x0  }
0x14: {  	s2 =	sld [smem:$0x3F96];
	s0 =	simm.s32 @p1 $0x1  }
0x15: {  	[smem:$0x3FB3] =	sst s0;
	s0 =	simm.s32 @!p2 $0x0  }
0x16: {  	s3 =	sld [smem:$0x3FDB];
	s0 =	simm.s32 @p2 $0x1  }
0x17: {  	s4 =	simm.s32 $0x1BF5;
	[smem:$0x3FB5] =	sst s0  }
0x18: {  	s0 =	sld [smem:$0x3F98];
	_ =	swait.ge [sflag:s4], $0x0  }
0x19: {  	s7 =	sld [smem:$0x3F99]  }
0x1a: {  	s8 =	sadd.s32 $0xFFFFE003, lr  }
0x1b: {  	s9 =	sadd.s32 $0xFFFFFEF7, lr;
	s5 =	simm.s32 $0xFFFFFFFF;
	p2 =	slt.u32 s8, $0xFFFFF086  }
0x1c: {  	p1 =	slt.u32 s9, $0xF7A;
	s5 =	simm.s32 @!p2 $0x0  }
0x1d: {  	s5 =	simm.s32 @p1 $0x1;
	p0 =	seq.s32 s7, s2  }
0x1e: {  	s7 =	smul.u32 @!p0 $0xF7A, s2;
	p2 =	seq.s32 @!p0 s5, $0x0  }
0x1f: {  	s9 =	smul.u32 $0xF7A, s1;
	s8 =	simm.s32 @!p0 $0x1BF5;
	p2 =	por !p2, p0  }
0x20: {  	[sflag:s8] =	ssyncset.s32 @!p0 $0xFFFFF086;
	s6 =	sadd.s32 @!p0 s3, s7;
	s7 =	simm.s32 @!p0 $0x108  }
0x21: {  	s3 =	sadd.s32 s3, s9;
	s6 =	sadd.s32 @!p0 $0x88, s6;
	s7 =	simm.s32 @p2 $0x1082  }
0x22: {  	[simem:s7], [sflag:s8] =	dma.local @!p0 [hbm:s6], $0xF7A  }
0x23: {  	s9 =	sor.u32 $0xD0000000, s2;
	s6 =	simm.s32 $0x108;
	_ =	swait.ge @!p0 [sflag:s8], $0x0  }
0x24: {  	s3 =	sadd.s32 $0x88, s3;
	s6 =	simm.s32 @!p1 $0x1082;
	[sflag:s4] =	ssyncset.s32 $0xFFFFF086  }
0x25: {  	[simem:s6], [sflag:s4] =	dma.local [hbm:s3], $0xF7A  }
0x26: {  	[smem:$0x3F99] =	sst s1;
	(tag) =	ssettag s2;
	_ =	strace s9  }
0x27: {  	s1 =	sld [smem:$0x3FA9]  }
0x28: {  	s2 =	sld [smem:$0x3FAA]  }
0x29: {  	s4 =	sld [smem:$0x3FAC]  }
0x2a: {  	p0 =	seq.s32 s5, $0x0;
	s5 =	sld [smem:$0x3FAD]  }
0x2b: {  	s6 =	sld [smem:$0x3FAE]  }
0x2c: {  	s7 =	sld [smem:$0x3FAF]  }
0x2d: {  	s3 =	simm.s32 $0x108;
	s8 =	sld [smem:$0x3FB0]  }
0x2e: {  	s3 =	simm.s32 @!p0 $0x1082;
	s9 =	sld [smem:$0x3FB1]  }
0x2f: {  	lr =	sadd.s32 s0, s3;
	s0 =	sld [smem:$0x3FA8]  }
0x30: {  	s3 =	sld [smem:$0x3FAB]  }
0x31: {  	[smem:$0x3FB4] =	sst s10  }
0x32: {  	s10 =	sld [smem:$0x3FB2];
	_ =	sdelay $0x3  }
0x33: {  	p0 =	seq.s32 s10, $0x1;
	s10 =	sld [smem:$0x3FB4];
	_ =	sdelay $0x3  }
0x34: {  	[smem:$0x3FB4] =	sst s10  }
0x35: {  	s10 =	sld [smem:$0x3FB3];
	_ =	sdelay $0x3  }
0x36: {  	p1 =	seq.s32 s10, $0x1;
	s10 =	sld [smem:$0x3FB4];
	_ =	sdelay $0x3  }
0x37: {  	[smem:$0x3FB4] =	sst s10  }
0x38: {  	s10 =	sld [smem:$0x3FB5]  }
0x39: {  	_ = 	snop;
	(pc) =	sbr.ind lr, $3  }
0x3a: {  	_ = 	snop  }
0x3b: {  	_ = 	snop  }
0x3c: {  	p2 =	seq.s32 s10, $0x1;
	s10 =	sld [smem:$0x3FB4]  }
0x3d: {  	_ =	shalt  }
0x3e: {  	_ =	shalt  }
0x3f: {  	_ =	shalt  }
0x40: {  	_ =	shalt  }
0x41: {  	_ =	shalt  }
0x42: {  	_ =	shalt  }
0x43: {  	_ =	shalt  }
0x44: {  	_ =	shalt  }
0x45: {  	_ =	shalt  }
0x46: {  	_ =	shalt  }
0x47: {  	_ =	shalt  }
0x48: {  	_ =	shalt  }
0x49: {  	_ =	shalt  }
0x4a: {  	_ =	shalt  }
0x4b: {  	_ =	shalt  }
0x4c: {  	_ =	shalt  }
0x4d: {  	_ =	shalt  }
0x4e: {  	_ =	shalt  }
0x4f: {  	_ =	shalt  }
0x50: {  	_ =	shalt  }
0x51: {  	_ =	shalt  }
0x52: {  	_ =	shalt  }
0x53: {  	_ =	shalt  }
0x54: {  	_ =	shalt  }
0x55: {  	_ =	shalt  }
0x56: {  	_ =	shalt  }
0x57: {  	_ =	shalt  }
0x58: {  	_ =	shalt  }
0x59: {  	_ =	shalt  }
0x5a: {  	_ =	shalt  }
0x5b: {  	_ =	shalt  }
0x5c: {  	_ =	shalt  }
0x5d: {  	_ =	shalt  }
0x5e: {  	_ =	shalt  }
0x5f: {  	_ =	shalt  }
0x60: {  	_ =	shalt  }
0x61: {  	_ =	shalt  }
0x62: {  	_ =	shalt  }
0x63: {  	_ =	shalt  }
0x64: {  	_ =	shalt  }
0x65: {  	_ =	shalt  }
0x66: {  	_ =	shalt  }
0x67: {  	_ =	shalt  }
0x68: {  	_ =	shalt  }
0x69: {  	_ =	shalt  }
0x6a: {  	_ =	shalt  }
0x6b: {  	_ =	shalt  }
0x6c: {  	_ =	shalt  }
0x6d: {  	_ =	shalt  }
0x6e: {  	_ =	shalt  }
0x6f: {  	_ =	shalt  }
0x70: {  	_ =	shalt  }
0x71: {  	_ =	shalt  }
0x72: {  	_ =	shalt  }
0x73: {  	_ =	shalt  }
0x74: {  	_ =	shalt  }
0x75: {  	_ =	shalt  }
0x76: {  	_ =	shalt  }
0x77: {  	_ =	shalt  }
0x78: {  	_ =	shalt  }
0x79: {  	_ =	shalt  }
0x7a: {  	_ =	shalt  }
0x7b: {  	_ =	shalt  }
0x7c: {  	_ =	shalt  }
0x7d: {  	_ =	shalt  }
0x7e: {  	_ =	shalt  }
0x7f: {  	_ =	shalt  }
0x80: {  	_ =	shalt  }
0x81: {  	_ =	shalt  }
0x82: {  	_ =	shalt  }
0x83: {  	_ =	shalt  }
0x84: {  	_ =	shalt  }
0x85: {  	_ =	shalt  }
0x86: {  	_ =	shalt  }
0x87: {  	_ =	shalt  }
.Lfunc_end0:
.L_simem_size_0:
called_computation.2_lowered:
.L_overlay_start_0:
0x88: {  	s2 =	sld [smem:$0x3FD9]  }
0x89: {  	s3 =	sld [smem:$0x3FFE];
	_ =	sdelay $0x1  }
0x8a: {  	s1 =	srdreg.scid  }
0x8b: {  	s0 =	sand.u32 $0x1, s1  }
0x8c: {  	s17 =	sshll.u32 s0, $0xA;
	s2 =	sadd.s32 s3, s2  }
0x8d: {  	s2 =	sadd.s32 s2, s17  }
0x8e: {  	[smem:$0x3FC0] =	sst s2  }
0x8f: {  	_ = 	snop  }
0x90: {  	s2 =	sld [smem:$0x3FD0];
	(tm) =	ssettm $0x1  }
0x91: {  	s18 =	sld [smem:$0x3FFB];
	_ =	sdelay $0x3  }
0x92: {  	_ =	strace s18  }
0x93: {  	s3 =	sld [smem:$0x3FFC];
	_ =	sdelay $0x3  }
0x94: {  	_ =	strace s3  }
0x95: {  	s3 =	sld [smem:$0x3FFD];
	_ =	sdelay $0x3  }
0x96: {  	_ =	strace s3  }
0x97: {  	_ =	strace $0x8FFFFFFF  }
0x98: {  	s19 =	sld [smem:$0x3FDB];
	_ =	sdelay $0x1  }
0x99: {  	s4 =	simm.s32 $_scs_section_size  }
0x9a: {  	s5 =	simm.s32 $_size__tile_overlayer_lowered;
	s6 =	simm.s32 $_tile_overlayer_lowered  }
0x9b: {  	s22 =	simm.s32 $0x1BFF;
	s21 =	sshll.u32 s6, $0x1;
	s3 =	sadd.s32 s4, s19  }
0x9c: {  	s7 =	simm.s32 $0x0;
	s20 =	sshll.u32 s5, $0x1;
	s5 =	sadd.s32 s21, s3  }
0x9d: {  	[timem:s7], [sflag:s22] =	dma.local [hbm:s5], s20  }
0x9e: {  	_ =	swait.ge [sflag:s22], s20  }
0x9f: {  	s4 =	ssub.s32 $0x0, s20;
	[sflag:s22] =	ssyncset.done $0x0  }
0xa0: {  	[sflag:s22] =	ssyncadd.s32 s4;
	_ =	sdelay $0x1  }
0xa1: {  	s23 =	simm.s32 $0x1B8B  }
0xa2: {  	_ =	swait.ge [sflag:s23], $0x1  }
0xa3: {  	[sflag:s23] =	ssyncset.done $0x0  }
0xa4: {  	s25 =	simm.s32 $0x1B8E;
	s24 =	sld [smem:$0x3FFE];
	[sflag:s23] =	ssyncadd.s32 $0xFFFFFFFF  }
0xa5: {  	s26 =	simm.s32 $execute0_lowered;
	[smem:$0x3FD2] =	sst s25  }
0xa6: {  	s5 =	sshll.u32 s26, $0x1;
	_ =	strace $0x8000004C;
	[dreg:$0x1] =	wrdreg $0xFFFFFFFF  }
0xa7: {  	s28 =	simm.s32 $_size_execute0_lowered;
	s3 =	sadd.s32 s3, s5;
	[dreg:$0x0] =	wrdreg $0x0  }
0xa8: {  	s5 =	sshll.u32 s28, $0x1;
	[dreg:$0x2] =	wrdreg s3  }
0xa9: {  	[dreg:$0x3] =	wrdreg s5  }
0xaa: {  	[dreg:$0x4] =	wrdreg $0xC0  }
0xab: {  	_ =	task [dreg:s7], $0x5FFFF  }
0xac: {  	[dreg:$0x1] =	wrdreg $0xFFFFFFFF  }
0xad: {  	[dreg:$0x0] =	wrdreg $0x60  }
0xae: {  	[dreg:$0x2] =	wrdreg s24  }
0xaf: {  	[dreg:$0x3] =	wrdreg s2  }
0xb0: {  	[dreg:$0x4] =	wrdreg $0x0  }
0xb1: {  	[dreg:$0x5] =	wrdreg $0x9  }
0xb2: {  	_ =	task.clear_ibuf [dreg:s7], $0x6FFFF;
	_ =	strace $0x9000004C  }
0xb3: {  	s29 =	simm.s32 $0x9;
	_ =	strace $0x8000004E  }
0xb4: {  	_ =	swait.ge [sflag:s29], $0x1  }
0xb5: {  	[sflag:s29] =	ssyncadd.s32 $0xFFFFFFFF  }
0xb6: {  	_ =	strace $0x9000004E  }
0xb7: {  	_ =	sfence  }
0xb8: {  	s30 =	sld [smem:$0x0];
	_ =	sdelay $0x2  }
0xb9: {  	s31 =	sshll.u32 s1, $0xD;
	s1 =	sshrl.u32 s1, $0x2  }
0xba: {  	s3 =	sand.u32 $0x4000, s31;
	s1 =	sadd.s32 s1, s30  }
0xbb: {  	s0 =	sor.u32 s3, s0;
	s1 =	sshll.u32 s1, $0x11  }
0xbc: {  	s0 =	sor.u32 s1, s0  }
0xbd: {  	s0 =	sadd.s32 $0x8F2B, s0  }
0xbe: {  	[sflag:s0] =	ssyncadd.remote.s32 $0x1  }
0xbf: {  	_ =	sfence.sel $0xFFFF  }
0xc0: {  	[dreg:$0x0] =	wrdreg $0xFFFFFFFF;
	(pc) =	sbr.abs _section_cstart, $3  }
0xc1: {  	[dreg:$0x1] =	wrdreg $0xFFFFFFFF  }
0xc2: {  	_ =	task.clear_ibuf [dreg:s7], $0x2FFFF;
	_ =	strace $0x9FFFFFFF  }
0xc3: {  	(tm) =	ssettm $0x7FFFFFFF  }
tec
execute0_lowered:
.L_overlay_start_1:
0x0: {  	(tag) =	ssettag $0x1  }
0x1: {  	s0 =	rddreg [dreg:$0x0]  }
0x2: {  	s2 =	rddreg [dreg:$0x1]  }
0x3: {  	s1 =	rddreg [dreg:$0x2];
	s4 =	srdreg.scid  }
0x4: {  	s3 =	simm.s32 $0x0;
	s12 =	stileid.u32;
	s28 =	simm.s32 $0x1C200  }
0x5: {  	s29 =	simm.s32 $0x1C300;
	s30 =	simm.s32 $0x4;
	s7 =	smul.u32 $0x50000, s12  }
0x6: {  	s31 =	simm.s32 $0x18000;
	s6 =	sand.u32 $0x1, s4;
	s25 =	smul.u32 $0x14000, s12  }
0x7: {  	[smem:$0x7FF] =	sst s3;
	s13 =	smul.u32 $0x5400, s12;
	s4 =	sshll.u32 s6, $0x4  }
0x8: {  	_ =	strace $0x8000004D;
	s8 =	ssub.s32 $0x2, s6;
	s10 =	smul.u32 $0x140000, s6  }
0x9: {  	s11 =	smul.u32 $0x54000, s6;
	s5 =	sor.u32 s12, s4;
	s4 =	sadd.s32 $0x3000, s0  }
0xa: {  	s0 =	sadd.s32 $0x3F000, s0;
	s9 =	sshrl.u32 s8, $0x1;
	s7 =	sshrl.u32 s7, $0x2  }
0xb: {  	s12 =	simm.s32 $0x8;
	s5 =	smul.u32 $0x5400, s5;
	s8 =	ssub.s32 s8, s9  }
0xc: {  	s6 =	sadd.s32 s7, s1;
	s9 =	sadd.s32 s25, s10;
	s19 =	smax.u32 s8, $0x1  }
0xd: {  	s7 =	sadd.s32 s13, s11;
	s21 =	sadd.s32 $0x4000, s6;
	[dreg:$0xd] =	wrdreg s19  }
0xe: {  	s10 =	simm.s32 $0x1C180;
	s22 =	sadd.s32 $0x8000, s6;
	[dreg:$0xe] =	wrdreg s21  }
0xf: {  	s9 =	sshrl.u32 s9, $0x3;
	s23 =	sadd.s32 $0xC000, s6;
	[dreg:$0xf] =	wrdreg s22  }
0x10: {  	s18 =	sadd.s32 $0xA00, s7;
	s24 =	sadd.s32 $0x10000, s6;
	[dreg:$0x10] =	wrdreg s23  }
0x11: {  	s5 =	sshrl.u32 s5, $0x3;
	s2 =	sadd.s32 s2, s9;
	[dreg:$0x11] =	wrdreg s24  }
0x12: {  	s20 =	sshrl.u32 s18, $0x3;
	s5 =	sadd.s32 s0, s5;
	[dreg:$0xc] =	wrdreg s2  }
0x13: {  	s11 =	simm.s32 $0x6;
	s2 =	sadd.s32 s20, s0;
	[dreg:$0x5] =	wrdreg s5  }
0x14: {  	s13 =	simm.s32 $0x1C280;
	s26 =	sadd.s32 $0x20, s5;
	[dreg:$0x4] =	wrdreg s2  }
0x15: {  	s25 =	sadd.s32 $0x900, s7;
	s14 =	sadd.s32 $0x40, s5;
	[dreg:$0x6] =	wrdreg s26  }
0x16: {  	s22 =	simm.s32 $0x14000;
	s15 =	sadd.s32 $0x60, s5;
	[dreg:$0x7] =	wrdreg s14  }
0x17: {  	s23 =	simm.s32 $0x9;
	s16 =	sadd.s32 $0x80, s5;
	[dreg:$0x8] =	wrdreg s15  }
0x18: {  	s24 =	simm.s32 $0x1C000;
	s17 =	sadd.s32 $0xA0, s5;
	[dreg:$0x9] =	wrdreg s16  }
0x19: {  	s9 =	simm.s32 $0x2;
	s5 =	sadd.s32 $0xC0, s5;
	[dreg:$0xa] =	wrdreg s17  }
0x1a: {  	s2 =	sshrl.u32 s25, $0x3;
	s25 =	simm.s32 $0x80;
	[dreg:$0xb] =	wrdreg s5  }
0x1b: {  	s26 =	sadd.s32 $0x800, s7;
	s7 =	sadd.s32 $0x700, s7;
	s19 =	sadd.s32 s2, s0  }
0x1c: {  	s2 =	simm.s32 $0x1C080;
	s14 =	simm.s32 $0x3;
	s15 =	simm.s32 $0x1C380  }
0x1d: {  	s16 =	simm.s32 $0x0;
	s8 =	sshrl.u32 s26, $0x3;
	s7 =	sshrl.u32 s7, $0x3  }
0x1e: {  	s26 =	simm.s32 $0x1C100;
	s20 =	sadd.s32 s8, s0;
	s21 =	sadd.s32 s7, s0  }
0x1f: {  	v0 =	vimm.f32 $0.0e+00;
	s0 =	simm.s32 $0x1;
	s7 =	simm.s32 $0x5;
	s8 =	simm.s32 $0x7  }
.LBB2_1:
0x20: {  	s17 =	simm.s32 $0x0;
	s18 =	simm.s32 $0x200  }
.LBB2_2:
0x21: {  	p0 =	sne.s32 s18, $0xFE00;
	[tilespmem:s17+$0x14070] =	vst v0  }
0x22: {  	[tilespmem:s17+$0x14000] =	vst v0  }
0x23: {  	[tilespmem:s17+$0x14010] =	vst v0  }
.Ltmp0:
0x24: {  	[tilespmem:s17+$0x14020] =	vst v0;
	(pc) =	sbr.rel @p0 .LBB2_2-.Ltmp0, $4  }
0x25: {  	[tilespmem:s17+$0x14030] =	vst v0  }
0x26: {  	[tilespmem:s17+$0x14040] =	vst v0  }
0x27: {  	[tilespmem:s17+$0x14050] =	vst v0  }
0x28: {  	[tilespmem:s17+$0x14060] =	vst v0;
	s17 =	sshra.s32 s18, $0x2;
	s18 =	sadd.s32 $0x200, s18  }
0x29: {  	[tilespmem:s17+$0x14070] =	vst v0  }
0x2a: {  	[tilespmem:s17+$0x14000] =	vst v0  }
0x2b: {  	[tilespmem:s17+$0x14010] =	vst v0  }
0x2c: {  	[tilespmem:s17+$0x14020] =	vst v0  }
0x2d: {  	[tilespmem:s17+$0x14030] =	vst v0  }
0x2e: {  	[tilespmem:s17+$0x14040] =	vst v0  }
0x2f: {  	[tilespmem:s17+$0x14050] =	vst v0  }
0x30: {  	[tilespmem:s17+$0x14060] =	vst v0  }
0x31: {  	[spmem:s6] =	stream.linear.scatter [tilespmem:s22], [sflag:$0x9], $0x4000, $0x38;
	[tilespmem:$0x1C400] =	vst v63  }
0x32: {  	_ =	swait.ge [sflag:s23], $0x4000  }
0x33: {  	[sflag:s23] =	ssyncset.done $0x0  }
0x34: {  	s5 =	rddreg [dreg:$0xe];
	[sflag:s23] =	ssyncadd.s32 $0xFFFFC000  }
0x35: {  	[spmem:s5] =	stream.linear.scatter [tilespmem:s22], [sflag:$0x9], $0x4000, $0x38;
	[tilespmem:$0x1C400] =	vst v63  }
0x36: {  	_ =	swait.ge [sflag:s23], $0x4000  }
0x37: {  	[sflag:s23] =	ssyncset.done $0x0  }
0x38: {  	s17 =	rddreg [dreg:$0xf];
	[sflag:s23] =	ssyncadd.s32 $0xFFFFC000  }
0x39: {  	[spmem:s17] =	stream.linear.scatter [tilespmem:s22], [sflag:$0x9], $0x4000, $0x38;
	[tilespmem:$0x1C400] =	vst v63  }
0x3a: {  	_ =	swait.ge [sflag:s23], $0x4000  }
0x3b: {  	[sflag:s23] =	ssyncset.done $0x0  }
0x3c: {  	s18 =	rddreg [dreg:$0x10];
	[sflag:s23] =	ssyncadd.s32 $0xFFFFC000  }
0x3d: {  	[spmem:s18] =	stream.linear.scatter [tilespmem:s22], [sflag:$0x9], $0x4000, $0x38;
	[tilespmem:$0x1C400] =	vst v63  }
0x3e: {  	_ =	swait.ge [sflag:s23], $0x4000  }
0x3f: {  	[sflag:s23] =	ssyncset.done $0x0  }
0x40: {  	s17 =	rddreg [dreg:$0x11];
	[sflag:s23] =	ssyncadd.s32 $0xFFFFC000  }
0x41: {  	[spmem:s17] =	stream.linear.scatter [tilespmem:s22], [sflag:$0x9], $0x4000, $0x38;
	[tilespmem:$0x1C400] =	vst v63  }
0x42: {  	_ =	swait.ge [sflag:s23], $0x4000  }
0x43: {  	[sflag:s23] =	ssyncset.done $0x0  }
0x44: {  	[sflag:s23] =	ssyncadd.s32 $0xFFFFC000  }
0x45: {  	[bflag:$0x0] =	sbarrier.arrive $0xFFFF  }
0x46: {  	s17 =	simm.s32 $0x0;
	s18 =	rddreg [dreg:$0x5]  }
0x47: {  	[tilespmem:s24], [sflag:$0x9] =	stream.linear.gather [hbm4b:s18+s17], $0x100, $0x38;
	[tilespmem:$0x1C400] =	vst v63  }
0x48: {  	_ =	swait.ge [sflag:s23], $0x100  }
0x49: {  	[sflag:s23] =	ssyncset.done $0x0  }
0x4a: {  	[sflag:s23] =	ssyncadd.s32 $0xFFFFFF00  }
0x4b: {  	[tilespmem:s22], [sflag:$0x1] =	stream.indirect.gather [hbm4b:s4+s25], $0x80, s24, s25, $0xb8;
	[tilespmem:$0x1C400] =	vst v63  }
0x4c: {  	s18 =	rddreg [dreg:$0x6]  }
0x4d: {  	[tilespmem:s26], [sflag:$0x4] =	stream.linear.gather [hbm4b:s18+s17], $0x100, $0x38;
	[tilespmem:$0x1C400] =	vst v63  }
0x4e: {  	s18 =	rddreg [dreg:$0x7]  }
0x4f: {  	[tilespmem:s28], [sflag:$0x5] =	stream.linear.gather [hbm4b:s18+s17], $0x100, $0x38;
	[tilespmem:$0x1C400] =	vst v63  }
0x50: {  	s18 =	rddreg [dreg:$0x8]  }
0x51: {  	[tilespmem:s29], [sflag:$0x6] =	stream.linear.gather [hbm4b:s18+s17], $0x100, $0x38;
	[tilespmem:$0x1C400] =	vst v63  }
0x52: {  	_ =	swait.ge [sflag:s30], $0x100  }
0x53: {  	[sflag:s30] =	ssyncset.done $0x0  }
0x54: {  	[sflag:s30] =	ssyncadd.s32 $0xFFFFFF00  }
0x55: {  	[tilespmem:s31], [sflag:$0x2] =	stream.indirect.gather [hbm4b:s4+s25], $0x80, s26, s25, $0xb8;
	[tilespmem:$0x1C400] =	vst v63  }
0x56: {  	_ =	swait.ge [sflag:s0], $0x4000  }
0x57: {  	[sflag:s0] =	ssyncset.done $0x0  }
0x58: {  	[sflag:s0] =	ssyncadd.s32 $0xFFFFC000  }
0x59: {  	[spmem:s1] =	stream.indirect.scatter.add.f32 [tilespmem:s22], [sflag:$0x7], $0x80, s2, s25, $0xb8;
	[tilespmem:$0x1C400] =	vst v63  }
0x5a: {  	_ =	swait.ge [sflag:s7], $0x100  }
0x5b: {  	[sflag:s7] =	ssyncset.done $0x0  }
0x5c: {  	[sflag:s7] =	ssyncadd.s32 $0xFFFFFF00  }
0x5d: {  	_ =	swait.ge [sflag:s8], $0x4000  }
0x5e: {  	[sflag:s8] =	ssyncset.done $0x0  }
0x5f: {  	s18 =	rddreg [dreg:$0x9];
	[sflag:s8] =	ssyncadd.s32 $0xFFFFC000  }
0x60: {  	[tilespmem:s24], [sflag:$0x3] =	stream.linear.gather [hbm4b:s18+s17], $0x100, $0x38;
	[tilespmem:$0x1C400] =	vst v63  }
0x61: {  	_ = 	snop  }
0x62: {  	[tilespmem:s22], [sflag:$0x1] =	stream.indirect.gather [hbm4b:s4+s25], $0x80, s28, s25, $0xb8;
	[tilespmem:$0x1C400] =	vst v63  }
0x63: {  	_ =	swait.ge [sflag:s9], $0x4000  }
0x64: {  	[sflag:s9] =	ssyncset.done $0x0  }
0x65: {  	[sflag:s9] =	ssyncadd.s32 $0xFFFFC000  }
0x66: {  	[spmem:s1] =	stream.indirect.scatter.add.f32 [tilespmem:s31], [sflag:$0x8], $0x80, s10, s25, $0xb8;
	[tilespmem:$0x1C400] =	vst v63  }
0x67: {  	_ =	swait.ge [sflag:s11], $0x100  }
0x68: {  	[sflag:s11] =	ssyncset.done $0x0  }
0x69: {  	[sflag:s11] =	ssyncadd.s32 $0xFFFFFF00  }
0x6a: {  	_ =	swait.ge [sflag:s12], $0x4000  }
0x6b: {  	[sflag:s12] =	ssyncset.done $0x0  }
0x6c: {  	s18 =	rddreg [dreg:$0xa];
	[sflag:s12] =	ssyncadd.s32 $0xFFFFC000  }
0x6d: {  	[tilespmem:s26], [sflag:$0x4] =	stream.linear.gather [hbm4b:s18+s17], $0x100, $0x38;
	[tilespmem:$0x1C400] =	vst v63  }
0x6e: {  	_ = 	snop  }
0x6f: {  	[tilespmem:s31], [sflag:$0x2] =	stream.indirect.gather [hbm4b:s4+s25], $0x80, s29, s25, $0xb8;
	[tilespmem:$0x1C400] =	vst v63  }
0x70: {  	_ =	swait.ge [sflag:s0], $0x4000  }
0x71: {  	[sflag:s0] =	ssyncset.done $0x0  }
0x72: {  	[sflag:s0] =	ssyncadd.s32 $0xFFFFC000  }
0x73: {  	[spmem:s1] =	stream.indirect.scatter.add.f32 [tilespmem:s22], [sflag:$0x7], $0x80, s13, s25, $0xb8;
	[tilespmem:$0x1C400] =	vst v63  }
0x74: {  	_ =	swait.ge [sflag:s14], $0x100  }
0x75: {  	[sflag:s14] =	ssyncset.done $0x0  }
0x76: {  	[sflag:s14] =	ssyncadd.s32 $0xFFFFFF00  }
0x77: {  	_ =	swait.ge [sflag:s8], $0x4000  }
0x78: {  	[sflag:s8] =	ssyncset.done $0x0  }
0x79: {  	s18 =	rddreg [dreg:$0xb];
	[sflag:s8] =	ssyncadd.s32 $0xFFFFC000  }
0x7a: {  	[tilespmem:s28], [sflag:$0x5] =	stream.linear.gather [hbm4b:s18+s17], $0x100, $0x38;
	[tilespmem:$0x1C400] =	vst v63  }
0x7b: {  	_ = 	snop  }
0x7c: {  	[tilespmem:s22], [sflag:$0x1] =	stream.indirect.gather [hbm4b:s4+s25], $0x80, s24, s25, $0xb8;
	[tilespmem:$0x1C400] =	vst v63  }
0x7d: {  	_ =	swait.ge [sflag:s9], $0x4000  }
0x7e: {  	[sflag:s9] =	ssyncset.done $0x0  }
0x7f: {  	[sflag:s9] =	ssyncadd.s32 $0xFFFFC000  }
0x80: {  	[spmem:s1] =	stream.indirect.scatter.add.f32 [tilespmem:s31], [sflag:$0x8], $0x80, s15, s25, $0xb8;
	[tilespmem:$0x1C400] =	vst v63  }
0x81: {  	_ =	swait.ge [sflag:s30], $0x100  }
0x82: {  	[sflag:s30] =	ssyncset.done $0x0  }
0x83: {  	[sflag:s30] =	ssyncadd.s32 $0xFFFFFF00  }
0x84: {  	_ =	swait.ge [sflag:s12], $0x4000  }
0x85: {  	[sflag:s12] =	ssyncset.done $0x0  }
0x86: {  	s5 =	sadd.s32 $0x0, s21;
	[sflag:s12] =	ssyncadd.s32 $0xFFFFC000  }
0x87: {  	[tilespmem:s29], [sflag:$0x6] =	stream.linear.gather [hbm4b:s5+s3], $0x100, $0x38;
	[tilespmem:$0x1C400] =	vst v63  }
0x88: {  	_ = 	snop  }
0x89: {  	[tilespmem:s31], [sflag:$0x2] =	stream.indirect.gather [hbm4b:s4+s25], $0x80, s26, s25, $0xb8;
	[tilespmem:$0x1C400] =	vst v63  }
0x8a: {  	_ =	swait.ge [sflag:s0], $0x4000  }
0x8b: {  	[sflag:s0] =	ssyncset.done $0x0  }
0x8c: {  	[sflag:s0] =	ssyncadd.s32 $0xFFFFC000  }
0x8d: {  	[spmem:s1] =	stream.indirect.scatter.add.f32 [tilespmem:s22], [sflag:$0x7], $0x80, s2, s25, $0xb8;
	[tilespmem:$0x1C400] =	vst v63  }
0x8e: {  	_ =	swait.ge [sflag:s7], $0x100  }
0x8f: {  	[sflag:s7] =	ssyncset.done $0x0  }
0x90: {  	[sflag:s7] =	ssyncadd.s32 $0xFFFFFF00  }
0x91: {  	_ =	swait.ge [sflag:s8], $0x4000  }
0x92: {  	[sflag:s8] =	ssyncset.done $0x0  }
0x93: {  	s18 =	sadd.s32 $0x0, s20;
	[sflag:s8] =	ssyncadd.s32 $0xFFFFC000  }
0x94: {  	[tilespmem:s24], [sflag:$0x3] =	stream.linear.gather [hbm4b:s18+s3], $0x100, $0x38;
	[tilespmem:$0x1C400] =	vst v63  }
0x95: {  	_ = 	snop  }
0x96: {  	[tilespmem:s22], [sflag:$0x1] =	stream.indirect.gather [hbm4b:s4+s25], $0x80, s28, s25, $0xb8;
	[tilespmem:$0x1C400] =	vst v63  }
0x97: {  	_ =	swait.ge [sflag:s9], $0x4000  }
0x98: {  	[sflag:s9] =	ssyncset.done $0x0  }
0x99: {  	[sflag:s9] =	ssyncadd.s32 $0xFFFFC000  }
0x9a: {  	[spmem:s1] =	stream.indirect.scatter.add.f32 [tilespmem:s31], [sflag:$0x8], $0x80, s10, s25, $0xb8;
	[tilespmem:$0x1C400] =	vst v63  }
0x9b: {  	_ =	swait.ge [sflag:s11], $0x100  }
0x9c: {  	[sflag:s11] =	ssyncset.done $0x0  }
0x9d: {  	[sflag:s11] =	ssyncadd.s32 $0xFFFFFF00  }
0x9e: {  	_ =	swait.ge [sflag:s12], $0x4000  }
0x9f: {  	[sflag:s12] =	ssyncset.done $0x0  }
0xa0: {  	s5 =	sadd.s32 $0x0, s19;
	[sflag:s12] =	ssyncadd.s32 $0xFFFFC000  }
0xa1: {  	[tilespmem:s26], [sflag:$0x4] =	stream.linear.gather [hbm4b:s5+s3], $0x100, $0x38;
	[tilespmem:$0x1C400] =	vst v63  }
0xa2: {  	_ = 	snop  }
0xa3: {  	[tilespmem:s31], [sflag:$0x2] =	stream.indirect.gather [hbm4b:s4+s25], $0x80, s29, s25, $0xb8;
	[tilespmem:$0x1C400] =	vst v63  }
0xa4: {  	_ =	swait.ge [sflag:s0], $0x4000  }
0xa5: {  	[sflag:s0] =	ssyncset.done $0x0  }
0xa6: {  	[sflag:s0] =	ssyncadd.s32 $0xFFFFC000  }
0xa7: {  	[spmem:s1] =	stream.indirect.scatter.add.f32 [tilespmem:s22], [sflag:$0x7], $0x80, s13, s25, $0xb8;
	[tilespmem:$0x1C400] =	vst v63  }
0xa8: {  	_ =	swait.ge [sflag:s14], $0x100  }
0xa9: {  	[sflag:s14] =	ssyncset.done $0x0  }
0xaa: {  	[sflag:s14] =	ssyncadd.s32 $0xFFFFFF00  }
0xab: {  	_ =	swait.ge [sflag:s8], $0x4000  }
0xac: {  	s18 =	rddreg [dreg:$0x4];
	[sflag:s8] =	ssyncset.done $0x0  }
0xad: {  	[sflag:s8] =	ssyncadd.s32 $0xFFFFC000;
	s17 =	sadd.s32 $0x0, s18  }
0xae: {  	[tilespmem:s28], [sflag:$0x5] =	stream.linear.gather [hbm4b:s17+s3], $0x100, $0x38;
	[tilespmem:$0x1C400] =	vst v63  }
0xaf: {  	_ = 	snop  }
0xb0: {  	[tilespmem:s22], [sflag:$0x1] =	stream.indirect.gather [hbm4b:s4+s25], $0x80, s24, s25, $0xb8;
	[tilespmem:$0x1C400] =	vst v63  }
0xb1: {  	_ =	swait.ge [sflag:s9], $0x4000  }
0xb2: {  	[sflag:s9] =	ssyncset.done $0x0  }
0xb3: {  	s17 =	simm.s32 $0x80;
	[sflag:s9] =	ssyncadd.s32 $0xFFFFC000  }
.LBB2_4:
0xb4: {  	[spmem:s1] =	stream.indirect.scatter.add.f32 [tilespmem:s31], [sflag:$0x8], $0x80, s15, s25, $0xb8;
	[tilespmem:$0x1C400] =	vst v63  }
0xb5: {  	_ =	swait.ge [sflag:s30], $0x100  }
0xb6: {  	[sflag:s30] =	ssyncset.done $0x0  }
0xb7: {  	[sflag:s30] =	ssyncadd.s32 $0xFFFFFF00  }
0xb8: {  	_ =	swait.ge [sflag:s12], $0x4000  }
0xb9: {  	s18 =	smov.u32 s17;
	[sflag:s12] =	ssyncset.done $0x0  }
0xba: {  	s5 =	sadd.s32 s18, s21;
	[sflag:s12] =	ssyncadd.s32 $0xFFFFC000  }
0xbb: {  	[tilespmem:s29], [sflag:$0x6] =	stream.linear.gather [hbm4b:s5+s3], $0x100, $0x38;
	[tilespmem:$0x1C400] =	vst v63  }
0xbc: {  	_ = 	snop  }
0xbd: {  	[tilespmem:s31], [sflag:$0x2] =	stream.indirect.gather [hbm4b:s4+s25], $0x80, s26, s25, $0xb8;
	[tilespmem:$0x1C400] =	vst v63  }
0xbe: {  	_ =	swait.ge [sflag:s0], $0x4000  }
0xbf: {  	[sflag:s0] =	ssyncset.done $0x0  }
0xc0: {  	[sflag:s0] =	ssyncadd.s32 $0xFFFFC000  }
0xc1: {  	[spmem:s1] =	stream.indirect.scatter.add.f32 [tilespmem:s22], [sflag:$0x7], $0x80, s2, s25, $0xb8;
	[tilespmem:$0x1C400] =	vst v63  }
0xc2: {  	_ =	swait.ge [sflag:s7], $0x100  }
0xc3: {  	[sflag:s7] =	ssyncset.done $0x0  }
0xc4: {  	[sflag:s7] =	ssyncadd.s32 $0xFFFFFF00  }
0xc5: {  	_ =	swait.ge [sflag:s8], $0x4000  }
0xc6: {  	[sflag:s8] =	ssyncset.done $0x0  }
0xc7: {  	s5 =	sadd.s32 s18, s20;
	[sflag:s8] =	ssyncadd.s32 $0xFFFFC000  }
0xc8: {  	[tilespmem:s24], [sflag:$0x3] =	stream.linear.gather [hbm4b:s5+s3], $0x100, $0x38;
	[tilespmem:$0x1C400] =	vst v63  }
0xc9: {  	_ = 	snop  }
0xca: {  	[tilespmem:s22], [sflag:$0x1] =	stream.indirect.gather [hbm4b:s4+s25], $0x80, s28, s25, $0xb8;
	[tilespmem:$0x1C400] =	vst v63  }
0xcb: {  	_ =	swait.ge [sflag:s9], $0x4000  }
0xcc: {  	[sflag:s9] =	ssyncset.done $0x0  }
0xcd: {  	[sflag:s9] =	ssyncadd.s32 $0xFFFFC000  }
0xce: {  	[spmem:s1] =	stream.indirect.scatter.add.f32 [tilespmem:s31], [sflag:$0x8], $0x80, s10, s25, $0xb8;
	[tilespmem:$0x1C400] =	vst v63  }
0xcf: {  	_ =	swait.ge [sflag:s11], $0x100  }
0xd0: {  	[sflag:s11] =	ssyncset.done $0x0  }
0xd1: {  	[sflag:s11] =	ssyncadd.s32 $0xFFFFFF00  }
0xd2: {  	_ =	swait.ge [sflag:s12], $0x4000  }
0xd3: {  	[sflag:s12] =	ssyncset.done $0x0  }
0xd4: {  	s5 =	sadd.s32 s18, s19;
	[sflag:s12] =	ssyncadd.s32 $0xFFFFC000  }
0xd5: {  	[tilespmem:s26], [sflag:$0x4] =	stream.linear.gather [hbm4b:s5+s3], $0x100, $0x38;
	[tilespmem:$0x1C400] =	vst v63  }
0xd6: {  	_ = 	snop  }
0xd7: {  	[tilespmem:s31], [sflag:$0x2] =	stream.indirect.gather [hbm4b:s4+s25], $0x80, s29, s25, $0xb8;
	[tilespmem:$0x1C400] =	vst v63  }
0xd8: {  	_ =	swait.ge [sflag:s0], $0x4000  }
0xd9: {  	[sflag:s0] =	ssyncset.done $0x0  }
0xda: {  	[sflag:s0] =	ssyncadd.s32 $0xFFFFC000  }
0xdb: {  	[spmem:s1] =	stream.indirect.scatter.add.f32 [tilespmem:s22], [sflag:$0x7], $0x80, s13, s25, $0xb8;
	[tilespmem:$0x1C400] =	vst v63  }
0xdc: {  	_ =	swait.ge [sflag:s14], $0x100  }
0xdd: {  	[sflag:s14] =	ssyncset.done $0x0  }
0xde: {  	[sflag:s14] =	ssyncadd.s32 $0xFFFFFF00  }
0xdf: {  	_ =	swait.ge [sflag:s8], $0x4000  }
0xe0: {  	s5 =	rddreg [dreg:$0x4];
	[sflag:s8] =	ssyncset.done $0x0  }
0xe1: {  	p0 =	sne.s32 s17, $0x900;
	[sflag:s8] =	ssyncadd.s32 $0xFFFFC000;
	s5 =	sadd.s32 s18, s5  }
0xe2: {  	[tilespmem:s28], [sflag:$0x5] =	stream.linear.gather [hbm4b:s5+s3], $0x100, $0x38;
	[tilespmem:$0x1C400] =	vst v63  }
.Ltmp1:
0xe3: {  	_ = 	snop;
	(pc) =	sbr.rel @p0 .LBB2_4-.Ltmp1, $4  }
0xe4: {  	[tilespmem:s22], [sflag:$0x1] =	stream.indirect.gather [hbm4b:s4+s25], $0x80, s24, s25, $0xb8;
	[tilespmem:$0x1C400] =	vst v63  }
0xe5: {  	_ =	swait.ge [sflag:s9], $0x4000  }
0xe6: {  	[sflag:s9] =	ssyncset.done $0x0  }
0xe7: {  	s17 =	sadd.s32 $0x80, s17;
	[sflag:s9] =	ssyncadd.s32 $0xFFFFC000  }
0xe8: {  	[spmem:s1] =	stream.indirect.scatter.add.f32 [tilespmem:s31], [sflag:$0x8], $0x80, s15, s25, $0xb8;
	[tilespmem:$0x1C400] =	vst v63  }
0xe9: {  	_ =	swait.ge [sflag:s0], $0x4000  }
0xea: {  	[sflag:s0] =	ssyncset.done $0x0  }
0xeb: {  	[sflag:s0] =	ssyncadd.s32 $0xFFFFC000  }
0xec: {  	_ =	swait.ge [sflag:s12], $0x4000  }
0xed: {  	[sflag:s12] =	ssyncset.done $0x0  }
0xee: {  	[sflag:s12] =	ssyncadd.s32 $0xFFFFC000  }
0xef: {  	_ =	swait.ge [sflag:s30], $0x100  }
0xf0: {  	[sflag:s30] =	ssyncset.done $0x0  }
0xf1: {  	[sflag:s30] =	ssyncadd.s32 $0xFFFFFF00  }
0xf2: {  	_ =	swait.ge [sflag:s7], $0x100  }
0xf3: {  	[sflag:s7] =	ssyncset.done $0x0  }
0xf4: {  	s5 =	stileid.u32;
	[sflag:s7] =	ssyncadd.s32 $0xFFFFFF00  }
0xf5: {  	s5 =	sshll.u32 s5, $0x6;
	[bflag:$0x0] =	sbarrier.arrive $0xFFFF  }
0xf6: {  	s17 =	sshrl.u32 s6, $0x3;
	s5 =	sor.u32 $0x1C09, s5;
	s18 =	rddreg [dreg:$0xc]  }
0xf7: {  	[hbm:s18], [sflag:s5] =	dma.local [spmem:s17], $0x2800  }
0xf8: {  	_ =	swait.ge [sflag:s23], $0x2800  }
0xf9: {  	s16 =	sadd.s32 $0x1, s16;
	s18 =	rddreg [dreg:$0xd]  }
0xfa: {  	p0 =	sne.s32 s16, s18  }
.Ltmp2:
0xfb: {  	_ = 	snop;
	(pc) =	sbr.rel @p0 .LBB2_1-.Ltmp2, $3  }
0xfc: {  	_ =	sdelay $0x1  }
0xfd: {  	[sflag:s23] =	ssyncset.done $0x0  }
0xfe: {  	[sflag:s23] =	ssyncadd.s32 $0xFFFFD800  }
0xff: {  	_ =	sfence.sel $0x180000  }
0x100: {  	[bflag:$0x0] =	sbarrier.arrive $0xFFFF  }
0x101: {  	_ =	strace $0x9000004D  }
0x102: {  	s0 =	stileid.u32;
	[bflag:$0x2] =	sbarrier.arrive $0xFFFF  }
0x103: {  	p0 =	sne.s32 s0, $0x0;
	s0 =	rddreg [dreg:$0x3]  }
0x104: {  	s0 =	sadd.s32 @!p0 $0x100000, s0  }
0x105: {  	[sflag:s0] =	ssyncadd.tile.s32 @!p0 $0x1;
	_ =	shalt  }
.Lfunc_end2:
_tile_overlayer_lowered:
.L_overlay_start_2:
0x106: {  	(tag) =	ssettag $0x2  }
0x107: {  	s0 =	rddreg [dreg:$0x0];
	s2 =	stileid.u32  }
0x108: {  	s1 =	rddreg [dreg:$0x1];
	p0 =	sne.s32 s2, $0x0  }
0x109: {  	s3 =	rddreg [dreg:$0x2];
	[bflag:$0x3] =	sbarrier.arrive $0xFFFF;
	s2 =	simm.s32 @!p0 $0x1C09  }
0x10a: {  	[timem:s3], [sflag:s2] =	dma.local @!p0 [hbm:s0], s1  }
0x10b: {  	s0 =	simm.s32 @!p0 $0x9  }
0x10c: {  	_ =	swait.ge @!p0 [sflag:s0], s1  }
0x10d: {  	s1 =	ssub.s32 @!p0 $0x0, s1;
	[sflag:s0] =	ssyncset.done @!p0 $0x0  }
0x10e: {  	[sflag:s0] =	ssyncadd.s32 @!p0 s1  }
0x10f: {  	[bflag:$0x3] =	sbarrier.arrive $0xFFFF  }
0x110: {  	_ =	shalt  }

// kernel: kernel.8.cloned.1.call-start
scs
__scs_entry_jumppad:
0x0: {  	(pc) =	sbr.rel $0x88, $3  }
0x1: {  	(tag) =	ssettag $0x0;
	lr =	simm.s32 $0x1  }
0x2: {  	[smem:$0x3F99] =	sst lr;
	_ =	strace $0xD0000000  }
0x3: {  	_ = 	snop  }
0x4: {  	_ = 	snop  }
0x5: {  	_ = 	snop  }
0x6: {  	_ = 	snop  }
0x7: {  	_ = 	snop  }
__scs_overlays_trampoline_lowered:
0x8: {  	[smem:$0x3FA8] =	sst s0  }
0x9: {  	[smem:$0x3FA9] =	sst s1  }
0xa: {  	[smem:$0x3FAA] =	sst s2  }
0xb: {  	[smem:$0x3FAB] =	sst s3  }
0xc: {  	[smem:$0x3FAC] =	sst s4  }
0xd: {  	[smem:$0x3FAD] =	sst s5  }
0xe: {  	[smem:$0x3FAE] =	sst s6  }
0xf: {  	[smem:$0x3FAF] =	sst s7  }
0x10: {  	[smem:$0x3FB0] =	sst s8  }
0x11: {  	[smem:$0x3FB1] =	sst s9;
	s0 =	simm.s32 @!p0 $0x0  }
0x12: {  	s1 =	sld [smem:$0x3F97];
	s0 =	simm.s32 @p0 $0x1  }
0x13: {  	[smem:$0x3FB2] =	sst s0;
	s0 =	simm.s32 @!p1 $0x0  }
0x14: {  	s2 =	sld [smem:$0x3F96];
	s0 =	simm.s32 @p1 $0x1  }
0x15: {  	[smem:$0x3FB3] =	sst s0;
	s0 =	simm.s32 @!p2 $0x0  }
0x16: {  	s3 =	sld [smem:$0x3FDB];
	s0 =	simm.s32 @p2 $0x1  }
0x17: {  	s4 =	simm.s32 $0x1BF5;
	[smem:$0x3FB5] =	sst s0  }
0x18: {  	s0 =	sld [smem:$0x3F98];
	_ =	swait.ge [sflag:s4], $0x0  }
0x19: {  	s7 =	sld [smem:$0x3F99]  }
0x1a: {  	s8 =	sadd.s32 $0xFFFFE003, lr  }
0x1b: {  	s9 =	sadd.s32 $0xFFFFFEF7, lr;
	s5 =	simm.s32 $0xFFFFFFFF;
	p2 =	slt.u32 s8, $0xFFFFF086  }
0x1c: {  	p1 =	slt.u32 s9, $0xF7A;
	s5 =	simm.s32 @!p2 $0x0  }
0x1d: {  	s5 =	simm.s32 @p1 $0x1;
	p0 =	seq.s32 s7, s2  }
0x1e: {  	s7 =	smul.u32 @!p0 $0xF7A, s2;
	p2 =	seq.s32 @!p0 s5, $0x0  }
0x1f: {  	s9 =	smul.u32 $0xF7A, s1;
	s8 =	simm.s32 @!p0 $0x1BF5;
	p2 =	por !p2, p0  }
0x20: {  	[sflag:s8] =	ssyncset.s32 @!p0 $0xFFFFF086;
	s6 =	sadd.s32 @!p0 s3, s7;
	s7 =	simm.s32 @!p0 $0x108  }
0x21: {  	s3 =	sadd.s32 s3, s9;
	s6 =	sadd.s32 @!p0 $0x88, s6;
	s7 =	simm.s32 @p2 $0x1082  }
0x22: {  	[simem:s7], [sflag:s8] =	dma.local @!p0 [hbm:s6], $0xF7A  }
0x23: {  	s9 =	sor.u32 $0xD0000000, s2;
	s6 =	simm.s32 $0x108;
	_ =	swait.ge @!p0 [sflag:s8], $0x0  }
0x24: {  	s3 =	sadd.s32 $0x88, s3;
	s6 =	simm.s32 @!p1 $0x1082;
	[sflag:s4] =	ssyncset.s32 $0xFFFFF086  }
0x25: {  	[simem:s6], [sflag:s4] =	dma.local [hbm:s3], $0xF7A  }
0x26: {  	[smem:$0x3F99] =	sst s1;
	(tag) =	ssettag s2;
	_ =	strace s9  }
0x27: {  	s1 =	sld [smem:$0x3FA9]  }
0x28: {  	s2 =	sld [smem:$0x3FAA]  }
0x29: {  	s4 =	sld [smem:$0x3FAC]  }
0x2a: {  	p0 =	seq.s32 s5, $0x0;
	s5 =	sld [smem:$0x3FAD]  }
0x2b: {  	s6 =	sld [smem:$0x3FAE]  }
0x2c: {  	s7 =	sld [smem:$0x3FAF]  }
0x2d: {  	s3 =	simm.s32 $0x108;
	s8 =	sld [smem:$0x3FB0]  }
0x2e: {  	s3 =	simm.s32 @!p0 $0x1082;
	s9 =	sld [smem:$0x3FB1]  }
0x2f: {  	lr =	sadd.s32 s0, s3;
	s0 =	sld [smem:$0x3FA8]  }
0x30: {  	s3 =	sld [smem:$0x3FAB]  }
0x31: {  	[smem:$0x3FB4] =	sst s10  }
0x32: {  	s10 =	sld [smem:$0x3FB2];
	_ =	sdelay $0x3  }
0x33: {  	p0 =	seq.s32 s10, $0x1;
	s10 =	sld [smem:$0x3FB4];
	_ =	sdelay $0x3  }
0x34: {  	[smem:$0x3FB4] =	sst s10  }
0x35: {  	s10 =	sld [smem:$0x3FB3];
	_ =	sdelay $0x3  }
0x36: {  	p1 =	seq.s32 s10, $0x1;
	s10 =	sld [smem:$0x3FB4];
	_ =	sdelay $0x3  }
0x37: {  	[smem:$0x3FB4] =	sst s10  }
0x38: {  	s10 =	sld [smem:$0x3FB5]  }
0x39: {  	_ = 	snop;
	(pc) =	sbr.ind lr, $3  }
0x3a: {  	_ = 	snop  }
0x3b: {  	_ = 	snop  }
0x3c: {  	p2 =	seq.s32 s10, $0x1;
	s10 =	sld [smem:$0x3FB4]  }
0x3d: {  	_ =	shalt  }
0x3e: {  	_ =	shalt  }
0x3f: {  	_ =	shalt  }
0x40: {  	_ =	shalt  }
0x41: {  	_ =	shalt  }
0x42: {  	_ =	shalt  }
0x43: {  	_ =	shalt  }
0x44: {  	_ =	shalt  }
0x45: {  	_ =	shalt  }
0x46: {  	_ =	shalt  }
0x47: {  	_ =	shalt  }
0x48: {  	_ =	shalt  }
0x49: {  	_ =	shalt  }
0x4a: {  	_ =	shalt  }
0x4b: {  	_ =	shalt  }
0x4c: {  	_ =	shalt  }
0x4d: {  	_ =	shalt  }
0x4e: {  	_ =	shalt  }
0x4f: {  	_ =	shalt  }
0x50: {  	_ =	shalt  }
0x51: {  	_ =	shalt  }
0x52: {  	_ =	shalt  }
0x53: {  	_ =	shalt  }
0x54: {  	_ =	shalt  }
0x55: {  	_ =	shalt  }
0x56: {  	_ =	shalt  }
0x57: {  	_ =	shalt  }
0x58: {  	_ =	shalt  }
0x59: {  	_ =	shalt  }
0x5a: {  	_ =	shalt  }
0x5b: {  	_ =	shalt  }
0x5c: {  	_ =	shalt  }
0x5d: {  	_ =	shalt  }
0x5e: {  	_ =	shalt  }
0x5f: {  	_ =	shalt  }
0x60: {  	_ =	shalt  }
0x61: {  	_ =	shalt  }
0x62: {  	_ =	shalt  }
0x63: {  	_ =	shalt  }
0x64: {  	_ =	shalt  }
0x65: {  	_ =	shalt  }
0x66: {  	_ =	shalt  }
0x67: {  	_ =	shalt  }
0x68: {  	_ =	shalt  }
0x69: {  	_ =	shalt  }
0x6a: {  	_ =	shalt  }
0x6b: {  	_ =	shalt  }
0x6c: {  	_ =	shalt  }
0x6d: {  	_ =	shalt  }
0x6e: {  	_ =	shalt  }
0x6f: {  	_ =	shalt  }
0x70: {  	_ =	shalt  }
0x71: {  	_ =	shalt  }
0x72: {  	_ =	shalt  }
0x73: {  	_ =	shalt  }
0x74: {  	_ =	shalt  }
0x75: {  	_ =	shalt  }
0x76: {  	_ =	shalt  }
0x77: {  	_ =	shalt  }
0x78: {  	_ =	shalt  }
0x79: {  	_ =	shalt  }
0x7a: {  	_ =	shalt  }
0x7b: {  	_ =	shalt  }
0x7c: {  	_ =	shalt  }
0x7d: {  	_ =	shalt  }
0x7e: {  	_ =	shalt  }
0x7f: {  	_ =	shalt  }
0x80: {  	_ =	shalt  }
0x81: {  	_ =	shalt  }
0x82: {  	_ =	shalt  }
0x83: {  	_ =	shalt  }
0x84: {  	_ =	shalt  }
0x85: {  	_ =	shalt  }
0x86: {  	_ =	shalt  }
0x87: {  	_ =	shalt  }
.Lfunc_end0:
.L_simem_size_0:
called_computation_lowered:
.L_overlay_start_0:
0x88: {  	s2 =	sld [smem:$0x3FD9]  }
0x89: {  	s3 =	sld [smem:$0x3FFE];
	_ =	sdelay $0x1  }
0x8a: {  	s1 =	srdreg.scid  }
0x8b: {  	s0 =	sand.u32 $0x1, s1  }
0x8c: {  	s17 =	sshll.u32 s0, $0xA;
	s2 =	sadd.s32 s3, s2  }
0x8d: {  	s2 =	sadd.s32 s2, s17  }
0x8e: {  	[smem:$0x3FC0] =	sst s2  }
0x8f: {  	_ = 	snop  }
0x90: {  	s2 =	sld [smem:$0x3FD0];
	(tm) =	ssettm $0x1  }
0x91: {  	s18 =	sld [smem:$0x3FFB];
	_ =	sdelay $0x3  }
0x92: {  	_ =	strace s18  }
0x93: {  	s3 =	sld [smem:$0x3FFC];
	_ =	sdelay $0x3  }
0x94: {  	_ =	strace s3  }
0x95: {  	s3 =	sld [smem:$0x3FFD];
	_ =	sdelay $0x3  }
0x96: {  	_ =	strace s3  }
0x97: {  	_ =	strace $0x8FFFFFFF  }
0x98: {  	s19 =	sld [smem:$0x3FDB];
	_ =	sdelay $0x1  }
0x99: {  	s4 =	simm.s32 $_scs_section_size  }
0x9a: {  	s5 =	simm.s32 $_size__tile_overlayer_lowered;
	s6 =	simm.s32 $_tile_overlayer_lowered  }
0x9b: {  	s22 =	simm.s32 $0x1BFF;
	s21 =	sshll.u32 s6, $0x1;
	s3 =	sadd.s32 s4, s19  }
0x9c: {  	s7 =	simm.s32 $0x0;
	s20 =	sshll.u32 s5, $0x1;
	s5 =	sadd.s32 s21, s3  }
0x9d: {  	[timem:s7], [sflag:s22] =	dma.local [hbm:s5], s20  }
0x9e: {  	_ =	swait.ge [sflag:s22], s20  }
0x9f: {  	s4 =	ssub.s32 $0x0, s20;
	[sflag:s22] =	ssyncset.done $0x0  }
0xa0: {  	[sflag:s22] =	ssyncadd.s32 s4;
	_ =	sdelay $0x1  }
0xa1: {  	s23 =	simm.s32 $0x1B8B  }
0xa2: {  	_ =	swait.ge [sflag:s23], $0x1  }
0xa3: {  	[sflag:s23] =	ssyncset.done $0x0  }
0xa4: {  	s25 =	simm.s32 $0x1B8E;
	s24 =	sld [smem:$0x3FFE];
	[sflag:s23] =	ssyncadd.s32 $0xFFFFFFFF  }
0xa5: {  	s26 =	simm.s32 $execute0_lowered;
	[smem:$0x3FD2] =	sst s25  }
0xa6: {  	s5 =	sshll.u32 s26, $0x1;
	_ =	strace $0x80000046;
	[dreg:$0x1] =	wrdreg $0xFFFFFFFF  }
0xa7: {  	s28 =	simm.s32 $_size_execute0_lowered;
	s3 =	sadd.s32 s3, s5;
	[dreg:$0x0] =	wrdreg $0x0  }
0xa8: {  	s5 =	sshll.u32 s28, $0x1;
	[dreg:$0x2] =	wrdreg s3  }
0xa9: {  	[dreg:$0x3] =	wrdreg s5  }
0xaa: {  	[dreg:$0x4] =	wrdreg $0xC0  }
0xab: {  	_ =	task [dreg:s7], $0x5FFFF  }
0xac: {  	[dreg:$0x1] =	wrdreg $0xFFFFFFFF  }
0xad: {  	[dreg:$0x0] =	wrdreg $0x60  }
0xae: {  	[dreg:$0x2] =	wrdreg s24  }
0xaf: {  	[dreg:$0x3] =	wrdreg s2  }
0xb0: {  	[dreg:$0x4] =	wrdreg $0x0  }
0xb1: {  	[dreg:$0x5] =	wrdreg $0x9  }
0xb2: {  	_ =	task.clear_ibuf [dreg:s7], $0x6FFFF;
	_ =	strace $0x90000046  }
0xb3: {  	s29 =	simm.s32 $0x9;
	_ =	strace $0x80000048  }
0xb4: {  	_ =	swait.ge [sflag:s29], $0x1  }
0xb5: {  	[sflag:s29] =	ssyncadd.s32 $0xFFFFFFFF  }
0xb6: {  	_ =	strace $0x90000048  }
0xb7: {  	_ =	sfence  }
0xb8: {  	s30 =	sld [smem:$0x0];
	_ =	sdelay $0x2  }
0xb9: {  	s31 =	sshll.u32 s1, $0xD;
	s1 =	sshrl.u32 s1, $0x2  }
0xba: {  	s3 =	sand.u32 $0x4000, s31;
	s1 =	sadd.s32 s1, s30  }
0xbb: {  	s0 =	sor.u32 s3, s0;
	s1 =	sshll.u32 s1, $0x11  }
0xbc: {  	s0 =	sor.u32 s1, s0  }
0xbd: {  	s0 =	sadd.s32 $0x8F2B, s0  }
0xbe: {  	[sflag:s0] =	ssyncadd.remote.s32 $0x1  }
0xbf: {  	_ =	sfence.sel $0xFFFF  }
0xc0: {  	[dreg:$0x0] =	wrdreg $0xFFFFFFFF;
	(pc) =	sbr.abs _section_cstart, $3  }
0xc1: {  	[dreg:$0x1] =	wrdreg $0xFFFFFFFF  }
0xc2: {  	_ =	task.clear_ibuf [dreg:s7], $0x2FFFF;
	_ =	strace $0x9FFFFFFF  }
0xc3: {  	(tm) =	ssettm $0x7FFFFFFF  }
tec
execute0_lowered:
.L_overlay_start_1:
0x0: {  	(tag) =	ssettag $0x1  }
0x1: {  	s4 =	rddreg [dreg:$0x0]  }
0x2: {  	s6 =	rddreg [dreg:$0x1];
	s0 =	srdreg.scid  }
0x3: {  	s2 =	rddreg [dreg:$0x2];
	s1 =	stileid.u32;
	s3 =	simm.s32 $0x0  }
0x4: {  	s12 =	simm.s32 $0x19000;
	s13 =	simm.s32 $0x2;
	s14 =	simm.s32 $0x14000  }
0x5: {  	s15 =	simm.s32 $0x80;
	s16 =	simm.s32 $0x14080;
	s17 =	simm.s32 $0x14100  }
0x6: {  	s18 =	simm.s32 $0x14180;
	s19 =	simm.s32 $0x14200;
	s8 =	smul.u32 $0x5000, s1  }
0x7: {  	s20 =	simm.s32 $0x14280;
	s21 =	simm.s32 $0x14300;
	s28 =	smul.u32 $0x14000, s1  }
0x8: {  	s22 =	simm.s32 $0x14380;
	s5 =	sand.u32 $0x1, s0;
	s10 =	smul.u32 $0x50000, s1  }
0x9: {  	s23 =	simm.s32 $0x1;
	s24 =	simm.s32 $0x0;
	s7 =	smul.u32 $0x50000, s5  }
0xa: {  	[smem:$0x7FF] =	sst s3;
	s9 =	smul.u32 $0x140000, s5;
	s5 =	ssub.s32 $0x2, s5  }
0xb: {  	s0 =	rddreg [dreg:$0x3];
	_ =	strace $0x80000047;
	s29 =	sshrl.u32 s5, $0x1  }
0xc: {  	s31 =	sshrl.u32 s10, $0x2;
	s7 =	sadd.s32 s8, s7;
	s8 =	sadd.s32 s28, s9  }
0xd: {  	s30 =	ssub.s32 s5, s29;
	s7 =	sshrl.u32 s7, $0x3;
	s8 =	sshrl.u32 s8, $0x3  }
0xe: {  	s7 =	sadd.s32 s7, s4;
	s4 =	sadd.s32 s31, s2;
	s6 =	sadd.s32 s6, s8  }
0xf: {  	s5 =	sadd.s32 $0x3000, s7;
	s7 =	smax.u32 s30, $0x1;
	s8 =	sadd.s32 $0x4000, s4  }
0x10: {  	v0 =	vimm.f32 $0.0e+00;
	v1 =	vimm.f32 $1.000000000e+00;
	s9 =	sadd.s32 $0x8000, s4;
	s10 =	sadd.s32 $0xC000, s4;
	s11 =	sadd.s32 $0x10000, s4  }
.LBB2_1:
0x11: {  	s25 =	simm.s32 $0x0;
	s26 =	simm.s32 $0x200  }
.LBB2_2:
0x12: {  	p0 =	sne.s32 s26, $0xFE00;
	[tilespmem:s25+$0x19070] =	vst v0  }
0x13: {  	[tilespmem:s25+$0x19000] =	vst v0  }
0x14: {  	[tilespmem:s25+$0x19010] =	vst v0  }
.Ltmp0:
0x15: {  	[tilespmem:s25+$0x19020] =	vst v0;
	(pc) =	sbr.rel @p0 .LBB2_2-.Ltmp0, $4  }
0x16: {  	[tilespmem:s25+$0x19030] =	vst v0  }
0x17: {  	[tilespmem:s25+$0x19040] =	vst v0  }
0x18: {  	[tilespmem:s25+$0x19050] =	vst v0  }
0x19: {  	[tilespmem:s25+$0x19060] =	vst v0;
	s25 =	sshra.s32 s26, $0x2;
	s26 =	sadd.s32 $0x200, s26  }
0x1a: {  	[tilespmem:s25+$0x19070] =	vst v0  }
0x1b: {  	[tilespmem:s25+$0x19000] =	vst v0  }
0x1c: {  	[tilespmem:s25+$0x19010] =	vst v0  }
0x1d: {  	[tilespmem:s25+$0x19020] =	vst v0  }
0x1e: {  	[tilespmem:s25+$0x19030] =	vst v0  }
0x1f: {  	[tilespmem:s25+$0x19040] =	vst v0  }
0x20: {  	[tilespmem:s25+$0x19050] =	vst v0  }
0x21: {  	[tilespmem:s25+$0x19060] =	vst v0  }
0x22: {  	[spmem:s4] =	stream.linear.scatter [tilespmem:s12], [sflag:$0x2], $0x4000, $0x38;
	[tilespmem:$0x1D000] =	vst v63  }
0x23: {  	_ =	swait.ge [sflag:s13], $0x4000  }
0x24: {  	[sflag:s13] =	ssyncset.done $0x0  }
0x25: {  	[sflag:s13] =	ssyncadd.s32 $0xFFFFC000  }
0x26: {  	[spmem:s8] =	stream.linear.scatter [tilespmem:s12], [sflag:$0x2], $0x4000, $0x38;
	[tilespmem:$0x1D000] =	vst v63  }
0x27: {  	_ =	swait.ge [sflag:s13], $0x4000  }
0x28: {  	[sflag:s13] =	ssyncset.done $0x0  }
0x29: {  	[sflag:s13] =	ssyncadd.s32 $0xFFFFC000  }
0x2a: {  	[spmem:s9] =	stream.linear.scatter [tilespmem:s12], [sflag:$0x2], $0x4000, $0x38;
	[tilespmem:$0x1D000] =	vst v63  }
0x2b: {  	_ =	swait.ge [sflag:s13], $0x4000  }
0x2c: {  	[sflag:s13] =	ssyncset.done $0x0  }
0x2d: {  	[sflag:s13] =	ssyncadd.s32 $0xFFFFC000  }
0x2e: {  	[spmem:s10] =	stream.linear.scatter [tilespmem:s12], [sflag:$0x2], $0x4000, $0x38;
	[tilespmem:$0x1D000] =	vst v63  }
0x2f: {  	_ =	swait.ge [sflag:s13], $0x4000  }
0x30: {  	[sflag:s13] =	ssyncset.done $0x0  }
0x31: {  	[sflag:s13] =	ssyncadd.s32 $0xFFFFC000  }
0x32: {  	[spmem:s11] =	stream.linear.scatter [tilespmem:s12], [sflag:$0x2], $0x4000, $0x38;
	[tilespmem:$0x1D000] =	vst v63  }
0x33: {  	_ =	swait.ge [sflag:s13], $0x4000  }
0x34: {  	[sflag:s13] =	ssyncset.done $0x0  }
0x35: {  	s25 =	simm.s32 $0x0;
	s26 =	simm.s32 $0x200;
	[sflag:s13] =	ssyncadd.s32 $0xFFFFC000  }
.LBB2_4:
0x36: {  	p0 =	sne.s32 s26, $0xFE00;
	[tilespmem:s25+$0x19070] =	vst v1  }
0x37: {  	[tilespmem:s25+$0x19000] =	vst v1  }
0x38: {  	[tilespmem:s25+$0x19010] =	vst v1  }
.Ltmp1:
0x39: {  	[tilespmem:s25+$0x19020] =	vst v1;
	(pc) =	sbr.rel @p0 .LBB2_4-.Ltmp1, $4  }
0x3a: {  	[tilespmem:s25+$0x19030] =	vst v1  }
0x3b: {  	[tilespmem:s25+$0x19040] =	vst v1  }
0x3c: {  	[tilespmem:s25+$0x19050] =	vst v1  }
0x3d: {  	[tilespmem:s25+$0x19060] =	vst v1;
	s25 =	sshra.s32 s26, $0x2;
	s26 =	sadd.s32 $0x200, s26  }
0x3e: {  	[tilespmem:s25+$0x19070] =	vst v1  }
0x3f: {  	[tilespmem:s25+$0x19000] =	vst v1  }
0x40: {  	[tilespmem:s25+$0x19010] =	vst v1  }
0x41: {  	[tilespmem:s25+$0x19020] =	vst v1  }
0x42: {  	[tilespmem:s25+$0x19030] =	vst v1  }
0x43: {  	[tilespmem:s25+$0x19040] =	vst v1  }
0x44: {  	[tilespmem:s25+$0x19050] =	vst v1  }
0x45: {  	[tilespmem:s25+$0x19060] =	vst v1  }
0x46: {  	[bflag:$0x0] =	sbarrier.arrive $0xFFFF  }
0x47: {  	[tilespmem:s14], [sflag:$0x2] =	stream.linear.gather [hbm4b:s5+s3], $0x4E80, $0x38;
	[tilespmem:$0x1D000] =	vst v63  }
0x48: {  	_ =	swait.ge [sflag:s13], $0x4E80  }
0x49: {  	[sflag:s13] =	ssyncset.done $0x0  }
0x4a: {  	[sflag:s13] =	ssyncadd.s32 $0xFFFFB180  }
0x4b: {  	[spmem:s2] =	stream.indirect.scatter.add.f32 [tilespmem:s12], [sflag:$0x1], $0x80, s14, s15, $0xb8;
	[tilespmem:$0x1D000] =	vst v63  }
0x4c: {  	_ = 	snop  }
0x4d: {  	[spmem:s2] =	stream.indirect.scatter.add.f32 [tilespmem:s12], [sflag:$0x1], $0x80, s16, s15, $0xb8;
	[tilespmem:$0x1D000] =	vst v63  }
0x4e: {  	_ = 	snop  }
0x4f: {  	[spmem:s2] =	stream.indirect.scatter.add.f32 [tilespmem:s12], [sflag:$0x1], $0x80, s17, s15, $0xb8;
	[tilespmem:$0x1D000] =	vst v63  }
0x50: {  	_ = 	snop  }
0x51: {  	[spmem:s2] =	stream.indirect.scatter.add.f32 [tilespmem:s12], [sflag:$0x1], $0x80, s18, s15, $0xb8;
	[tilespmem:$0x1D000] =	vst v63  }
0x52: {  	_ = 	snop  }
0x53: {  	[spmem:s2] =	stream.indirect.scatter.add.f32 [tilespmem:s12], [sflag:$0x1], $0x80, s19, s15, $0xb8;
	[tilespmem:$0x1D000] =	vst v63  }
0x54: {  	_ = 	snop  }
0x55: {  	[spmem:s2] =	stream.indirect.scatter.add.f32 [tilespmem:s12], [sflag:$0x1], $0x80, s20, s15, $0xb8;
	[tilespmem:$0x1D000] =	vst v63  }
0x56: {  	_ = 	snop  }
0x57: {  	[spmem:s2] =	stream.indirect.scatter.add.f32 [tilespmem:s12], [sflag:$0x1], $0x80, s21, s15, $0xb8;
	[tilespmem:$0x1D000] =	vst v63  }
0x58: {  	_ = 	snop  }
0x59: {  	[spmem:s2] =	stream.indirect.scatter.add.f32 [tilespmem:s12], [sflag:$0x1], $0x80, s22, s15, $0xb8;
	[tilespmem:$0x1D000] =	vst v63  }
0x5a: {  	_ =	swait.ge [sflag:s23], $0x4000  }
0x5b: {  	[sflag:s23] =	ssyncset.done $0x0  }
0x5c: {  	s25 =	simm.s32 $0x1200;
	s26 =	simm.s32 $0x14400;
	[sflag:s23] =	ssyncadd.s32 $0xFFFFC000  }
.LBB2_6:
0x5d: {  	[spmem:s2] =	stream.indirect.scatter.add.f32 [tilespmem:s12], [sflag:$0x1], $0x80, s26, s15, $0xb8;
	[tilespmem:$0x1D000] =	vst v63  }
0x5e: {  	s26 =	smov.u32 s25;
	p0 =	sne.s32 s25, $0x13800  }
.Ltmp2:
0x5f: {  	s25 =	sadd.s32 $0x200, s25;
	(pc) =	sbr.rel @p0 .LBB2_6-.Ltmp2, $4  }
0x60: {  	_ = 	snop  }
0x61: {  	_ =	swait.ge [sflag:s23], $0x4000  }
0x62: {  	s26 =	sshra.s32 s26, $0x2;
	[sflag:s23] =	ssyncset.done $0x0  }
0x63: {  	s26 =	sadd.s32 $0x14000, s26;
	[sflag:s23] =	ssyncadd.s32 $0xFFFFC000  }
0x64: {  	[spmem:s2] =	stream.indirect.scatter.add.f32 [tilespmem:s12], [sflag:$0x1], $0x80, s26, s15, $0xb8;
	[tilespmem:$0x1D000] =	vst v63  }
0x65: {  	_ =	swait.ge [sflag:s23], $0x4000  }
0x66: {  	[sflag:s23] =	ssyncset.done $0x0  }
0x67: {  	[sflag:s23] =	ssyncadd.s32 $0xFFFFC000  }
0x68: {  	_ =	swait.ge [sflag:s23], $0x4000  }
0x69: {  	[sflag:s23] =	ssyncset.done $0x0  }
0x6a: {  	[sflag:s23] =	ssyncadd.s32 $0xFFFFC000  }
0x6b: {  	_ =	swait.ge [sflag:s23], $0x4000  }
0x6c: {  	[sflag:s23] =	ssyncset.done $0x0  }
0x6d: {  	[sflag:s23] =	ssyncadd.s32 $0xFFFFC000  }
0x6e: {  	_ =	swait.ge [sflag:s23], $0x4000  }
0x6f: {  	[sflag:s23] =	ssyncset.done $0x0  }
0x70: {  	[sflag:s23] =	ssyncadd.s32 $0xFFFFC000  }
0x71: {  	_ =	swait.ge [sflag:s23], $0x4000  }
0x72: {  	[sflag:s23] =	ssyncset.done $0x0  }
0x73: {  	[sflag:s23] =	ssyncadd.s32 $0xFFFFC000  }
0x74: {  	_ =	swait.ge [sflag:s23], $0x4000  }
0x75: {  	[sflag:s23] =	ssyncset.done $0x0  }
0x76: {  	[sflag:s23] =	ssyncadd.s32 $0xFFFFC000  }
0x77: {  	_ =	swait.ge [sflag:s23], $0x4000  }
0x78: {  	[sflag:s23] =	ssyncset.done $0x0  }
0x79: {  	[sflag:s23] =	ssyncadd.s32 $0xFFFFC000  }
0x7a: {  	_ =	swait.ge [sflag:s23], $0x4000  }
0x7b: {  	s25 =	sshll.u32 s1, $0x6;
	s24 =	sadd.s32 $0x1, s24;
	[sflag:s23] =	ssyncset.done $0x0  }
0x7c: {  	s31 =	sshrl.u32 s4, $0x3;
	p0 =	sne.s32 s24, s7;
	[sflag:s23] =	ssyncadd.s32 $0xFFFFC000  }
.Ltmp3:
0x7d: {  	s25 =	sor.u32 $0x1C02, s25;
	[bflag:$0x0] =	sbarrier.arrive $0xFFFF;
	(pc) =	sbr.rel @p0 .LBB2_1-.Ltmp3, $4  }
0x7e: {  	[hbm:s6], [sflag:s25] =	dma.local [spmem:s31], $0x2800  }
0x7f: {  	_ =	swait.ge [sflag:s13], $0x2800  }
0x80: {  	[sflag:s13] =	ssyncset.done $0x0  }
0x81: {  	[sflag:s13] =	ssyncadd.s32 $0xFFFFD800  }
0x82: {  	_ =	sfence.sel $0x180000  }
0x83: {  	[bflag:$0x0] =	sbarrier.arrive $0xFFFF  }
0x84: {  	p0 =	sne.s32 s1, $0x0;
	_ =	strace $0x90000047  }
0x85: {  	s0 =	sadd.s32 @!p0 $0x100000, s0;
	[bflag:$0x2] =	sbarrier.arrive $0xFFFF  }
0x86: {  	[sflag:s0] =	ssyncadd.tile.s32 @!p0 $0x1;
	_ =	shalt  }
.Lfunc_end2:
_tile_overlayer_lowered:
.L_overlay_start_2:
0x87: {  	(tag) =	ssettag $0x2  }
0x88: {  	s0 =	rddreg [dreg:$0x0];
	s2 =	stileid.u32  }
0x89: {  	s1 =	rddreg [dreg:$0x1];
	p0 =	sne.s32 s2, $0x0  }
0x8a: {  	s3 =	rddreg [dreg:$0x2];
	[bflag:$0x3] =	sbarrier.arrive $0xFFFF;
	s2 =	simm.s32 @!p0 $0x1C02  }
0x8b: {  	[timem:s3], [sflag:s2] =	dma.local @!p0 [hbm:s0], s1  }
0x8c: {  	s0 =	simm.s32 @!p0 $0x2  }
0x8d: {  	_ =	swait.ge @!p0 [sflag:s0], s1  }
0x8e: {  	s1 =	ssub.s32 @!p0 $0x0, s1;
	[sflag:s0] =	ssyncset.done @!p0 $0x0  }
0x8f: {  	[sflag:s0] =	ssyncadd.s32 @!p0 s1  }
0x90: {  	[bflag:$0x3] =	sbarrier.arrive $0xFFFF  }
0x91: {  	_ =	shalt  }

</sc_bundles>
